<compile_context>
chip_gen: v7x
topology: tpu7x:2x2x1
jax: 0.10.2.dev20260603
libtpu: 0.0.44.dev20260713+nightly
codegen_flags: <defaults>
</compile_context>

<pallas_src>
import functools

import jax
import jax.numpy as jnp
from jax import lax
from jax.experimental import pallas as pl
from jax.experimental.pallas import tpu as pltpu
from jax.experimental.pallas import tpu_sc as plsc

_NC = 2
_NS = 16
_NW = _NC * _NS
_CHUNK = 128


def _sc_mesh():
    return plsc.VectorSubcoreMesh(core_axis_name="c", subcore_axis_name="s")


def _sc_params():
    return pltpu.CompilerParams(use_tc_tiling_on_sc=False)


@functools.lru_cache(maxsize=None)
def _sc_count_kernel(n_chunks, n_rows):
    rows_per_tile = n_rows // _NS

    @functools.partial(
        pl.kernel,
        out_type=jax.ShapeDtypeStruct((_NC, n_rows, 16), jnp.float32),
        mesh=_sc_mesh(),
        compiler_params=_sc_params(),
        scratch_types=[
            pltpu.VMEM_SHARED((n_rows, 16), jnp.float32),
            pltpu.VMEM((n_chunks, _CHUNK), jnp.int32),
            pltpu.VMEM((_CHUNK, 16), jnp.float32),
        ],
    )
    def k(dst_hbm, ones_hbm, zeros_hbm, out_hbm, acc_sh, didx_v, ones_v):
        cid = lax.axis_index("c")
        sid = lax.axis_index("s")
        r0 = sid * rows_per_tile
        pltpu.sync_copy(zeros_hbm.at[pl.ds(r0, rows_per_tile)],
                        acc_sh.at[pl.ds(r0, rows_per_tile)])
        pltpu.sync_copy(ones_hbm, ones_v)
        pltpu.sync_copy(dst_hbm.at[sid], didx_v)
        plsc.subcore_barrier()
        n_mine = (n_chunks + 1 - cid) // 2

        def body(i, carry):
            pltpu.sync_copy(ones_v, acc_sh.at[didx_v.at[2 * i + cid]],
                            add=True)
            return carry

        lax.fori_loop(0, n_mine, body, 0)
        plsc.subcore_barrier()
        pltpu.sync_copy(acc_sh.at[pl.ds(r0, rows_per_tile)],
                        out_hbm.at[cid, pl.ds(r0, rows_per_tile)])

    return k


@functools.lru_cache(maxsize=None)
def _sc_segsum_kernel(n_chunks, n_rows, feat):
    rows_per_tile = n_rows // _NS
    fh = feat // _NC

    @functools.partial(
        pl.kernel,
        out_type=jax.ShapeDtypeStruct((n_rows, feat), jnp.float32),
        mesh=_sc_mesh(),
        compiler_params=_sc_params(),
        scratch_types=[
            pltpu.VMEM_SHARED((n_rows, fh), jnp.float32),
            pltpu.VMEM_SHARED((n_rows, fh), jnp.float32),
            pltpu.VMEM((n_chunks, _CHUNK), jnp.int32),
            pltpu.VMEM((n_chunks, _CHUNK), jnp.int32),
            pltpu.VMEM((_CHUNK, fh), jnp.float32),
            pltpu.VMEM((_CHUNK, fh), jnp.float32),
            pltpu.SemaphoreType.DMA,
            pltpu.SemaphoreType.DMA,
        ],
    )
    def k(hp_hbm, src_hbm, dst_hbm, zeros_hbm, out_hbm,
          table_sh, acc_sh, sidx_v, didx_v, buf0, buf1, sem0, sem1):
        cid = lax.axis_index("c")
        sid = lax.axis_index("s")
        r0 = sid * rows_per_tile
        c0 = cid * fh
        ds_rows = pl.ds(r0, rows_per_tile)
        stage = [
            pltpu.make_async_copy(hp_hbm.at[ds_rows, pl.ds(c0, fh)],
                                  table_sh.at[ds_rows], sem0),
            pltpu.make_async_copy(zeros_hbm.at[ds_rows],
                                  acc_sh.at[ds_rows], sem1),
            pltpu.make_async_copy(src_hbm.at[sid], sidx_v, sem0),
            pltpu.make_async_copy(dst_hbm.at[sid], didx_v, sem1),
        ]
        for d in stage:
            d.start()
        for d in stage:
            d.wait()
        plsc.subcore_barrier()

        pltpu.async_copy(table_sh.at[sidx_v.at[0]], buf0, sem0)

        def pair(j, carry):
            c0 = 2 * j
            pltpu.async_copy(table_sh.at[sidx_v.at[c0 + 1]], buf1, sem1)
            pltpu.make_async_copy(table_sh.at[sidx_v.at[c0]], buf0, sem0).wait()
            pltpu.sync_copy(buf0, acc_sh.at[didx_v.at[c0]], add=True)
            pltpu.async_copy(table_sh.at[sidx_v.at[c0 + 2]], buf0, sem0)
            pltpu.make_async_copy(table_sh.at[sidx_v.at[c0 + 1]], buf1,
                                  sem1).wait()
            pltpu.sync_copy(buf1, acc_sh.at[didx_v.at[c0 + 1]], add=True)
            return carry

        lax.fori_loop(0, (n_chunks - 1) // 2, pair, 0)
        last = n_chunks - 1
        pltpu.make_async_copy(table_sh.at[sidx_v.at[last]], buf0, sem0).wait()
        pltpu.sync_copy(buf0, acc_sh.at[didx_v.at[last]], add=True)
        plsc.subcore_barrier()
        pltpu.sync_copy(acc_sh.at[pl.ds(r0, rows_per_tile)],
                        out_hbm.at[pl.ds(r0, rows_per_tile), pl.ds(c0, fh)])

    return k


def _tc_matmul(a, w):
    n = a.shape[0]
    f = w.shape[1]

    def body(a_ref, w_ref, h_ref):
        h_ref[...] = jnp.dot(a_ref[...], w_ref[...],
                             preferred_element_type=jnp.float32)

    return pl.pallas_call(
        body,
        out_shape=jax.ShapeDtypeStruct((n, f), jnp.float32),
    )(a, w)


def _tc_deg_scale(cnt, h, n_rows):
    n, f = h.shape

    def body(c_ref, h_ref, inv_ref, invdeg_ref, hp_ref):
        deg = 1.0 + c_ref[0, :n, 0:1] + c_ref[1, :n, 0:1]
        inv = lax.rsqrt(deg)
        inv_ref[...] = inv
        invdeg_ref[...] = 1.0 / deg
        hp_ref[:n] = h_ref[...] * inv
        hp_ref[n:] = jnp.zeros((n_rows - n, f), jnp.float32)

    return pl.pallas_call(
        body,
        out_shape=(jax.ShapeDtypeStruct((n, 1), jnp.float32),
                   jax.ShapeDtypeStruct((n, 1), jnp.float32),
                   jax.ShapeDtypeStruct((n_rows, f), jnp.float32)),
    )(cnt, h)


def _bn_combine(p_ref, h_ref, inv_ref, invdeg_ref, b_ref, g_ref, be_ref,
                res_ref, n):
    e = p_ref[:n, :] * inv_ref[...]
    hh = h_ref[...]
    s = (e + hh * invdeg_ref[...]) * invdeg_ref[...] + b_ref[...]
    t = jnp.where(s >= 0.0, s, 0.01 * s)
    mu = jnp.mean(t, axis=0, keepdims=True)
    var = jnp.mean((t - mu) * (t - mu), axis=0, keepdims=True)
    return (res_ref[...]
            + (t - mu) * lax.rsqrt(var + 1e-5) * g_ref[...] + be_ref[...])


def _tc_fused(p, h, inv, invdeg, b, g, be, res, w_next, n_rows, want_a):
    n, f = h.shape
    f2 = w_next.shape[1]

    def body(p_ref, h_ref, inv_ref, invdeg_ref, b_ref, g_ref, be_ref,
             res_ref, w_ref, *out_refs):
        a = _bn_combine(p_ref, h_ref, inv_ref, invdeg_ref, b_ref, g_ref,
                        be_ref, res_ref, n)
        if want_a:
            out_refs[0][...] = a
        h2_ref, hp2_ref = out_refs[-2], out_refs[-1]
        h2 = jnp.dot(a, w_ref[...], preferred_element_type=jnp.float32)
        h2_ref[...] = h2
        hp2_ref[:n] = h2 * inv_ref[...]
        hp2_ref[n:] = jnp.zeros((n_rows - n, f2), jnp.float32)

    shapes = (jax.ShapeDtypeStruct((n, f2), jnp.float32),
              jax.ShapeDtypeStruct((n_rows, f2), jnp.float32))
    if want_a:
        shapes = (jax.ShapeDtypeStruct((n, f), jnp.float32),) + shapes
    return pl.pallas_call(
        body,
        out_shape=shapes,
    )(p, h, inv, invdeg, b.reshape(1, f), g.reshape(1, f), be.reshape(1, f),
      res, w_next)


def _tc_tail(p, h, inv, invdeg, b, g, be, res, wl, bl):
    n, f = h.shape
    f2 = wl.shape[1]

    def body(p_ref, h_ref, inv_ref, invdeg_ref, b_ref, g_ref, be_ref,
             res_ref, w_ref, bl_ref, y_ref):
        a = _bn_combine(p_ref, h_ref, inv_ref, invdeg_ref, b_ref, g_ref,
                        be_ref, res_ref, n)
        y_ref[...] = (jnp.dot(a, w_ref[...], preferred_element_type=jnp.float32)
                      + bl_ref[...])

    return pl.pallas_call(
        body,
        out_shape=jax.ShapeDtypeStruct((n, f2), jnp.float32),
    )(p, h, inv, invdeg, b.reshape(1, f), g.reshape(1, f), be.reshape(1, f),
      res, wl, bl.reshape(1, f2))


def kernel(x, edge_index, ptr, params):
    n = x.shape[0]
    n_rows = ((n // (_NS * 8)) + 1) * (_NS * 8)
    e = edge_index.shape[1]
    batch = int(ptr.shape[0]) - 1
    out_ch = params['Wl'].shape[1]

    grain = _NS * _CHUNK
    n_chunks = max(1, (e + grain - 1) // grain)
    if n_chunks % 2 == 0:
        n_chunks += 1
    epad = n_chunks * grain
    pad_cfg = ((0, epad - e),)
    idx_shape = (_NS, n_chunks, _CHUNK)
    src = jnp.pad(edge_index[0], pad_cfg, constant_values=n).reshape(idx_shape)
    dst = jnp.pad(edge_index[1], pad_cfg, constant_values=n).reshape(idx_shape)

    ones16 = jnp.ones((_CHUNK, 16), jnp.float32)
    zeros16 = jnp.zeros((n_rows, 16), jnp.float32)

    cnt = _sc_count_kernel(n_chunks, n_rows)(dst, ones16, zeros16)
    hm = _tc_matmul(x, params['W0'])
    inv, invdeg, hp = _tc_deg_scale(cnt, hm, n_rows)

    feats = []
    for i in range(8):
        f = params['W%d' % i].shape[1]
        zeros_f = jnp.zeros((n_rows, f // _NC), jnp.float32)
        p = _sc_segsum_kernel(n_chunks, n_rows, f)(hp, src, dst, zeros_f)
        res = feats[7 - i] if i >= 4 else jnp.zeros((n, f), jnp.float32)
        bgb = (params['b%d' % i], params['g%d' % i], params['be%d' % i])
        if i < 7:
            outs = _tc_fused(p, hm, inv, invdeg, *bgb, res,
                             params['W%d' % (i + 1)], n_rows, i < 4)
            if i < 4:
                feats.append(outs[0])
            hm, hp = outs[-2], outs[-1]
        else:
            y = _tc_tail(p, hm, inv, invdeg, *bgb, res,
                         params['Wl'], params['bl'])

    y = y.reshape(batch, n // batch, out_ch)
    return jnp.transpose(y, (0, 2, 1))

# --- scband reference (transcript-rebuilt; emitter-appended) ---
"""Pipeline reference for scband-brain-surf-gcn-45715631899546 (READ-ONLY COPY).

The authoritative reference and input builder live on the scoring server;
editing this copy changes nothing except your own understanding.
"""

import jax, jax.numpy as jnp
import numpy as np

HID = [32, 32, 64, 64]
IN_CH = 128
OUT_CH = 32
N_NODES = 10000
N_EDGES = 320000
BATCH = 8


def _layer_dims():
    down = [(IN_CH, HID[0])] + [(HID[i - 1], HID[i]) for i in range(1, len(HID))]
    up = [(HID[-1], HID[-1])] + [(HID[-i], HID[-i - 1]) for i in range(1, len(HID))]
    return down + up


def _gcn_bn(x, src, dst, W, b, g, be):
    # GCNConv with symmetric normalization + self loops, aggr='mean',
    # followed by LeakyReLU(0.01) and BatchNorm1d (training-mode batch stats).
    N = x.shape[0]
    loop = jnp.arange(N, dtype=src.dtype)
    src_a = jnp.concatenate([src, loop])
    dst_a = jnp.concatenate([dst, loop])
    ones = jnp.ones((src_a.shape[0],), x.dtype)
    deg = jax.ops.segment_sum(ones, dst_a, num_segments=N)  # >= 1 due to self loops
    inv = jax.lax.rsqrt(deg)
    norm = inv[src_a] * inv[dst_a]
    h = x @ W
    m = h[src_a] * norm[:, None]
    s = jax.ops.segment_sum(m, dst_a, num_segments=N)
    out = s / deg[:, None] + b  # mean aggregation + bias
    out = jnp.where(out >= 0.0, out, 0.01 * out)  # LeakyReLU
    mu = jnp.mean(out, axis=0)
    var = jnp.var(out, axis=0)
    out = (out - mu) * jax.lax.rsqrt(var + 1e-5) * g + be
    return out


def _forward(x, params, src, dst, batch):
    res = []
    h = x
    for i in range(4):
        h = _gcn_bn(h, src, dst, params['W%d' % i], params['b%d' % i], params['g%d' % i], params['be%d' % i])
        res.append(h)
    for j in range(4):
        i = 4 + j
        h = res[3 - j] + _gcn_bn(h, src, dst, params['W%d' % i], params['b%d' % i], params['g%d' % i], params['be%d' % i])
    out = h @ params['Wl'] + params['bl']
    num_nodes = x.shape[0] // batch
    out = out.reshape(batch, num_nodes, OUT_CH)
    return jnp.transpose(out, (0, 2, 1))


def setup_inputs(seed: int = 0):
    key = jax.random.key(seed)
    x = jax.random.normal(jax.random.fold_in(key, 0), (N_NODES, IN_CH), jnp.float32)
    edge_index = jax.random.randint(jax.random.fold_in(key, 1), (2, N_EDGES), 0, N_NODES, jnp.int32)
    ptr = jnp.arange(BATCH + 1, dtype=jnp.int32) * (N_NODES // BATCH)
    params = {}
    for i, (fi, fo) in enumerate(_layer_dims()):
        params['W%d' % i] = jax.random.normal(jax.random.fold_in(key, 10 + i), (fi, fo), jnp.float32) / np.sqrt(fi)
        params['b%d' % i] = jnp.zeros((fo,), jnp.float32)
        params['g%d' % i] = jnp.ones((fo,), jnp.float32)
        params['be%d' % i] = jnp.zeros((fo,), jnp.float32)
    params['Wl'] = jax.random.normal(jax.random.fold_in(key, 99), (HID[0], OUT_CH), jnp.float32) / np.sqrt(HID[0])
    params['bl'] = jnp.zeros((OUT_CH,), jnp.float32)
    return {'x': x, 'edge_index': edge_index, 'ptr': ptr, 'params': params}


def reference(x, edge_index, ptr, params):
    batch = int(ptr.shape[0]) - 1
    return _forward(x, params, edge_index[0], edge_index[1], batch)

if __name__ == "__main__":
    import jax
    _d = setup_inputs()
    print(jax.jit(kernel)(*tuple(_d.values())))

</pallas_src>

<mosaic_0001>
#map = affine_map<(d0, d1) -> (0, 0)>
#map1 = affine_map<(d0, d1) -> (0, 0, 0)>
module attributes {stable_mosaic.version = 14 : i64} {
  func.func @k(%arg0: i32, %arg1: i32, %arg2: memref<10112x32xf32, #tpu.memory_space<hbm>>, %arg3: memref<16x157x128xi32, #tpu.memory_space<hbm>>, %arg4: memref<16x157x128xi32, #tpu.memory_space<hbm>>, %arg5: memref<10112x16xf32, #tpu.memory_space<hbm>>, %arg6: memref<10112x32xf32, #tpu.memory_space<hbm>>, %arg7: memref<10112x16xf32, #tpu.memory_space<vmem_shared>>, %arg8: memref<10112x16xf32, #tpu.memory_space<vmem_shared>>, %arg9: memref<157x128xi32, #tpu.memory_space<vmem>>, %arg10: memref<157x128xi32, #tpu.memory_space<vmem>>, %arg11: memref<128x16xf32, #tpu.memory_space<vmem>>, %arg12: memref<128x16xf32, #tpu.memory_space<vmem>>, %arg13: memref<!tpu.dma_semaphore, #tpu.memory_space<semaphore_mem>>, %arg14: memref<!tpu.dma_semaphore, #tpu.memory_space<semaphore_mem>>) attributes {dimension_semantics = [#tpu.dimension_semantics<core_parallel>, #tpu.dimension_semantics<subcore_parallel>], iteration_bounds = array<i64: 2, 16>, scalar_prefetch = 0 : i64, scratch_operands = 8 : i64, tpu.core_type = #tpu.core_type<sc_vector_subcore>, window_params = [{transform_indices = #map}, {transform_indices = #map1}, {transform_indices = #map1}, {transform_indices = #map}, {transform_indices = #map}]} {
    %mul3A = arith.constant 632 : i32
    %mul3A_0 = arith.muli %arg1, %mul3A : i32
    %mul3A_1 = arith.constant 16 : i32
    %mul3A_2 = arith.muli %arg0, %mul3A_1 : i32
    %dma_start3A = arith.constant 0 : i32
    %dma_start3A_3 = tpu.memref_slice %arg7[%mul3A_0, %dma_start3A] : memref<10112x16xf32, #tpu.memory_space<vmem_shared>> -> memref<632x16xf32, #tpu.memory_space<vmem_shared>>
    %dma_start3A_4 = tpu.memref_slice %arg2[%mul3A_0, %mul3A_2] : memref<10112x32xf32, #tpu.memory_space<hbm>> -> memref<632x16xf32, #tpu.memory_space<hbm>>
    tpu.enqueue_dma source(%dma_start3A_4 : memref<632x16xf32, #tpu.memory_space<hbm>>) target(%dma_start3A_3 : memref<632x16xf32, #tpu.memory_space<vmem_shared>>) target_semaphore(%arg13 : memref<!tpu.dma_semaphore, #tpu.memory_space<semaphore_mem>>)
    %dma_start3A_5 = arith.constant 0 : i32
    %dma_start3A_6 = tpu.memref_slice %arg8[%mul3A_0, %dma_start3A_5] : memref<10112x16xf32, #tpu.memory_space<vmem_shared>> -> memref<632x16xf32, #tpu.memory_space<vmem_shared>>
    %dma_start3A_7 = arith.constant 0 : i32
    %dma_start3A_8 = tpu.memref_slice %arg5[%mul3A_0, %dma_start3A_7] : memref<10112x16xf32, #tpu.memory_space<hbm>> -> memref<632x16xf32, #tpu.memory_space<hbm>>
    tpu.enqueue_dma source(%dma_start3A_8 : memref<632x16xf32, #tpu.memory_space<hbm>>) target(%dma_start3A_6 : memref<632x16xf32, #tpu.memory_space<vmem_shared>>) target_semaphore(%arg14 : memref<!tpu.dma_semaphore, #tpu.memory_space<semaphore_mem>>)
    %dma_start3A_9 = arith.constant 0 : i32
    %dma_start3A_10 = arith.constant 0 : i32
    %dma_start3A_11 = tpu.memref_slice %arg3[%arg1, %dma_start3A_9, %dma_start3A_10] : memref<16x157x128xi32, #tpu.memory_space<hbm>> -> memref<1x157x128xi32, #tpu.memory_space<hbm>>
    %dma_start3A_12 = tpu.memref_squeeze %dma_start3A_11 : memref<1x157x128xi32, #tpu.memory_space<hbm>> -> memref<157x128xi32, #tpu.memory_space<hbm>>
    %dma_start3A_13 = arith.constant 0 : i32
    %dma_start3A_14 = arith.constant 0 : i32
    %dma_start3A_15 = tpu.memref_slice %arg3[%arg1, %dma_start3A_13, %dma_start3A_14] : memref<16x157x128xi32, #tpu.memory_space<hbm>> -> memref<1x157x128xi32, #tpu.memory_space<hbm>>
    %dma_start3A_16 = tpu.memref_squeeze %dma_start3A_15 : memref<1x157x128xi32, #tpu.memory_space<hbm>> -> memref<157x128xi32, #tpu.memory_space<hbm>>
    tpu.enqueue_dma source(%dma_start3A_16 : memref<157x128xi32, #tpu.memory_space<hbm>>) target(%arg9 : memref<157x128xi32, #tpu.memory_space<vmem>>) target_semaphore(%arg13 : memref<!tpu.dma_semaphore, #tpu.memory_space<semaphore_mem>>)
    %dma_start3A_17 = arith.constant 0 : i32
    %dma_start3A_18 = arith.constant 0 : i32
    %dma_start3A_19 = tpu.memref_slice %arg4[%arg1, %dma_start3A_17, %dma_start3A_18] : memref<16x157x128xi32, #tpu.memory_space<hbm>> -> memref<1x157x128xi32, #tpu.memory_space<hbm>>
    %dma_start3A_20 = tpu.memref_squeeze %dma_start3A_19 : memref<1x157x128xi32, #tpu.memory_space<hbm>> -> memref<157x128xi32, #tpu.memory_space<hbm>>
    %dma_start3A_21 = arith.constant 0 : i32
    %dma_start3A_22 = arith.constant 0 : i32
    %dma_start3A_23 = tpu.memref_slice %arg4[%arg1, %dma_start3A_21, %dma_start3A_22] : memref<16x157x128xi32, #tpu.memory_space<hbm>> -> memref<1x157x128xi32, #tpu.memory_space<hbm>>
    %dma_start3A_24 = tpu.memref_squeeze %dma_start3A_23 : memref<1x157x128xi32, #tpu.memory_space<hbm>> -> memref<157x128xi32, #tpu.memory_space<hbm>>
    tpu.enqueue_dma source(%dma_start3A_24 : memref<157x128xi32, #tpu.memory_space<hbm>>) target(%arg10 : memref<157x128xi32, #tpu.memory_space<vmem>>) target_semaphore(%arg14 : memref<!tpu.dma_semaphore, #tpu.memory_space<semaphore_mem>>)
    %dma_wait3A = arith.constant 0 : i32
    %dma_wait3A_25 = tpu.memref_slice %arg7[%mul3A_0, %dma_wait3A] : memref<10112x16xf32, #tpu.memory_space<vmem_shared>> -> memref<632x16xf32, #tpu.memory_space<vmem_shared>>
    %dma_wait3A_26 = tpu.memref_slice %arg2[%mul3A_0, %mul3A_2] : memref<10112x32xf32, #tpu.memory_space<hbm>> -> memref<632x16xf32, #tpu.memory_space<hbm>>
    tpu.wait_dma2 semaphore(%arg13 : memref<!tpu.dma_semaphore, #tpu.memory_space<semaphore_mem>>) src(%dma_wait3A_26 : memref<632x16xf32, #tpu.memory_space<hbm>>) dst(%dma_wait3A_25 : memref<632x16xf32, #tpu.memory_space<vmem_shared>>)
    %dma_wait3A_27 = arith.constant 0 : i32
    %dma_wait3A_28 = tpu.memref_slice %arg8[%mul3A_0, %dma_wait3A_27] : memref<10112x16xf32, #tpu.memory_space<vmem_shared>> -> memref<632x16xf32, #tpu.memory_space<vmem_shared>>
    %dma_wait3A_29 = arith.constant 0 : i32
    %dma_wait3A_30 = tpu.memref_slice %arg5[%mul3A_0, %dma_wait3A_29] : memref<10112x16xf32, #tpu.memory_space<hbm>> -> memref<632x16xf32, #tpu.memory_space<hbm>>
    tpu.wait_dma2 semaphore(%arg14 : memref<!tpu.dma_semaphore, #tpu.memory_space<semaphore_mem>>) src(%dma_wait3A_30 : memref<632x16xf32, #tpu.memory_space<hbm>>) dst(%dma_wait3A_28 : memref<632x16xf32, #tpu.memory_space<vmem_shared>>)
    %dma_wait3A_31 = arith.constant 0 : i32
    %dma_wait3A_32 = arith.constant 0 : i32
    %dma_wait3A_33 = tpu.memref_slice %arg3[%arg1, %dma_wait3A_31, %dma_wait3A_32] : memref<16x157x128xi32, #tpu.memory_space<hbm>> -> memref<1x157x128xi32, #tpu.memory_space<hbm>>
    %dma_wait3A_34 = tpu.memref_squeeze %dma_wait3A_33 : memref<1x157x128xi32, #tpu.memory_space<hbm>> -> memref<157x128xi32, #tpu.memory_space<hbm>>
    %dma_wait3A_35 = arith.constant 0 : i32
    %dma_wait3A_36 = arith.constant 0 : i32
    %dma_wait3A_37 = tpu.memref_slice %arg3[%arg1, %dma_wait3A_35, %dma_wait3A_36] : memref<16x157x128xi32, #tpu.memory_space<hbm>> -> memref<1x157x128xi32, #tpu.memory_space<hbm>>
    %dma_wait3A_38 = tpu.memref_squeeze %dma_wait3A_37 : memref<1x157x128xi32, #tpu.memory_space<hbm>> -> memref<157x128xi32, #tpu.memory_space<hbm>>
    tpu.wait_dma2 semaphore(%arg13 : memref<!tpu.dma_semaphore, #tpu.memory_space<semaphore_mem>>) src(%dma_wait3A_38 : memref<157x128xi32, #tpu.memory_space<hbm>>) dst(%arg9 : memref<157x128xi32, #tpu.memory_space<vmem>>)
    %dma_wait3A_39 = arith.constant 0 : i32
    %dma_wait3A_40 = arith.constant 0 : i32
    %dma_wait3A_41 = tpu.memref_slice %arg4[%arg1, %dma_wait3A_39, %dma_wait3A_40] : memref<16x157x128xi32, #tpu.memory_space<hbm>> -> memref<1x157x128xi32, #tpu.memory_space<hbm>>
    %dma_wait3A_42 = tpu.memref_squeeze %dma_wait3A_41 : memref<1x157x128xi32, #tpu.memory_space<hbm>> -> memref<157x128xi32, #tpu.memory_space<hbm>>
    %dma_wait3A_43 = arith.constant 0 : i32
    %dma_wait3A_44 = arith.constant 0 : i32
    %dma_wait3A_45 = tpu.memref_slice %arg4[%arg1, %dma_wait3A_43, %dma_wait3A_44] : memref<16x157x128xi32, #tpu.memory_space<hbm>> -> memref<1x157x128xi32, #tpu.memory_space<hbm>>
    %dma_wait3A_46 = tpu.memref_squeeze %dma_wait3A_45 : memref<1x157x128xi32, #tpu.memory_space<hbm>> -> memref<157x128xi32, #tpu.memory_space<hbm>>
    tpu.wait_dma2 semaphore(%arg14 : memref<!tpu.dma_semaphore, #tpu.memory_space<semaphore_mem>>) src(%dma_wait3A_46 : memref<157x128xi32, #tpu.memory_space<hbm>>) dst(%arg10 : memref<157x128xi32, #tpu.memory_space<vmem>>)
    %barrier3A = arith.constant 0 : index
    tpu.barrier barrier_id(%barrier3A)
    %dma_start3A_47 = arith.constant 0 : i32
    %dma_start3A_48 = arith.constant 0 : i32
    %dma_start3A_49 = tpu.memref_slice %arg9[%dma_start3A_47, %dma_start3A_48] : memref<157x128xi32, #tpu.memory_space<vmem>> -> memref<1x128xi32, #tpu.memory_space<vmem>>
    %dma_start3A_50 = tpu.memref_squeeze %dma_start3A_49 : memref<1x128xi32, #tpu.memory_space<vmem>> -> memref<128xi32, #tpu.memory_space<vmem>>
    %dma_start3A_51 = arith.constant 0 : i32
    %dma_start3A_52 = arith.constant 0 : i32
    %dma_start3A_53 = tpu.memref_slice %arg7[%dma_start3A_51, %dma_start3A_52] : memref<10112x16xf32, #tpu.memory_space<vmem_shared>> -> memref<10112x16xf32, #tpu.memory_space<vmem_shared>>
    tpu.enqueue_indirect_dma source(%dma_start3A_53 : memref<10112x16xf32, #tpu.memory_space<vmem_shared>>) target(%arg11 : memref<128x16xf32, #tpu.memory_space<vmem>>) offsets(%dma_start3A_50 : memref<128xi32, #tpu.memory_space<vmem>>) semaphore(%arg13 : memref<!tpu.dma_semaphore, #tpu.memory_space<semaphore_mem>>)
    %scan3A = arith.constant 0 : i32
    %scan3A_54 = arith.constant 0 : i32
    %scan3A_55 = arith.constant 78 : i32
    %scan3A_56 = arith.addi %scan3A_54, %scan3A_55 : i32
    %scan3A_57 = arith.constant 1 : i32
    scf.for %scan3A_67 = %scan3A_54 to %scan3A_56 step %scan3A_57  : i32 {
      %mul3A_68 = arith.constant 2 : i32
      %mul3A_69 = arith.muli %mul3A_68, %scan3A_67 : i32
      %add3A = arith.constant 1 : i32
      %add3A_70 = arith.addi %mul3A_69, %add3A : i32
      %dma_start3A_71 = arith.constant 0 : i32
      %dma_start3A_72 = tpu.memref_slice %arg9[%add3A_70, %dma_start3A_71] : memref<157x128xi32, #tpu.memory_space<vmem>> -> memref<1x128xi32, #tpu.memory_space<vmem>>
      %dma_start3A_73 = tpu.memref_squeeze %dma_start3A_72 : memref<1x128xi32, #tpu.memory_space<vmem>> -> memref<128xi32, #tpu.memory_space<vmem>>
      %dma_start3A_74 = arith.constant 0 : i32
      %dma_start3A_75 = arith.constant 0 : i32
      %dma_start3A_76 = tpu.memref_slice %arg7[%dma_start3A_74, %dma_start3A_75] : memref<10112x16xf32, #tpu.memory_space<vmem_shared>> -> memref<10112x16xf32, #tpu.memory_space<vmem_shared>>
      tpu.enqueue_indirect_dma source(%dma_start3A_76 : memref<10112x16xf32, #tpu.memory_space<vmem_shared>>) target(%arg12 : memref<128x16xf32, #tpu.memory_space<vmem>>) offsets(%dma_start3A_73 : memref<128xi32, #tpu.memory_space<vmem>>) semaphore(%arg14 : memref<!tpu.dma_semaphore, #tpu.memory_space<semaphore_mem>>)
      %dma_wait3A_77 = arith.constant 0 : i32
      %dma_wait3A_78 = tpu.memref_slice %arg9[%mul3A_69, %dma_wait3A_77] : memref<157x128xi32, #tpu.memory_space<vmem>> -> memref<1x128xi32, #tpu.memory_space<vmem>>
      %dma_wait3A_79 = tpu.memref_squeeze %dma_wait3A_78 : memref<1x128xi32, #tpu.memory_space<vmem>> -> memref<128xi32, #tpu.memory_space<vmem>>
      %dma_wait3A_80 = arith.constant 0 : i32
      %dma_wait3A_81 = arith.constant 0 : i32
      %dma_wait3A_82 = tpu.memref_slice %arg7[%dma_wait3A_80, %dma_wait3A_81] : memref<10112x16xf32, #tpu.memory_space<vmem_shared>> -> memref<10112x16xf32, #tpu.memory_space<vmem_shared>>
      tpu.wait_indirect_dma semaphore(%arg13 : memref<!tpu.dma_semaphore, #tpu.memory_space<semaphore_mem>>) src(%dma_wait3A_82 : memref<10112x16xf32, #tpu.memory_space<vmem_shared>>) dst(%arg11 : memref<128x16xf32, #tpu.memory_space<vmem>>)
      "tpu.region"() ({
        %run_scoped3A_101 = tpu.sem_alloc : memref<!tpu.dma_semaphore, #tpu.memory_space<semaphore_mem>>
        %dma_start3A_102 = arith.constant 0 : i32
        %dma_start3A_103 = tpu.memref_slice %arg10[%mul3A_69, %dma_start3A_102] : memref<157x128xi32, #tpu.memory_space<vmem>> -> memref<1x128xi32, #tpu.memory_space<vmem>>
        %dma_start3A_104 = tpu.memref_squeeze %dma_start3A_103 : memref<1x128xi32, #tpu.memory_space<vmem>> -> memref<128xi32, #tpu.memory_space<vmem>>
        %dma_start3A_105 = arith.constant 0 : i32
        %dma_start3A_106 = arith.constant 0 : i32
        %dma_start3A_107 = tpu.memref_slice %arg8[%dma_start3A_105, %dma_start3A_106] : memref<10112x16xf32, #tpu.memory_space<vmem_shared>> -> memref<10112x16xf32, #tpu.memory_space<vmem_shared>>
        tpu.enqueue_indirect_dma source(%arg11 : memref<128x16xf32, #tpu.memory_space<vmem>>) target(%dma_start3A_107 : memref<10112x16xf32, #tpu.memory_space<vmem_shared>>) offsets(%dma_start3A_104 : memref<128xi32, #tpu.memory_space<vmem>>) semaphore(%run_scoped3A_101 : memref<!tpu.dma_semaphore, #tpu.memory_space<semaphore_mem>>) {add = true}
        %dma_wait3A_108 = arith.constant 0 : i32
        %dma_wait3A_109 = tpu.memref_slice %arg10[%mul3A_69, %dma_wait3A_108] : memref<157x128xi32, #tpu.memory_space<vmem>> -> memref<1x128xi32, #tpu.memory_space<vmem>>
        %dma_wait3A_110 = tpu.memref_squeeze %dma_wait3A_109 : memref<1x128xi32, #tpu.memory_space<vmem>> -> memref<128xi32, #tpu.memory_space<vmem>>
        %dma_wait3A_111 = arith.constant 0 : i32
        %dma_wait3A_112 = arith.constant 0 : i32
        %dma_wait3A_113 = tpu.memref_slice %arg8[%dma_wait3A_111, %dma_wait3A_112] : memref<10112x16xf32, #tpu.memory_space<vmem_shared>> -> memref<10112x16xf32, #tpu.memory_space<vmem_shared>>
        tpu.wait_indirect_dma semaphore(%run_scoped3A_101 : memref<!tpu.dma_semaphore, #tpu.memory_space<semaphore_mem>>) src(%arg11 : memref<128x16xf32, #tpu.memory_space<vmem>>) dst(%dma_wait3A_113 : memref<10112x16xf32, #tpu.memory_space<vmem_shared>>)
        tpu.yield
      }) : () -> ()
      %add3A_83 = arith.constant 2 : i32
      %add3A_84 = arith.addi %mul3A_69, %add3A_83 : i32
      %dma_start3A_85 = arith.constant 0 : i32
      %dma_start3A_86 = tpu.memref_slice %arg9[%add3A_84, %dma_start3A_85] : memref<157x128xi32, #tpu.memory_space<vmem>> -> memref<1x128xi32, #tpu.memory_space<vmem>>
      %dma_start3A_87 = tpu.memref_squeeze %dma_start3A_86 : memref<1x128xi32, #tpu.memory_space<vmem>> -> memref<128xi32, #tpu.memory_space<vmem>>
      %dma_start3A_88 = arith.constant 0 : i32
      %dma_start3A_89 = arith.constant 0 : i32
      %dma_start3A_90 = tpu.memref_slice %arg7[%dma_start3A_88, %dma_start3A_89] : memref<10112x16xf32, #tpu.memory_space<vmem_shared>> -> memref<10112x16xf32, #tpu.memory_space<vmem_shared>>
      tpu.enqueue_indirect_dma source(%dma_start3A_90 : memref<10112x16xf32, #tpu.memory_space<vmem_shared>>) target(%arg11 : memref<128x16xf32, #tpu.memory_space<vmem>>) offsets(%dma_start3A_87 : memref<128xi32, #tpu.memory_space<vmem>>) semaphore(%arg13 : memref<!tpu.dma_semaphore, #tpu.memory_space<semaphore_mem>>)
      %add3A_91 = arith.constant 1 : i32
      %add3A_92 = arith.addi %mul3A_69, %add3A_91 : i32
      %dma_wait3A_93 = arith.constant 0 : i32
      %dma_wait3A_94 = tpu.memref_slice %arg9[%add3A_92, %dma_wait3A_93] : memref<157x128xi32, #tpu.memory_space<vmem>> -> memref<1x128xi32, #tpu.memory_space<vmem>>
      %dma_wait3A_95 = tpu.memref_squeeze %dma_wait3A_94 : memref<1x128xi32, #tpu.memory_space<vmem>> -> memref<128xi32, #tpu.memory_space<vmem>>
      %dma_wait3A_96 = arith.constant 0 : i32
      %dma_wait3A_97 = arith.constant 0 : i32
      %dma_wait3A_98 = tpu.memref_slice %arg7[%dma_wait3A_96, %dma_wait3A_97] : memref<10112x16xf32, #tpu.memory_space<vmem_shared>> -> memref<10112x16xf32, #tpu.memory_space<vmem_shared>>
      tpu.wait_indirect_dma semaphore(%arg14 : memref<!tpu.dma_semaphore, #tpu.memory_space<semaphore_mem>>) src(%dma_wait3A_98 : memref<10112x16xf32, #tpu.memory_space<vmem_shared>>) dst(%arg12 : memref<128x16xf32, #tpu.memory_space<vmem>>)
      %add3A_99 = arith.constant 1 : i32
      %add3A_100 = arith.addi %mul3A_69, %add3A_99 : i32
      "tpu.region"() ({
        %run_scoped3A_101 = tpu.sem_alloc : memref<!tpu.dma_semaphore, #tpu.memory_space<semaphore_mem>>
        %dma_start3A_102 = arith.constant 0 : i32
        %dma_start3A_103 = tpu.memref_slice %arg10[%add3A_100, %dma_start3A_102] : memref<157x128xi32, #tpu.memory_space<vmem>> -> memref<1x128xi32, #tpu.memory_space<vmem>>
        %dma_start3A_104 = tpu.memref_squeeze %dma_start3A_103 : memref<1x128xi32, #tpu.memory_space<vmem>> -> memref<128xi32, #tpu.memory_space<vmem>>
        %dma_start3A_105 = arith.constant 0 : i32
        %dma_start3A_106 = arith.constant 0 : i32
        %dma_start3A_107 = tpu.memref_slice %arg8[%dma_start3A_105, %dma_start3A_106] : memref<10112x16xf32, #tpu.memory_space<vmem_shared>> -> memref<10112x16xf32, #tpu.memory_space<vmem_shared>>
        tpu.enqueue_indirect_dma source(%arg12 : memref<128x16xf32, #tpu.memory_space<vmem>>) target(%dma_start3A_107 : memref<10112x16xf32, #tpu.memory_space<vmem_shared>>) offsets(%dma_start3A_104 : memref<128xi32, #tpu.memory_space<vmem>>) semaphore(%run_scoped3A_101 : memref<!tpu.dma_semaphore, #tpu.memory_space<semaphore_mem>>) {add = true}
        %dma_wait3A_108 = arith.constant 0 : i32
        %dma_wait3A_109 = tpu.memref_slice %arg10[%add3A_100, %dma_wait3A_108] : memref<157x128xi32, #tpu.memory_space<vmem>> -> memref<1x128xi32, #tpu.memory_space<vmem>>
        %dma_wait3A_110 = tpu.memref_squeeze %dma_wait3A_109 : memref<1x128xi32, #tpu.memory_space<vmem>> -> memref<128xi32, #tpu.memory_space<vmem>>
        %dma_wait3A_111 = arith.constant 0 : i32
        %dma_wait3A_112 = arith.constant 0 : i32
        %dma_wait3A_113 = tpu.memref_slice %arg8[%dma_wait3A_111, %dma_wait3A_112] : memref<10112x16xf32, #tpu.memory_space<vmem_shared>> -> memref<10112x16xf32, #tpu.memory_space<vmem_shared>>
        tpu.wait_indirect_dma semaphore(%run_scoped3A_101 : memref<!tpu.dma_semaphore, #tpu.memory_space<semaphore_mem>>) src(%arg12 : memref<128x16xf32, #tpu.memory_space<vmem>>) dst(%dma_wait3A_113 : memref<10112x16xf32, #tpu.memory_space<vmem_shared>>)
        tpu.yield
      }) : () -> ()
    }
    %scan3A_58 = arith.constant 78 : i32
    %dma_wait3A_59 = arith.constant 156 : i32
    %dma_wait3A_60 = arith.constant 0 : i32
    %dma_wait3A_61 = tpu.memref_slice %arg9[%dma_wait3A_59, %dma_wait3A_60] : memref<157x128xi32, #tpu.memory_space<vmem>> -> memref<1x128xi32, #tpu.memory_space<vmem>>
    %dma_wait3A_62 = tpu.memref_squeeze %dma_wait3A_61 : memref<1x128xi32, #tpu.memory_space<vmem>> -> memref<128xi32, #tpu.memory_space<vmem>>
    %dma_wait3A_63 = arith.constant 0 : i32
    %dma_wait3A_64 = arith.constant 0 : i32
    %dma_wait3A_65 = tpu.memref_slice %arg7[%dma_wait3A_63, %dma_wait3A_64] : memref<10112x16xf32, #tpu.memory_space<vmem_shared>> -> memref<10112x16xf32, #tpu.memory_space<vmem_shared>>
    tpu.wait_indirect_dma semaphore(%arg13 : memref<!tpu.dma_semaphore, #tpu.memory_space<semaphore_mem>>) src(%dma_wait3A_65 : memref<10112x16xf32, #tpu.memory_space<vmem_shared>>) dst(%arg11 : memref<128x16xf32, #tpu.memory_space<vmem>>)
    %run_scoped3A = arith.constant 156 : i32
    "tpu.region"() ({
      %run_scoped3A_67 = tpu.sem_alloc : memref<!tpu.dma_semaphore, #tpu.memory_space<semaphore_mem>>
      %dma_start3A_68 = arith.constant 0 : i32
      %dma_start3A_69 = tpu.memref_slice %arg10[%run_scoped3A, %dma_start3A_68] : memref<157x128xi32, #tpu.memory_space<vmem>> -> memref<1x128xi32, #tpu.memory_space<vmem>>
      %dma_start3A_70 = tpu.memref_squeeze %dma_start3A_69 : memref<1x128xi32, #tpu.memory_space<vmem>> -> memref<128xi32, #tpu.memory_space<vmem>>
      %dma_start3A_71 = arith.constant 0 : i32
      %dma_start3A_72 = arith.constant 0 : i32
      %dma_start3A_73 = tpu.memref_slice %arg8[%dma_start3A_71, %dma_start3A_72] : memref<10112x16xf32, #tpu.memory_space<vmem_shared>> -> memref<10112x16xf32, #tpu.memory_space<vmem_shared>>
      tpu.enqueue_indirect_dma source(%arg11 : memref<128x16xf32, #tpu.memory_space<vmem>>) target(%dma_start3A_73 : memref<10112x16xf32, #tpu.memory_space<vmem_shared>>) offsets(%dma_start3A_70 : memref<128xi32, #tpu.memory_space<vmem>>) semaphore(%run_scoped3A_67 : memref<!tpu.dma_semaphore, #tpu.memory_space<semaphore_mem>>) {add = true}
      %dma_wait3A_74 = arith.constant 0 : i32
      %dma_wait3A_75 = tpu.memref_slice %arg10[%run_scoped3A, %dma_wait3A_74] : memref<157x128xi32, #tpu.memory_space<vmem>> -> memref<1x128xi32, #tpu.memory_space<vmem>>
      %dma_wait3A_76 = tpu.memref_squeeze %dma_wait3A_75 : memref<1x128xi32, #tpu.memory_space<vmem>> -> memref<128xi32, #tpu.memory_space<vmem>>
      %dma_wait3A_77 = arith.constant 0 : i32
      %dma_wait3A_78 = arith.constant 0 : i32
      %dma_wait3A_79 = tpu.memref_slice %arg8[%dma_wait3A_77, %dma_wait3A_78] : memref<10112x16xf32, #tpu.memory_space<vmem_shared>> -> memref<10112x16xf32, #tpu.memory_space<vmem_shared>>
      tpu.wait_indirect_dma semaphore(%run_scoped3A_67 : memref<!tpu.dma_semaphore, #tpu.memory_space<semaphore_mem>>) src(%arg11 : memref<128x16xf32, #tpu.memory_space<vmem>>) dst(%dma_wait3A_79 : memref<10112x16xf32, #tpu.memory_space<vmem_shared>>)
      tpu.yield
    }) : () -> ()
    %barrier3A_66 = arith.constant 0 : index
    tpu.barrier barrier_id(%barrier3A_66)
    "tpu.region"() ({
      %run_scoped3A_67 = tpu.sem_alloc : memref<!tpu.dma_semaphore, #tpu.memory_space<semaphore_mem>>
      %dma_start3A_68 = tpu.memref_slice %arg6[%mul3A_0, %mul3A_2] : memref<10112x32xf32, #tpu.memory_space<hbm>> -> memref<632x16xf32, #tpu.memory_space<hbm>>
      %dma_start3A_69 = arith.constant 0 : i32
      %dma_start3A_70 = tpu.memref_slice %arg8[%mul3A_0, %dma_start3A_69] : memref<10112x16xf32, #tpu.memory_space<vmem_shared>> -> memref<632x16xf32, #tpu.memory_space<vmem_shared>>
      tpu.enqueue_dma source(%dma_start3A_70 : memref<632x16xf32, #tpu.memory_space<vmem_shared>>) target(%dma_start3A_68 : memref<632x16xf32, #tpu.memory_space<hbm>>) target_semaphore(%run_scoped3A_67 : memref<!tpu.dma_semaphore, #tpu.memory_space<semaphore_mem>>)
      %dma_wait3A_71 = tpu.memref_slice %arg6[%mul3A_0, %mul3A_2] : memref<10112x32xf32, #tpu.memory_space<hbm>> -> memref<632x16xf32, #tpu.memory_space<hbm>>
      %dma_wait3A_72 = arith.constant 0 : i32
      %dma_wait3A_73 = tpu.memref_slice %arg8[%mul3A_0, %dma_wait3A_72] : memref<10112x16xf32, #tpu.memory_space<vmem_shared>> -> memref<632x16xf32, #tpu.memory_space<vmem_shared>>
      tpu.wait_dma2 semaphore(%run_scoped3A_67 : memref<!tpu.dma_semaphore, #tpu.memory_space<semaphore_mem>>) src(%dma_wait3A_73 : memref<632x16xf32, #tpu.memory_space<vmem_shared>>) dst(%dma_wait3A_71 : memref<632x16xf32, #tpu.memory_space<hbm>>)
      tpu.yield
    }) : () -> ()
    return
  }
}

#map = affine_map<(d0, d1) -> (0, 0, 0)>
#map1 = affine_map<(d0, d1) -> (0, 0)>
module attributes {stable_mosaic.version = 14 : i64} {
  func.func @k(%arg0: i32, %arg1: i32, %arg2: memref<16x157x128xi32, #tpu.memory_space<hbm>>, %arg3: memref<128x16xf32, #tpu.memory_space<hbm>>, %arg4: memref<10112x16xf32, #tpu.memory_space<hbm>>, %arg5: memref<2x10112x16xf32, #tpu.memory_space<hbm>>, %arg6: memref<10112x16xf32, #tpu.memory_space<vmem_shared>>, %arg7: memref<157x128xi32, #tpu.memory_space<vmem>>, %arg8: memref<128x16xf32, #tpu.memory_space<vmem>>) attributes {dimension_semantics = [#tpu.dimension_semantics<core_parallel>, #tpu.dimension_semantics<subcore_parallel>], iteration_bounds = array<i64: 2, 16>, scalar_prefetch = 0 : i64, scratch_operands = 3 : i64, tpu.core_type = #tpu.core_type<sc_vector_subcore>, window_params = [{transform_indices = #map}, {transform_indices = #map1}, {transform_indices = #map1}, {transform_indices = #map}]} {
    %mul3A = arith.constant 632 : i32
    %mul3A_0 = arith.muli %arg1, %mul3A : i32
    "tpu.region"() ({
      %run_scoped3A = tpu.sem_alloc : memref<!tpu.dma_semaphore, #tpu.memory_space<semaphore_mem>>
      %dma_start3A = arith.constant 0 : i32
      %dma_start3A_29 = tpu.memref_slice %arg6[%mul3A_0, %dma_start3A] : memref<10112x16xf32, #tpu.memory_space<vmem_shared>> -> memref<632x16xf32, #tpu.memory_space<vmem_shared>>
      %dma_start3A_30 = arith.constant 0 : i32
      %dma_start3A_31 = tpu.memref_slice %arg4[%mul3A_0, %dma_start3A_30] : memref<10112x16xf32, #tpu.memory_space<hbm>> -> memref<632x16xf32, #tpu.memory_space<hbm>>
      tpu.enqueue_dma source(%dma_start3A_31 : memref<632x16xf32, #tpu.memory_space<hbm>>) target(%dma_start3A_29 : memref<632x16xf32, #tpu.memory_space<vmem_shared>>) target_semaphore(%run_scoped3A : memref<!tpu.dma_semaphore, #tpu.memory_space<semaphore_mem>>)
      %dma_wait3A = arith.constant 0 : i32
      %dma_wait3A_32 = tpu.memref_slice %arg6[%mul3A_0, %dma_wait3A] : memref<10112x16xf32, #tpu.memory_space<vmem_shared>> -> memref<632x16xf32, #tpu.memory_space<vmem_shared>>
      %dma_wait3A_33 = arith.constant 0 : i32
      %dma_wait3A_34 = tpu.memref_slice %arg4[%mul3A_0, %dma_wait3A_33] : memref<10112x16xf32, #tpu.memory_space<hbm>> -> memref<632x16xf32, #tpu.memory_space<hbm>>
      tpu.wait_dma2 semaphore(%run_scoped3A : memref<!tpu.dma_semaphore, #tpu.memory_space<semaphore_mem>>) src(%dma_wait3A_34 : memref<632x16xf32, #tpu.memory_space<hbm>>) dst(%dma_wait3A_32 : memref<632x16xf32, #tpu.memory_space<vmem_shared>>)
      tpu.yield
    }) : () -> ()
    "tpu.region"() ({
      %run_scoped3A = tpu.sem_alloc : memref<!tpu.dma_semaphore, #tpu.memory_space<semaphore_mem>>
      tpu.enqueue_dma source(%arg3 : memref<128x16xf32, #tpu.memory_space<hbm>>) target(%arg8 : memref<128x16xf32, #tpu.memory_space<vmem>>) target_semaphore(%run_scoped3A : memref<!tpu.dma_semaphore, #tpu.memory_space<semaphore_mem>>)
      tpu.wait_dma2 semaphore(%run_scoped3A : memref<!tpu.dma_semaphore, #tpu.memory_space<semaphore_mem>>) src(%arg3 : memref<128x16xf32, #tpu.memory_space<hbm>>) dst(%arg8 : memref<128x16xf32, #tpu.memory_space<vmem>>)
      tpu.yield
    }) : () -> ()
    "tpu.region"() ({
      %run_scoped3A = tpu.sem_alloc : memref<!tpu.dma_semaphore, #tpu.memory_space<semaphore_mem>>
      %dma_start3A = arith.constant 0 : i32
      %dma_start3A_29 = arith.constant 0 : i32
      %dma_start3A_30 = tpu.memref_slice %arg2[%arg1, %dma_start3A, %dma_start3A_29] : memref<16x157x128xi32, #tpu.memory_space<hbm>> -> memref<1x157x128xi32, #tpu.memory_space<hbm>>
      %dma_start3A_31 = tpu.memref_squeeze %dma_start3A_30 : memref<1x157x128xi32, #tpu.memory_space<hbm>> -> memref<157x128xi32, #tpu.memory_space<hbm>>
      %dma_start3A_32 = arith.constant 0 : i32
      %dma_start3A_33 = arith.constant 0 : i32
      %dma_start3A_34 = tpu.memref_slice %arg2[%arg1, %dma_start3A_32, %dma_start3A_33] : memref<16x157x128xi32, #tpu.memory_space<hbm>> -> memref<1x157x128xi32, #tpu.memory_space<hbm>>
      %dma_start3A_35 = tpu.memref_squeeze %dma_start3A_34 : memref<1x157x128xi32, #tpu.memory_space<hbm>> -> memref<157x128xi32, #tpu.memory_space<hbm>>
      tpu.enqueue_dma source(%dma_start3A_35 : memref<157x128xi32, #tpu.memory_space<hbm>>) target(%arg7 : memref<157x128xi32, #tpu.memory_space<vmem>>) target_semaphore(%run_scoped3A : memref<!tpu.dma_semaphore, #tpu.memory_space<semaphore_mem>>)
      %dma_wait3A = arith.constant 0 : i32
      %dma_wait3A_36 = arith.constant 0 : i32
      %dma_wait3A_37 = tpu.memref_slice %arg2[%arg1, %dma_wait3A, %dma_wait3A_36] : memref<16x157x128xi32, #tpu.memory_space<hbm>> -> memref<1x157x128xi32, #tpu.memory_space<hbm>>
      %dma_wait3A_38 = tpu.memref_squeeze %dma_wait3A_37 : memref<1x157x128xi32, #tpu.memory_space<hbm>> -> memref<157x128xi32, #tpu.memory_space<hbm>>
      %dma_wait3A_39 = arith.constant 0 : i32
      %dma_wait3A_40 = arith.constant 0 : i32
      %dma_wait3A_41 = tpu.memref_slice %arg2[%arg1, %dma_wait3A_39, %dma_wait3A_40] : memref<16x157x128xi32, #tpu.memory_space<hbm>> -> memref<1x157x128xi32, #tpu.memory_space<hbm>>
      %dma_wait3A_42 = tpu.memref_squeeze %dma_wait3A_41 : memref<1x157x128xi32, #tpu.memory_space<hbm>> -> memref<157x128xi32, #tpu.memory_space<hbm>>
      tpu.wait_dma2 semaphore(%run_scoped3A : memref<!tpu.dma_semaphore, #tpu.memory_space<semaphore_mem>>) src(%dma_wait3A_42 : memref<157x128xi32, #tpu.memory_space<hbm>>) dst(%arg7 : memref<157x128xi32, #tpu.memory_space<vmem>>)
      tpu.yield
    }) : () -> ()
    %barrier3A = arith.constant 0 : index
    tpu.barrier barrier_id(%barrier3A)
    %sub3A = arith.constant 158 : i32
    %sub3A_1 = arith.subi %sub3A, %arg0 : i32
    %jit3A = arith.constant 2 : i32
    %div3A = arith.divsi %sub3A_1, %jit3A : i32
    %sign3A = arith.constant 0 : i32
    %sign3A_2 = arith.cmpi sgt, %sub3A_1, %sign3A : i32
    %sign3A_3 = arith.extui %sign3A_2 : i1 to i32
    %sign3A_4 = arith.constant 0 : i32
    %sign3A_5 = arith.cmpi slt, %sub3A_1, %sign3A_4 : i32
    %sign3A_6 = arith.extui %sign3A_5 : i1 to i32
    %sign3A_7 = arith.subi %sign3A_3, %sign3A_6 : i32
    %sign3A_8 = arith.constant 0 : i32
    %sign3A_9 = arith.cmpi sgt, %jit3A, %sign3A_8 : i32
    %sign3A_10 = arith.extui %sign3A_9 : i1 to i32
    %sign3A_11 = arith.constant 0 : i32
    %sign3A_12 = arith.cmpi slt, %jit3A, %sign3A_11 : i32
    %sign3A_13 = arith.extui %sign3A_12 : i1 to i32
    %sign3A_14 = arith.subi %sign3A_10, %sign3A_13 : i32
    %ne3A = arith.cmpi ne, %sign3A_7, %sign3A_14 : i32
    %rem3A = arith.remsi %sub3A_1, %jit3A : i32
    %ne3A_15 = arith.constant 0 : i32
    %ne3A_16 = arith.cmpi ne, %rem3A, %ne3A_15 : i32
    %and3A = arith.andi %ne3A, %ne3A_16 : i1
    %sub3A_17 = arith.constant 1 : i32
    %sub3A_18 = arith.subi %div3A, %sub3A_17 : i32
    %select_n3A = arith.select %and3A, %sub3A_18, %div3A : i32
    %while3A = arith.constant 0 : i32
    %while3A_19 = arith.constant 0 : i32
    %while3A_20 = arith.subi %select_n3A, %while3A_19 : i32
    %while3A_21 = arith.addi %while3A_19, %while3A_20 : i32
    %while3A_22 = arith.constant 1 : i32
    %while3A_23 = arith.divsi %while3A_20, %while3A_22 : i32
    %while3A_24 = arith.muli %while3A_23, %while3A_22 : i32
    %while3A_25 = arith.addi %while3A_19, %while3A_24 : i32
    %while3A_26 = arith.constant 1 : i32
    scf.for %while3A_29 = %while3A_19 to %while3A_25 step %while3A_26  : i32 {
      %mul3A_30 = arith.constant 2 : i32
      %mul3A_31 = arith.muli %mul3A_30, %while3A_29 : i32
      %add3A = arith.addi %mul3A_31, %arg0 : i32
      "tpu.region"() ({
        %run_scoped3A = tpu.sem_alloc : memref<!tpu.dma_semaphore, #tpu.memory_space<semaphore_mem>>
        %dma_start3A = arith.constant 0 : i32
        %dma_start3A_32 = tpu.memref_slice %arg7[%add3A, %dma_start3A] : memref<157x128xi32, #tpu.memory_space<vmem>> -> memref<1x128xi32, #tpu.memory_space<vmem>>
        %dma_start3A_33 = tpu.memref_squeeze %dma_start3A_32 : memref<1x128xi32, #tpu.memory_space<vmem>> -> memref<128xi32, #tpu.memory_space<vmem>>
        %dma_start3A_34 = arith.constant 0 : i32
        %dma_start3A_35 = arith.constant 0 : i32
        %dma_start3A_36 = tpu.memref_slice %arg6[%dma_start3A_34, %dma_start3A_35] : memref<10112x16xf32, #tpu.memory_space<vmem_shared>> -> memref<10112x16xf32, #tpu.memory_space<vmem_shared>>
        tpu.enqueue_indirect_dma source(%arg8 : memref<128x16xf32, #tpu.memory_space<vmem>>) target(%dma_start3A_36 : memref<10112x16xf32, #tpu.memory_space<vmem_shared>>) offsets(%dma_start3A_33 : memref<128xi32, #tpu.memory_space<vmem>>) semaphore(%run_scoped3A : memref<!tpu.dma_semaphore, #tpu.memory_space<semaphore_mem>>) {add = true}
        %dma_wait3A = arith.constant 0 : i32
        %dma_wait3A_37 = tpu.memref_slice %arg7[%add3A, %dma_wait3A] : memref<157x128xi32, #tpu.memory_space<vmem>> -> memref<1x128xi32, #tpu.memory_space<vmem>>
        %dma_wait3A_38 = tpu.memref_squeeze %dma_wait3A_37 : memref<1x128xi32, #tpu.memory_space<vmem>> -> memref<128xi32, #tpu.memory_space<vmem>>
        %dma_wait3A_39 = arith.constant 0 : i32
        %dma_wait3A_40 = arith.constant 0 : i32
        %dma_wait3A_41 = tpu.memref_slice %arg6[%dma_wait3A_39, %dma_wait3A_40] : memref<10112x16xf32, #tpu.memory_space<vmem_shared>> -> memref<10112x16xf32, #tpu.memory_space<vmem_shared>>
        tpu.wait_indirect_dma semaphore(%run_scoped3A : memref<!tpu.dma_semaphore, #tpu.memory_space<semaphore_mem>>) src(%arg8 : memref<128x16xf32, #tpu.memory_space<vmem>>) dst(%dma_wait3A_41 : memref<10112x16xf32, #tpu.memory_space<vmem_shared>>)
        tpu.yield
      }) : () -> ()
    }
    %while3A_27 = arith.constant 1 : i32
    scf.for %while3A_29 = %while3A_25 to %while3A_21 step %while3A_27  : i32 {
      %mul3A_30 = arith.constant 2 : i32
      %mul3A_31 = arith.muli %mul3A_30, %while3A_29 : i32
      %add3A = arith.addi %mul3A_31, %arg0 : i32
      "tpu.region"() ({
        %run_scoped3A = tpu.sem_alloc : memref<!tpu.dma_semaphore, #tpu.memory_space<semaphore_mem>>
        %dma_start3A = arith.constant 0 : i32
        %dma_start3A_32 = tpu.memref_slice %arg7[%add3A, %dma_start3A] : memref<157x128xi32, #tpu.memory_space<vmem>> -> memref<1x128xi32, #tpu.memory_space<vmem>>
        %dma_start3A_33 = tpu.memref_squeeze %dma_start3A_32 : memref<1x128xi32, #tpu.memory_space<vmem>> -> memref<128xi32, #tpu.memory_space<vmem>>
        %dma_start3A_34 = arith.constant 0 : i32
        %dma_start3A_35 = arith.constant 0 : i32
        %dma_start3A_36 = tpu.memref_slice %arg6[%dma_start3A_34, %dma_start3A_35] : memref<10112x16xf32, #tpu.memory_space<vmem_shared>> -> memref<10112x16xf32, #tpu.memory_space<vmem_shared>>
        tpu.enqueue_indirect_dma source(%arg8 : memref<128x16xf32, #tpu.memory_space<vmem>>) target(%dma_start3A_36 : memref<10112x16xf32, #tpu.memory_space<vmem_shared>>) offsets(%dma_start3A_33 : memref<128xi32, #tpu.memory_space<vmem>>) semaphore(%run_scoped3A : memref<!tpu.dma_semaphore, #tpu.memory_space<semaphore_mem>>) {add = true}
        %dma_wait3A = arith.constant 0 : i32
        %dma_wait3A_37 = tpu.memref_slice %arg7[%add3A, %dma_wait3A] : memref<157x128xi32, #tpu.memory_space<vmem>> -> memref<1x128xi32, #tpu.memory_space<vmem>>
        %dma_wait3A_38 = tpu.memref_squeeze %dma_wait3A_37 : memref<1x128xi32, #tpu.memory_space<vmem>> -> memref<128xi32, #tpu.memory_space<vmem>>
        %dma_wait3A_39 = arith.constant 0 : i32
        %dma_wait3A_40 = arith.constant 0 : i32
        %dma_wait3A_41 = tpu.memref_slice %arg6[%dma_wait3A_39, %dma_wait3A_40] : memref<10112x16xf32, #tpu.memory_space<vmem_shared>> -> memref<10112x16xf32, #tpu.memory_space<vmem_shared>>
        tpu.wait_indirect_dma semaphore(%run_scoped3A : memref<!tpu.dma_semaphore, #tpu.memory_space<semaphore_mem>>) src(%arg8 : memref<128x16xf32, #tpu.memory_space<vmem>>) dst(%dma_wait3A_41 : memref<10112x16xf32, #tpu.memory_space<vmem_shared>>)
        tpu.yield
      }) : () -> ()
    }
    %barrier3A_28 = arith.constant 0 : index
    tpu.barrier barrier_id(%barrier3A_28)
    "tpu.region"() ({
      %run_scoped3A = tpu.sem_alloc : memref<!tpu.dma_semaphore, #tpu.memory_space<semaphore_mem>>
      %dma_start3A = arith.constant 0 : i32
      %dma_start3A_29 = tpu.memref_slice %arg5[%arg0, %mul3A_0, %dma_start3A] : memref<2x10112x16xf32, #tpu.memory_space<hbm>> -> memref<1x632x16xf32, #tpu.memory_space<hbm>>
      %dma_start3A_30 = tpu.memref_squeeze %dma_start3A_29 : memref<1x632x16xf32, #tpu.memory_space<hbm>> -> memref<632x16xf32, #tpu.memory_space<hbm>>
      %dma_start3A_31 = arith.constant 0 : i32
      %dma_start3A_32 = tpu.memref_slice %arg6[%mul3A_0, %dma_start3A_31] : memref<10112x16xf32, #tpu.memory_space<vmem_shared>> -> memref<632x16xf32, #tpu.memory_space<vmem_shared>>
      tpu.enqueue_dma source(%dma_start3A_32 : memref<632x16xf32, #tpu.memory_space<vmem_shared>>) target(%dma_start3A_30 : memref<632x16xf32, #tpu.memory_space<hbm>>) target_semaphore(%run_scoped3A : memref<!tpu.dma_semaphore, #tpu.memory_space<semaphore_mem>>)
      %dma_wait3A = arith.constant 0 : i32
      %dma_wait3A_33 = tpu.memref_slice %arg5[%arg0, %mul3A_0, %dma_wait3A] : memref<2x10112x16xf32, #tpu.memory_space<hbm>> -> memref<1x632x16xf32, #tpu.memory_space<hbm>>
      %dma_wait3A_34 = tpu.memref_squeeze %dma_wait3A_33 : memref<1x632x16xf32, #tpu.memory_space<hbm>> -> memref<632x16xf32, #tpu.memory_space<hbm>>
      %dma_wait3A_35 = arith.constant 0 : i32
      %dma_wait3A_36 = tpu.memref_slice %arg6[%mul3A_0, %dma_wait3A_35] : memref<10112x16xf32, #tpu.memory_space<vmem_shared>> -> memref<632x16xf32, #tpu.memory_space<vmem_shared>>
      tpu.wait_dma2 semaphore(%run_scoped3A : memref<!tpu.dma_semaphore, #tpu.memory_space<semaphore_mem>>) src(%dma_wait3A_36 : memref<632x16xf32, #tpu.memory_space<vmem_shared>>) dst(%dma_wait3A_34 : memref<632x16xf32, #tpu.memory_space<hbm>>)
      tpu.yield
    }) : () -> ()
    return
  }
}

#map = affine_map<(d0, d1) -> (0, 0)>
#map1 = affine_map<(d0, d1) -> (0, 0, 0)>
module attributes {stable_mosaic.version = 14 : i64} {
  func.func @k(%arg0: i32, %arg1: i32, %arg2: memref<10112x32xf32, #tpu.memory_space<hbm>>, %arg3: memref<16x157x128xi32, #tpu.memory_space<hbm>>, %arg4: memref<16x157x128xi32, #tpu.memory_space<hbm>>, %arg5: memref<10112x16xf32, #tpu.memory_space<hbm>>, %arg6: memref<10112x32xf32, #tpu.memory_space<hbm>>, %arg7: memref<10112x16xf32, #tpu.memory_space<vmem_shared>>, %arg8: memref<10112x16xf32, #tpu.memory_space<vmem_shared>>, %arg9: memref<157x128xi32, #tpu.memory_space<vmem>>, %arg10: memref<157x128xi32, #tpu.memory_space<vmem>>, %arg11: memref<128x16xf32, #tpu.memory_space<vmem>>, %arg12: memref<128x16xf32, #tpu.memory_space<vmem>>, %arg13: memref<!tpu.dma_semaphore, #tpu.memory_space<semaphore_mem>>, %arg14: memref<!tpu.dma_semaphore, #tpu.memory_space<semaphore_mem>>) attributes {dimension_semantics = [#tpu.dimension_semantics<core_parallel>, #tpu.dimension_semantics<subcore_parallel>], iteration_bounds = array<i64: 2, 16>, scalar_prefetch = 0 : i64, scratch_operands = 8 : i64, tpu.core_type = #tpu.core_type<sc_vector_subcore>, window_params = [{transform_indices = #map}, {transform_indices = #map1}, {transform_indices = #map1}, {transform_indices = #map}, {transform_indices = #map}]} {
    %mul3A = arith.constant 632 : i32
    %mul3A_0 = arith.muli %arg1, %mul3A : i32
    %mul3A_1 = arith.constant 16 : i32
    %mul3A_2 = arith.muli %arg0, %mul3A_1 : i32
    %dma_start3A = arith.constant 0 : i32
    %dma_start3A_3 = tpu.memref_slice %arg7[%mul3A_0, %dma_start3A] : memref<10112x16xf32, #tpu.memory_space<vmem_shared>> -> memref<632x16xf32, #tpu.memory_space<vmem_shared>>
    %dma_start3A_4 = tpu.memref_slice %arg2[%mul3A_0, %mul3A_2] : memref<10112x32xf32, #tpu.memory_space<hbm>> -> memref<632x16xf32, #tpu.memory_space<hbm>>
    tpu.enqueue_dma source(%dma_start3A_4 : memref<632x16xf32, #tpu.memory_space<hbm>>) target(%dma_start3A_3 : memref<632x16xf32, #tpu.memory_space<vmem_shared>>) target_semaphore(%arg13 : memref<!tpu.dma_semaphore, #tpu.memory_space<semaphore_mem>>)
    %dma_start3A_5 = arith.constant 0 : i32
    %dma_start3A_6 = tpu.memref_slice %arg8[%mul3A_0, %dma_start3A_5] : memref<10112x16xf32, #tpu.memory_space<vmem_shared>> -> memref<632x16xf32, #tpu.memory_space<vmem_shared>>
    %dma_start3A_7 = arith.constant 0 : i32
    %dma_start3A_8 = tpu.memref_slice %arg5[%mul3A_0, %dma_start3A_7] : memref<10112x16xf32, #tpu.memory_space<hbm>> -> memref<632x16xf32, #tpu.memory_space<hbm>>
    tpu.enqueue_dma source(%dma_start3A_8 : memref<632x16xf32, #tpu.memory_space<hbm>>) target(%dma_start3A_6 : memref<632x16xf32, #tpu.memory_space<vmem_shared>>) target_semaphore(%arg14 : memref<!tpu.dma_semaphore, #tpu.memory_space<semaphore_mem>>)
    %dma_start3A_9 = arith.constant 0 : i32
    %dma_start3A_10 = arith.constant 0 : i32
    %dma_start3A_11 = tpu.memref_slice %arg3[%arg1, %dma_start3A_9, %dma_start3A_10] : memref<16x157x128xi32, #tpu.memory_space<hbm>> -> memref<1x157x128xi32, #tpu.memory_space<hbm>>
    %dma_start3A_12 = tpu.memref_squeeze %dma_start3A_11 : memref<1x157x128xi32, #tpu.memory_space<hbm>> -> memref<157x128xi32, #tpu.memory_space<hbm>>
    %dma_start3A_13 = arith.constant 0 : i32
    %dma_start3A_14 = arith.constant 0 : i32
    %dma_start3A_15 = tpu.memref_slice %arg3[%arg1, %dma_start3A_13, %dma_start3A_14] : memref<16x157x128xi32, #tpu.memory_space<hbm>> -> memref<1x157x128xi32, #tpu.memory_space<hbm>>
    %dma_start3A_16 = tpu.memref_squeeze %dma_start3A_15 : memref<1x157x128xi32, #tpu.memory_space<hbm>> -> memref<157x128xi32, #tpu.memory_space<hbm>>
    tpu.enqueue_dma source(%dma_start3A_16 : memref<157x128xi32, #tpu.memory_space<hbm>>) target(%arg9 : memref<157x128xi32, #tpu.memory_space<vmem>>) target_semaphore(%arg13 : memref<!tpu.dma_semaphore, #tpu.memory_space<semaphore_mem>>)
    %dma_start3A_17 = arith.constant 0 : i32
    %dma_start3A_18 = arith.constant 0 : i32
    %dma_start3A_19 = tpu.memref_slice %arg4[%arg1, %dma_start3A_17, %dma_start3A_18] : memref<16x157x128xi32, #tpu.memory_space<hbm>> -> memref<1x157x128xi32, #tpu.memory_space<hbm>>
    %dma_start3A_20 = tpu.memref_squeeze %dma_start3A_19 : memref<1x157x128xi32, #tpu.memory_space<hbm>> -> memref<157x128xi32, #tpu.memory_space<hbm>>
    %dma_start3A_21 = arith.constant 0 : i32
    %dma_start3A_22 = arith.constant 0 : i32
    %dma_start3A_23 = tpu.memref_slice %arg4[%arg1, %dma_start3A_21, %dma_start3A_22] : memref<16x157x128xi32, #tpu.memory_space<hbm>> -> memref<1x157x128xi32, #tpu.memory_space<hbm>>
    %dma_start3A_24 = tpu.memref_squeeze %dma_start3A_23 : memref<1x157x128xi32, #tpu.memory_space<hbm>> -> memref<157x128xi32, #tpu.memory_space<hbm>>
    tpu.enqueue_dma source(%dma_start3A_24 : memref<157x128xi32, #tpu.memory_space<hbm>>) target(%arg10 : memref<157x128xi32, #tpu.memory_space<vmem>>) target_semaphore(%arg14 : memref<!tpu.dma_semaphore, #tpu.memory_space<semaphore_mem>>)
    %dma_wait3A = arith.constant 0 : i32
    %dma_wait3A_25 = tpu.memref_slice %arg7[%mul3A_0, %dma_wait3A] : memref<10112x16xf32, #tpu.memory_space<vmem_shared>> -> memref<632x16xf32, #tpu.memory_space<vmem_shared>>
    %dma_wait3A_26 = tpu.memref_slice %arg2[%mul3A_0, %mul3A_2] : memref<10112x32xf32, #tpu.memory_space<hbm>> -> memref<632x16xf32, #tpu.memory_space<hbm>>
    tpu.wait_dma2 semaphore(%arg13 : memref<!tpu.dma_semaphore, #tpu.memory_space<semaphore_mem>>) src(%dma_wait3A_26 : memref<632x16xf32, #tpu.memory_space<hbm>>) dst(%dma_wait3A_25 : memref<632x16xf32, #tpu.memory_space<vmem_shared>>)
    %dma_wait3A_27 = arith.constant 0 : i32
    %dma_wait3A_28 = tpu.memref_slice %arg8[%mul3A_0, %dma_wait3A_27] : memref<10112x16xf32, #tpu.memory_space<vmem_shared>> -> memref<632x16xf32, #tpu.memory_space<vmem_shared>>
    %dma_wait3A_29 = arith.constant 0 : i32
    %dma_wait3A_30 = tpu.memref_slice %arg5[%mul3A_0, %dma_wait3A_29] : memref<10112x16xf32, #tpu.memory_space<hbm>> -> memref<632x16xf32, #tpu.memory_space<hbm>>
    tpu.wait_dma2 semaphore(%arg14 : memref<!tpu.dma_semaphore, #tpu.memory_space<semaphore_mem>>) src(%dma_wait3A_30 : memref<632x16xf32, #tpu.memory_space<hbm>>) dst(%dma_wait3A_28 : memref<632x16xf32, #tpu.memory_space<vmem_shared>>)
    %dma_wait3A_31 = arith.constant 0 : i32
    %dma_wait3A_32 = arith.constant 0 : i32
    %dma_wait3A_33 = tpu.memref_slice %arg3[%arg1, %dma_wait3A_31, %dma_wait3A_32] : memref<16x157x128xi32, #tpu.memory_space<hbm>> -> memref<1x157x128xi32, #tpu.memory_space<hbm>>
    %dma_wait3A_34 = tpu.memref_squeeze %dma_wait3A_33 : memref<1x157x128xi32, #tpu.memory_space<hbm>> -> memref<157x128xi32, #tpu.memory_space<hbm>>
    %dma_wait3A_35 = arith.constant 0 : i32
    %dma_wait3A_36 = arith.constant 0 : i32
    %dma_wait3A_37 = tpu.memref_slice %arg3[%arg1, %dma_wait3A_35, %dma_wait3A_36] : memref<16x157x128xi32, #tpu.memory_space<hbm>> -> memref<1x157x128xi32, #tpu.memory_space<hbm>>
    %dma_wait3A_38 = tpu.memref_squeeze %dma_wait3A_37 : memref<1x157x128xi32, #tpu.memory_space<hbm>> -> memref<157x128xi32, #tpu.memory_space<hbm>>
    tpu.wait_dma2 semaphore(%arg13 : memref<!tpu.dma_semaphore, #tpu.memory_space<semaphore_mem>>) src(%dma_wait3A_38 : memref<157x128xi32, #tpu.memory_space<hbm>>) dst(%arg9 : memref<157x128xi32, #tpu.memory_space<vmem>>)
    %dma_wait3A_39 = arith.constant 0 : i32
    %dma_wait3A_40 = arith.constant 0 : i32
    %dma_wait3A_41 = tpu.memref_slice %arg4[%arg1, %dma_wait3A_39, %dma_wait3A_40] : memref<16x157x128xi32, #tpu.memory_space<hbm>> -> memref<1x157x128xi32, #tpu.memory_space<hbm>>
    %dma_wait3A_42 = tpu.memref_squeeze %dma_wait3A_41 : memref<1x157x128xi32, #tpu.memory_space<hbm>> -> memref<157x128xi32, #tpu.memory_space<hbm>>
    %dma_wait3A_43 = arith.constant 0 : i32
    %dma_wait3A_44 = arith.constant 0 : i32
    %dma_wait3A_45 = tpu.memref_slice %arg4[%arg1, %dma_wait3A_43, %dma_wait3A_44] : memref<16x157x128xi32, #tpu.memory_space<hbm>> -> memref<1x157x128xi32, #tpu.memory_space<hbm>>
    %dma_wait3A_46 = tpu.memref_squeeze %dma_wait3A_45 : memref<1x157x128xi32, #tpu.memory_space<hbm>> -> memref<157x128xi32, #tpu.memory_space<hbm>>
    tpu.wait_dma2 semaphore(%arg14 : memref<!tpu.dma_semaphore, #tpu.memory_space<semaphore_mem>>) src(%dma_wait3A_46 : memref<157x128xi32, #tpu.memory_space<hbm>>) dst(%arg10 : memref<157x128xi32, #tpu.memory_space<vmem>>)
    %barrier3A = arith.constant 0 : index
    tpu.barrier barrier_id(%barrier3A)
    %dma_start3A_47 = arith.constant 0 : i32
    %dma_start3A_48 = arith.constant 0 : i32
    %dma_start3A_49 = tpu.memref_slice %arg9[%dma_start3A_47, %dma_start3A_48] : memref<157x128xi32, #tpu.memory_space<vmem>> -> memref<1x128xi32, #tpu.memory_space<vmem>>
    %dma_start3A_50 = tpu.memref_squeeze %dma_start3A_49 : memref<1x128xi32, #tpu.memory_space<vmem>> -> memref<128xi32, #tpu.memory_space<vmem>>
    %dma_start3A_51 = arith.constant 0 : i32
    %dma_start3A_52 = arith.constant 0 : i32
    %dma_start3A_53 = tpu.memref_slice %arg7[%dma_start3A_51, %dma_start3A_52] : memref<10112x16xf32, #tpu.memory_space<vmem_shared>> -> memref<10112x16xf32, #tpu.memory_space<vmem_shared>>
    tpu.enqueue_indirect_dma source(%dma_start3A_53 : memref<10112x16xf32, #tpu.memory_space<vmem_shared>>) target(%arg11 : memref<128x16xf32, #tpu.memory_space<vmem>>) offsets(%dma_start3A_50 : memref<128xi32, #tpu.memory_space<vmem>>) semaphore(%arg13 : memref<!tpu.dma_semaphore, #tpu.memory_space<semaphore_mem>>)
    %scan3A = arith.constant 0 : i32
    %scan3A_54 = arith.constant 0 : i32
    %scan3A_55 = arith.constant 78 : i32
    %scan3A_56 = arith.addi %scan3A_54, %scan3A_55 : i32
    %scan3A_57 = arith.constant 1 : i32
    scf.for %scan3A_67 = %scan3A_54 to %scan3A_56 step %scan3A_57  : i32 {
      %mul3A_68 = arith.constant 2 : i32
      %mul3A_69 = arith.muli %mul3A_68, %scan3A_67 : i32
      %add3A = arith.constant 1 : i32
      %add3A_70 = arith.addi %mul3A_69, %add3A : i32
      %dma_start3A_71 = arith.constant 0 : i32
      %dma_start3A_72 = tpu.memref_slice %arg9[%add3A_70, %dma_start3A_71] : memref<157x128xi32, #tpu.memory_space<vmem>> -> memref<1x128xi32, #tpu.memory_space<vmem>>
      %dma_start3A_73 = tpu.memref_squeeze %dma_start3A_72 : memref<1x128xi32, #tpu.memory_space<vmem>> -> memref<128xi32, #tpu.memory_space<vmem>>
      %dma_start3A_74 = arith.constant 0 : i32
      %dma_start3A_75 = arith.constant 0 : i32
      %dma_start3A_76 = tpu.memref_slice %arg7[%dma_start3A_74, %dma_start3A_75] : memref<10112x16xf32, #tpu.memory_space<vmem_shared>> -> memref<10112x16xf32, #tpu.memory_space<vmem_shared>>
      tpu.enqueue_indirect_dma source(%dma_start3A_76 : memref<10112x16xf32, #tpu.memory_space<vmem_shared>>) target(%arg12 : memref<128x16xf32, #tpu.memory_space<vmem>>) offsets(%dma_start3A_73 : memref<128xi32, #tpu.memory_space<vmem>>) semaphore(%arg14 : memref<!tpu.dma_semaphore, #tpu.memory_space<semaphore_mem>>)
      %dma_wait3A_77 = arith.constant 0 : i32
      %dma_wait3A_78 = tpu.memref_slice %arg9[%mul3A_69, %dma_wait3A_77] : memref<157x128xi32, #tpu.memory_space<vmem>> -> memref<1x128xi32, #tpu.memory_space<vmem>>
      %dma_wait3A_79 = tpu.memref_squeeze %dma_wait3A_78 : memref<1x128xi32, #tpu.memory_space<vmem>> -> memref<128xi32, #tpu.memory_space<vmem>>
      %dma_wait3A_80 = arith.constant 0 : i32
      %dma_wait3A_81 = arith.constant 0 : i32
      %dma_wait3A_82 = tpu.memref_slice %arg7[%dma_wait3A_80, %dma_wait3A_81] : memref<10112x16xf32, #tpu.memory_space<vmem_shared>> -> memref<10112x16xf32, #tpu.memory_space<vmem_shared>>
      tpu.wait_indirect_dma semaphore(%arg13 : memref<!tpu.dma_semaphore, #tpu.memory_space<semaphore_mem>>) src(%dma_wait3A_82 : memref<10112x16xf32, #tpu.memory_space<vmem_shared>>) dst(%arg11 : memref<128x16xf32, #tpu.memory_space<vmem>>)
      "tpu.region"() ({
        %run_scoped3A_101 = tpu.sem_alloc : memref<!tpu.dma_semaphore, #tpu.memory_space<semaphore_mem>>
        %dma_start3A_102 = arith.constant 0 : i32
        %dma_start3A_103 = tpu.memref_slice %arg10[%mul3A_69, %dma_start3A_102] : memref<157x128xi32, #tpu.memory_space<vmem>> -> memref<1x128xi32, #tpu.memory_space<vmem>>
        %dma_start3A_104 = tpu.memref_squeeze %dma_start3A_103 : memref<1x128xi32, #tpu.memory_space<vmem>> -> memref<128xi32, #tpu.memory_space<vmem>>
        %dma_start3A_105 = arith.constant 0 : i32
        %dma_start3A_106 = arith.constant 0 : i32
        %dma_start3A_107 = tpu.memref_slice %arg8[%dma_start3A_105, %dma_start3A_106] : memref<10112x16xf32, #tpu.memory_space<vmem_shared>> -> memref<10112x16xf32, #tpu.memory_space<vmem_shared>>
        tpu.enqueue_indirect_dma source(%arg11 : memref<128x16xf32, #tpu.memory_space<vmem>>) target(%dma_start3A_107 : memref<10112x16xf32, #tpu.memory_space<vmem_shared>>) offsets(%dma_start3A_104 : memref<128xi32, #tpu.memory_space<vmem>>) semaphore(%run_scoped3A_101 : memref<!tpu.dma_semaphore, #tpu.memory_space<semaphore_mem>>) {add = true}
        %dma_wait3A_108 = arith.constant 0 : i32
        %dma_wait3A_109 = tpu.memref_slice %arg10[%mul3A_69, %dma_wait3A_108] : memref<157x128xi32, #tpu.memory_space<vmem>> -> memref<1x128xi32, #tpu.memory_space<vmem>>
        %dma_wait3A_110 = tpu.memref_squeeze %dma_wait3A_109 : memref<1x128xi32, #tpu.memory_space<vmem>> -> memref<128xi32, #tpu.memory_space<vmem>>
        %dma_wait3A_111 = arith.constant 0 : i32
        %dma_wait3A_112 = arith.constant 0 : i32
        %dma_wait3A_113 = tpu.memref_slice %arg8[%dma_wait3A_111, %dma_wait3A_112] : memref<10112x16xf32, #tpu.memory_space<vmem_shared>> -> memref<10112x16xf32, #tpu.memory_space<vmem_shared>>
        tpu.wait_indirect_dma semaphore(%run_scoped3A_101 : memref<!tpu.dma_semaphore, #tpu.memory_space<semaphore_mem>>) src(%arg11 : memref<128x16xf32, #tpu.memory_space<vmem>>) dst(%dma_wait3A_113 : memref<10112x16xf32, #tpu.memory_space<vmem_shared>>)
        tpu.yield
      }) : () -> ()
      %add3A_83 = arith.constant 2 : i32
      %add3A_84 = arith.addi %mul3A_69, %add3A_83 : i32
      %dma_start3A_85 = arith.constant 0 : i32
      %dma_start3A_86 = tpu.memref_slice %arg9[%add3A_84, %dma_start3A_85] : memref<157x128xi32, #tpu.memory_space<vmem>> -> memref<1x128xi32, #tpu.memory_space<vmem>>
      %dma_start3A_87 = tpu.memref_squeeze %dma_start3A_86 : memref<1x128xi32, #tpu.memory_space<vmem>> -> memref<128xi32, #tpu.memory_space<vmem>>
      %dma_start3A_88 = arith.constant 0 : i32
      %dma_start3A_89 = arith.constant 0 : i32
      %dma_start3A_90 = tpu.memref_slice %arg7[%dma_start3A_88, %dma_start3A_89] : memref<10112x16xf32, #tpu.memory_space<vmem_shared>> -> memref<10112x16xf32, #tpu.memory_space<vmem_shared>>
      tpu.enqueue_indirect_dma source(%dma_start3A_90 : memref<10112x16xf32, #tpu.memory_space<vmem_shared>>) target(%arg11 : memref<128x16xf32, #tpu.memory_space<vmem>>) offsets(%dma_start3A_87 : memref<128xi32, #tpu.memory_space<vmem>>) semaphore(%arg13 : memref<!tpu.dma_semaphore, #tpu.memory_space<semaphore_mem>>)
      %add3A_91 = arith.constant 1 : i32
      %add3A_92 = arith.addi %mul3A_69, %add3A_91 : i32
      %dma_wait3A_93 = arith.constant 0 : i32
      %dma_wait3A_94 = tpu.memref_slice %arg9[%add3A_92, %dma_wait3A_93] : memref<157x128xi32, #tpu.memory_space<vmem>> -> memref<1x128xi32, #tpu.memory_space<vmem>>
      %dma_wait3A_95 = tpu.memref_squeeze %dma_wait3A_94 : memref<1x128xi32, #tpu.memory_space<vmem>> -> memref<128xi32, #tpu.memory_space<vmem>>
      %dma_wait3A_96 = arith.constant 0 : i32
      %dma_wait3A_97 = arith.constant 0 : i32
      %dma_wait3A_98 = tpu.memref_slice %arg7[%dma_wait3A_96, %dma_wait3A_97] : memref<10112x16xf32, #tpu.memory_space<vmem_shared>> -> memref<10112x16xf32, #tpu.memory_space<vmem_shared>>
      tpu.wait_indirect_dma semaphore(%arg14 : memref<!tpu.dma_semaphore, #tpu.memory_space<semaphore_mem>>) src(%dma_wait3A_98 : memref<10112x16xf32, #tpu.memory_space<vmem_shared>>) dst(%arg12 : memref<128x16xf32, #tpu.memory_space<vmem>>)
      %add3A_99 = arith.constant 1 : i32
      %add3A_100 = arith.addi %mul3A_69, %add3A_99 : i32
      "tpu.region"() ({
        %run_scoped3A_101 = tpu.sem_alloc : memref<!tpu.dma_semaphore, #tpu.memory_space<semaphore_mem>>
        %dma_start3A_102 = arith.constant 0 : i32
        %dma_start3A_103 = tpu.memref_slice %arg10[%add3A_100, %dma_start3A_102] : memref<157x128xi32, #tpu.memory_space<vmem>> -> memref<1x128xi32, #tpu.memory_space<vmem>>
        %dma_start3A_104 = tpu.memref_squeeze %dma_start3A_103 : memref<1x128xi32, #tpu.memory_space<vmem>> -> memref<128xi32, #tpu.memory_space<vmem>>
        %dma_start3A_105 = arith.constant 0 : i32
        %dma_start3A_106 = arith.constant 0 : i32
        %dma_start3A_107 = tpu.memref_slice %arg8[%dma_start3A_105, %dma_start3A_106] : memref<10112x16xf32, #tpu.memory_space<vmem_shared>> -> memref<10112x16xf32, #tpu.memory_space<vmem_shared>>
        tpu.enqueue_indirect_dma source(%arg12 : memref<128x16xf32, #tpu.memory_space<vmem>>) target(%dma_start3A_107 : memref<10112x16xf32, #tpu.memory_space<vmem_shared>>) offsets(%dma_start3A_104 : memref<128xi32, #tpu.memory_space<vmem>>) semaphore(%run_scoped3A_101 : memref<!tpu.dma_semaphore, #tpu.memory_space<semaphore_mem>>) {add = true}
        %dma_wait3A_108 = arith.constant 0 : i32
        %dma_wait3A_109 = tpu.memref_slice %arg10[%add3A_100, %dma_wait3A_108] : memref<157x128xi32, #tpu.memory_space<vmem>> -> memref<1x128xi32, #tpu.memory_space<vmem>>
        %dma_wait3A_110 = tpu.memref_squeeze %dma_wait3A_109 : memref<1x128xi32, #tpu.memory_space<vmem>> -> memref<128xi32, #tpu.memory_space<vmem>>
        %dma_wait3A_111 = arith.constant 0 : i32
        %dma_wait3A_112 = arith.constant 0 : i32
        %dma_wait3A_113 = tpu.memref_slice %arg8[%dma_wait3A_111, %dma_wait3A_112] : memref<10112x16xf32, #tpu.memory_space<vmem_shared>> -> memref<10112x16xf32, #tpu.memory_space<vmem_shared>>
        tpu.wait_indirect_dma semaphore(%run_scoped3A_101 : memref<!tpu.dma_semaphore, #tpu.memory_space<semaphore_mem>>) src(%arg12 : memref<128x16xf32, #tpu.memory_space<vmem>>) dst(%dma_wait3A_113 : memref<10112x16xf32, #tpu.memory_space<vmem_shared>>)
        tpu.yield
      }) : () -> ()
    }
    %scan3A_58 = arith.constant 78 : i32
    %dma_wait3A_59 = arith.constant 156 : i32
    %dma_wait3A_60 = arith.constant 0 : i32
    %dma_wait3A_61 = tpu.memref_slice %arg9[%dma_wait3A_59, %dma_wait3A_60] : memref<157x128xi32, #tpu.memory_space<vmem>> -> memref<1x128xi32, #tpu.memory_space<vmem>>
    %dma_wait3A_62 = tpu.memref_squeeze %dma_wait3A_61 : memref<1x128xi32, #tpu.memory_space<vmem>> -> memref<128xi32, #tpu.memory_space<vmem>>
    %dma_wait3A_63 = arith.constant 0 : i32
    %dma_wait3A_64 = arith.constant 0 : i32
    %dma_wait3A_65 = tpu.memref_slice %arg7[%dma_wait3A_63, %dma_wait3A_64] : memref<10112x16xf32, #tpu.memory_space<vmem_shared>> -> memref<10112x16xf32, #tpu.memory_space<vmem_shared>>
    tpu.wait_indirect_dma semaphore(%arg13 : memref<!tpu.dma_semaphore, #tpu.memory_space<semaphore_mem>>) src(%dma_wait3A_65 : memref<10112x16xf32, #tpu.memory_space<vmem_shared>>) dst(%arg11 : memref<128x16xf32, #tpu.memory_space<vmem>>)
    %run_scoped3A = arith.constant 156 : i32
    "tpu.region"() ({
      %run_scoped3A_67 = tpu.sem_alloc : memref<!tpu.dma_semaphore, #tpu.memory_space<semaphore_mem>>
      %dma_start3A_68 = arith.constant 0 : i32
      %dma_start3A_69 = tpu.memref_slice %arg10[%run_scoped3A, %dma_start3A_68] : memref<157x128xi32, #tpu.memory_space<vmem>> -> memref<1x128xi32, #tpu.memory_space<vmem>>
      %dma_start3A_70 = tpu.memref_squeeze %dma_start3A_69 : memref<1x128xi32, #tpu.memory_space<vmem>> -> memref<128xi32, #tpu.memory_space<vmem>>
      %dma_start3A_71 = arith.constant 0 : i32
      %dma_start3A_72 = arith.constant 0 : i32
      %dma_start3A_73 = tpu.memref_slice %arg8[%dma_start3A_71, %dma_start3A_72] : memref<10112x16xf32, #tpu.memory_space<vmem_shared>> -> memref<10112x16xf32, #tpu.memory_space<vmem_shared>>
      tpu.enqueue_indirect_dma source(%arg11 : memref<128x16xf32, #tpu.memory_space<vmem>>) target(%dma_start3A_73 : memref<10112x16xf32, #tpu.memory_space<vmem_shared>>) offsets(%dma_start3A_70 : memref<128xi32, #tpu.memory_space<vmem>>) semaphore(%run_scoped3A_67 : memref<!tpu.dma_semaphore, #tpu.memory_space<semaphore_mem>>) {add = true}
      %dma_wait3A_74 = arith.constant 0 : i32
      %dma_wait3A_75 = tpu.memref_slice %arg10[%run_scoped3A, %dma_wait3A_74] : memref<157x128xi32, #tpu.memory_space<vmem>> -> memref<1x128xi32, #tpu.memory_space<vmem>>
      %dma_wait3A_76 = tpu.memref_squeeze %dma_wait3A_75 : memref<1x128xi32, #tpu.memory_space<vmem>> -> memref<128xi32, #tpu.memory_space<vmem>>
      %dma_wait3A_77 = arith.constant 0 : i32
      %dma_wait3A_78 = arith.constant 0 : i32
      %dma_wait3A_79 = tpu.memref_slice %arg8[%dma_wait3A_77, %dma_wait3A_78] : memref<10112x16xf32, #tpu.memory_space<vmem_shared>> -> memref<10112x16xf32, #tpu.memory_space<vmem_shared>>
      tpu.wait_indirect_dma semaphore(%run_scoped3A_67 : memref<!tpu.dma_semaphore, #tpu.memory_space<semaphore_mem>>) src(%arg11 : memref<128x16xf32, #tpu.memory_space<vmem>>) dst(%dma_wait3A_79 : memref<10112x16xf32, #tpu.memory_space<vmem_shared>>)
      tpu.yield
    }) : () -> ()
    %barrier3A_66 = arith.constant 0 : index
    tpu.barrier barrier_id(%barrier3A_66)
    "tpu.region"() ({
      %run_scoped3A_67 = tpu.sem_alloc : memref<!tpu.dma_semaphore, #tpu.memory_space<semaphore_mem>>
      %dma_start3A_68 = tpu.memref_slice %arg6[%mul3A_0, %mul3A_2] : memref<10112x32xf32, #tpu.memory_space<hbm>> -> memref<632x16xf32, #tpu.memory_space<hbm>>
      %dma_start3A_69 = arith.constant 0 : i32
      %dma_start3A_70 = tpu.memref_slice %arg8[%mul3A_0, %dma_start3A_69] : memref<10112x16xf32, #tpu.memory_space<vmem_shared>> -> memref<632x16xf32, #tpu.memory_space<vmem_shared>>
      tpu.enqueue_dma source(%dma_start3A_70 : memref<632x16xf32, #tpu.memory_space<vmem_shared>>) target(%dma_start3A_68 : memref<632x16xf32, #tpu.memory_space<hbm>>) target_semaphore(%run_scoped3A_67 : memref<!tpu.dma_semaphore, #tpu.memory_space<semaphore_mem>>)
      %dma_wait3A_71 = tpu.memref_slice %arg6[%mul3A_0, %mul3A_2] : memref<10112x32xf32, #tpu.memory_space<hbm>> -> memref<632x16xf32, #tpu.memory_space<hbm>>
      %dma_wait3A_72 = arith.constant 0 : i32
      %dma_wait3A_73 = tpu.memref_slice %arg8[%mul3A_0, %dma_wait3A_72] : memref<10112x16xf32, #tpu.memory_space<vmem_shared>> -> memref<632x16xf32, #tpu.memory_space<vmem_shared>>
      tpu.wait_dma2 semaphore(%run_scoped3A_67 : memref<!tpu.dma_semaphore, #tpu.memory_space<semaphore_mem>>) src(%dma_wait3A_73 : memref<632x16xf32, #tpu.memory_space<vmem_shared>>) dst(%dma_wait3A_71 : memref<632x16xf32, #tpu.memory_space<hbm>>)
      tpu.yield
    }) : () -> ()
    return
  }
}

#map = affine_map<(d0, d1) -> (0, 0)>
#map1 = affine_map<(d0, d1) -> (0, 0, 0)>
module attributes {stable_mosaic.version = 14 : i64} {
  func.func @k(%arg0: i32, %arg1: i32, %arg2: memref<10112x64xf32, #tpu.memory_space<hbm>>, %arg3: memref<16x157x128xi32, #tpu.memory_space<hbm>>, %arg4: memref<16x157x128xi32, #tpu.memory_space<hbm>>, %arg5: memref<10112x32xf32, #tpu.memory_space<hbm>>, %arg6: memref<10112x64xf32, #tpu.memory_space<hbm>>, %arg7: memref<10112x32xf32, #tpu.memory_space<vmem_shared>>, %arg8: memref<10112x32xf32, #tpu.memory_space<vmem_shared>>, %arg9: memref<157x128xi32, #tpu.memory_space<vmem>>, %arg10: memref<157x128xi32, #tpu.memory_space<vmem>>, %arg11: memref<128x32xf32, #tpu.memory_space<vmem>>, %arg12: memref<128x32xf32, #tpu.memory_space<vmem>>, %arg13: memref<!tpu.dma_semaphore, #tpu.memory_space<semaphore_mem>>, %arg14: memref<!tpu.dma_semaphore, #tpu.memory_space<semaphore_mem>>) attributes {dimension_semantics = [#tpu.dimension_semantics<core_parallel>, #tpu.dimension_semantics<subcore_parallel>], iteration_bounds = array<i64: 2, 16>, scalar_prefetch = 0 : i64, scratch_operands = 8 : i64, tpu.core_type = #tpu.core_type<sc_vector_subcore>, window_params = [{transform_indices = #map}, {transform_indices = #map1}, {transform_indices = #map1}, {transform_indices = #map}, {transform_indices = #map}]} {
    %mul3A = arith.constant 632 : i32
    %mul3A_0 = arith.muli %arg1, %mul3A : i32
    %mul3A_1 = arith.constant 32 : i32
    %mul3A_2 = arith.muli %arg0, %mul3A_1 : i32
    %dma_start3A = arith.constant 0 : i32
    %dma_start3A_3 = tpu.memref_slice %arg7[%mul3A_0, %dma_start3A] : memref<10112x32xf32, #tpu.memory_space<vmem_shared>> -> memref<632x32xf32, #tpu.memory_space<vmem_shared>>
    %dma_start3A_4 = tpu.memref_slice %arg2[%mul3A_0, %mul3A_2] : memref<10112x64xf32, #tpu.memory_space<hbm>> -> memref<632x32xf32, #tpu.memory_space<hbm>>
    tpu.enqueue_dma source(%dma_start3A_4 : memref<632x32xf32, #tpu.memory_space<hbm>>) target(%dma_start3A_3 : memref<632x32xf32, #tpu.memory_space<vmem_shared>>) target_semaphore(%arg13 : memref<!tpu.dma_semaphore, #tpu.memory_space<semaphore_mem>>)
    %dma_start3A_5 = arith.constant 0 : i32
    %dma_start3A_6 = tpu.memref_slice %arg8[%mul3A_0, %dma_start3A_5] : memref<10112x32xf32, #tpu.memory_space<vmem_shared>> -> memref<632x32xf32, #tpu.memory_space<vmem_shared>>
    %dma_start3A_7 = arith.constant 0 : i32
    %dma_start3A_8 = tpu.memref_slice %arg5[%mul3A_0, %dma_start3A_7] : memref<10112x32xf32, #tpu.memory_space<hbm>> -> memref<632x32xf32, #tpu.memory_space<hbm>>
    tpu.enqueue_dma source(%dma_start3A_8 : memref<632x32xf32, #tpu.memory_space<hbm>>) target(%dma_start3A_6 : memref<632x32xf32, #tpu.memory_space<vmem_shared>>) target_semaphore(%arg14 : memref<!tpu.dma_semaphore, #tpu.memory_space<semaphore_mem>>)
    %dma_start3A_9 = arith.constant 0 : i32
    %dma_start3A_10 = arith.constant 0 : i32
    %dma_start3A_11 = tpu.memref_slice %arg3[%arg1, %dma_start3A_9, %dma_start3A_10] : memref<16x157x128xi32, #tpu.memory_space<hbm>> -> memref<1x157x128xi32, #tpu.memory_space<hbm>>
    %dma_start3A_12 = tpu.memref_squeeze %dma_start3A_11 : memref<1x157x128xi32, #tpu.memory_space<hbm>> -> memref<157x128xi32, #tpu.memory_space<hbm>>
    %dma_start3A_13 = arith.constant 0 : i32
    %dma_start3A_14 = arith.constant 0 : i32
    %dma_start3A_15 = tpu.memref_slice %arg3[%arg1, %dma_start3A_13, %dma_start3A_14] : memref<16x157x128xi32, #tpu.memory_space<hbm>> -> memref<1x157x128xi32, #tpu.memory_space<hbm>>
    %dma_start3A_16 = tpu.memref_squeeze %dma_start3A_15 : memref<1x157x128xi32, #tpu.memory_space<hbm>> -> memref<157x128xi32, #tpu.memory_space<hbm>>
    tpu.enqueue_dma source(%dma_start3A_16 : memref<157x128xi32, #tpu.memory_space<hbm>>) target(%arg9 : memref<157x128xi32, #tpu.memory_space<vmem>>) target_semaphore(%arg13 : memref<!tpu.dma_semaphore, #tpu.memory_space<semaphore_mem>>)
    %dma_start3A_17 = arith.constant 0 : i32
    %dma_start3A_18 = arith.constant 0 : i32
    %dma_start3A_19 = tpu.memref_slice %arg4[%arg1, %dma_start3A_17, %dma_start3A_18] : memref<16x157x128xi32, #tpu.memory_space<hbm>> -> memref<1x157x128xi32, #tpu.memory_space<hbm>>
    %dma_start3A_20 = tpu.memref_squeeze %dma_start3A_19 : memref<1x157x128xi32, #tpu.memory_space<hbm>> -> memref<157x128xi32, #tpu.memory_space<hbm>>
    %dma_start3A_21 = arith.constant 0 : i32
    %dma_start3A_22 = arith.constant 0 : i32
    %dma_start3A_23 = tpu.memref_slice %arg4[%arg1, %dma_start3A_21, %dma_start3A_22] : memref<16x157x128xi32, #tpu.memory_space<hbm>> -> memref<1x157x128xi32, #tpu.memory_space<hbm>>
    %dma_start3A_24 = tpu.memref_squeeze %dma_start3A_23 : memref<1x157x128xi32, #tpu.memory_space<hbm>> -> memref<157x128xi32, #tpu.memory_space<hbm>>
    tpu.enqueue_dma source(%dma_start3A_24 : memref<157x128xi32, #tpu.memory_space<hbm>>) target(%arg10 : memref<157x128xi32, #tpu.memory_space<vmem>>) target_semaphore(%arg14 : memref<!tpu.dma_semaphore, #tpu.memory_space<semaphore_mem>>)
    %dma_wait3A = arith.constant 0 : i32
    %dma_wait3A_25 = tpu.memref_slice %arg7[%mul3A_0, %dma_wait3A] : memref<10112x32xf32, #tpu.memory_space<vmem_shared>> -> memref<632x32xf32, #tpu.memory_space<vmem_shared>>
    %dma_wait3A_26 = tpu.memref_slice %arg2[%mul3A_0, %mul3A_2] : memref<10112x64xf32, #tpu.memory_space<hbm>> -> memref<632x32xf32, #tpu.memory_space<hbm>>
    tpu.wait_dma2 semaphore(%arg13 : memref<!tpu.dma_semaphore, #tpu.memory_space<semaphore_mem>>) src(%dma_wait3A_26 : memref<632x32xf32, #tpu.memory_space<hbm>>) dst(%dma_wait3A_25 : memref<632x32xf32, #tpu.memory_space<vmem_shared>>)
    %dma_wait3A_27 = arith.constant 0 : i32
    %dma_wait3A_28 = tpu.memref_slice %arg8[%mul3A_0, %dma_wait3A_27] : memref<10112x32xf32, #tpu.memory_space<vmem_shared>> -> memref<632x32xf32, #tpu.memory_space<vmem_shared>>
    %dma_wait3A_29 = arith.constant 0 : i32
    %dma_wait3A_30 = tpu.memref_slice %arg5[%mul3A_0, %dma_wait3A_29] : memref<10112x32xf32, #tpu.memory_space<hbm>> -> memref<632x32xf32, #tpu.memory_space<hbm>>
    tpu.wait_dma2 semaphore(%arg14 : memref<!tpu.dma_semaphore, #tpu.memory_space<semaphore_mem>>) src(%dma_wait3A_30 : memref<632x32xf32, #tpu.memory_space<hbm>>) dst(%dma_wait3A_28 : memref<632x32xf32, #tpu.memory_space<vmem_shared>>)
    %dma_wait3A_31 = arith.constant 0 : i32
    %dma_wait3A_32 = arith.constant 0 : i32
    %dma_wait3A_33 = tpu.memref_slice %arg3[%arg1, %dma_wait3A_31, %dma_wait3A_32] : memref<16x157x128xi32, #tpu.memory_space<hbm>> -> memref<1x157x128xi32, #tpu.memory_space<hbm>>
    %dma_wait3A_34 = tpu.memref_squeeze %dma_wait3A_33 : memref<1x157x128xi32, #tpu.memory_space<hbm>> -> memref<157x128xi32, #tpu.memory_space<hbm>>
    %dma_wait3A_35 = arith.constant 0 : i32
    %dma_wait3A_36 = arith.constant 0 : i32
    %dma_wait3A_37 = tpu.memref_slice %arg3[%arg1, %dma_wait3A_35, %dma_wait3A_36] : memref<16x157x128xi32, #tpu.memory_space<hbm>> -> memref<1x157x128xi32, #tpu.memory_space<hbm>>
    %dma_wait3A_38 = tpu.memref_squeeze %dma_wait3A_37 : memref<1x157x128xi32, #tpu.memory_space<hbm>> -> memref<157x128xi32, #tpu.memory_space<hbm>>
    tpu.wait_dma2 semaphore(%arg13 : memref<!tpu.dma_semaphore, #tpu.memory_space<semaphore_mem>>) src(%dma_wait3A_38 : memref<157x128xi32, #tpu.memory_space<hbm>>) dst(%arg9 : memref<157x128xi32, #tpu.memory_space<vmem>>)
    %dma_wait3A_39 = arith.constant 0 : i32
    %dma_wait3A_40 = arith.constant 0 : i32
    %dma_wait3A_41 = tpu.memref_slice %arg4[%arg1, %dma_wait3A_39, %dma_wait3A_40] : memref<16x157x128xi32, #tpu.memory_space<hbm>> -> memref<1x157x128xi32, #tpu.memory_space<hbm>>
    %dma_wait3A_42 = tpu.memref_squeeze %dma_wait3A_41 : memref<1x157x128xi32, #tpu.memory_space<hbm>> -> memref<157x128xi32, #tpu.memory_space<hbm>>
    %dma_wait3A_43 = arith.constant 0 : i32
    %dma_wait3A_44 = arith.constant 0 : i32
    %dma_wait3A_45 = tpu.memref_slice %arg4[%arg1, %dma_wait3A_43, %dma_wait3A_44] : memref<16x157x128xi32, #tpu.memory_space<hbm>> -> memref<1x157x128xi32, #tpu.memory_space<hbm>>
    %dma_wait3A_46 = tpu.memref_squeeze %dma_wait3A_45 : memref<1x157x128xi32, #tpu.memory_space<hbm>> -> memref<157x128xi32, #tpu.memory_space<hbm>>
    tpu.wait_dma2 semaphore(%arg14 : memref<!tpu.dma_semaphore, #tpu.memory_space<semaphore_mem>>) src(%dma_wait3A_46 : memref<157x128xi32, #tpu.memory_space<hbm>>) dst(%arg10 : memref<157x128xi32, #tpu.memory_space<vmem>>)
    %barrier3A = arith.constant 0 : index
    tpu.barrier barrier_id(%barrier3A)
    %dma_start3A_47 = arith.constant 0 : i32
    %dma_start3A_48 = arith.constant 0 : i32
    %dma_start3A_49 = tpu.memref_slice %arg9[%dma_start3A_47, %dma_start3A_48] : memref<157x128xi32, #tpu.memory_space<vmem>> -> memref<1x128xi32, #tpu.memory_space<vmem>>
    %dma_start3A_50 = tpu.memref_squeeze %dma_start3A_49 : memref<1x128xi32, #tpu.memory_space<vmem>> -> memref<128xi32, #tpu.memory_space<vmem>>
    %dma_start3A_51 = arith.constant 0 : i32
    %dma_start3A_52 = arith.constant 0 : i32
    %dma_start3A_53 = tpu.memref_slice %arg7[%dma_start3A_51, %dma_start3A_52] : memref<10112x32xf32, #tpu.memory_space<vmem_shared>> -> memref<10112x32xf32, #tpu.memory_space<vmem_shared>>
    tpu.enqueue_indirect_dma source(%dma_start3A_53 : memref<10112x32xf32, #tpu.memory_space<vmem_shared>>) target(%arg11 : memref<128x32xf32, #tpu.memory_space<vmem>>) offsets(%dma_start3A_50 : memref<128xi32, #tpu.memory_space<vmem>>) semaphore(%arg13 : memref<!tpu.dma_semaphore, #tpu.memory_space<semaphore_mem>>)
    %scan3A = arith.constant 0 : i32
    %scan3A_54 = arith.constant 0 : i32
    %scan3A_55 = arith.constant 78 : i32
    %scan3A_56 = arith.addi %scan3A_54, %scan3A_55 : i32
    %scan3A_57 = arith.constant 1 : i32
    scf.for %scan3A_67 = %scan3A_54 to %scan3A_56 step %scan3A_57  : i32 {
      %mul3A_68 = arith.constant 2 : i32
      %mul3A_69 = arith.muli %mul3A_68, %scan3A_67 : i32
      %add3A = arith.constant 1 : i32
      %add3A_70 = arith.addi %mul3A_69, %add3A : i32
      %dma_start3A_71 = arith.constant 0 : i32
      %dma_start3A_72 = tpu.memref_slice %arg9[%add3A_70, %dma_start3A_71] : memref<157x128xi32, #tpu.memory_space<vmem>> -> memref<1x128xi32, #tpu.memory_space<vmem>>
      %dma_start3A_73 = tpu.memref_squeeze %dma_start3A_72 : memref<1x128xi32, #tpu.memory_space<vmem>> -> memref<128xi32, #tpu.memory_space<vmem>>
      %dma_start3A_74 = arith.constant 0 : i32
      %dma_start3A_75 = arith.constant 0 : i32
      %dma_start3A_76 = tpu.memref_slice %arg7[%dma_start3A_74, %dma_start3A_75] : memref<10112x32xf32, #tpu.memory_space<vmem_shared>> -> memref<10112x32xf32, #tpu.memory_space<vmem_shared>>
      tpu.enqueue_indirect_dma source(%dma_start3A_76 : memref<10112x32xf32, #tpu.memory_space<vmem_shared>>) target(%arg12 : memref<128x32xf32, #tpu.memory_space<vmem>>) offsets(%dma_start3A_73 : memref<128xi32, #tpu.memory_space<vmem>>) semaphore(%arg14 : memref<!tpu.dma_semaphore, #tpu.memory_space<semaphore_mem>>)
      %dma_wait3A_77 = arith.constant 0 : i32
      %dma_wait3A_78 = tpu.memref_slice %arg9[%mul3A_69, %dma_wait3A_77] : memref<157x128xi32, #tpu.memory_space<vmem>> -> memref<1x128xi32, #tpu.memory_space<vmem>>
      %dma_wait3A_79 = tpu.memref_squeeze %dma_wait3A_78 : memref<1x128xi32, #tpu.memory_space<vmem>> -> memref<128xi32, #tpu.memory_space<vmem>>
      %dma_wait3A_80 = arith.constant 0 : i32
      %dma_wait3A_81 = arith.constant 0 : i32
      %dma_wait3A_82 = tpu.memref_slice %arg7[%dma_wait3A_80, %dma_wait3A_81] : memref<10112x32xf32, #tpu.memory_space<vmem_shared>> -> memref<10112x32xf32, #tpu.memory_space<vmem_shared>>
      tpu.wait_indirect_dma semaphore(%arg13 : memref<!tpu.dma_semaphore, #tpu.memory_space<semaphore_mem>>) src(%dma_wait3A_82 : memref<10112x32xf32, #tpu.memory_space<vmem_shared>>) dst(%arg11 : memref<128x32xf32, #tpu.memory_space<vmem>>)
      "tpu.region"() ({
        %run_scoped3A_101 = tpu.sem_alloc : memref<!tpu.dma_semaphore, #tpu.memory_space<semaphore_mem>>
        %dma_start3A_102 = arith.constant 0 : i32
        %dma_start3A_103 = tpu.memref_slice %arg10[%mul3A_69, %dma_start3A_102] : memref<157x128xi32, #tpu.memory_space<vmem>> -> memref<1x128xi32, #tpu.memory_space<vmem>>
        %dma_start3A_104 = tpu.memref_squeeze %dma_start3A_103 : memref<1x128xi32, #tpu.memory_space<vmem>> -> memref<128xi32, #tpu.memory_space<vmem>>
        %dma_start3A_105 = arith.constant 0 : i32
        %dma_start3A_106 = arith.constant 0 : i32
        %dma_start3A_107 = tpu.memref_slice %arg8[%dma_start3A_105, %dma_start3A_106] : memref<10112x32xf32, #tpu.memory_space<vmem_shared>> -> memref<10112x32xf32, #tpu.memory_space<vmem_shared>>
        tpu.enqueue_indirect_dma source(%arg11 : memref<128x32xf32, #tpu.memory_space<vmem>>) target(%dma_start3A_107 : memref<10112x32xf32, #tpu.memory_space<vmem_shared>>) offsets(%dma_start3A_104 : memref<128xi32, #tpu.memory_space<vmem>>) semaphore(%run_scoped3A_101 : memref<!tpu.dma_semaphore, #tpu.memory_space<semaphore_mem>>) {add = true}
        %dma_wait3A_108 = arith.constant 0 : i32
        %dma_wait3A_109 = tpu.memref_slice %arg10[%mul3A_69, %dma_wait3A_108] : memref<157x128xi32, #tpu.memory_space<vmem>> -> memref<1x128xi32, #tpu.memory_space<vmem>>
        %dma_wait3A_110 = tpu.memref_squeeze %dma_wait3A_109 : memref<1x128xi32, #tpu.memory_space<vmem>> -> memref<128xi32, #tpu.memory_space<vmem>>
        %dma_wait3A_111 = arith.constant 0 : i32
        %dma_wait3A_112 = arith.constant 0 : i32
        %dma_wait3A_113 = tpu.memref_slice %arg8[%dma_wait3A_111, %dma_wait3A_112] : memref<10112x32xf32, #tpu.memory_space<vmem_shared>> -> memref<10112x32xf32, #tpu.memory_space<vmem_shared>>
        tpu.wait_indirect_dma semaphore(%run_scoped3A_101 : memref<!tpu.dma_semaphore, #tpu.memory_space<semaphore_mem>>) src(%arg11 : memref<128x32xf32, #tpu.memory_space<vmem>>) dst(%dma_wait3A_113 : memref<10112x32xf32, #tpu.memory_space<vmem_shared>>)
        tpu.yield
      }) : () -> ()
      %add3A_83 = arith.constant 2 : i32
      %add3A_84 = arith.addi %mul3A_69, %add3A_83 : i32
      %dma_start3A_85 = arith.constant 0 : i32
      %dma_start3A_86 = tpu.memref_slice %arg9[%add3A_84, %dma_start3A_85] : memref<157x128xi32, #tpu.memory_space<vmem>> -> memref<1x128xi32, #tpu.memory_space<vmem>>
      %dma_start3A_87 = tpu.memref_squeeze %dma_start3A_86 : memref<1x128xi32, #tpu.memory_space<vmem>> -> memref<128xi32, #tpu.memory_space<vmem>>
      %dma_start3A_88 = arith.constant 0 : i32
      %dma_start3A_89 = arith.constant 0 : i32
      %dma_start3A_90 = tpu.memref_slice %arg7[%dma_start3A_88, %dma_start3A_89] : memref<10112x32xf32, #tpu.memory_space<vmem_shared>> -> memref<10112x32xf32, #tpu.memory_space<vmem_shared>>
      tpu.enqueue_indirect_dma source(%dma_start3A_90 : memref<10112x32xf32, #tpu.memory_space<vmem_shared>>) target(%arg11 : memref<128x32xf32, #tpu.memory_space<vmem>>) offsets(%dma_start3A_87 : memref<128xi32, #tpu.memory_space<vmem>>) semaphore(%arg13 : memref<!tpu.dma_semaphore, #tpu.memory_space<semaphore_mem>>)
      %add3A_91 = arith.constant 1 : i32
      %add3A_92 = arith.addi %mul3A_69, %add3A_91 : i32
      %dma_wait3A_93 = arith.constant 0 : i32
      %dma_wait3A_94 = tpu.memref_slice %arg9[%add3A_92, %dma_wait3A_93] : memref<157x128xi32, #tpu.memory_space<vmem>> -> memref<1x128xi32, #tpu.memory_space<vmem>>
      %dma_wait3A_95 = tpu.memref_squeeze %dma_wait3A_94 : memref<1x128xi32, #tpu.memory_space<vmem>> -> memref<128xi32, #tpu.memory_space<vmem>>
      %dma_wait3A_96 = arith.constant 0 : i32
      %dma_wait3A_97 = arith.constant 0 : i32
      %dma_wait3A_98 = tpu.memref_slice %arg7[%dma_wait3A_96, %dma_wait3A_97] : memref<10112x32xf32, #tpu.memory_space<vmem_shared>> -> memref<10112x32xf32, #tpu.memory_space<vmem_shared>>
      tpu.wait_indirect_dma semaphore(%arg14 : memref<!tpu.dma_semaphore, #tpu.memory_space<semaphore_mem>>) src(%dma_wait3A_98 : memref<10112x32xf32, #tpu.memory_space<vmem_shared>>) dst(%arg12 : memref<128x32xf32, #tpu.memory_space<vmem>>)
      %add3A_99 = arith.constant 1 : i32
      %add3A_100 = arith.addi %mul3A_69, %add3A_99 : i32
      "tpu.region"() ({
        %run_scoped3A_101 = tpu.sem_alloc : memref<!tpu.dma_semaphore, #tpu.memory_space<semaphore_mem>>
        %dma_start3A_102 = arith.constant 0 : i32
        %dma_start3A_103 = tpu.memref_slice %arg10[%add3A_100, %dma_start3A_102] : memref<157x128xi32, #tpu.memory_space<vmem>> -> memref<1x128xi32, #tpu.memory_space<vmem>>
        %dma_start3A_104 = tpu.memref_squeeze %dma_start3A_103 : memref<1x128xi32, #tpu.memory_space<vmem>> -> memref<128xi32, #tpu.memory_space<vmem>>
        %dma_start3A_105 = arith.constant 0 : i32
        %dma_start3A_106 = arith.constant 0 : i32
        %dma_start3A_107 = tpu.memref_slice %arg8[%dma_start3A_105, %dma_start3A_106] : memref<10112x32xf32, #tpu.memory_space<vmem_shared>> -> memref<10112x32xf32, #tpu.memory_space<vmem_shared>>
        tpu.enqueue_indirect_dma source(%arg12 : memref<128x32xf32, #tpu.memory_space<vmem>>) target(%dma_start3A_107 : memref<10112x32xf32, #tpu.memory_space<vmem_shared>>) offsets(%dma_start3A_104 : memref<128xi32, #tpu.memory_space<vmem>>) semaphore(%run_scoped3A_101 : memref<!tpu.dma_semaphore, #tpu.memory_space<semaphore_mem>>) {add = true}
        %dma_wait3A_108 = arith.constant 0 : i32
        %dma_wait3A_109 = tpu.memref_slice %arg10[%add3A_100, %dma_wait3A_108] : memref<157x128xi32, #tpu.memory_space<vmem>> -> memref<1x128xi32, #tpu.memory_space<vmem>>
        %dma_wait3A_110 = tpu.memref_squeeze %dma_wait3A_109 : memref<1x128xi32, #tpu.memory_space<vmem>> -> memref<128xi32, #tpu.memory_space<vmem>>
        %dma_wait3A_111 = arith.constant 0 : i32
        %dma_wait3A_112 = arith.constant 0 : i32
        %dma_wait3A_113 = tpu.memref_slice %arg8[%dma_wait3A_111, %dma_wait3A_112] : memref<10112x32xf32, #tpu.memory_space<vmem_shared>> -> memref<10112x32xf32, #tpu.memory_space<vmem_shared>>
        tpu.wait_indirect_dma semaphore(%run_scoped3A_101 : memref<!tpu.dma_semaphore, #tpu.memory_space<semaphore_mem>>) src(%arg12 : memref<128x32xf32, #tpu.memory_space<vmem>>) dst(%dma_wait3A_113 : memref<10112x32xf32, #tpu.memory_space<vmem_shared>>)
        tpu.yield
      }) : () -> ()
    }
    %scan3A_58 = arith.constant 78 : i32
    %dma_wait3A_59 = arith.constant 156 : i32
    %dma_wait3A_60 = arith.constant 0 : i32
    %dma_wait3A_61 = tpu.memref_slice %arg9[%dma_wait3A_59, %dma_wait3A_60] : memref<157x128xi32, #tpu.memory_space<vmem>> -> memref<1x128xi32, #tpu.memory_space<vmem>>
    %dma_wait3A_62 = tpu.memref_squeeze %dma_wait3A_61 : memref<1x128xi32, #tpu.memory_space<vmem>> -> memref<128xi32, #tpu.memory_space<vmem>>
    %dma_wait3A_63 = arith.constant 0 : i32
    %dma_wait3A_64 = arith.constant 0 : i32
    %dma_wait3A_65 = tpu.memref_slice %arg7[%dma_wait3A_63, %dma_wait3A_64] : memref<10112x32xf32, #tpu.memory_space<vmem_shared>> -> memref<10112x32xf32, #tpu.memory_space<vmem_shared>>
    tpu.wait_indirect_dma semaphore(%arg13 : memref<!tpu.dma_semaphore, #tpu.memory_space<semaphore_mem>>) src(%dma_wait3A_65 : memref<10112x32xf32, #tpu.memory_space<vmem_shared>>) dst(%arg11 : memref<128x32xf32, #tpu.memory_space<vmem>>)
    %run_scoped3A = arith.constant 156 : i32
    "tpu.region"() ({
      %run_scoped3A_67 = tpu.sem_alloc : memref<!tpu.dma_semaphore, #tpu.memory_space<semaphore_mem>>
      %dma_start3A_68 = arith.constant 0 : i32
      %dma_start3A_69 = tpu.memref_slice %arg10[%run_scoped3A, %dma_start3A_68] : memref<157x128xi32, #tpu.memory_space<vmem>> -> memref<1x128xi32, #tpu.memory_space<vmem>>
      %dma_start3A_70 = tpu.memref_squeeze %dma_start3A_69 : memref<1x128xi32, #tpu.memory_space<vmem>> -> memref<128xi32, #tpu.memory_space<vmem>>
      %dma_start3A_71 = arith.constant 0 : i32
      %dma_start3A_72 = arith.constant 0 : i32
      %dma_start3A_73 = tpu.memref_slice %arg8[%dma_start3A_71, %dma_start3A_72] : memref<10112x32xf32, #tpu.memory_space<vmem_shared>> -> memref<10112x32xf32, #tpu.memory_space<vmem_shared>>
      tpu.enqueue_indirect_dma source(%arg11 : memref<128x32xf32, #tpu.memory_space<vmem>>) target(%dma_start3A_73 : memref<10112x32xf32, #tpu.memory_space<vmem_shared>>) offsets(%dma_start3A_70 : memref<128xi32, #tpu.memory_space<vmem>>) semaphore(%run_scoped3A_67 : memref<!tpu.dma_semaphore, #tpu.memory_space<semaphore_mem>>) {add = true}
      %dma_wait3A_74 = arith.constant 0 : i32
      %dma_wait3A_75 = tpu.memref_slice %arg10[%run_scoped3A, %dma_wait3A_74] : memref<157x128xi32, #tpu.memory_space<vmem>> -> memref<1x128xi32, #tpu.memory_space<vmem>>
      %dma_wait3A_76 = tpu.memref_squeeze %dma_wait3A_75 : memref<1x128xi32, #tpu.memory_space<vmem>> -> memref<128xi32, #tpu.memory_space<vmem>>
      %dma_wait3A_77 = arith.constant 0 : i32
      %dma_wait3A_78 = arith.constant 0 : i32
      %dma_wait3A_79 = tpu.memref_slice %arg8[%dma_wait3A_77, %dma_wait3A_78] : memref<10112x32xf32, #tpu.memory_space<vmem_shared>> -> memref<10112x32xf32, #tpu.memory_space<vmem_shared>>
      tpu.wait_indirect_dma semaphore(%run_scoped3A_67 : memref<!tpu.dma_semaphore, #tpu.memory_space<semaphore_mem>>) src(%arg11 : memref<128x32xf32, #tpu.memory_space<vmem>>) dst(%dma_wait3A_79 : memref<10112x32xf32, #tpu.memory_space<vmem_shared>>)
      tpu.yield
    }) : () -> ()
    %barrier3A_66 = arith.constant 0 : index
    tpu.barrier barrier_id(%barrier3A_66)
    "tpu.region"() ({
      %run_scoped3A_67 = tpu.sem_alloc : memref<!tpu.dma_semaphore, #tpu.memory_space<semaphore_mem>>
      %dma_start3A_68 = tpu.memref_slice %arg6[%mul3A_0, %mul3A_2] : memref<10112x64xf32, #tpu.memory_space<hbm>> -> memref<632x32xf32, #tpu.memory_space<hbm>>
      %dma_start3A_69 = arith.constant 0 : i32
      %dma_start3A_70 = tpu.memref_slice %arg8[%mul3A_0, %dma_start3A_69] : memref<10112x32xf32, #tpu.memory_space<vmem_shared>> -> memref<632x32xf32, #tpu.memory_space<vmem_shared>>
      tpu.enqueue_dma source(%dma_start3A_70 : memref<632x32xf32, #tpu.memory_space<vmem_shared>>) target(%dma_start3A_68 : memref<632x32xf32, #tpu.memory_space<hbm>>) target_semaphore(%run_scoped3A_67 : memref<!tpu.dma_semaphore, #tpu.memory_space<semaphore_mem>>)
      %dma_wait3A_71 = tpu.memref_slice %arg6[%mul3A_0, %mul3A_2] : memref<10112x64xf32, #tpu.memory_space<hbm>> -> memref<632x32xf32, #tpu.memory_space<hbm>>
      %dma_wait3A_72 = arith.constant 0 : i32
      %dma_wait3A_73 = tpu.memref_slice %arg8[%mul3A_0, %dma_wait3A_72] : memref<10112x32xf32, #tpu.memory_space<vmem_shared>> -> memref<632x32xf32, #tpu.memory_space<vmem_shared>>
      tpu.wait_dma2 semaphore(%run_scoped3A_67 : memref<!tpu.dma_semaphore, #tpu.memory_space<semaphore_mem>>) src(%dma_wait3A_73 : memref<632x32xf32, #tpu.memory_space<vmem_shared>>) dst(%dma_wait3A_71 : memref<632x32xf32, #tpu.memory_space<hbm>>)
      tpu.yield
    }) : () -> ()
    return
  }
}

#map = affine_map<(d0, d1) -> (0, 0)>
#map1 = affine_map<(d0, d1) -> (0, 0, 0)>
module attributes {stable_mosaic.version = 14 : i64} {
  func.func @k(%arg0: i32, %arg1: i32, %arg2: memref<10112x64xf32, #tpu.memory_space<hbm>>, %arg3: memref<16x157x128xi32, #tpu.memory_space<hbm>>, %arg4: memref<16x157x128xi32, #tpu.memory_space<hbm>>, %arg5: memref<10112x32xf32, #tpu.memory_space<hbm>>, %arg6: memref<10112x64xf32, #tpu.memory_space<hbm>>, %arg7: memref<10112x32xf32, #tpu.memory_space<vmem_shared>>, %arg8: memref<10112x32xf32, #tpu.memory_space<vmem_shared>>, %arg9: memref<157x128xi32, #tpu.memory_space<vmem>>, %arg10: memref<157x128xi32, #tpu.memory_space<vmem>>, %arg11: memref<128x32xf32, #tpu.memory_space<vmem>>, %arg12: memref<128x32xf32, #tpu.memory_space<vmem>>, %arg13: memref<!tpu.dma_semaphore, #tpu.memory_space<semaphore_mem>>, %arg14: memref<!tpu.dma_semaphore, #tpu.memory_space<semaphore_mem>>) attributes {dimension_semantics = [#tpu.dimension_semantics<core_parallel>, #tpu.dimension_semantics<subcore_parallel>], iteration_bounds = array<i64: 2, 16>, scalar_prefetch = 0 : i64, scratch_operands = 8 : i64, tpu.core_type = #tpu.core_type<sc_vector_subcore>, window_params = [{transform_indices = #map}, {transform_indices = #map1}, {transform_indices = #map1}, {transform_indices = #map}, {transform_indices = #map}]} {
    %mul3A = arith.constant 632 : i32
    %mul3A_0 = arith.muli %arg1, %mul3A : i32
    %mul3A_1 = arith.constant 32 : i32
    %mul3A_2 = arith.muli %arg0, %mul3A_1 : i32
    %dma_start3A = arith.constant 0 : i32
    %dma_start3A_3 = tpu.memref_slice %arg7[%mul3A_0, %dma_start3A] : memref<10112x32xf32, #tpu.memory_space<vmem_shared>> -> memref<632x32xf32, #tpu.memory_space<vmem_shared>>
    %dma_start3A_4 = tpu.memref_slice %arg2[%mul3A_0, %mul3A_2] : memref<10112x64xf32, #tpu.memory_space<hbm>> -> memref<632x32xf32, #tpu.memory_space<hbm>>
    tpu.enqueue_dma source(%dma_start3A_4 : memref<632x32xf32, #tpu.memory_space<hbm>>) target(%dma_start3A_3 : memref<632x32xf32, #tpu.memory_space<vmem_shared>>) target_semaphore(%arg13 : memref<!tpu.dma_semaphore, #tpu.memory_space<semaphore_mem>>)
    %dma_start3A_5 = arith.constant 0 : i32
    %dma_start3A_6 = tpu.memref_slice %arg8[%mul3A_0, %dma_start3A_5] : memref<10112x32xf32, #tpu.memory_space<vmem_shared>> -> memref<632x32xf32, #tpu.memory_space<vmem_shared>>
    %dma_start3A_7 = arith.constant 0 : i32
    %dma_start3A_8 = tpu.memref_slice %arg5[%mul3A_0, %dma_start3A_7] : memref<10112x32xf32, #tpu.memory_space<hbm>> -> memref<632x32xf32, #tpu.memory_space<hbm>>
    tpu.enqueue_dma source(%dma_start3A_8 : memref<632x32xf32, #tpu.memory_space<hbm>>) target(%dma_start3A_6 : memref<632x32xf32, #tpu.memory_space<vmem_shared>>) target_semaphore(%arg14 : memref<!tpu.dma_semaphore, #tpu.memory_space<semaphore_mem>>)
    %dma_start3A_9 = arith.constant 0 : i32
    %dma_start3A_10 = arith.constant 0 : i32
    %dma_start3A_11 = tpu.memref_slice %arg3[%arg1, %dma_start3A_9, %dma_start3A_10] : memref<16x157x128xi32, #tpu.memory_space<hbm>> -> memref<1x157x128xi32, #tpu.memory_space<hbm>>
    %dma_start3A_12 = tpu.memref_squeeze %dma_start3A_11 : memref<1x157x128xi32, #tpu.memory_space<hbm>> -> memref<157x128xi32, #tpu.memory_space<hbm>>
    %dma_start3A_13 = arith.constant 0 : i32
    %dma_start3A_14 = arith.constant 0 : i32
    %dma_start3A_15 = tpu.memref_slice %arg3[%arg1, %dma_start3A_13, %dma_start3A_14] : memref<16x157x128xi32, #tpu.memory_space<hbm>> -> memref<1x157x128xi32, #tpu.memory_space<hbm>>
    %dma_start3A_16 = tpu.memref_squeeze %dma_start3A_15 : memref<1x157x128xi32, #tpu.memory_space<hbm>> -> memref<157x128xi32, #tpu.memory_space<hbm>>
    tpu.enqueue_dma source(%dma_start3A_16 : memref<157x128xi32, #tpu.memory_space<hbm>>) target(%arg9 : memref<157x128xi32, #tpu.memory_space<vmem>>) target_semaphore(%arg13 : memref<!tpu.dma_semaphore, #tpu.memory_space<semaphore_mem>>)
    %dma_start3A_17 = arith.constant 0 : i32
    %dma_start3A_18 = arith.constant 0 : i32
    %dma_start3A_19 = tpu.memref_slice %arg4[%arg1, %dma_start3A_17, %dma_start3A_18] : memref<16x157x128xi32, #tpu.memory_space<hbm>> -> memref<1x157x128xi32, #tpu.memory_space<hbm>>
    %dma_start3A_20 = tpu.memref_squeeze %dma_start3A_19 : memref<1x157x128xi32, #tpu.memory_space<hbm>> -> memref<157x128xi32, #tpu.memory_space<hbm>>
    %dma_start3A_21 = arith.constant 0 : i32
    %dma_start3A_22 = arith.constant 0 : i32
    %dma_start3A_23 = tpu.memref_slice %arg4[%arg1, %dma_start3A_21, %dma_start3A_22] : memref<16x157x128xi32, #tpu.memory_space<hbm>> -> memref<1x157x128xi32, #tpu.memory_space<hbm>>
    %dma_start3A_24 = tpu.memref_squeeze %dma_start3A_23 : memref<1x157x128xi32, #tpu.memory_space<hbm>> -> memref<157x128xi32, #tpu.memory_space<hbm>>
    tpu.enqueue_dma source(%dma_start3A_24 : memref<157x128xi32, #tpu.memory_space<hbm>>) target(%arg10 : memref<157x128xi32, #tpu.memory_space<vmem>>) target_semaphore(%arg14 : memref<!tpu.dma_semaphore, #tpu.memory_space<semaphore_mem>>)
    %dma_wait3A = arith.constant 0 : i32
    %dma_wait3A_25 = tpu.memref_slice %arg7[%mul3A_0, %dma_wait3A] : memref<10112x32xf32, #tpu.memory_space<vmem_shared>> -> memref<632x32xf32, #tpu.memory_space<vmem_shared>>
    %dma_wait3A_26 = tpu.memref_slice %arg2[%mul3A_0, %mul3A_2] : memref<10112x64xf32, #tpu.memory_space<hbm>> -> memref<632x32xf32, #tpu.memory_space<hbm>>
    tpu.wait_dma2 semaphore(%arg13 : memref<!tpu.dma_semaphore, #tpu.memory_space<semaphore_mem>>) src(%dma_wait3A_26 : memref<632x32xf32, #tpu.memory_space<hbm>>) dst(%dma_wait3A_25 : memref<632x32xf32, #tpu.memory_space<vmem_shared>>)
    %dma_wait3A_27 = arith.constant 0 : i32
    %dma_wait3A_28 = tpu.memref_slice %arg8[%mul3A_0, %dma_wait3A_27] : memref<10112x32xf32, #tpu.memory_space<vmem_shared>> -> memref<632x32xf32, #tpu.memory_space<vmem_shared>>
    %dma_wait3A_29 = arith.constant 0 : i32
    %dma_wait3A_30 = tpu.memref_slice %arg5[%mul3A_0, %dma_wait3A_29] : memref<10112x32xf32, #tpu.memory_space<hbm>> -> memref<632x32xf32, #tpu.memory_space<hbm>>
    tpu.wait_dma2 semaphore(%arg14 : memref<!tpu.dma_semaphore, #tpu.memory_space<semaphore_mem>>) src(%dma_wait3A_30 : memref<632x32xf32, #tpu.memory_space<hbm>>) dst(%dma_wait3A_28 : memref<632x32xf32, #tpu.memory_space<vmem_shared>>)
    %dma_wait3A_31 = arith.constant 0 : i32
    %dma_wait3A_32 = arith.constant 0 : i32
    %dma_wait3A_33 = tpu.memref_slice %arg3[%arg1, %dma_wait3A_31, %dma_wait3A_32] : memref<16x157x128xi32, #tpu.memory_space<hbm>> -> memref<1x157x128xi32, #tpu.memory_space<hbm>>
    %dma_wait3A_34 = tpu.memref_squeeze %dma_wait3A_33 : memref<1x157x128xi32, #tpu.memory_space<hbm>> -> memref<157x128xi32, #tpu.memory_space<hbm>>
    %dma_wait3A_35 = arith.constant 0 : i32
    %dma_wait3A_36 = arith.constant 0 : i32
    %dma_wait3A_37 = tpu.memref_slice %arg3[%arg1, %dma_wait3A_35, %dma_wait3A_36] : memref<16x157x128xi32, #tpu.memory_space<hbm>> -> memref<1x157x128xi32, #tpu.memory_space<hbm>>
    %dma_wait3A_38 = tpu.memref_squeeze %dma_wait3A_37 : memref<1x157x128xi32, #tpu.memory_space<hbm>> -> memref<157x128xi32, #tpu.memory_space<hbm>>
    tpu.wait_dma2 semaphore(%arg13 : memref<!tpu.dma_semaphore, #tpu.memory_space<semaphore_mem>>) src(%dma_wait3A_38 : memref<157x128xi32, #tpu.memory_space<hbm>>) dst(%arg9 : memref<157x128xi32, #tpu.memory_space<vmem>>)
    %dma_wait3A_39 = arith.constant 0 : i32
    %dma_wait3A_40 = arith.constant 0 : i32
    %dma_wait3A_41 = tpu.memref_slice %arg4[%arg1, %dma_wait3A_39, %dma_wait3A_40] : memref<16x157x128xi32, #tpu.memory_space<hbm>> -> memref<1x157x128xi32, #tpu.memory_space<hbm>>
    %dma_wait3A_42 = tpu.memref_squeeze %dma_wait3A_41 : memref<1x157x128xi32, #tpu.memory_space<hbm>> -> memref<157x128xi32, #tpu.memory_space<hbm>>
    %dma_wait3A_43 = arith.constant 0 : i32
    %dma_wait3A_44 = arith.constant 0 : i32
    %dma_wait3A_45 = tpu.memref_slice %arg4[%arg1, %dma_wait3A_43, %dma_wait3A_44] : memref<16x157x128xi32, #tpu.memory_space<hbm>> -> memref<1x157x128xi32, #tpu.memory_space<hbm>>
    %dma_wait3A_46 = tpu.memref_squeeze %dma_wait3A_45 : memref<1x157x128xi32, #tpu.memory_space<hbm>> -> memref<157x128xi32, #tpu.memory_space<hbm>>
    tpu.wait_dma2 semaphore(%arg14 : memref<!tpu.dma_semaphore, #tpu.memory_space<semaphore_mem>>) src(%dma_wait3A_46 : memref<157x128xi32, #tpu.memory_space<hbm>>) dst(%arg10 : memref<157x128xi32, #tpu.memory_space<vmem>>)
    %barrier3A = arith.constant 0 : index
    tpu.barrier barrier_id(%barrier3A)
    %dma_start3A_47 = arith.constant 0 : i32
    %dma_start3A_48 = arith.constant 0 : i32
    %dma_start3A_49 = tpu.memref_slice %arg9[%dma_start3A_47, %dma_start3A_48] : memref<157x128xi32, #tpu.memory_space<vmem>> -> memref<1x128xi32, #tpu.memory_space<vmem>>
    %dma_start3A_50 = tpu.memref_squeeze %dma_start3A_49 : memref<1x128xi32, #tpu.memory_space<vmem>> -> memref<128xi32, #tpu.memory_space<vmem>>
    %dma_start3A_51 = arith.constant 0 : i32
    %dma_start3A_52 = arith.constant 0 : i32
    %dma_start3A_53 = tpu.memref_slice %arg7[%dma_start3A_51, %dma_start3A_52] : memref<10112x32xf32, #tpu.memory_space<vmem_shared>> -> memref<10112x32xf32, #tpu.memory_space<vmem_shared>>
    tpu.enqueue_indirect_dma source(%dma_start3A_53 : memref<10112x32xf32, #tpu.memory_space<vmem_shared>>) target(%arg11 : memref<128x32xf32, #tpu.memory_space<vmem>>) offsets(%dma_start3A_50 : memref<128xi32, #tpu.memory_space<vmem>>) semaphore(%arg13 : memref<!tpu.dma_semaphore, #tpu.memory_space<semaphore_mem>>)
    %scan3A = arith.constant 0 : i32
    %scan3A_54 = arith.constant 0 : i32
    %scan3A_55 = arith.constant 78 : i32
    %scan3A_56 = arith.addi %scan3A_54, %scan3A_55 : i32
    %scan3A_57 = arith.constant 1 : i32
    scf.for %scan3A_67 = %scan3A_54 to %scan3A_56 step %scan3A_57  : i32 {
      %mul3A_68 = arith.constant 2 : i32
      %mul3A_69 = arith.muli %mul3A_68, %scan3A_67 : i32
      %add3A = arith.constant 1 : i32
      %add3A_70 = arith.addi %mul3A_69, %add3A : i32
      %dma_start3A_71 = arith.constant 0 : i32
      %dma_start3A_72 = tpu.memref_slice %arg9[%add3A_70, %dma_start3A_71] : memref<157x128xi32, #tpu.memory_space<vmem>> -> memref<1x128xi32, #tpu.memory_space<vmem>>
      %dma_start3A_73 = tpu.memref_squeeze %dma_start3A_72 : memref<1x128xi32, #tpu.memory_space<vmem>> -> memref<128xi32, #tpu.memory_space<vmem>>
      %dma_start3A_74 = arith.constant 0 : i32
      %dma_start3A_75 = arith.constant 0 : i32
      %dma_start3A_76 = tpu.memref_slice %arg7[%dma_start3A_74, %dma_start3A_75] : memref<10112x32xf32, #tpu.memory_space<vmem_shared>> -> memref<10112x32xf32, #tpu.memory_space<vmem_shared>>
      tpu.enqueue_indirect_dma source(%dma_start3A_76 : memref<10112x32xf32, #tpu.memory_space<vmem_shared>>) target(%arg12 : memref<128x32xf32, #tpu.memory_space<vmem>>) offsets(%dma_start3A_73 : memref<128xi32, #tpu.memory_space<vmem>>) semaphore(%arg14 : memref<!tpu.dma_semaphore, #tpu.memory_space<semaphore_mem>>)
      %dma_wait3A_77 = arith.constant 0 : i32
      %dma_wait3A_78 = tpu.memref_slice %arg9[%mul3A_69, %dma_wait3A_77] : memref<157x128xi32, #tpu.memory_space<vmem>> -> memref<1x128xi32, #tpu.memory_space<vmem>>
      %dma_wait3A_79 = tpu.memref_squeeze %dma_wait3A_78 : memref<1x128xi32, #tpu.memory_space<vmem>> -> memref<128xi32, #tpu.memory_space<vmem>>
      %dma_wait3A_80 = arith.constant 0 : i32
      %dma_wait3A_81 = arith.constant 0 : i32
      %dma_wait3A_82 = tpu.memref_slice %arg7[%dma_wait3A_80, %dma_wait3A_81] : memref<10112x32xf32, #tpu.memory_space<vmem_shared>> -> memref<10112x32xf32, #tpu.memory_space<vmem_shared>>
      tpu.wait_indirect_dma semaphore(%arg13 : memref<!tpu.dma_semaphore, #tpu.memory_space<semaphore_mem>>) src(%dma_wait3A_82 : memref<10112x32xf32, #tpu.memory_space<vmem_shared>>) dst(%arg11 : memref<128x32xf32, #tpu.memory_space<vmem>>)
      "tpu.region"() ({
        %run_scoped3A_101 = tpu.sem_alloc : memref<!tpu.dma_semaphore, #tpu.memory_space<semaphore_mem>>
        %dma_start3A_102 = arith.constant 0 : i32
        %dma_start3A_103 = tpu.memref_slice %arg10[%mul3A_69, %dma_start3A_102] : memref<157x128xi32, #tpu.memory_space<vmem>> -> memref<1x128xi32, #tpu.memory_space<vmem>>
        %dma_start3A_104 = tpu.memref_squeeze %dma_start3A_103 : memref<1x128xi32, #tpu.memory_space<vmem>> -> memref<128xi32, #tpu.memory_space<vmem>>
        %dma_start3A_105 = arith.constant 0 : i32
        %dma_start3A_106 = arith.constant 0 : i32
        %dma_start3A_107 = tpu.memref_slice %arg8[%dma_start3A_105, %dma_start3A_106] : memref<10112x32xf32, #tpu.memory_space<vmem_shared>> -> memref<10112x32xf32, #tpu.memory_space<vmem_shared>>
        tpu.enqueue_indirect_dma source(%arg11 : memref<128x32xf32, #tpu.memory_space<vmem>>) target(%dma_start3A_107 : memref<10112x32xf32, #tpu.memory_space<vmem_shared>>) offsets(%dma_start3A_104 : memref<128xi32, #tpu.memory_space<vmem>>) semaphore(%run_scoped3A_101 : memref<!tpu.dma_semaphore, #tpu.memory_space<semaphore_mem>>) {add = true}
        %dma_wait3A_108 = arith.constant 0 : i32
        %dma_wait3A_109 = tpu.memref_slice %arg10[%mul3A_69, %dma_wait3A_108] : memref<157x128xi32, #tpu.memory_space<vmem>> -> memref<1x128xi32, #tpu.memory_space<vmem>>
        %dma_wait3A_110 = tpu.memref_squeeze %dma_wait3A_109 : memref<1x128xi32, #tpu.memory_space<vmem>> -> memref<128xi32, #tpu.memory_space<vmem>>
        %dma_wait3A_111 = arith.constant 0 : i32
        %dma_wait3A_112 = arith.constant 0 : i32
        %dma_wait3A_113 = tpu.memref_slice %arg8[%dma_wait3A_111, %dma_wait3A_112] : memref<10112x32xf32, #tpu.memory_space<vmem_shared>> -> memref<10112x32xf32, #tpu.memory_space<vmem_shared>>
        tpu.wait_indirect_dma semaphore(%run_scoped3A_101 : memref<!tpu.dma_semaphore, #tpu.memory_space<semaphore_mem>>) src(%arg11 : memref<128x32xf32, #tpu.memory_space<vmem>>) dst(%dma_wait3A_113 : memref<10112x32xf32, #tpu.memory_space<vmem_shared>>)
        tpu.yield
      }) : () -> ()
      %add3A_83 = arith.constant 2 : i32
      %add3A_84 = arith.addi %mul3A_69, %add3A_83 : i32
      %dma_start3A_85 = arith.constant 0 : i32
      %dma_start3A_86 = tpu.memref_slice %arg9[%add3A_84, %dma_start3A_85] : memref<157x128xi32, #tpu.memory_space<vmem>> -> memref<1x128xi32, #tpu.memory_space<vmem>>
      %dma_start3A_87 = tpu.memref_squeeze %dma_start3A_86 : memref<1x128xi32, #tpu.memory_space<vmem>> -> memref<128xi32, #tpu.memory_space<vmem>>
      %dma_start3A_88 = arith.constant 0 : i32
      %dma_start3A_89 = arith.constant 0 : i32
      %dma_start3A_90 = tpu.memref_slice %arg7[%dma_start3A_88, %dma_start3A_89] : memref<10112x32xf32, #tpu.memory_space<vmem_shared>> -> memref<10112x32xf32, #tpu.memory_space<vmem_shared>>
      tpu.enqueue_indirect_dma source(%dma_start3A_90 : memref<10112x32xf32, #tpu.memory_space<vmem_shared>>) target(%arg11 : memref<128x32xf32, #tpu.memory_space<vmem>>) offsets(%dma_start3A_87 : memref<128xi32, #tpu.memory_space<vmem>>) semaphore(%arg13 : memref<!tpu.dma_semaphore, #tpu.memory_space<semaphore_mem>>)
      %add3A_91 = arith.constant 1 : i32
      %add3A_92 = arith.addi %mul3A_69, %add3A_91 : i32
      %dma_wait3A_93 = arith.constant 0 : i32
      %dma_wait3A_94 = tpu.memref_slice %arg9[%add3A_92, %dma_wait3A_93] : memref<157x128xi32, #tpu.memory_space<vmem>> -> memref<1x128xi32, #tpu.memory_space<vmem>>
      %dma_wait3A_95 = tpu.memref_squeeze %dma_wait3A_94 : memref<1x128xi32, #tpu.memory_space<vmem>> -> memref<128xi32, #tpu.memory_space<vmem>>
      %dma_wait3A_96 = arith.constant 0 : i32
      %dma_wait3A_97 = arith.constant 0 : i32
      %dma_wait3A_98 = tpu.memref_slice %arg7[%dma_wait3A_96, %dma_wait3A_97] : memref<10112x32xf32, #tpu.memory_space<vmem_shared>> -> memref<10112x32xf32, #tpu.memory_space<vmem_shared>>
      tpu.wait_indirect_dma semaphore(%arg14 : memref<!tpu.dma_semaphore, #tpu.memory_space<semaphore_mem>>) src(%dma_wait3A_98 : memref<10112x32xf32, #tpu.memory_space<vmem_shared>>) dst(%arg12 : memref<128x32xf32, #tpu.memory_space<vmem>>)
      %add3A_99 = arith.constant 1 : i32
      %add3A_100 = arith.addi %mul3A_69, %add3A_99 : i32
      "tpu.region"() ({
        %run_scoped3A_101 = tpu.sem_alloc : memref<!tpu.dma_semaphore, #tpu.memory_space<semaphore_mem>>
        %dma_start3A_102 = arith.constant 0 : i32
        %dma_start3A_103 = tpu.memref_slice %arg10[%add3A_100, %dma_start3A_102] : memref<157x128xi32, #tpu.memory_space<vmem>> -> memref<1x128xi32, #tpu.memory_space<vmem>>
        %dma_start3A_104 = tpu.memref_squeeze %dma_start3A_103 : memref<1x128xi32, #tpu.memory_space<vmem>> -> memref<128xi32, #tpu.memory_space<vmem>>
        %dma_start3A_105 = arith.constant 0 : i32
        %dma_start3A_106 = arith.constant 0 : i32
        %dma_start3A_107 = tpu.memref_slice %arg8[%dma_start3A_105, %dma_start3A_106] : memref<10112x32xf32, #tpu.memory_space<vmem_shared>> -> memref<10112x32xf32, #tpu.memory_space<vmem_shared>>
        tpu.enqueue_indirect_dma source(%arg12 : memref<128x32xf32, #tpu.memory_space<vmem>>) target(%dma_start3A_107 : memref<10112x32xf32, #tpu.memory_space<vmem_shared>>) offsets(%dma_start3A_104 : memref<128xi32, #tpu.memory_space<vmem>>) semaphore(%run_scoped3A_101 : memref<!tpu.dma_semaphore, #tpu.memory_space<semaphore_mem>>) {add = true}
        %dma_wait3A_108 = arith.constant 0 : i32
        %dma_wait3A_109 = tpu.memref_slice %arg10[%add3A_100, %dma_wait3A_108] : memref<157x128xi32, #tpu.memory_space<vmem>> -> memref<1x128xi32, #tpu.memory_space<vmem>>
        %dma_wait3A_110 = tpu.memref_squeeze %dma_wait3A_109 : memref<1x128xi32, #tpu.memory_space<vmem>> -> memref<128xi32, #tpu.memory_space<vmem>>
        %dma_wait3A_111 = arith.constant 0 : i32
        %dma_wait3A_112 = arith.constant 0 : i32
        %dma_wait3A_113 = tpu.memref_slice %arg8[%dma_wait3A_111, %dma_wait3A_112] : memref<10112x32xf32, #tpu.memory_space<vmem_shared>> -> memref<10112x32xf32, #tpu.memory_space<vmem_shared>>
        tpu.wait_indirect_dma semaphore(%run_scoped3A_101 : memref<!tpu.dma_semaphore, #tpu.memory_space<semaphore_mem>>) src(%arg12 : memref<128x32xf32, #tpu.memory_space<vmem>>) dst(%dma_wait3A_113 : memref<10112x32xf32, #tpu.memory_space<vmem_shared>>)
        tpu.yield
      }) : () -> ()
    }
    %scan3A_58 = arith.constant 78 : i32
    %dma_wait3A_59 = arith.constant 156 : i32
    %dma_wait3A_60 = arith.constant 0 : i32
    %dma_wait3A_61 = tpu.memref_slice %arg9[%dma_wait3A_59, %dma_wait3A_60] : memref<157x128xi32, #tpu.memory_space<vmem>> -> memref<1x128xi32, #tpu.memory_space<vmem>>
    %dma_wait3A_62 = tpu.memref_squeeze %dma_wait3A_61 : memref<1x128xi32, #tpu.memory_space<vmem>> -> memref<128xi32, #tpu.memory_space<vmem>>
    %dma_wait3A_63 = arith.constant 0 : i32
    %dma_wait3A_64 = arith.constant 0 : i32
    %dma_wait3A_65 = tpu.memref_slice %arg7[%dma_wait3A_63, %dma_wait3A_64] : memref<10112x32xf32, #tpu.memory_space<vmem_shared>> -> memref<10112x32xf32, #tpu.memory_space<vmem_shared>>
    tpu.wait_indirect_dma semaphore(%arg13 : memref<!tpu.dma_semaphore, #tpu.memory_space<semaphore_mem>>) src(%dma_wait3A_65 : memref<10112x32xf32, #tpu.memory_space<vmem_shared>>) dst(%arg11 : memref<128x32xf32, #tpu.memory_space<vmem>>)
    %run_scoped3A = arith.constant 156 : i32
    "tpu.region"() ({
      %run_scoped3A_67 = tpu.sem_alloc : memref<!tpu.dma_semaphore, #tpu.memory_space<semaphore_mem>>
      %dma_start3A_68 = arith.constant 0 : i32
      %dma_start3A_69 = tpu.memref_slice %arg10[%run_scoped3A, %dma_start3A_68] : memref<157x128xi32, #tpu.memory_space<vmem>> -> memref<1x128xi32, #tpu.memory_space<vmem>>
      %dma_start3A_70 = tpu.memref_squeeze %dma_start3A_69 : memref<1x128xi32, #tpu.memory_space<vmem>> -> memref<128xi32, #tpu.memory_space<vmem>>
      %dma_start3A_71 = arith.constant 0 : i32
      %dma_start3A_72 = arith.constant 0 : i32
      %dma_start3A_73 = tpu.memref_slice %arg8[%dma_start3A_71, %dma_start3A_72] : memref<10112x32xf32, #tpu.memory_space<vmem_shared>> -> memref<10112x32xf32, #tpu.memory_space<vmem_shared>>
      tpu.enqueue_indirect_dma source(%arg11 : memref<128x32xf32, #tpu.memory_space<vmem>>) target(%dma_start3A_73 : memref<10112x32xf32, #tpu.memory_space<vmem_shared>>) offsets(%dma_start3A_70 : memref<128xi32, #tpu.memory_space<vmem>>) semaphore(%run_scoped3A_67 : memref<!tpu.dma_semaphore, #tpu.memory_space<semaphore_mem>>) {add = true}
      %dma_wait3A_74 = arith.constant 0 : i32
      %dma_wait3A_75 = tpu.memref_slice %arg10[%run_scoped3A, %dma_wait3A_74] : memref<157x128xi32, #tpu.memory_space<vmem>> -> memref<1x128xi32, #tpu.memory_space<vmem>>
      %dma_wait3A_76 = tpu.memref_squeeze %dma_wait3A_75 : memref<1x128xi32, #tpu.memory_space<vmem>> -> memref<128xi32, #tpu.memory_space<vmem>>
      %dma_wait3A_77 = arith.constant 0 : i32
      %dma_wait3A_78 = arith.constant 0 : i32
      %dma_wait3A_79 = tpu.memref_slice %arg8[%dma_wait3A_77, %dma_wait3A_78] : memref<10112x32xf32, #tpu.memory_space<vmem_shared>> -> memref<10112x32xf32, #tpu.memory_space<vmem_shared>>
      tpu.wait_indirect_dma semaphore(%run_scoped3A_67 : memref<!tpu.dma_semaphore, #tpu.memory_space<semaphore_mem>>) src(%arg11 : memref<128x32xf32, #tpu.memory_space<vmem>>) dst(%dma_wait3A_79 : memref<10112x32xf32, #tpu.memory_space<vmem_shared>>)
      tpu.yield
    }) : () -> ()
    %barrier3A_66 = arith.constant 0 : index
    tpu.barrier barrier_id(%barrier3A_66)
    "tpu.region"() ({
      %run_scoped3A_67 = tpu.sem_alloc : memref<!tpu.dma_semaphore, #tpu.memory_space<semaphore_mem>>
      %dma_start3A_68 = tpu.memref_slice %arg6[%mul3A_0, %mul3A_2] : memref<10112x64xf32, #tpu.memory_space<hbm>> -> memref<632x32xf32, #tpu.memory_space<hbm>>
      %dma_start3A_69 = arith.constant 0 : i32
      %dma_start3A_70 = tpu.memref_slice %arg8[%mul3A_0, %dma_start3A_69] : memref<10112x32xf32, #tpu.memory_space<vmem_shared>> -> memref<632x32xf32, #tpu.memory_space<vmem_shared>>
      tpu.enqueue_dma source(%dma_start3A_70 : memref<632x32xf32, #tpu.memory_space<vmem_shared>>) target(%dma_start3A_68 : memref<632x32xf32, #tpu.memory_space<hbm>>) target_semaphore(%run_scoped3A_67 : memref<!tpu.dma_semaphore, #tpu.memory_space<semaphore_mem>>)
      %dma_wait3A_71 = tpu.memref_slice %arg6[%mul3A_0, %mul3A_2] : memref<10112x64xf32, #tpu.memory_space<hbm>> -> memref<632x32xf32, #tpu.memory_space<hbm>>
      %dma_wait3A_72 = arith.constant 0 : i32
      %dma_wait3A_73 = tpu.memref_slice %arg8[%mul3A_0, %dma_wait3A_72] : memref<10112x32xf32, #tpu.memory_space<vmem_shared>> -> memref<632x32xf32, #tpu.memory_space<vmem_shared>>
      tpu.wait_dma2 semaphore(%run_scoped3A_67 : memref<!tpu.dma_semaphore, #tpu.memory_space<semaphore_mem>>) src(%dma_wait3A_73 : memref<632x32xf32, #tpu.memory_space<vmem_shared>>) dst(%dma_wait3A_71 : memref<632x32xf32, #tpu.memory_space<hbm>>)
      tpu.yield
    }) : () -> ()
    return
  }
}

#map = affine_map<(d0, d1) -> (0, 0)>
#map1 = affine_map<(d0, d1) -> (0, 0, 0)>
module attributes {stable_mosaic.version = 14 : i64} {
  func.func @k(%arg0: i32, %arg1: i32, %arg2: memref<10112x64xf32, #tpu.memory_space<hbm>>, %arg3: memref<16x157x128xi32, #tpu.memory_space<hbm>>, %arg4: memref<16x157x128xi32, #tpu.memory_space<hbm>>, %arg5: memref<10112x32xf32, #tpu.memory_space<hbm>>, %arg6: memref<10112x64xf32, #tpu.memory_space<hbm>>, %arg7: memref<10112x32xf32, #tpu.memory_space<vmem_shared>>, %arg8: memref<10112x32xf32, #tpu.memory_space<vmem_shared>>, %arg9: memref<157x128xi32, #tpu.memory_space<vmem>>, %arg10: memref<157x128xi32, #tpu.memory_space<vmem>>, %arg11: memref<128x32xf32, #tpu.memory_space<vmem>>, %arg12: memref<128x32xf32, #tpu.memory_space<vmem>>, %arg13: memref<!tpu.dma_semaphore, #tpu.memory_space<semaphore_mem>>, %arg14: memref<!tpu.dma_semaphore, #tpu.memory_space<semaphore_mem>>) attributes {dimension_semantics = [#tpu.dimension_semantics<core_parallel>, #tpu.dimension_semantics<subcore_parallel>], iteration_bounds = array<i64: 2, 16>, scalar_prefetch = 0 : i64, scratch_operands = 8 : i64, tpu.core_type = #tpu.core_type<sc_vector_subcore>, window_params = [{transform_indices = #map}, {transform_indices = #map1}, {transform_indices = #map1}, {transform_indices = #map}, {transform_indices = #map}]} {
    %mul3A = arith.constant 632 : i32
    %mul3A_0 = arith.muli %arg1, %mul3A : i32
    %mul3A_1 = arith.constant 32 : i32
    %mul3A_2 = arith.muli %arg0, %mul3A_1 : i32
    %dma_start3A = arith.constant 0 : i32
    %dma_start3A_3 = tpu.memref_slice %arg7[%mul3A_0, %dma_start3A] : memref<10112x32xf32, #tpu.memory_space<vmem_shared>> -> memref<632x32xf32, #tpu.memory_space<vmem_shared>>
    %dma_start3A_4 = tpu.memref_slice %arg2[%mul3A_0, %mul3A_2] : memref<10112x64xf32, #tpu.memory_space<hbm>> -> memref<632x32xf32, #tpu.memory_space<hbm>>
    tpu.enqueue_dma source(%dma_start3A_4 : memref<632x32xf32, #tpu.memory_space<hbm>>) target(%dma_start3A_3 : memref<632x32xf32, #tpu.memory_space<vmem_shared>>) target_semaphore(%arg13 : memref<!tpu.dma_semaphore, #tpu.memory_space<semaphore_mem>>)
    %dma_start3A_5 = arith.constant 0 : i32
    %dma_start3A_6 = tpu.memref_slice %arg8[%mul3A_0, %dma_start3A_5] : memref<10112x32xf32, #tpu.memory_space<vmem_shared>> -> memref<632x32xf32, #tpu.memory_space<vmem_shared>>
    %dma_start3A_7 = arith.constant 0 : i32
    %dma_start3A_8 = tpu.memref_slice %arg5[%mul3A_0, %dma_start3A_7] : memref<10112x32xf32, #tpu.memory_space<hbm>> -> memref<632x32xf32, #tpu.memory_space<hbm>>
    tpu.enqueue_dma source(%dma_start3A_8 : memref<632x32xf32, #tpu.memory_space<hbm>>) target(%dma_start3A_6 : memref<632x32xf32, #tpu.memory_space<vmem_shared>>) target_semaphore(%arg14 : memref<!tpu.dma_semaphore, #tpu.memory_space<semaphore_mem>>)
    %dma_start3A_9 = arith.constant 0 : i32
    %dma_start3A_10 = arith.constant 0 : i32
    %dma_start3A_11 = tpu.memref_slice %arg3[%arg1, %dma_start3A_9, %dma_start3A_10] : memref<16x157x128xi32, #tpu.memory_space<hbm>> -> memref<1x157x128xi32, #tpu.memory_space<hbm>>
    %dma_start3A_12 = tpu.memref_squeeze %dma_start3A_11 : memref<1x157x128xi32, #tpu.memory_space<hbm>> -> memref<157x128xi32, #tpu.memory_space<hbm>>
    %dma_start3A_13 = arith.constant 0 : i32
    %dma_start3A_14 = arith.constant 0 : i32
    %dma_start3A_15 = tpu.memref_slice %arg3[%arg1, %dma_start3A_13, %dma_start3A_14] : memref<16x157x128xi32, #tpu.memory_space<hbm>> -> memref<1x157x128xi32, #tpu.memory_space<hbm>>
    %dma_start3A_16 = tpu.memref_squeeze %dma_start3A_15 : memref<1x157x128xi32, #tpu.memory_space<hbm>> -> memref<157x128xi32, #tpu.memory_space<hbm>>
    tpu.enqueue_dma source(%dma_start3A_16 : memref<157x128xi32, #tpu.memory_space<hbm>>) target(%arg9 : memref<157x128xi32, #tpu.memory_space<vmem>>) target_semaphore(%arg13 : memref<!tpu.dma_semaphore, #tpu.memory_space<semaphore_mem>>)
    %dma_start3A_17 = arith.constant 0 : i32
    %dma_start3A_18 = arith.constant 0 : i32
    %dma_start3A_19 = tpu.memref_slice %arg4[%arg1, %dma_start3A_17, %dma_start3A_18] : memref<16x157x128xi32, #tpu.memory_space<hbm>> -> memref<1x157x128xi32, #tpu.memory_space<hbm>>
    %dma_start3A_20 = tpu.memref_squeeze %dma_start3A_19 : memref<1x157x128xi32, #tpu.memory_space<hbm>> -> memref<157x128xi32, #tpu.memory_space<hbm>>
    %dma_start3A_21 = arith.constant 0 : i32
    %dma_start3A_22 = arith.constant 0 : i32
    %dma_start3A_23 = tpu.memref_slice %arg4[%arg1, %dma_start3A_21, %dma_start3A_22] : memref<16x157x128xi32, #tpu.memory_space<hbm>> -> memref<1x157x128xi32, #tpu.memory_space<hbm>>
    %dma_start3A_24 = tpu.memref_squeeze %dma_start3A_23 : memref<1x157x128xi32, #tpu.memory_space<hbm>> -> memref<157x128xi32, #tpu.memory_space<hbm>>
    tpu.enqueue_dma source(%dma_start3A_24 : memref<157x128xi32, #tpu.memory_space<hbm>>) target(%arg10 : memref<157x128xi32, #tpu.memory_space<vmem>>) target_semaphore(%arg14 : memref<!tpu.dma_semaphore, #tpu.memory_space<semaphore_mem>>)
    %dma_wait3A = arith.constant 0 : i32
    %dma_wait3A_25 = tpu.memref_slice %arg7[%mul3A_0, %dma_wait3A] : memref<10112x32xf32, #tpu.memory_space<vmem_shared>> -> memref<632x32xf32, #tpu.memory_space<vmem_shared>>
    %dma_wait3A_26 = tpu.memref_slice %arg2[%mul3A_0, %mul3A_2] : memref<10112x64xf32, #tpu.memory_space<hbm>> -> memref<632x32xf32, #tpu.memory_space<hbm>>
    tpu.wait_dma2 semaphore(%arg13 : memref<!tpu.dma_semaphore, #tpu.memory_space<semaphore_mem>>) src(%dma_wait3A_26 : memref<632x32xf32, #tpu.memory_space<hbm>>) dst(%dma_wait3A_25 : memref<632x32xf32, #tpu.memory_space<vmem_shared>>)
    %dma_wait3A_27 = arith.constant 0 : i32
    %dma_wait3A_28 = tpu.memref_slice %arg8[%mul3A_0, %dma_wait3A_27] : memref<10112x32xf32, #tpu.memory_space<vmem_shared>> -> memref<632x32xf32, #tpu.memory_space<vmem_shared>>
    %dma_wait3A_29 = arith.constant 0 : i32
    %dma_wait3A_30 = tpu.memref_slice %arg5[%mul3A_0, %dma_wait3A_29] : memref<10112x32xf32, #tpu.memory_space<hbm>> -> memref<632x32xf32, #tpu.memory_space<hbm>>
    tpu.wait_dma2 semaphore(%arg14 : memref<!tpu.dma_semaphore, #tpu.memory_space<semaphore_mem>>) src(%dma_wait3A_30 : memref<632x32xf32, #tpu.memory_space<hbm>>) dst(%dma_wait3A_28 : memref<632x32xf32, #tpu.memory_space<vmem_shared>>)
    %dma_wait3A_31 = arith.constant 0 : i32
    %dma_wait3A_32 = arith.constant 0 : i32
    %dma_wait3A_33 = tpu.memref_slice %arg3[%arg1, %dma_wait3A_31, %dma_wait3A_32] : memref<16x157x128xi32, #tpu.memory_space<hbm>> -> memref<1x157x128xi32, #tpu.memory_space<hbm>>
    %dma_wait3A_34 = tpu.memref_squeeze %dma_wait3A_33 : memref<1x157x128xi32, #tpu.memory_space<hbm>> -> memref<157x128xi32, #tpu.memory_space<hbm>>
    %dma_wait3A_35 = arith.constant 0 : i32
    %dma_wait3A_36 = arith.constant 0 : i32
    %dma_wait3A_37 = tpu.memref_slice %arg3[%arg1, %dma_wait3A_35, %dma_wait3A_36] : memref<16x157x128xi32, #tpu.memory_space<hbm>> -> memref<1x157x128xi32, #tpu.memory_space<hbm>>
    %dma_wait3A_38 = tpu.memref_squeeze %dma_wait3A_37 : memref<1x157x128xi32, #tpu.memory_space<hbm>> -> memref<157x128xi32, #tpu.memory_space<hbm>>
    tpu.wait_dma2 semaphore(%arg13 : memref<!tpu.dma_semaphore, #tpu.memory_space<semaphore_mem>>) src(%dma_wait3A_38 : memref<157x128xi32, #tpu.memory_space<hbm>>) dst(%arg9 : memref<157x128xi32, #tpu.memory_space<vmem>>)
    %dma_wait3A_39 = arith.constant 0 : i32
    %dma_wait3A_40 = arith.constant 0 : i32
    %dma_wait3A_41 = tpu.memref_slice %arg4[%arg1, %dma_wait3A_39, %dma_wait3A_40] : memref<16x157x128xi32, #tpu.memory_space<hbm>> -> memref<1x157x128xi32, #tpu.memory_space<hbm>>
    %dma_wait3A_42 = tpu.memref_squeeze %dma_wait3A_41 : memref<1x157x128xi32, #tpu.memory_space<hbm>> -> memref<157x128xi32, #tpu.memory_space<hbm>>
    %dma_wait3A_43 = arith.constant 0 : i32
    %dma_wait3A_44 = arith.constant 0 : i32
    %dma_wait3A_45 = tpu.memref_slice %arg4[%arg1, %dma_wait3A_43, %dma_wait3A_44] : memref<16x157x128xi32, #tpu.memory_space<hbm>> -> memref<1x157x128xi32, #tpu.memory_space<hbm>>
    %dma_wait3A_46 = tpu.memref_squeeze %dma_wait3A_45 : memref<1x157x128xi32, #tpu.memory_space<hbm>> -> memref<157x128xi32, #tpu.memory_space<hbm>>
    tpu.wait_dma2 semaphore(%arg14 : memref<!tpu.dma_semaphore, #tpu.memory_space<semaphore_mem>>) src(%dma_wait3A_46 : memref<157x128xi32, #tpu.memory_space<hbm>>) dst(%arg10 : memref<157x128xi32, #tpu.memory_space<vmem>>)
    %barrier3A = arith.constant 0 : index
    tpu.barrier barrier_id(%barrier3A)
    %dma_start3A_47 = arith.constant 0 : i32
    %dma_start3A_48 = arith.constant 0 : i32
    %dma_start3A_49 = tpu.memref_slice %arg9[%dma_start3A_47, %dma_start3A_48] : memref<157x128xi32, #tpu.memory_space<vmem>> -> memref<1x128xi32, #tpu.memory_space<vmem>>
    %dma_start3A_50 = tpu.memref_squeeze %dma_start3A_49 : memref<1x128xi32, #tpu.memory_space<vmem>> -> memref<128xi32, #tpu.memory_space<vmem>>
    %dma_start3A_51 = arith.constant 0 : i32
    %dma_start3A_52 = arith.constant 0 : i32
    %dma_start3A_53 = tpu.memref_slice %arg7[%dma_start3A_51, %dma_start3A_52] : memref<10112x32xf32, #tpu.memory_space<vmem_shared>> -> memref<10112x32xf32, #tpu.memory_space<vmem_shared>>
    tpu.enqueue_indirect_dma source(%dma_start3A_53 : memref<10112x32xf32, #tpu.memory_space<vmem_shared>>) target(%arg11 : memref<128x32xf32, #tpu.memory_space<vmem>>) offsets(%dma_start3A_50 : memref<128xi32, #tpu.memory_space<vmem>>) semaphore(%arg13 : memref<!tpu.dma_semaphore, #tpu.memory_space<semaphore_mem>>)
    %scan3A = arith.constant 0 : i32
    %scan3A_54 = arith.constant 0 : i32
    %scan3A_55 = arith.constant 78 : i32
    %scan3A_56 = arith.addi %scan3A_54, %scan3A_55 : i32
    %scan3A_57 = arith.constant 1 : i32
    scf.for %scan3A_67 = %scan3A_54 to %scan3A_56 step %scan3A_57  : i32 {
      %mul3A_68 = arith.constant 2 : i32
      %mul3A_69 = arith.muli %mul3A_68, %scan3A_67 : i32
      %add3A = arith.constant 1 : i32
      %add3A_70 = arith.addi %mul3A_69, %add3A : i32
      %dma_start3A_71 = arith.constant 0 : i32
      %dma_start3A_72 = tpu.memref_slice %arg9[%add3A_70, %dma_start3A_71] : memref<157x128xi32, #tpu.memory_space<vmem>> -> memref<1x128xi32, #tpu.memory_space<vmem>>
      %dma_start3A_73 = tpu.memref_squeeze %dma_start3A_72 : memref<1x128xi32, #tpu.memory_space<vmem>> -> memref<128xi32, #tpu.memory_space<vmem>>
      %dma_start3A_74 = arith.constant 0 : i32
      %dma_start3A_75 = arith.constant 0 : i32
      %dma_start3A_76 = tpu.memref_slice %arg7[%dma_start3A_74, %dma_start3A_75] : memref<10112x32xf32, #tpu.memory_space<vmem_shared>> -> memref<10112x32xf32, #tpu.memory_space<vmem_shared>>
      tpu.enqueue_indirect_dma source(%dma_start3A_76 : memref<10112x32xf32, #tpu.memory_space<vmem_shared>>) target(%arg12 : memref<128x32xf32, #tpu.memory_space<vmem>>) offsets(%dma_start3A_73 : memref<128xi32, #tpu.memory_space<vmem>>) semaphore(%arg14 : memref<!tpu.dma_semaphore, #tpu.memory_space<semaphore_mem>>)
      %dma_wait3A_77 = arith.constant 0 : i32
      %dma_wait3A_78 = tpu.memref_slice %arg9[%mul3A_69, %dma_wait3A_77] : memref<157x128xi32, #tpu.memory_space<vmem>> -> memref<1x128xi32, #tpu.memory_space<vmem>>
      %dma_wait3A_79 = tpu.memref_squeeze %dma_wait3A_78 : memref<1x128xi32, #tpu.memory_space<vmem>> -> memref<128xi32, #tpu.memory_space<vmem>>
      %dma_wait3A_80 = arith.constant 0 : i32
      %dma_wait3A_81 = arith.constant 0 : i32
      %dma_wait3A_82 = tpu.memref_slice %arg7[%dma_wait3A_80, %dma_wait3A_81] : memref<10112x32xf32, #tpu.memory_space<vmem_shared>> -> memref<10112x32xf32, #tpu.memory_space<vmem_shared>>
      tpu.wait_indirect_dma semaphore(%arg13 : memref<!tpu.dma_semaphore, #tpu.memory_space<semaphore_mem>>) src(%dma_wait3A_82 : memref<10112x32xf32, #tpu.memory_space<vmem_shared>>) dst(%arg11 : memref<128x32xf32, #tpu.memory_space<vmem>>)
      "tpu.region"() ({
        %run_scoped3A_101 = tpu.sem_alloc : memref<!tpu.dma_semaphore, #tpu.memory_space<semaphore_mem>>
        %dma_start3A_102 = arith.constant 0 : i32
        %dma_start3A_103 = tpu.memref_slice %arg10[%mul3A_69, %dma_start3A_102] : memref<157x128xi32, #tpu.memory_space<vmem>> -> memref<1x128xi32, #tpu.memory_space<vmem>>
        %dma_start3A_104 = tpu.memref_squeeze %dma_start3A_103 : memref<1x128xi32, #tpu.memory_space<vmem>> -> memref<128xi32, #tpu.memory_space<vmem>>
        %dma_start3A_105 = arith.constant 0 : i32
        %dma_start3A_106 = arith.constant 0 : i32
        %dma_start3A_107 = tpu.memref_slice %arg8[%dma_start3A_105, %dma_start3A_106] : memref<10112x32xf32, #tpu.memory_space<vmem_shared>> -> memref<10112x32xf32, #tpu.memory_space<vmem_shared>>
        tpu.enqueue_indirect_dma source(%arg11 : memref<128x32xf32, #tpu.memory_space<vmem>>) target(%dma_start3A_107 : memref<10112x32xf32, #tpu.memory_space<vmem_shared>>) offsets(%dma_start3A_104 : memref<128xi32, #tpu.memory_space<vmem>>) semaphore(%run_scoped3A_101 : memref<!tpu.dma_semaphore, #tpu.memory_space<semaphore_mem>>) {add = true}
        %dma_wait3A_108 = arith.constant 0 : i32
        %dma_wait3A_109 = tpu.memref_slice %arg10[%mul3A_69, %dma_wait3A_108] : memref<157x128xi32, #tpu.memory_space<vmem>> -> memref<1x128xi32, #tpu.memory_space<vmem>>
        %dma_wait3A_110 = tpu.memref_squeeze %dma_wait3A_109 : memref<1x128xi32, #tpu.memory_space<vmem>> -> memref<128xi32, #tpu.memory_space<vmem>>
        %dma_wait3A_111 = arith.constant 0 : i32
        %dma_wait3A_112 = arith.constant 0 : i32
        %dma_wait3A_113 = tpu.memref_slice %arg8[%dma_wait3A_111, %dma_wait3A_112] : memref<10112x32xf32, #tpu.memory_space<vmem_shared>> -> memref<10112x32xf32, #tpu.memory_space<vmem_shared>>
        tpu.wait_indirect_dma semaphore(%run_scoped3A_101 : memref<!tpu.dma_semaphore, #tpu.memory_space<semaphore_mem>>) src(%arg11 : memref<128x32xf32, #tpu.memory_space<vmem>>) dst(%dma_wait3A_113 : memref<10112x32xf32, #tpu.memory_space<vmem_shared>>)
        tpu.yield
      }) : () -> ()
      %add3A_83 = arith.constant 2 : i32
      %add3A_84 = arith.addi %mul3A_69, %add3A_83 : i32
      %dma_start3A_85 = arith.constant 0 : i32
      %dma_start3A_86 = tpu.memref_slice %arg9[%add3A_84, %dma_start3A_85] : memref<157x128xi32, #tpu.memory_space<vmem>> -> memref<1x128xi32, #tpu.memory_space<vmem>>
      %dma_start3A_87 = tpu.memref_squeeze %dma_start3A_86 : memref<1x128xi32, #tpu.memory_space<vmem>> -> memref<128xi32, #tpu.memory_space<vmem>>
      %dma_start3A_88 = arith.constant 0 : i32
      %dma_start3A_89 = arith.constant 0 : i32
      %dma_start3A_90 = tpu.memref_slice %arg7[%dma_start3A_88, %dma_start3A_89] : memref<10112x32xf32, #tpu.memory_space<vmem_shared>> -> memref<10112x32xf32, #tpu.memory_space<vmem_shared>>
      tpu.enqueue_indirect_dma source(%dma_start3A_90 : memref<10112x32xf32, #tpu.memory_space<vmem_shared>>) target(%arg11 : memref<128x32xf32, #tpu.memory_space<vmem>>) offsets(%dma_start3A_87 : memref<128xi32, #tpu.memory_space<vmem>>) semaphore(%arg13 : memref<!tpu.dma_semaphore, #tpu.memory_space<semaphore_mem>>)
      %add3A_91 = arith.constant 1 : i32
      %add3A_92 = arith.addi %mul3A_69, %add3A_91 : i32
      %dma_wait3A_93 = arith.constant 0 : i32
      %dma_wait3A_94 = tpu.memref_slice %arg9[%add3A_92, %dma_wait3A_93] : memref<157x128xi32, #tpu.memory_space<vmem>> -> memref<1x128xi32, #tpu.memory_space<vmem>>
      %dma_wait3A_95 = tpu.memref_squeeze %dma_wait3A_94 : memref<1x128xi32, #tpu.memory_space<vmem>> -> memref<128xi32, #tpu.memory_space<vmem>>
      %dma_wait3A_96 = arith.constant 0 : i32
      %dma_wait3A_97 = arith.constant 0 : i32
      %dma_wait3A_98 = tpu.memref_slice %arg7[%dma_wait3A_96, %dma_wait3A_97] : memref<10112x32xf32, #tpu.memory_space<vmem_shared>> -> memref<10112x32xf32, #tpu.memory_space<vmem_shared>>
      tpu.wait_indirect_dma semaphore(%arg14 : memref<!tpu.dma_semaphore, #tpu.memory_space<semaphore_mem>>) src(%dma_wait3A_98 : memref<10112x32xf32, #tpu.memory_space<vmem_shared>>) dst(%arg12 : memref<128x32xf32, #tpu.memory_space<vmem>>)
      %add3A_99 = arith.constant 1 : i32
      %add3A_100 = arith.addi %mul3A_69, %add3A_99 : i32
      "tpu.region"() ({
        %run_scoped3A_101 = tpu.sem_alloc : memref<!tpu.dma_semaphore, #tpu.memory_space<semaphore_mem>>
        %dma_start3A_102 = arith.constant 0 : i32
        %dma_start3A_103 = tpu.memref_slice %arg10[%add3A_100, %dma_start3A_102] : memref<157x128xi32, #tpu.memory_space<vmem>> -> memref<1x128xi32, #tpu.memory_space<vmem>>
        %dma_start3A_104 = tpu.memref_squeeze %dma_start3A_103 : memref<1x128xi32, #tpu.memory_space<vmem>> -> memref<128xi32, #tpu.memory_space<vmem>>
        %dma_start3A_105 = arith.constant 0 : i32
        %dma_start3A_106 = arith.constant 0 : i32
        %dma_start3A_107 = tpu.memref_slice %arg8[%dma_start3A_105, %dma_start3A_106] : memref<10112x32xf32, #tpu.memory_space<vmem_shared>> -> memref<10112x32xf32, #tpu.memory_space<vmem_shared>>
        tpu.enqueue_indirect_dma source(%arg12 : memref<128x32xf32, #tpu.memory_space<vmem>>) target(%dma_start3A_107 : memref<10112x32xf32, #tpu.memory_space<vmem_shared>>) offsets(%dma_start3A_104 : memref<128xi32, #tpu.memory_space<vmem>>) semaphore(%run_scoped3A_101 : memref<!tpu.dma_semaphore, #tpu.memory_space<semaphore_mem>>) {add = true}
        %dma_wait3A_108 = arith.constant 0 : i32
        %dma_wait3A_109 = tpu.memref_slice %arg10[%add3A_100, %dma_wait3A_108] : memref<157x128xi32, #tpu.memory_space<vmem>> -> memref<1x128xi32, #tpu.memory_space<vmem>>
        %dma_wait3A_110 = tpu.memref_squeeze %dma_wait3A_109 : memref<1x128xi32, #tpu.memory_space<vmem>> -> memref<128xi32, #tpu.memory_space<vmem>>
        %dma_wait3A_111 = arith.constant 0 : i32
        %dma_wait3A_112 = arith.constant 0 : i32
        %dma_wait3A_113 = tpu.memref_slice %arg8[%dma_wait3A_111, %dma_wait3A_112] : memref<10112x32xf32, #tpu.memory_space<vmem_shared>> -> memref<10112x32xf32, #tpu.memory_space<vmem_shared>>
        tpu.wait_indirect_dma semaphore(%run_scoped3A_101 : memref<!tpu.dma_semaphore, #tpu.memory_space<semaphore_mem>>) src(%arg12 : memref<128x32xf32, #tpu.memory_space<vmem>>) dst(%dma_wait3A_113 : memref<10112x32xf32, #tpu.memory_space<vmem_shared>>)
        tpu.yield
      }) : () -> ()
    }
    %scan3A_58 = arith.constant 78 : i32
    %dma_wait3A_59 = arith.constant 156 : i32
    %dma_wait3A_60 = arith.constant 0 : i32
    %dma_wait3A_61 = tpu.memref_slice %arg9[%dma_wait3A_59, %dma_wait3A_60] : memref<157x128xi32, #tpu.memory_space<vmem>> -> memref<1x128xi32, #tpu.memory_space<vmem>>
    %dma_wait3A_62 = tpu.memref_squeeze %dma_wait3A_61 : memref<1x128xi32, #tpu.memory_space<vmem>> -> memref<128xi32, #tpu.memory_space<vmem>>
    %dma_wait3A_63 = arith.constant 0 : i32
    %dma_wait3A_64 = arith.constant 0 : i32
    %dma_wait3A_65 = tpu.memref_slice %arg7[%dma_wait3A_63, %dma_wait3A_64] : memref<10112x32xf32, #tpu.memory_space<vmem_shared>> -> memref<10112x32xf32, #tpu.memory_space<vmem_shared>>
    tpu.wait_indirect_dma semaphore(%arg13 : memref<!tpu.dma_semaphore, #tpu.memory_space<semaphore_mem>>) src(%dma_wait3A_65 : memref<10112x32xf32, #tpu.memory_space<vmem_shared>>) dst(%arg11 : memref<128x32xf32, #tpu.memory_space<vmem>>)
    %run_scoped3A = arith.constant 156 : i32
    "tpu.region"() ({
      %run_scoped3A_67 = tpu.sem_alloc : memref<!tpu.dma_semaphore, #tpu.memory_space<semaphore_mem>>
      %dma_start3A_68 = arith.constant 0 : i32
      %dma_start3A_69 = tpu.memref_slice %arg10[%run_scoped3A, %dma_start3A_68] : memref<157x128xi32, #tpu.memory_space<vmem>> -> memref<1x128xi32, #tpu.memory_space<vmem>>
      %dma_start3A_70 = tpu.memref_squeeze %dma_start3A_69 : memref<1x128xi32, #tpu.memory_space<vmem>> -> memref<128xi32, #tpu.memory_space<vmem>>
      %dma_start3A_71 = arith.constant 0 : i32
      %dma_start3A_72 = arith.constant 0 : i32
      %dma_start3A_73 = tpu.memref_slice %arg8[%dma_start3A_71, %dma_start3A_72] : memref<10112x32xf32, #tpu.memory_space<vmem_shared>> -> memref<10112x32xf32, #tpu.memory_space<vmem_shared>>
      tpu.enqueue_indirect_dma source(%arg11 : memref<128x32xf32, #tpu.memory_space<vmem>>) target(%dma_start3A_73 : memref<10112x32xf32, #tpu.memory_space<vmem_shared>>) offsets(%dma_start3A_70 : memref<128xi32, #tpu.memory_space<vmem>>) semaphore(%run_scoped3A_67 : memref<!tpu.dma_semaphore, #tpu.memory_space<semaphore_mem>>) {add = true}
      %dma_wait3A_74 = arith.constant 0 : i32
      %dma_wait3A_75 = tpu.memref_slice %arg10[%run_scoped3A, %dma_wait3A_74] : memref<157x128xi32, #tpu.memory_space<vmem>> -> memref<1x128xi32, #tpu.memory_space<vmem>>
      %dma_wait3A_76 = tpu.memref_squeeze %dma_wait3A_75 : memref<1x128xi32, #tpu.memory_space<vmem>> -> memref<128xi32, #tpu.memory_space<vmem>>
      %dma_wait3A_77 = arith.constant 0 : i32
      %dma_wait3A_78 = arith.constant 0 : i32
      %dma_wait3A_79 = tpu.memref_slice %arg8[%dma_wait3A_77, %dma_wait3A_78] : memref<10112x32xf32, #tpu.memory_space<vmem_shared>> -> memref<10112x32xf32, #tpu.memory_space<vmem_shared>>
      tpu.wait_indirect_dma semaphore(%run_scoped3A_67 : memref<!tpu.dma_semaphore, #tpu.memory_space<semaphore_mem>>) src(%arg11 : memref<128x32xf32, #tpu.memory_space<vmem>>) dst(%dma_wait3A_79 : memref<10112x32xf32, #tpu.memory_space<vmem_shared>>)
      tpu.yield
    }) : () -> ()
    %barrier3A_66 = arith.constant 0 : index
    tpu.barrier barrier_id(%barrier3A_66)
    "tpu.region"() ({
      %run_scoped3A_67 = tpu.sem_alloc : memref<!tpu.dma_semaphore, #tpu.memory_space<semaphore_mem>>
      %dma_start3A_68 = tpu.memref_slice %arg6[%mul3A_0, %mul3A_2] : memref<10112x64xf32, #tpu.memory_space<hbm>> -> memref<632x32xf32, #tpu.memory_space<hbm>>
      %dma_start3A_69 = arith.constant 0 : i32
      %dma_start3A_70 = tpu.memref_slice %arg8[%mul3A_0, %dma_start3A_69] : memref<10112x32xf32, #tpu.memory_space<vmem_shared>> -> memref<632x32xf32, #tpu.memory_space<vmem_shared>>
      tpu.enqueue_dma source(%dma_start3A_70 : memref<632x32xf32, #tpu.memory_space<vmem_shared>>) target(%dma_start3A_68 : memref<632x32xf32, #tpu.memory_space<hbm>>) target_semaphore(%run_scoped3A_67 : memref<!tpu.dma_semaphore, #tpu.memory_space<semaphore_mem>>)
      %dma_wait3A_71 = tpu.memref_slice %arg6[%mul3A_0, %mul3A_2] : memref<10112x64xf32, #tpu.memory_space<hbm>> -> memref<632x32xf32, #tpu.memory_space<hbm>>
      %dma_wait3A_72 = arith.constant 0 : i32
      %dma_wait3A_73 = tpu.memref_slice %arg8[%mul3A_0, %dma_wait3A_72] : memref<10112x32xf32, #tpu.memory_space<vmem_shared>> -> memref<632x32xf32, #tpu.memory_space<vmem_shared>>
      tpu.wait_dma2 semaphore(%run_scoped3A_67 : memref<!tpu.dma_semaphore, #tpu.memory_space<semaphore_mem>>) src(%dma_wait3A_73 : memref<632x32xf32, #tpu.memory_space<vmem_shared>>) dst(%dma_wait3A_71 : memref<632x32xf32, #tpu.memory_space<hbm>>)
      tpu.yield
    }) : () -> ()
    return
  }
}

#map = affine_map<(d0, d1) -> (0, 0)>
#map1 = affine_map<(d0, d1) -> (0, 0, 0)>
module attributes {stable_mosaic.version = 14 : i64} {
  func.func @k(%arg0: i32, %arg1: i32, %arg2: memref<10112x64xf32, #tpu.memory_space<hbm>>, %arg3: memref<16x157x128xi32, #tpu.memory_space<hbm>>, %arg4: memref<16x157x128xi32, #tpu.memory_space<hbm>>, %arg5: memref<10112x32xf32, #tpu.memory_space<hbm>>, %arg6: memref<10112x64xf32, #tpu.memory_space<hbm>>, %arg7: memref<10112x32xf32, #tpu.memory_space<vmem_shared>>, %arg8: memref<10112x32xf32, #tpu.memory_space<vmem_shared>>, %arg9: memref<157x128xi32, #tpu.memory_space<vmem>>, %arg10: memref<157x128xi32, #tpu.memory_space<vmem>>, %arg11: memref<128x32xf32, #tpu.memory_space<vmem>>, %arg12: memref<128x32xf32, #tpu.memory_space<vmem>>, %arg13: memref<!tpu.dma_semaphore, #tpu.memory_space<semaphore_mem>>, %arg14: memref<!tpu.dma_semaphore, #tpu.memory_space<semaphore_mem>>) attributes {dimension_semantics = [#tpu.dimension_semantics<core_parallel>, #tpu.dimension_semantics<subcore_parallel>], iteration_bounds = array<i64: 2, 16>, scalar_prefetch = 0 : i64, scratch_operands = 8 : i64, tpu.core_type = #tpu.core_type<sc_vector_subcore>, window_params = [{transform_indices = #map}, {transform_indices = #map1}, {transform_indices = #map1}, {transform_indices = #map}, {transform_indices = #map}]} {
    %mul3A = arith.constant 632 : i32
    %mul3A_0 = arith.muli %arg1, %mul3A : i32
    %mul3A_1 = arith.constant 32 : i32
    %mul3A_2 = arith.muli %arg0, %mul3A_1 : i32
    %dma_start3A = arith.constant 0 : i32
    %dma_start3A_3 = tpu.memref_slice %arg7[%mul3A_0, %dma_start3A] : memref<10112x32xf32, #tpu.memory_space<vmem_shared>> -> memref<632x32xf32, #tpu.memory_space<vmem_shared>>
    %dma_start3A_4 = tpu.memref_slice %arg2[%mul3A_0, %mul3A_2] : memref<10112x64xf32, #tpu.memory_space<hbm>> -> memref<632x32xf32, #tpu.memory_space<hbm>>
    tpu.enqueue_dma source(%dma_start3A_4 : memref<632x32xf32, #tpu.memory_space<hbm>>) target(%dma_start3A_3 : memref<632x32xf32, #tpu.memory_space<vmem_shared>>) target_semaphore(%arg13 : memref<!tpu.dma_semaphore, #tpu.memory_space<semaphore_mem>>)
    %dma_start3A_5 = arith.constant 0 : i32
    %dma_start3A_6 = tpu.memref_slice %arg8[%mul3A_0, %dma_start3A_5] : memref<10112x32xf32, #tpu.memory_space<vmem_shared>> -> memref<632x32xf32, #tpu.memory_space<vmem_shared>>
    %dma_start3A_7 = arith.constant 0 : i32
    %dma_start3A_8 = tpu.memref_slice %arg5[%mul3A_0, %dma_start3A_7] : memref<10112x32xf32, #tpu.memory_space<hbm>> -> memref<632x32xf32, #tpu.memory_space<hbm>>
    tpu.enqueue_dma source(%dma_start3A_8 : memref<632x32xf32, #tpu.memory_space<hbm>>) target(%dma_start3A_6 : memref<632x32xf32, #tpu.memory_space<vmem_shared>>) target_semaphore(%arg14 : memref<!tpu.dma_semaphore, #tpu.memory_space<semaphore_mem>>)
    %dma_start3A_9 = arith.constant 0 : i32
    %dma_start3A_10 = arith.constant 0 : i32
    %dma_start3A_11 = tpu.memref_slice %arg3[%arg1, %dma_start3A_9, %dma_start3A_10] : memref<16x157x128xi32, #tpu.memory_space<hbm>> -> memref<1x157x128xi32, #tpu.memory_space<hbm>>
    %dma_start3A_12 = tpu.memref_squeeze %dma_start3A_11 : memref<1x157x128xi32, #tpu.memory_space<hbm>> -> memref<157x128xi32, #tpu.memory_space<hbm>>
    %dma_start3A_13 = arith.constant 0 : i32
    %dma_start3A_14 = arith.constant 0 : i32
    %dma_start3A_15 = tpu.memref_slice %arg3[%arg1, %dma_start3A_13, %dma_start3A_14] : memref<16x157x128xi32, #tpu.memory_space<hbm>> -> memref<1x157x128xi32, #tpu.memory_space<hbm>>
    %dma_start3A_16 = tpu.memref_squeeze %dma_start3A_15 : memref<1x157x128xi32, #tpu.memory_space<hbm>> -> memref<157x128xi32, #tpu.memory_space<hbm>>
    tpu.enqueue_dma source(%dma_start3A_16 : memref<157x128xi32, #tpu.memory_space<hbm>>) target(%arg9 : memref<157x128xi32, #tpu.memory_space<vmem>>) target_semaphore(%arg13 : memref<!tpu.dma_semaphore, #tpu.memory_space<semaphore_mem>>)
    %dma_start3A_17 = arith.constant 0 : i32
    %dma_start3A_18 = arith.constant 0 : i32
    %dma_start3A_19 = tpu.memref_slice %arg4[%arg1, %dma_start3A_17, %dma_start3A_18] : memref<16x157x128xi32, #tpu.memory_space<hbm>> -> memref<1x157x128xi32, #tpu.memory_space<hbm>>
    %dma_start3A_20 = tpu.memref_squeeze %dma_start3A_19 : memref<1x157x128xi32, #tpu.memory_space<hbm>> -> memref<157x128xi32, #tpu.memory_space<hbm>>
    %dma_start3A_21 = arith.constant 0 : i32
    %dma_start3A_22 = arith.constant 0 : i32
    %dma_start3A_23 = tpu.memref_slice %arg4[%arg1, %dma_start3A_21, %dma_start3A_22] : memref<16x157x128xi32, #tpu.memory_space<hbm>> -> memref<1x157x128xi32, #tpu.memory_space<hbm>>
    %dma_start3A_24 = tpu.memref_squeeze %dma_start3A_23 : memref<1x157x128xi32, #tpu.memory_space<hbm>> -> memref<157x128xi32, #tpu.memory_space<hbm>>
    tpu.enqueue_dma source(%dma_start3A_24 : memref<157x128xi32, #tpu.memory_space<hbm>>) target(%arg10 : memref<157x128xi32, #tpu.memory_space<vmem>>) target_semaphore(%arg14 : memref<!tpu.dma_semaphore, #tpu.memory_space<semaphore_mem>>)
    %dma_wait3A = arith.constant 0 : i32
    %dma_wait3A_25 = tpu.memref_slice %arg7[%mul3A_0, %dma_wait3A] : memref<10112x32xf32, #tpu.memory_space<vmem_shared>> -> memref<632x32xf32, #tpu.memory_space<vmem_shared>>
    %dma_wait3A_26 = tpu.memref_slice %arg2[%mul3A_0, %mul3A_2] : memref<10112x64xf32, #tpu.memory_space<hbm>> -> memref<632x32xf32, #tpu.memory_space<hbm>>
    tpu.wait_dma2 semaphore(%arg13 : memref<!tpu.dma_semaphore, #tpu.memory_space<semaphore_mem>>) src(%dma_wait3A_26 : memref<632x32xf32, #tpu.memory_space<hbm>>) dst(%dma_wait3A_25 : memref<632x32xf32, #tpu.memory_space<vmem_shared>>)
    %dma_wait3A_27 = arith.constant 0 : i32
    %dma_wait3A_28 = tpu.memref_slice %arg8[%mul3A_0, %dma_wait3A_27] : memref<10112x32xf32, #tpu.memory_space<vmem_shared>> -> memref<632x32xf32, #tpu.memory_space<vmem_shared>>
    %dma_wait3A_29 = arith.constant 0 : i32
    %dma_wait3A_30 = tpu.memref_slice %arg5[%mul3A_0, %dma_wait3A_29] : memref<10112x32xf32, #tpu.memory_space<hbm>> -> memref<632x32xf32, #tpu.memory_space<hbm>>
    tpu.wait_dma2 semaphore(%arg14 : memref<!tpu.dma_semaphore, #tpu.memory_space<semaphore_mem>>) src(%dma_wait3A_30 : memref<632x32xf32, #tpu.memory_space<hbm>>) dst(%dma_wait3A_28 : memref<632x32xf32, #tpu.memory_space<vmem_shared>>)
    %dma_wait3A_31 = arith.constant 0 : i32
    %dma_wait3A_32 = arith.constant 0 : i32
    %dma_wait3A_33 = tpu.memref_slice %arg3[%arg1, %dma_wait3A_31, %dma_wait3A_32] : memref<16x157x128xi32, #tpu.memory_space<hbm>> -> memref<1x157x128xi32, #tpu.memory_space<hbm>>
    %dma_wait3A_34 = tpu.memref_squeeze %dma_wait3A_33 : memref<1x157x128xi32, #tpu.memory_space<hbm>> -> memref<157x128xi32, #tpu.memory_space<hbm>>
    %dma_wait3A_35 = arith.constant 0 : i32
    %dma_wait3A_36 = arith.constant 0 : i32
    %dma_wait3A_37 = tpu.memref_slice %arg3[%arg1, %dma_wait3A_35, %dma_wait3A_36] : memref<16x157x128xi32, #tpu.memory_space<hbm>> -> memref<1x157x128xi32, #tpu.memory_space<hbm>>
    %dma_wait3A_38 = tpu.memref_squeeze %dma_wait3A_37 : memref<1x157x128xi32, #tpu.memory_space<hbm>> -> memref<157x128xi32, #tpu.memory_space<hbm>>
    tpu.wait_dma2 semaphore(%arg13 : memref<!tpu.dma_semaphore, #tpu.memory_space<semaphore_mem>>) src(%dma_wait3A_38 : memref<157x128xi32, #tpu.memory_space<hbm>>) dst(%arg9 : memref<157x128xi32, #tpu.memory_space<vmem>>)
    %dma_wait3A_39 = arith.constant 0 : i32
    %dma_wait3A_40 = arith.constant 0 : i32
    %dma_wait3A_41 = tpu.memref_slice %arg4[%arg1, %dma_wait3A_39, %dma_wait3A_40] : memref<16x157x128xi32, #tpu.memory_space<hbm>> -> memref<1x157x128xi32, #tpu.memory_space<hbm>>
    %dma_wait3A_42 = tpu.memref_squeeze %dma_wait3A_41 : memref<1x157x128xi32, #tpu.memory_space<hbm>> -> memref<157x128xi32, #tpu.memory_space<hbm>>
    %dma_wait3A_43 = arith.constant 0 : i32
    %dma_wait3A_44 = arith.constant 0 : i32
    %dma_wait3A_45 = tpu.memref_slice %arg4[%arg1, %dma_wait3A_43, %dma_wait3A_44] : memref<16x157x128xi32, #tpu.memory_space<hbm>> -> memref<1x157x128xi32, #tpu.memory_space<hbm>>
    %dma_wait3A_46 = tpu.memref_squeeze %dma_wait3A_45 : memref<1x157x128xi32, #tpu.memory_space<hbm>> -> memref<157x128xi32, #tpu.memory_space<hbm>>
    tpu.wait_dma2 semaphore(%arg14 : memref<!tpu.dma_semaphore, #tpu.memory_space<semaphore_mem>>) src(%dma_wait3A_46 : memref<157x128xi32, #tpu.memory_space<hbm>>) dst(%arg10 : memref<157x128xi32, #tpu.memory_space<vmem>>)
    %barrier3A = arith.constant 0 : index
    tpu.barrier barrier_id(%barrier3A)
    %dma_start3A_47 = arith.constant 0 : i32
    %dma_start3A_48 = arith.constant 0 : i32
    %dma_start3A_49 = tpu.memref_slice %arg9[%dma_start3A_47, %dma_start3A_48] : memref<157x128xi32, #tpu.memory_space<vmem>> -> memref<1x128xi32, #tpu.memory_space<vmem>>
    %dma_start3A_50 = tpu.memref_squeeze %dma_start3A_49 : memref<1x128xi32, #tpu.memory_space<vmem>> -> memref<128xi32, #tpu.memory_space<vmem>>
    %dma_start3A_51 = arith.constant 0 : i32
    %dma_start3A_52 = arith.constant 0 : i32
    %dma_start3A_53 = tpu.memref_slice %arg7[%dma_start3A_51, %dma_start3A_52] : memref<10112x32xf32, #tpu.memory_space<vmem_shared>> -> memref<10112x32xf32, #tpu.memory_space<vmem_shared>>
    tpu.enqueue_indirect_dma source(%dma_start3A_53 : memref<10112x32xf32, #tpu.memory_space<vmem_shared>>) target(%arg11 : memref<128x32xf32, #tpu.memory_space<vmem>>) offsets(%dma_start3A_50 : memref<128xi32, #tpu.memory_space<vmem>>) semaphore(%arg13 : memref<!tpu.dma_semaphore, #tpu.memory_space<semaphore_mem>>)
    %scan3A = arith.constant 0 : i32
    %scan3A_54 = arith.constant 0 : i32
    %scan3A_55 = arith.constant 78 : i32
    %scan3A_56 = arith.addi %scan3A_54, %scan3A_55 : i32
    %scan3A_57 = arith.constant 1 : i32
    scf.for %scan3A_67 = %scan3A_54 to %scan3A_56 step %scan3A_57  : i32 {
      %mul3A_68 = arith.constant 2 : i32
      %mul3A_69 = arith.muli %mul3A_68, %scan3A_67 : i32
      %add3A = arith.constant 1 : i32
      %add3A_70 = arith.addi %mul3A_69, %add3A : i32
      %dma_start3A_71 = arith.constant 0 : i32
      %dma_start3A_72 = tpu.memref_slice %arg9[%add3A_70, %dma_start3A_71] : memref<157x128xi32, #tpu.memory_space<vmem>> -> memref<1x128xi32, #tpu.memory_space<vmem>>
      %dma_start3A_73 = tpu.memref_squeeze %dma_start3A_72 : memref<1x128xi32, #tpu.memory_space<vmem>> -> memref<128xi32, #tpu.memory_space<vmem>>
      %dma_start3A_74 = arith.constant 0 : i32
      %dma_start3A_75 = arith.constant 0 : i32
      %dma_start3A_76 = tpu.memref_slice %arg7[%dma_start3A_74, %dma_start3A_75] : memref<10112x32xf32, #tpu.memory_space<vmem_shared>> -> memref<10112x32xf32, #tpu.memory_space<vmem_shared>>
      tpu.enqueue_indirect_dma source(%dma_start3A_76 : memref<10112x32xf32, #tpu.memory_space<vmem_shared>>) target(%arg12 : memref<128x32xf32, #tpu.memory_space<vmem>>) offsets(%dma_start3A_73 : memref<128xi32, #tpu.memory_space<vmem>>) semaphore(%arg14 : memref<!tpu.dma_semaphore, #tpu.memory_space<semaphore_mem>>)
      %dma_wait3A_77 = arith.constant 0 : i32
      %dma_wait3A_78 = tpu.memref_slice %arg9[%mul3A_69, %dma_wait3A_77] : memref<157x128xi32, #tpu.memory_space<vmem>> -> memref<1x128xi32, #tpu.memory_space<vmem>>
      %dma_wait3A_79 = tpu.memref_squeeze %dma_wait3A_78 : memref<1x128xi32, #tpu.memory_space<vmem>> -> memref<128xi32, #tpu.memory_space<vmem>>
      %dma_wait3A_80 = arith.constant 0 : i32
      %dma_wait3A_81 = arith.constant 0 : i32
      %dma_wait3A_82 = tpu.memref_slice %arg7[%dma_wait3A_80, %dma_wait3A_81] : memref<10112x32xf32, #tpu.memory_space<vmem_shared>> -> memref<10112x32xf32, #tpu.memory_space<vmem_shared>>
      tpu.wait_indirect_dma semaphore(%arg13 : memref<!tpu.dma_semaphore, #tpu.memory_space<semaphore_mem>>) src(%dma_wait3A_82 : memref<10112x32xf32, #tpu.memory_space<vmem_shared>>) dst(%arg11 : memref<128x32xf32, #tpu.memory_space<vmem>>)
      "tpu.region"() ({
        %run_scoped3A_101 = tpu.sem_alloc : memref<!tpu.dma_semaphore, #tpu.memory_space<semaphore_mem>>
        %dma_start3A_102 = arith.constant 0 : i32
        %dma_start3A_103 = tpu.memref_slice %arg10[%mul3A_69, %dma_start3A_102] : memref<157x128xi32, #tpu.memory_space<vmem>> -> memref<1x128xi32, #tpu.memory_space<vmem>>
        %dma_start3A_104 = tpu.memref_squeeze %dma_start3A_103 : memref<1x128xi32, #tpu.memory_space<vmem>> -> memref<128xi32, #tpu.memory_space<vmem>>
        %dma_start3A_105 = arith.constant 0 : i32
        %dma_start3A_106 = arith.constant 0 : i32
        %dma_start3A_107 = tpu.memref_slice %arg8[%dma_start3A_105, %dma_start3A_106] : memref<10112x32xf32, #tpu.memory_space<vmem_shared>> -> memref<10112x32xf32, #tpu.memory_space<vmem_shared>>
        tpu.enqueue_indirect_dma source(%arg11 : memref<128x32xf32, #tpu.memory_space<vmem>>) target(%dma_start3A_107 : memref<10112x32xf32, #tpu.memory_space<vmem_shared>>) offsets(%dma_start3A_104 : memref<128xi32, #tpu.memory_space<vmem>>) semaphore(%run_scoped3A_101 : memref<!tpu.dma_semaphore, #tpu.memory_space<semaphore_mem>>) {add = true}
        %dma_wait3A_108 = arith.constant 0 : i32
        %dma_wait3A_109 = tpu.memref_slice %arg10[%mul3A_69, %dma_wait3A_108] : memref<157x128xi32, #tpu.memory_space<vmem>> -> memref<1x128xi32, #tpu.memory_space<vmem>>
        %dma_wait3A_110 = tpu.memref_squeeze %dma_wait3A_109 : memref<1x128xi32, #tpu.memory_space<vmem>> -> memref<128xi32, #tpu.memory_space<vmem>>
        %dma_wait3A_111 = arith.constant 0 : i32
        %dma_wait3A_112 = arith.constant 0 : i32
        %dma_wait3A_113 = tpu.memref_slice %arg8[%dma_wait3A_111, %dma_wait3A_112] : memref<10112x32xf32, #tpu.memory_space<vmem_shared>> -> memref<10112x32xf32, #tpu.memory_space<vmem_shared>>
        tpu.wait_indirect_dma semaphore(%run_scoped3A_101 : memref<!tpu.dma_semaphore, #tpu.memory_space<semaphore_mem>>) src(%arg11 : memref<128x32xf32, #tpu.memory_space<vmem>>) dst(%dma_wait3A_113 : memref<10112x32xf32, #tpu.memory_space<vmem_shared>>)
        tpu.yield
      }) : () -> ()
      %add3A_83 = arith.constant 2 : i32
      %add3A_84 = arith.addi %mul3A_69, %add3A_83 : i32
      %dma_start3A_85 = arith.constant 0 : i32
      %dma_start3A_86 = tpu.memref_slice %arg9[%add3A_84, %dma_start3A_85] : memref<157x128xi32, #tpu.memory_space<vmem>> -> memref<1x128xi32, #tpu.memory_space<vmem>>
      %dma_start3A_87 = tpu.memref_squeeze %dma_start3A_86 : memref<1x128xi32, #tpu.memory_space<vmem>> -> memref<128xi32, #tpu.memory_space<vmem>>
      %dma_start3A_88 = arith.constant 0 : i32
      %dma_start3A_89 = arith.constant 0 : i32
      %dma_start3A_90 = tpu.memref_slice %arg7[%dma_start3A_88, %dma_start3A_89] : memref<10112x32xf32, #tpu.memory_space<vmem_shared>> -> memref<10112x32xf32, #tpu.memory_space<vmem_shared>>
      tpu.enqueue_indirect_dma source(%dma_start3A_90 : memref<10112x32xf32, #tpu.memory_space<vmem_shared>>) target(%arg11 : memref<128x32xf32, #tpu.memory_space<vmem>>) offsets(%dma_start3A_87 : memref<128xi32, #tpu.memory_space<vmem>>) semaphore(%arg13 : memref<!tpu.dma_semaphore, #tpu.memory_space<semaphore_mem>>)
      %add3A_91 = arith.constant 1 : i32
      %add3A_92 = arith.addi %mul3A_69, %add3A_91 : i32
      %dma_wait3A_93 = arith.constant 0 : i32
      %dma_wait3A_94 = tpu.memref_slice %arg9[%add3A_92, %dma_wait3A_93] : memref<157x128xi32, #tpu.memory_space<vmem>> -> memref<1x128xi32, #tpu.memory_space<vmem>>
      %dma_wait3A_95 = tpu.memref_squeeze %dma_wait3A_94 : memref<1x128xi32, #tpu.memory_space<vmem>> -> memref<128xi32, #tpu.memory_space<vmem>>
      %dma_wait3A_96 = arith.constant 0 : i32
      %dma_wait3A_97 = arith.constant 0 : i32
      %dma_wait3A_98 = tpu.memref_slice %arg7[%dma_wait3A_96, %dma_wait3A_97] : memref<10112x32xf32, #tpu.memory_space<vmem_shared>> -> memref<10112x32xf32, #tpu.memory_space<vmem_shared>>
      tpu.wait_indirect_dma semaphore(%arg14 : memref<!tpu.dma_semaphore, #tpu.memory_space<semaphore_mem>>) src(%dma_wait3A_98 : memref<10112x32xf32, #tpu.memory_space<vmem_shared>>) dst(%arg12 : memref<128x32xf32, #tpu.memory_space<vmem>>)
      %add3A_99 = arith.constant 1 : i32
      %add3A_100 = arith.addi %mul3A_69, %add3A_99 : i32
      "tpu.region"() ({
        %run_scoped3A_101 = tpu.sem_alloc : memref<!tpu.dma_semaphore, #tpu.memory_space<semaphore_mem>>
        %dma_start3A_102 = arith.constant 0 : i32
        %dma_start3A_103 = tpu.memref_slice %arg10[%add3A_100, %dma_start3A_102] : memref<157x128xi32, #tpu.memory_space<vmem>> -> memref<1x128xi32, #tpu.memory_space<vmem>>
        %dma_start3A_104 = tpu.memref_squeeze %dma_start3A_103 : memref<1x128xi32, #tpu.memory_space<vmem>> -> memref<128xi32, #tpu.memory_space<vmem>>
        %dma_start3A_105 = arith.constant 0 : i32
        %dma_start3A_106 = arith.constant 0 : i32
        %dma_start3A_107 = tpu.memref_slice %arg8[%dma_start3A_105, %dma_start3A_106] : memref<10112x32xf32, #tpu.memory_space<vmem_shared>> -> memref<10112x32xf32, #tpu.memory_space<vmem_shared>>
        tpu.enqueue_indirect_dma source(%arg12 : memref<128x32xf32, #tpu.memory_space<vmem>>) target(%dma_start3A_107 : memref<10112x32xf32, #tpu.memory_space<vmem_shared>>) offsets(%dma_start3A_104 : memref<128xi32, #tpu.memory_space<vmem>>) semaphore(%run_scoped3A_101 : memref<!tpu.dma_semaphore, #tpu.memory_space<semaphore_mem>>) {add = true}
        %dma_wait3A_108 = arith.constant 0 : i32
        %dma_wait3A_109 = tpu.memref_slice %arg10[%add3A_100, %dma_wait3A_108] : memref<157x128xi32, #tpu.memory_space<vmem>> -> memref<1x128xi32, #tpu.memory_space<vmem>>
        %dma_wait3A_110 = tpu.memref_squeeze %dma_wait3A_109 : memref<1x128xi32, #tpu.memory_space<vmem>> -> memref<128xi32, #tpu.memory_space<vmem>>
        %dma_wait3A_111 = arith.constant 0 : i32
        %dma_wait3A_112 = arith.constant 0 : i32
        %dma_wait3A_113 = tpu.memref_slice %arg8[%dma_wait3A_111, %dma_wait3A_112] : memref<10112x32xf32, #tpu.memory_space<vmem_shared>> -> memref<10112x32xf32, #tpu.memory_space<vmem_shared>>
        tpu.wait_indirect_dma semaphore(%run_scoped3A_101 : memref<!tpu.dma_semaphore, #tpu.memory_space<semaphore_mem>>) src(%arg12 : memref<128x32xf32, #tpu.memory_space<vmem>>) dst(%dma_wait3A_113 : memref<10112x32xf32, #tpu.memory_space<vmem_shared>>)
        tpu.yield
      }) : () -> ()
    }
    %scan3A_58 = arith.constant 78 : i32
    %dma_wait3A_59 = arith.constant 156 : i32
    %dma_wait3A_60 = arith.constant 0 : i32
    %dma_wait3A_61 = tpu.memref_slice %arg9[%dma_wait3A_59, %dma_wait3A_60] : memref<157x128xi32, #tpu.memory_space<vmem>> -> memref<1x128xi32, #tpu.memory_space<vmem>>
    %dma_wait3A_62 = tpu.memref_squeeze %dma_wait3A_61 : memref<1x128xi32, #tpu.memory_space<vmem>> -> memref<128xi32, #tpu.memory_space<vmem>>
    %dma_wait3A_63 = arith.constant 0 : i32
    %dma_wait3A_64 = arith.constant 0 : i32
    %dma_wait3A_65 = tpu.memref_slice %arg7[%dma_wait3A_63, %dma_wait3A_64] : memref<10112x32xf32, #tpu.memory_space<vmem_shared>> -> memref<10112x32xf32, #tpu.memory_space<vmem_shared>>
    tpu.wait_indirect_dma semaphore(%arg13 : memref<!tpu.dma_semaphore, #tpu.memory_space<semaphore_mem>>) src(%dma_wait3A_65 : memref<10112x32xf32, #tpu.memory_space<vmem_shared>>) dst(%arg11 : memref<128x32xf32, #tpu.memory_space<vmem>>)
    %run_scoped3A = arith.constant 156 : i32
    "tpu.region"() ({
      %run_scoped3A_67 = tpu.sem_alloc : memref<!tpu.dma_semaphore, #tpu.memory_space<semaphore_mem>>
      %dma_start3A_68 = arith.constant 0 : i32
      %dma_start3A_69 = tpu.memref_slice %arg10[%run_scoped3A, %dma_start3A_68] : memref<157x128xi32, #tpu.memory_space<vmem>> -> memref<1x128xi32, #tpu.memory_space<vmem>>
      %dma_start3A_70 = tpu.memref_squeeze %dma_start3A_69 : memref<1x128xi32, #tpu.memory_space<vmem>> -> memref<128xi32, #tpu.memory_space<vmem>>
      %dma_start3A_71 = arith.constant 0 : i32
      %dma_start3A_72 = arith.constant 0 : i32
      %dma_start3A_73 = tpu.memref_slice %arg8[%dma_start3A_71, %dma_start3A_72] : memref<10112x32xf32, #tpu.memory_space<vmem_shared>> -> memref<10112x32xf32, #tpu.memory_space<vmem_shared>>
      tpu.enqueue_indirect_dma source(%arg11 : memref<128x32xf32, #tpu.memory_space<vmem>>) target(%dma_start3A_73 : memref<10112x32xf32, #tpu.memory_space<vmem_shared>>) offsets(%dma_start3A_70 : memref<128xi32, #tpu.memory_space<vmem>>) semaphore(%run_scoped3A_67 : memref<!tpu.dma_semaphore, #tpu.memory_space<semaphore_mem>>) {add = true}
      %dma_wait3A_74 = arith.constant 0 : i32
      %dma_wait3A_75 = tpu.memref_slice %arg10[%run_scoped3A, %dma_wait3A_74] : memref<157x128xi32, #tpu.memory_space<vmem>> -> memref<1x128xi32, #tpu.memory_space<vmem>>
      %dma_wait3A_76 = tpu.memref_squeeze %dma_wait3A_75 : memref<1x128xi32, #tpu.memory_space<vmem>> -> memref<128xi32, #tpu.memory_space<vmem>>
      %dma_wait3A_77 = arith.constant 0 : i32
      %dma_wait3A_78 = arith.constant 0 : i32
      %dma_wait3A_79 = tpu.memref_slice %arg8[%dma_wait3A_77, %dma_wait3A_78] : memref<10112x32xf32, #tpu.memory_space<vmem_shared>> -> memref<10112x32xf32, #tpu.memory_space<vmem_shared>>
      tpu.wait_indirect_dma semaphore(%run_scoped3A_67 : memref<!tpu.dma_semaphore, #tpu.memory_space<semaphore_mem>>) src(%arg11 : memref<128x32xf32, #tpu.memory_space<vmem>>) dst(%dma_wait3A_79 : memref<10112x32xf32, #tpu.memory_space<vmem_shared>>)
      tpu.yield
    }) : () -> ()
    %barrier3A_66 = arith.constant 0 : index
    tpu.barrier barrier_id(%barrier3A_66)
    "tpu.region"() ({
      %run_scoped3A_67 = tpu.sem_alloc : memref<!tpu.dma_semaphore, #tpu.memory_space<semaphore_mem>>
      %dma_start3A_68 = tpu.memref_slice %arg6[%mul3A_0, %mul3A_2] : memref<10112x64xf32, #tpu.memory_space<hbm>> -> memref<632x32xf32, #tpu.memory_space<hbm>>
      %dma_start3A_69 = arith.constant 0 : i32
      %dma_start3A_70 = tpu.memref_slice %arg8[%mul3A_0, %dma_start3A_69] : memref<10112x32xf32, #tpu.memory_space<vmem_shared>> -> memref<632x32xf32, #tpu.memory_space<vmem_shared>>
      tpu.enqueue_dma source(%dma_start3A_70 : memref<632x32xf32, #tpu.memory_space<vmem_shared>>) target(%dma_start3A_68 : memref<632x32xf32, #tpu.memory_space<hbm>>) target_semaphore(%run_scoped3A_67 : memref<!tpu.dma_semaphore, #tpu.memory_space<semaphore_mem>>)
      %dma_wait3A_71 = tpu.memref_slice %arg6[%mul3A_0, %mul3A_2] : memref<10112x64xf32, #tpu.memory_space<hbm>> -> memref<632x32xf32, #tpu.memory_space<hbm>>
      %dma_wait3A_72 = arith.constant 0 : i32
      %dma_wait3A_73 = tpu.memref_slice %arg8[%mul3A_0, %dma_wait3A_72] : memref<10112x32xf32, #tpu.memory_space<vmem_shared>> -> memref<632x32xf32, #tpu.memory_space<vmem_shared>>
      tpu.wait_dma2 semaphore(%run_scoped3A_67 : memref<!tpu.dma_semaphore, #tpu.memory_space<semaphore_mem>>) src(%dma_wait3A_73 : memref<632x32xf32, #tpu.memory_space<vmem_shared>>) dst(%dma_wait3A_71 : memref<632x32xf32, #tpu.memory_space<hbm>>)
      tpu.yield
    }) : () -> ()
    return
  }
}

#map = affine_map<(d0, d1) -> (0, 0)>
#map1 = affine_map<(d0, d1) -> (0, 0, 0)>
module attributes {stable_mosaic.version = 14 : i64} {
  func.func @k(%arg0: i32, %arg1: i32, %arg2: memref<10112x32xf32, #tpu.memory_space<hbm>>, %arg3: memref<16x157x128xi32, #tpu.memory_space<hbm>>, %arg4: memref<16x157x128xi32, #tpu.memory_space<hbm>>, %arg5: memref<10112x16xf32, #tpu.memory_space<hbm>>, %arg6: memref<10112x32xf32, #tpu.memory_space<hbm>>, %arg7: memref<10112x16xf32, #tpu.memory_space<vmem_shared>>, %arg8: memref<10112x16xf32, #tpu.memory_space<vmem_shared>>, %arg9: memref<157x128xi32, #tpu.memory_space<vmem>>, %arg10: memref<157x128xi32, #tpu.memory_space<vmem>>, %arg11: memref<128x16xf32, #tpu.memory_space<vmem>>, %arg12: memref<128x16xf32, #tpu.memory_space<vmem>>, %arg13: memref<!tpu.dma_semaphore, #tpu.memory_space<semaphore_mem>>, %arg14: memref<!tpu.dma_semaphore, #tpu.memory_space<semaphore_mem>>) attributes {dimension_semantics = [#tpu.dimension_semantics<core_parallel>, #tpu.dimension_semantics<subcore_parallel>], iteration_bounds = array<i64: 2, 16>, scalar_prefetch = 0 : i64, scratch_operands = 8 : i64, tpu.core_type = #tpu.core_type<sc_vector_subcore>, window_params = [{transform_indices = #map}, {transform_indices = #map1}, {transform_indices = #map1}, {transform_indices = #map}, {transform_indices = #map}]} {
    %mul3A = arith.constant 632 : i32
    %mul3A_0 = arith.muli %arg1, %mul3A : i32
    %mul3A_1 = arith.constant 16 : i32
    %mul3A_2 = arith.muli %arg0, %mul3A_1 : i32
    %dma_start3A = arith.constant 0 : i32
    %dma_start3A_3 = tpu.memref_slice %arg7[%mul3A_0, %dma_start3A] : memref<10112x16xf32, #tpu.memory_space<vmem_shared>> -> memref<632x16xf32, #tpu.memory_space<vmem_shared>>
    %dma_start3A_4 = tpu.memref_slice %arg2[%mul3A_0, %mul3A_2] : memref<10112x32xf32, #tpu.memory_space<hbm>> -> memref<632x16xf32, #tpu.memory_space<hbm>>
    tpu.enqueue_dma source(%dma_start3A_4 : memref<632x16xf32, #tpu.memory_space<hbm>>) target(%dma_start3A_3 : memref<632x16xf32, #tpu.memory_space<vmem_shared>>) target_semaphore(%arg13 : memref<!tpu.dma_semaphore, #tpu.memory_space<semaphore_mem>>)
    %dma_start3A_5 = arith.constant 0 : i32
    %dma_start3A_6 = tpu.memref_slice %arg8[%mul3A_0, %dma_start3A_5] : memref<10112x16xf32, #tpu.memory_space<vmem_shared>> -> memref<632x16xf32, #tpu.memory_space<vmem_shared>>
    %dma_start3A_7 = arith.constant 0 : i32
    %dma_start3A_8 = tpu.memref_slice %arg5[%mul3A_0, %dma_start3A_7] : memref<10112x16xf32, #tpu.memory_space<hbm>> -> memref<632x16xf32, #tpu.memory_space<hbm>>
    tpu.enqueue_dma source(%dma_start3A_8 : memref<632x16xf32, #tpu.memory_space<hbm>>) target(%dma_start3A_6 : memref<632x16xf32, #tpu.memory_space<vmem_shared>>) target_semaphore(%arg14 : memref<!tpu.dma_semaphore, #tpu.memory_space<semaphore_mem>>)
    %dma_start3A_9 = arith.constant 0 : i32
    %dma_start3A_10 = arith.constant 0 : i32
    %dma_start3A_11 = tpu.memref_slice %arg3[%arg1, %dma_start3A_9, %dma_start3A_10] : memref<16x157x128xi32, #tpu.memory_space<hbm>> -> memref<1x157x128xi32, #tpu.memory_space<hbm>>
    %dma_start3A_12 = tpu.memref_squeeze %dma_start3A_11 : memref<1x157x128xi32, #tpu.memory_space<hbm>> -> memref<157x128xi32, #tpu.memory_space<hbm>>
    %dma_start3A_13 = arith.constant 0 : i32
    %dma_start3A_14 = arith.constant 0 : i32
    %dma_start3A_15 = tpu.memref_slice %arg3[%arg1, %dma_start3A_13, %dma_start3A_14] : memref<16x157x128xi32, #tpu.memory_space<hbm>> -> memref<1x157x128xi32, #tpu.memory_space<hbm>>
    %dma_start3A_16 = tpu.memref_squeeze %dma_start3A_15 : memref<1x157x128xi32, #tpu.memory_space<hbm>> -> memref<157x128xi32, #tpu.memory_space<hbm>>
    tpu.enqueue_dma source(%dma_start3A_16 : memref<157x128xi32, #tpu.memory_space<hbm>>) target(%arg9 : memref<157x128xi32, #tpu.memory_space<vmem>>) target_semaphore(%arg13 : memref<!tpu.dma_semaphore, #tpu.memory_space<semaphore_mem>>)
    %dma_start3A_17 = arith.constant 0 : i32
    %dma_start3A_18 = arith.constant 0 : i32
    %dma_start3A_19 = tpu.memref_slice %arg4[%arg1, %dma_start3A_17, %dma_start3A_18] : memref<16x157x128xi32, #tpu.memory_space<hbm>> -> memref<1x157x128xi32, #tpu.memory_space<hbm>>
    %dma_start3A_20 = tpu.memref_squeeze %dma_start3A_19 : memref<1x157x128xi32, #tpu.memory_space<hbm>> -> memref<157x128xi32, #tpu.memory_space<hbm>>
    %dma_start3A_21 = arith.constant 0 : i32
    %dma_start3A_22 = arith.constant 0 : i32
    %dma_start3A_23 = tpu.memref_slice %arg4[%arg1, %dma_start3A_21, %dma_start3A_22] : memref<16x157x128xi32, #tpu.memory_space<hbm>> -> memref<1x157x128xi32, #tpu.memory_space<hbm>>
    %dma_start3A_24 = tpu.memref_squeeze %dma_start3A_23 : memref<1x157x128xi32, #tpu.memory_space<hbm>> -> memref<157x128xi32, #tpu.memory_space<hbm>>
    tpu.enqueue_dma source(%dma_start3A_24 : memref<157x128xi32, #tpu.memory_space<hbm>>) target(%arg10 : memref<157x128xi32, #tpu.memory_space<vmem>>) target_semaphore(%arg14 : memref<!tpu.dma_semaphore, #tpu.memory_space<semaphore_mem>>)
    %dma_wait3A = arith.constant 0 : i32
    %dma_wait3A_25 = tpu.memref_slice %arg7[%mul3A_0, %dma_wait3A] : memref<10112x16xf32, #tpu.memory_space<vmem_shared>> -> memref<632x16xf32, #tpu.memory_space<vmem_shared>>
    %dma_wait3A_26 = tpu.memref_slice %arg2[%mul3A_0, %mul3A_2] : memref<10112x32xf32, #tpu.memory_space<hbm>> -> memref<632x16xf32, #tpu.memory_space<hbm>>
    tpu.wait_dma2 semaphore(%arg13 : memref<!tpu.dma_semaphore, #tpu.memory_space<semaphore_mem>>) src(%dma_wait3A_26 : memref<632x16xf32, #tpu.memory_space<hbm>>) dst(%dma_wait3A_25 : memref<632x16xf32, #tpu.memory_space<vmem_shared>>)
    %dma_wait3A_27 = arith.constant 0 : i32
    %dma_wait3A_28 = tpu.memref_slice %arg8[%mul3A_0, %dma_wait3A_27] : memref<10112x16xf32, #tpu.memory_space<vmem_shared>> -> memref<632x16xf32, #tpu.memory_space<vmem_shared>>
    %dma_wait3A_29 = arith.constant 0 : i32
    %dma_wait3A_30 = tpu.memref_slice %arg5[%mul3A_0, %dma_wait3A_29] : memref<10112x16xf32, #tpu.memory_space<hbm>> -> memref<632x16xf32, #tpu.memory_space<hbm>>
    tpu.wait_dma2 semaphore(%arg14 : memref<!tpu.dma_semaphore, #tpu.memory_space<semaphore_mem>>) src(%dma_wait3A_30 : memref<632x16xf32, #tpu.memory_space<hbm>>) dst(%dma_wait3A_28 : memref<632x16xf32, #tpu.memory_space<vmem_shared>>)
    %dma_wait3A_31 = arith.constant 0 : i32
    %dma_wait3A_32 = arith.constant 0 : i32
    %dma_wait3A_33 = tpu.memref_slice %arg3[%arg1, %dma_wait3A_31, %dma_wait3A_32] : memref<16x157x128xi32, #tpu.memory_space<hbm>> -> memref<1x157x128xi32, #tpu.memory_space<hbm>>
    %dma_wait3A_34 = tpu.memref_squeeze %dma_wait3A_33 : memref<1x157x128xi32, #tpu.memory_space<hbm>> -> memref<157x128xi32, #tpu.memory_space<hbm>>
    %dma_wait3A_35 = arith.constant 0 : i32
    %dma_wait3A_36 = arith.constant 0 : i32
    %dma_wait3A_37 = tpu.memref_slice %arg3[%arg1, %dma_wait3A_35, %dma_wait3A_36] : memref<16x157x128xi32, #tpu.memory_space<hbm>> -> memref<1x157x128xi32, #tpu.memory_space<hbm>>
    %dma_wait3A_38 = tpu.memref_squeeze %dma_wait3A_37 : memref<1x157x128xi32, #tpu.memory_space<hbm>> -> memref<157x128xi32, #tpu.memory_space<hbm>>
    tpu.wait_dma2 semaphore(%arg13 : memref<!tpu.dma_semaphore, #tpu.memory_space<semaphore_mem>>) src(%dma_wait3A_38 : memref<157x128xi32, #tpu.memory_space<hbm>>) dst(%arg9 : memref<157x128xi32, #tpu.memory_space<vmem>>)
    %dma_wait3A_39 = arith.constant 0 : i32
    %dma_wait3A_40 = arith.constant 0 : i32
    %dma_wait3A_41 = tpu.memref_slice %arg4[%arg1, %dma_wait3A_39, %dma_wait3A_40] : memref<16x157x128xi32, #tpu.memory_space<hbm>> -> memref<1x157x128xi32, #tpu.memory_space<hbm>>
    %dma_wait3A_42 = tpu.memref_squeeze %dma_wait3A_41 : memref<1x157x128xi32, #tpu.memory_space<hbm>> -> memref<157x128xi32, #tpu.memory_space<hbm>>
    %dma_wait3A_43 = arith.constant 0 : i32
    %dma_wait3A_44 = arith.constant 0 : i32
    %dma_wait3A_45 = tpu.memref_slice %arg4[%arg1, %dma_wait3A_43, %dma_wait3A_44] : memref<16x157x128xi32, #tpu.memory_space<hbm>> -> memref<1x157x128xi32, #tpu.memory_space<hbm>>
    %dma_wait3A_46 = tpu.memref_squeeze %dma_wait3A_45 : memref<1x157x128xi32, #tpu.memory_space<hbm>> -> memref<157x128xi32, #tpu.memory_space<hbm>>
    tpu.wait_dma2 semaphore(%arg14 : memref<!tpu.dma_semaphore, #tpu.memory_space<semaphore_mem>>) src(%dma_wait3A_46 : memref<157x128xi32, #tpu.memory_space<hbm>>) dst(%arg10 : memref<157x128xi32, #tpu.memory_space<vmem>>)
    %barrier3A = arith.constant 0 : index
    tpu.barrier barrier_id(%barrier3A)
    %dma_start3A_47 = arith.constant 0 : i32
    %dma_start3A_48 = arith.constant 0 : i32
    %dma_start3A_49 = tpu.memref_slice %arg9[%dma_start3A_47, %dma_start3A_48] : memref<157x128xi32, #tpu.memory_space<vmem>> -> memref<1x128xi32, #tpu.memory_space<vmem>>
    %dma_start3A_50 = tpu.memref_squeeze %dma_start3A_49 : memref<1x128xi32, #tpu.memory_space<vmem>> -> memref<128xi32, #tpu.memory_space<vmem>>
    %dma_start3A_51 = arith.constant 0 : i32
    %dma_start3A_52 = arith.constant 0 : i32
    %dma_start3A_53 = tpu.memref_slice %arg7[%dma_start3A_51, %dma_start3A_52] : memref<10112x16xf32, #tpu.memory_space<vmem_shared>> -> memref<10112x16xf32, #tpu.memory_space<vmem_shared>>
    tpu.enqueue_indirect_dma source(%dma_start3A_53 : memref<10112x16xf32, #tpu.memory_space<vmem_shared>>) target(%arg11 : memref<128x16xf32, #tpu.memory_space<vmem>>) offsets(%dma_start3A_50 : memref<128xi32, #tpu.memory_space<vmem>>) semaphore(%arg13 : memref<!tpu.dma_semaphore, #tpu.memory_space<semaphore_mem>>)
    %scan3A = arith.constant 0 : i32
    %scan3A_54 = arith.constant 0 : i32
    %scan3A_55 = arith.constant 78 : i32
    %scan3A_56 = arith.addi %scan3A_54, %scan3A_55 : i32
    %scan3A_57 = arith.constant 1 : i32
    scf.for %scan3A_67 = %scan3A_54 to %scan3A_56 step %scan3A_57  : i32 {
      %mul3A_68 = arith.constant 2 : i32
      %mul3A_69 = arith.muli %mul3A_68, %scan3A_67 : i32
      %add3A = arith.constant 1 : i32
      %add3A_70 = arith.addi %mul3A_69, %add3A : i32
      %dma_start3A_71 = arith.constant 0 : i32
      %dma_start3A_72 = tpu.memref_slice %arg9[%add3A_70, %dma_start3A_71] : memref<157x128xi32, #tpu.memory_space<vmem>> -> memref<1x128xi32, #tpu.memory_space<vmem>>
      %dma_start3A_73 = tpu.memref_squeeze %dma_start3A_72 : memref<1x128xi32, #tpu.memory_space<vmem>> -> memref<128xi32, #tpu.memory_space<vmem>>
      %dma_start3A_74 = arith.constant 0 : i32
      %dma_start3A_75 = arith.constant 0 : i32
      %dma_start3A_76 = tpu.memref_slice %arg7[%dma_start3A_74, %dma_start3A_75] : memref<10112x16xf32, #tpu.memory_space<vmem_shared>> -> memref<10112x16xf32, #tpu.memory_space<vmem_shared>>
      tpu.enqueue_indirect_dma source(%dma_start3A_76 : memref<10112x16xf32, #tpu.memory_space<vmem_shared>>) target(%arg12 : memref<128x16xf32, #tpu.memory_space<vmem>>) offsets(%dma_start3A_73 : memref<128xi32, #tpu.memory_space<vmem>>) semaphore(%arg14 : memref<!tpu.dma_semaphore, #tpu.memory_space<semaphore_mem>>)
      %dma_wait3A_77 = arith.constant 0 : i32
      %dma_wait3A_78 = tpu.memref_slice %arg9[%mul3A_69, %dma_wait3A_77] : memref<157x128xi32, #tpu.memory_space<vmem>> -> memref<1x128xi32, #tpu.memory_space<vmem>>
      %dma_wait3A_79 = tpu.memref_squeeze %dma_wait3A_78 : memref<1x128xi32, #tpu.memory_space<vmem>> -> memref<128xi32, #tpu.memory_space<vmem>>
      %dma_wait3A_80 = arith.constant 0 : i32
      %dma_wait3A_81 = arith.constant 0 : i32
      %dma_wait3A_82 = tpu.memref_slice %arg7[%dma_wait3A_80, %dma_wait3A_81] : memref<10112x16xf32, #tpu.memory_space<vmem_shared>> -> memref<10112x16xf32, #tpu.memory_space<vmem_shared>>
      tpu.wait_indirect_dma semaphore(%arg13 : memref<!tpu.dma_semaphore, #tpu.memory_space<semaphore_mem>>) src(%dma_wait3A_82 : memref<10112x16xf32, #tpu.memory_space<vmem_shared>>) dst(%arg11 : memref<128x16xf32, #tpu.memory_space<vmem>>)
      "tpu.region"() ({
        %run_scoped3A_101 = tpu.sem_alloc : memref<!tpu.dma_semaphore, #tpu.memory_space<semaphore_mem>>
        %dma_start3A_102 = arith.constant 0 : i32
        %dma_start3A_103 = tpu.memref_slice %arg10[%mul3A_69, %dma_start3A_102] : memref<157x128xi32, #tpu.memory_space<vmem>> -> memref<1x128xi32, #tpu.memory_space<vmem>>
        %dma_start3A_104 = tpu.memref_squeeze %dma_start3A_103 : memref<1x128xi32, #tpu.memory_space<vmem>> -> memref<128xi32, #tpu.memory_space<vmem>>
        %dma_start3A_105 = arith.constant 0 : i32
        %dma_start3A_106 = arith.constant 0 : i32
        %dma_start3A_107 = tpu.memref_slice %arg8[%dma_start3A_105, %dma_start3A_106] : memref<10112x16xf32, #tpu.memory_space<vmem_shared>> -> memref<10112x16xf32, #tpu.memory_space<vmem_shared>>
        tpu.enqueue_indirect_dma source(%arg11 : memref<128x16xf32, #tpu.memory_space<vmem>>) target(%dma_start3A_107 : memref<10112x16xf32, #tpu.memory_space<vmem_shared>>) offsets(%dma_start3A_104 : memref<128xi32, #tpu.memory_space<vmem>>) semaphore(%run_scoped3A_101 : memref<!tpu.dma_semaphore, #tpu.memory_space<semaphore_mem>>) {add = true}
        %dma_wait3A_108 = arith.constant 0 : i32
        %dma_wait3A_109 = tpu.memref_slice %arg10[%mul3A_69, %dma_wait3A_108] : memref<157x128xi32, #tpu.memory_space<vmem>> -> memref<1x128xi32, #tpu.memory_space<vmem>>
        %dma_wait3A_110 = tpu.memref_squeeze %dma_wait3A_109 : memref<1x128xi32, #tpu.memory_space<vmem>> -> memref<128xi32, #tpu.memory_space<vmem>>
        %dma_wait3A_111 = arith.constant 0 : i32
        %dma_wait3A_112 = arith.constant 0 : i32
        %dma_wait3A_113 = tpu.memref_slice %arg8[%dma_wait3A_111, %dma_wait3A_112] : memref<10112x16xf32, #tpu.memory_space<vmem_shared>> -> memref<10112x16xf32, #tpu.memory_space<vmem_shared>>
        tpu.wait_indirect_dma semaphore(%run_scoped3A_101 : memref<!tpu.dma_semaphore, #tpu.memory_space<semaphore_mem>>) src(%arg11 : memref<128x16xf32, #tpu.memory_space<vmem>>) dst(%dma_wait3A_113 : memref<10112x16xf32, #tpu.memory_space<vmem_shared>>)
        tpu.yield
      }) : () -> ()
      %add3A_83 = arith.constant 2 : i32
      %add3A_84 = arith.addi %mul3A_69, %add3A_83 : i32
      %dma_start3A_85 = arith.constant 0 : i32
      %dma_start3A_86 = tpu.memref_slice %arg9[%add3A_84, %dma_start3A_85] : memref<157x128xi32, #tpu.memory_space<vmem>> -> memref<1x128xi32, #tpu.memory_space<vmem>>
      %dma_start3A_87 = tpu.memref_squeeze %dma_start3A_86 : memref<1x128xi32, #tpu.memory_space<vmem>> -> memref<128xi32, #tpu.memory_space<vmem>>
      %dma_start3A_88 = arith.constant 0 : i32
      %dma_start3A_89 = arith.constant 0 : i32
      %dma_start3A_90 = tpu.memref_slice %arg7[%dma_start3A_88, %dma_start3A_89] : memref<10112x16xf32, #tpu.memory_space<vmem_shared>> -> memref<10112x16xf32, #tpu.memory_space<vmem_shared>>
      tpu.enqueue_indirect_dma source(%dma_start3A_90 : memref<10112x16xf32, #tpu.memory_space<vmem_shared>>) target(%arg11 : memref<128x16xf32, #tpu.memory_space<vmem>>) offsets(%dma_start3A_87 : memref<128xi32, #tpu.memory_space<vmem>>) semaphore(%arg13 : memref<!tpu.dma_semaphore, #tpu.memory_space<semaphore_mem>>)
      %add3A_91 = arith.constant 1 : i32
      %add3A_92 = arith.addi %mul3A_69, %add3A_91 : i32
      %dma_wait3A_93 = arith.constant 0 : i32
      %dma_wait3A_94 = tpu.memref_slice %arg9[%add3A_92, %dma_wait3A_93] : memref<157x128xi32, #tpu.memory_space<vmem>> -> memref<1x128xi32, #tpu.memory_space<vmem>>
      %dma_wait3A_95 = tpu.memref_squeeze %dma_wait3A_94 : memref<1x128xi32, #tpu.memory_space<vmem>> -> memref<128xi32, #tpu.memory_space<vmem>>
      %dma_wait3A_96 = arith.constant 0 : i32
      %dma_wait3A_97 = arith.constant 0 : i32
      %dma_wait3A_98 = tpu.memref_slice %arg7[%dma_wait3A_96, %dma_wait3A_97] : memref<10112x16xf32, #tpu.memory_space<vmem_shared>> -> memref<10112x16xf32, #tpu.memory_space<vmem_shared>>
      tpu.wait_indirect_dma semaphore(%arg14 : memref<!tpu.dma_semaphore, #tpu.memory_space<semaphore_mem>>) src(%dma_wait3A_98 : memref<10112x16xf32, #tpu.memory_space<vmem_shared>>) dst(%arg12 : memref<128x16xf32, #tpu.memory_space<vmem>>)
      %add3A_99 = arith.constant 1 : i32
      %add3A_100 = arith.addi %mul3A_69, %add3A_99 : i32
      "tpu.region"() ({
        %run_scoped3A_101 = tpu.sem_alloc : memref<!tpu.dma_semaphore, #tpu.memory_space<semaphore_mem>>
        %dma_start3A_102 = arith.constant 0 : i32
        %dma_start3A_103 = tpu.memref_slice %arg10[%add3A_100, %dma_start3A_102] : memref<157x128xi32, #tpu.memory_space<vmem>> -> memref<1x128xi32, #tpu.memory_space<vmem>>
        %dma_start3A_104 = tpu.memref_squeeze %dma_start3A_103 : memref<1x128xi32, #tpu.memory_space<vmem>> -> memref<128xi32, #tpu.memory_space<vmem>>
        %dma_start3A_105 = arith.constant 0 : i32
        %dma_start3A_106 = arith.constant 0 : i32
        %dma_start3A_107 = tpu.memref_slice %arg8[%dma_start3A_105, %dma_start3A_106] : memref<10112x16xf32, #tpu.memory_space<vmem_shared>> -> memref<10112x16xf32, #tpu.memory_space<vmem_shared>>
        tpu.enqueue_indirect_dma source(%arg12 : memref<128x16xf32, #tpu.memory_space<vmem>>) target(%dma_start3A_107 : memref<10112x16xf32, #tpu.memory_space<vmem_shared>>) offsets(%dma_start3A_104 : memref<128xi32, #tpu.memory_space<vmem>>) semaphore(%run_scoped3A_101 : memref<!tpu.dma_semaphore, #tpu.memory_space<semaphore_mem>>) {add = true}
        %dma_wait3A_108 = arith.constant 0 : i32
        %dma_wait3A_109 = tpu.memref_slice %arg10[%add3A_100, %dma_wait3A_108] : memref<157x128xi32, #tpu.memory_space<vmem>> -> memref<1x128xi32, #tpu.memory_space<vmem>>
        %dma_wait3A_110 = tpu.memref_squeeze %dma_wait3A_109 : memref<1x128xi32, #tpu.memory_space<vmem>> -> memref<128xi32, #tpu.memory_space<vmem>>
        %dma_wait3A_111 = arith.constant 0 : i32
        %dma_wait3A_112 = arith.constant 0 : i32
        %dma_wait3A_113 = tpu.memref_slice %arg8[%dma_wait3A_111, %dma_wait3A_112] : memref<10112x16xf32, #tpu.memory_space<vmem_shared>> -> memref<10112x16xf32, #tpu.memory_space<vmem_shared>>
        tpu.wait_indirect_dma semaphore(%run_scoped3A_101 : memref<!tpu.dma_semaphore, #tpu.memory_space<semaphore_mem>>) src(%arg12 : memref<128x16xf32, #tpu.memory_space<vmem>>) dst(%dma_wait3A_113 : memref<10112x16xf32, #tpu.memory_space<vmem_shared>>)
        tpu.yield
      }) : () -> ()
    }
    %scan3A_58 = arith.constant 78 : i32
    %dma_wait3A_59 = arith.constant 156 : i32
    %dma_wait3A_60 = arith.constant 0 : i32
    %dma_wait3A_61 = tpu.memref_slice %arg9[%dma_wait3A_59, %dma_wait3A_60] : memref<157x128xi32, #tpu.memory_space<vmem>> -> memref<1x128xi32, #tpu.memory_space<vmem>>
    %dma_wait3A_62 = tpu.memref_squeeze %dma_wait3A_61 : memref<1x128xi32, #tpu.memory_space<vmem>> -> memref<128xi32, #tpu.memory_space<vmem>>
    %dma_wait3A_63 = arith.constant 0 : i32
    %dma_wait3A_64 = arith.constant 0 : i32
    %dma_wait3A_65 = tpu.memref_slice %arg7[%dma_wait3A_63, %dma_wait3A_64] : memref<10112x16xf32, #tpu.memory_space<vmem_shared>> -> memref<10112x16xf32, #tpu.memory_space<vmem_shared>>
    tpu.wait_indirect_dma semaphore(%arg13 : memref<!tpu.dma_semaphore, #tpu.memory_space<semaphore_mem>>) src(%dma_wait3A_65 : memref<10112x16xf32, #tpu.memory_space<vmem_shared>>) dst(%arg11 : memref<128x16xf32, #tpu.memory_space<vmem>>)
    %run_scoped3A = arith.constant 156 : i32
    "tpu.region"() ({
      %run_scoped3A_67 = tpu.sem_alloc : memref<!tpu.dma_semaphore, #tpu.memory_space<semaphore_mem>>
      %dma_start3A_68 = arith.constant 0 : i32
      %dma_start3A_69 = tpu.memref_slice %arg10[%run_scoped3A, %dma_start3A_68] : memref<157x128xi32, #tpu.memory_space<vmem>> -> memref<1x128xi32, #tpu.memory_space<vmem>>
      %dma_start3A_70 = tpu.memref_squeeze %dma_start3A_69 : memref<1x128xi32, #tpu.memory_space<vmem>> -> memref<128xi32, #tpu.memory_space<vmem>>
      %dma_start3A_71 = arith.constant 0 : i32
      %dma_start3A_72 = arith.constant 0 : i32
      %dma_start3A_73 = tpu.memref_slice %arg8[%dma_start3A_71, %dma_start3A_72] : memref<10112x16xf32, #tpu.memory_space<vmem_shared>> -> memref<10112x16xf32, #tpu.memory_space<vmem_shared>>
      tpu.enqueue_indirect_dma source(%arg11 : memref<128x16xf32, #tpu.memory_space<vmem>>) target(%dma_start3A_73 : memref<10112x16xf32, #tpu.memory_space<vmem_shared>>) offsets(%dma_start3A_70 : memref<128xi32, #tpu.memory_space<vmem>>) semaphore(%run_scoped3A_67 : memref<!tpu.dma_semaphore, #tpu.memory_space<semaphore_mem>>) {add = true}
      %dma_wait3A_74 = arith.constant 0 : i32
      %dma_wait3A_75 = tpu.memref_slice %arg10[%run_scoped3A, %dma_wait3A_74] : memref<157x128xi32, #tpu.memory_space<vmem>> -> memref<1x128xi32, #tpu.memory_space<vmem>>
      %dma_wait3A_76 = tpu.memref_squeeze %dma_wait3A_75 : memref<1x128xi32, #tpu.memory_space<vmem>> -> memref<128xi32, #tpu.memory_space<vmem>>
      %dma_wait3A_77 = arith.constant 0 : i32
      %dma_wait3A_78 = arith.constant 0 : i32
      %dma_wait3A_79 = tpu.memref_slice %arg8[%dma_wait3A_77, %dma_wait3A_78] : memref<10112x16xf32, #tpu.memory_space<vmem_shared>> -> memref<10112x16xf32, #tpu.memory_space<vmem_shared>>
      tpu.wait_indirect_dma semaphore(%run_scoped3A_67 : memref<!tpu.dma_semaphore, #tpu.memory_space<semaphore_mem>>) src(%arg11 : memref<128x16xf32, #tpu.memory_space<vmem>>) dst(%dma_wait3A_79 : memref<10112x16xf32, #tpu.memory_space<vmem_shared>>)
      tpu.yield
    }) : () -> ()
    %barrier3A_66 = arith.constant 0 : index
    tpu.barrier barrier_id(%barrier3A_66)
    "tpu.region"() ({
      %run_scoped3A_67 = tpu.sem_alloc : memref<!tpu.dma_semaphore, #tpu.memory_space<semaphore_mem>>
      %dma_start3A_68 = tpu.memref_slice %arg6[%mul3A_0, %mul3A_2] : memref<10112x32xf32, #tpu.memory_space<hbm>> -> memref<632x16xf32, #tpu.memory_space<hbm>>
      %dma_start3A_69 = arith.constant 0 : i32
      %dma_start3A_70 = tpu.memref_slice %arg8[%mul3A_0, %dma_start3A_69] : memref<10112x16xf32, #tpu.memory_space<vmem_shared>> -> memref<632x16xf32, #tpu.memory_space<vmem_shared>>
      tpu.enqueue_dma source(%dma_start3A_70 : memref<632x16xf32, #tpu.memory_space<vmem_shared>>) target(%dma_start3A_68 : memref<632x16xf32, #tpu.memory_space<hbm>>) target_semaphore(%run_scoped3A_67 : memref<!tpu.dma_semaphore, #tpu.memory_space<semaphore_mem>>)
      %dma_wait3A_71 = tpu.memref_slice %arg6[%mul3A_0, %mul3A_2] : memref<10112x32xf32, #tpu.memory_space<hbm>> -> memref<632x16xf32, #tpu.memory_space<hbm>>
      %dma_wait3A_72 = arith.constant 0 : i32
      %dma_wait3A_73 = tpu.memref_slice %arg8[%mul3A_0, %dma_wait3A_72] : memref<10112x16xf32, #tpu.memory_space<vmem_shared>> -> memref<632x16xf32, #tpu.memory_space<vmem_shared>>
      tpu.wait_dma2 semaphore(%run_scoped3A_67 : memref<!tpu.dma_semaphore, #tpu.memory_space<semaphore_mem>>) src(%dma_wait3A_73 : memref<632x16xf32, #tpu.memory_space<vmem_shared>>) dst(%dma_wait3A_71 : memref<632x16xf32, #tpu.memory_space<hbm>>)
      tpu.yield
    }) : () -> ()
    return
  }
}

#map = affine_map<(d0, d1) -> (0, 0)>
#map1 = affine_map<(d0, d1) -> (0, 0, 0)>
module attributes {stable_mosaic.version = 14 : i64} {
  func.func @k(%arg0: i32, %arg1: i32, %arg2: memref<10112x32xf32, #tpu.memory_space<hbm>>, %arg3: memref<16x157x128xi32, #tpu.memory_space<hbm>>, %arg4: memref<16x157x128xi32, #tpu.memory_space<hbm>>, %arg5: memref<10112x16xf32, #tpu.memory_space<hbm>>, %arg6: memref<10112x32xf32, #tpu.memory_space<hbm>>, %arg7: memref<10112x16xf32, #tpu.memory_space<vmem_shared>>, %arg8: memref<10112x16xf32, #tpu.memory_space<vmem_shared>>, %arg9: memref<157x128xi32, #tpu.memory_space<vmem>>, %arg10: memref<157x128xi32, #tpu.memory_space<vmem>>, %arg11: memref<128x16xf32, #tpu.memory_space<vmem>>, %arg12: memref<128x16xf32, #tpu.memory_space<vmem>>, %arg13: memref<!tpu.dma_semaphore, #tpu.memory_space<semaphore_mem>>, %arg14: memref<!tpu.dma_semaphore, #tpu.memory_space<semaphore_mem>>) attributes {dimension_semantics = [#tpu.dimension_semantics<core_parallel>, #tpu.dimension_semantics<subcore_parallel>], iteration_bounds = array<i64: 2, 16>, scalar_prefetch = 0 : i64, scratch_operands = 8 : i64, tpu.core_type = #tpu.core_type<sc_vector_subcore>, window_params = [{transform_indices = #map}, {transform_indices = #map1}, {transform_indices = #map1}, {transform_indices = #map}, {transform_indices = #map}]} {
    %mul3A = arith.constant 632 : i32
    %mul3A_0 = arith.muli %arg1, %mul3A : i32
    %mul3A_1 = arith.constant 16 : i32
    %mul3A_2 = arith.muli %arg0, %mul3A_1 : i32
    %dma_start3A = arith.constant 0 : i32
    %dma_start3A_3 = tpu.memref_slice %arg7[%mul3A_0, %dma_start3A] : memref<10112x16xf32, #tpu.memory_space<vmem_shared>> -> memref<632x16xf32, #tpu.memory_space<vmem_shared>>
    %dma_start3A_4 = tpu.memref_slice %arg2[%mul3A_0, %mul3A_2] : memref<10112x32xf32, #tpu.memory_space<hbm>> -> memref<632x16xf32, #tpu.memory_space<hbm>>
    tpu.enqueue_dma source(%dma_start3A_4 : memref<632x16xf32, #tpu.memory_space<hbm>>) target(%dma_start3A_3 : memref<632x16xf32, #tpu.memory_space<vmem_shared>>) target_semaphore(%arg13 : memref<!tpu.dma_semaphore, #tpu.memory_space<semaphore_mem>>)
    %dma_start3A_5 = arith.constant 0 : i32
    %dma_start3A_6 = tpu.memref_slice %arg8[%mul3A_0, %dma_start3A_5] : memref<10112x16xf32, #tpu.memory_space<vmem_shared>> -> memref<632x16xf32, #tpu.memory_space<vmem_shared>>
    %dma_start3A_7 = arith.constant 0 : i32
    %dma_start3A_8 = tpu.memref_slice %arg5[%mul3A_0, %dma_start3A_7] : memref<10112x16xf32, #tpu.memory_space<hbm>> -> memref<632x16xf32, #tpu.memory_space<hbm>>
    tpu.enqueue_dma source(%dma_start3A_8 : memref<632x16xf32, #tpu.memory_space<hbm>>) target(%dma_start3A_6 : memref<632x16xf32, #tpu.memory_space<vmem_shared>>) target_semaphore(%arg14 : memref<!tpu.dma_semaphore, #tpu.memory_space<semaphore_mem>>)
    %dma_start3A_9 = arith.constant 0 : i32
    %dma_start3A_10 = arith.constant 0 : i32
    %dma_start3A_11 = tpu.memref_slice %arg3[%arg1, %dma_start3A_9, %dma_start3A_10] : memref<16x157x128xi32, #tpu.memory_space<hbm>> -> memref<1x157x128xi32, #tpu.memory_space<hbm>>
    %dma_start3A_12 = tpu.memref_squeeze %dma_start3A_11 : memref<1x157x128xi32, #tpu.memory_space<hbm>> -> memref<157x128xi32, #tpu.memory_space<hbm>>
    %dma_start3A_13 = arith.constant 0 : i32
    %dma_start3A_14 = arith.constant 0 : i32
    %dma_start3A_15 = tpu.memref_slice %arg3[%arg1, %dma_start3A_13, %dma_start3A_14] : memref<16x157x128xi32, #tpu.memory_space<hbm>> -> memref<1x157x128xi32, #tpu.memory_space<hbm>>
    %dma_start3A_16 = tpu.memref_squeeze %dma_start3A_15 : memref<1x157x128xi32, #tpu.memory_space<hbm>> -> memref<157x128xi32, #tpu.memory_space<hbm>>
    tpu.enqueue_dma source(%dma_start3A_16 : memref<157x128xi32, #tpu.memory_space<hbm>>) target(%arg9 : memref<157x128xi32, #tpu.memory_space<vmem>>) target_semaphore(%arg13 : memref<!tpu.dma_semaphore, #tpu.memory_space<semaphore_mem>>)
    %dma_start3A_17 = arith.constant 0 : i32
    %dma_start3A_18 = arith.constant 0 : i32
    %dma_start3A_19 = tpu.memref_slice %arg4[%arg1, %dma_start3A_17, %dma_start3A_18] : memref<16x157x128xi32, #tpu.memory_space<hbm>> -> memref<1x157x128xi32, #tpu.memory_space<hbm>>
    %dma_start3A_20 = tpu.memref_squeeze %dma_start3A_19 : memref<1x157x128xi32, #tpu.memory_space<hbm>> -> memref<157x128xi32, #tpu.memory_space<hbm>>
    %dma_start3A_21 = arith.constant 0 : i32
    %dma_start3A_22 = arith.constant 0 : i32
    %dma_start3A_23 = tpu.memref_slice %arg4[%arg1, %dma_start3A_21, %dma_start3A_22] : memref<16x157x128xi32, #tpu.memory_space<hbm>> -> memref<1x157x128xi32, #tpu.memory_space<hbm>>
    %dma_start3A_24 = tpu.memref_squeeze %dma_start3A_23 : memref<1x157x128xi32, #tpu.memory_space<hbm>> -> memref<157x128xi32, #tpu.memory_space<hbm>>
    tpu.enqueue_dma source(%dma_start3A_24 : memref<157x128xi32, #tpu.memory_space<hbm>>) target(%arg10 : memref<157x128xi32, #tpu.memory_space<vmem>>) target_semaphore(%arg14 : memref<!tpu.dma_semaphore, #tpu.memory_space<semaphore_mem>>)
    %dma_wait3A = arith.constant 0 : i32
    %dma_wait3A_25 = tpu.memref_slice %arg7[%mul3A_0, %dma_wait3A] : memref<10112x16xf32, #tpu.memory_space<vmem_shared>> -> memref<632x16xf32, #tpu.memory_space<vmem_shared>>
    %dma_wait3A_26 = tpu.memref_slice %arg2[%mul3A_0, %mul3A_2] : memref<10112x32xf32, #tpu.memory_space<hbm>> -> memref<632x16xf32, #tpu.memory_space<hbm>>
    tpu.wait_dma2 semaphore(%arg13 : memref<!tpu.dma_semaphore, #tpu.memory_space<semaphore_mem>>) src(%dma_wait3A_26 : memref<632x16xf32, #tpu.memory_space<hbm>>) dst(%dma_wait3A_25 : memref<632x16xf32, #tpu.memory_space<vmem_shared>>)
    %dma_wait3A_27 = arith.constant 0 : i32
    %dma_wait3A_28 = tpu.memref_slice %arg8[%mul3A_0, %dma_wait3A_27] : memref<10112x16xf32, #tpu.memory_space<vmem_shared>> -> memref<632x16xf32, #tpu.memory_space<vmem_shared>>
    %dma_wait3A_29 = arith.constant 0 : i32
    %dma_wait3A_30 = tpu.memref_slice %arg5[%mul3A_0, %dma_wait3A_29] : memref<10112x16xf32, #tpu.memory_space<hbm>> -> memref<632x16xf32, #tpu.memory_space<hbm>>
    tpu.wait_dma2 semaphore(%arg14 : memref<!tpu.dma_semaphore, #tpu.memory_space<semaphore_mem>>) src(%dma_wait3A_30 : memref<632x16xf32, #tpu.memory_space<hbm>>) dst(%dma_wait3A_28 : memref<632x16xf32, #tpu.memory_space<vmem_shared>>)
    %dma_wait3A_31 = arith.constant 0 : i32
    %dma_wait3A_32 = arith.constant 0 : i32
    %dma_wait3A_33 = tpu.memref_slice %arg3[%arg1, %dma_wait3A_31, %dma_wait3A_32] : memref<16x157x128xi32, #tpu.memory_space<hbm>> -> memref<1x157x128xi32, #tpu.memory_space<hbm>>
    %dma_wait3A_34 = tpu.memref_squeeze %dma_wait3A_33 : memref<1x157x128xi32, #tpu.memory_space<hbm>> -> memref<157x128xi32, #tpu.memory_space<hbm>>
    %dma_wait3A_35 = arith.constant 0 : i32
    %dma_wait3A_36 = arith.constant 0 : i32
    %dma_wait3A_37 = tpu.memref_slice %arg3[%arg1, %dma_wait3A_35, %dma_wait3A_36] : memref<16x157x128xi32, #tpu.memory_space<hbm>> -> memref<1x157x128xi32, #tpu.memory_space<hbm>>
    %dma_wait3A_38 = tpu.memref_squeeze %dma_wait3A_37 : memref<1x157x128xi32, #tpu.memory_space<hbm>> -> memref<157x128xi32, #tpu.memory_space<hbm>>
    tpu.wait_dma2 semaphore(%arg13 : memref<!tpu.dma_semaphore, #tpu.memory_space<semaphore_mem>>) src(%dma_wait3A_38 : memref<157x128xi32, #tpu.memory_space<hbm>>) dst(%arg9 : memref<157x128xi32, #tpu.memory_space<vmem>>)
    %dma_wait3A_39 = arith.constant 0 : i32
    %dma_wait3A_40 = arith.constant 0 : i32
    %dma_wait3A_41 = tpu.memref_slice %arg4[%arg1, %dma_wait3A_39, %dma_wait3A_40] : memref<16x157x128xi32, #tpu.memory_space<hbm>> -> memref<1x157x128xi32, #tpu.memory_space<hbm>>
    %dma_wait3A_42 = tpu.memref_squeeze %dma_wait3A_41 : memref<1x157x128xi32, #tpu.memory_space<hbm>> -> memref<157x128xi32, #tpu.memory_space<hbm>>
    %dma_wait3A_43 = arith.constant 0 : i32
    %dma_wait3A_44 = arith.constant 0 : i32
    %dma_wait3A_45 = tpu.memref_slice %arg4[%arg1, %dma_wait3A_43, %dma_wait3A_44] : memref<16x157x128xi32, #tpu.memory_space<hbm>> -> memref<1x157x128xi32, #tpu.memory_space<hbm>>
    %dma_wait3A_46 = tpu.memref_squeeze %dma_wait3A_45 : memref<1x157x128xi32, #tpu.memory_space<hbm>> -> memref<157x128xi32, #tpu.memory_space<hbm>>
    tpu.wait_dma2 semaphore(%arg14 : memref<!tpu.dma_semaphore, #tpu.memory_space<semaphore_mem>>) src(%dma_wait3A_46 : memref<157x128xi32, #tpu.memory_space<hbm>>) dst(%arg10 : memref<157x128xi32, #tpu.memory_space<vmem>>)
    %barrier3A = arith.constant 0 : index
    tpu.barrier barrier_id(%barrier3A)
    %dma_start3A_47 = arith.constant 0 : i32
    %dma_start3A_48 = arith.constant 0 : i32
    %dma_start3A_49 = tpu.memref_slice %arg9[%dma_start3A_47, %dma_start3A_48] : memref<157x128xi32, #tpu.memory_space<vmem>> -> memref<1x128xi32, #tpu.memory_space<vmem>>
    %dma_start3A_50 = tpu.memref_squeeze %dma_start3A_49 : memref<1x128xi32, #tpu.memory_space<vmem>> -> memref<128xi32, #tpu.memory_space<vmem>>
    %dma_start3A_51 = arith.constant 0 : i32
    %dma_start3A_52 = arith.constant 0 : i32
    %dma_start3A_53 = tpu.memref_slice %arg7[%dma_start3A_51, %dma_start3A_52] : memref<10112x16xf32, #tpu.memory_space<vmem_shared>> -> memref<10112x16xf32, #tpu.memory_space<vmem_shared>>
    tpu.enqueue_indirect_dma source(%dma_start3A_53 : memref<10112x16xf32, #tpu.memory_space<vmem_shared>>) target(%arg11 : memref<128x16xf32, #tpu.memory_space<vmem>>) offsets(%dma_start3A_50 : memref<128xi32, #tpu.memory_space<vmem>>) semaphore(%arg13 : memref<!tpu.dma_semaphore, #tpu.memory_space<semaphore_mem>>)
    %scan3A = arith.constant 0 : i32
    %scan3A_54 = arith.constant 0 : i32
    %scan3A_55 = arith.constant 78 : i32
    %scan3A_56 = arith.addi %scan3A_54, %scan3A_55 : i32
    %scan3A_57 = arith.constant 1 : i32
    scf.for %scan3A_67 = %scan3A_54 to %scan3A_56 step %scan3A_57  : i32 {
      %mul3A_68 = arith.constant 2 : i32
      %mul3A_69 = arith.muli %mul3A_68, %scan3A_67 : i32
      %add3A = arith.constant 1 : i32
      %add3A_70 = arith.addi %mul3A_69, %add3A : i32
      %dma_start3A_71 = arith.constant 0 : i32
      %dma_start3A_72 = tpu.memref_slice %arg9[%add3A_70, %dma_start3A_71] : memref<157x128xi32, #tpu.memory_space<vmem>> -> memref<1x128xi32, #tpu.memory_space<vmem>>
      %dma_start3A_73 = tpu.memref_squeeze %dma_start3A_72 : memref<1x128xi32, #tpu.memory_space<vmem>> -> memref<128xi32, #tpu.memory_space<vmem>>
      %dma_start3A_74 = arith.constant 0 : i32
      %dma_start3A_75 = arith.constant 0 : i32
      %dma_start3A_76 = tpu.memref_slice %arg7[%dma_start3A_74, %dma_start3A_75] : memref<10112x16xf32, #tpu.memory_space<vmem_shared>> -> memref<10112x16xf32, #tpu.memory_space<vmem_shared>>
      tpu.enqueue_indirect_dma source(%dma_start3A_76 : memref<10112x16xf32, #tpu.memory_space<vmem_shared>>) target(%arg12 : memref<128x16xf32, #tpu.memory_space<vmem>>) offsets(%dma_start3A_73 : memref<128xi32, #tpu.memory_space<vmem>>) semaphore(%arg14 : memref<!tpu.dma_semaphore, #tpu.memory_space<semaphore_mem>>)
      %dma_wait3A_77 = arith.constant 0 : i32
      %dma_wait3A_78 = tpu.memref_slice %arg9[%mul3A_69, %dma_wait3A_77] : memref<157x128xi32, #tpu.memory_space<vmem>> -> memref<1x128xi32, #tpu.memory_space<vmem>>
      %dma_wait3A_79 = tpu.memref_squeeze %dma_wait3A_78 : memref<1x128xi32, #tpu.memory_space<vmem>> -> memref<128xi32, #tpu.memory_space<vmem>>
      %dma_wait3A_80 = arith.constant 0 : i32
      %dma_wait3A_81 = arith.constant 0 : i32
      %dma_wait3A_82 = tpu.memref_slice %arg7[%dma_wait3A_80, %dma_wait3A_81] : memref<10112x16xf32, #tpu.memory_space<vmem_shared>> -> memref<10112x16xf32, #tpu.memory_space<vmem_shared>>
      tpu.wait_indirect_dma semaphore(%arg13 : memref<!tpu.dma_semaphore, #tpu.memory_space<semaphore_mem>>) src(%dma_wait3A_82 : memref<10112x16xf32, #tpu.memory_space<vmem_shared>>) dst(%arg11 : memref<128x16xf32, #tpu.memory_space<vmem>>)
      "tpu.region"() ({
        %run_scoped3A_101 = tpu.sem_alloc : memref<!tpu.dma_semaphore, #tpu.memory_space<semaphore_mem>>
        %dma_start3A_102 = arith.constant 0 : i32
        %dma_start3A_103 = tpu.memref_slice %arg10[%mul3A_69, %dma_start3A_102] : memref<157x128xi32, #tpu.memory_space<vmem>> -> memref<1x128xi32, #tpu.memory_space<vmem>>
        %dma_start3A_104 = tpu.memref_squeeze %dma_start3A_103 : memref<1x128xi32, #tpu.memory_space<vmem>> -> memref<128xi32, #tpu.memory_space<vmem>>
        %dma_start3A_105 = arith.constant 0 : i32
        %dma_start3A_106 = arith.constant 0 : i32
        %dma_start3A_107 = tpu.memref_slice %arg8[%dma_start3A_105, %dma_start3A_106] : memref<10112x16xf32, #tpu.memory_space<vmem_shared>> -> memref<10112x16xf32, #tpu.memory_space<vmem_shared>>
        tpu.enqueue_indirect_dma source(%arg11 : memref<128x16xf32, #tpu.memory_space<vmem>>) target(%dma_start3A_107 : memref<10112x16xf32, #tpu.memory_space<vmem_shared>>) offsets(%dma_start3A_104 : memref<128xi32, #tpu.memory_space<vmem>>) semaphore(%run_scoped3A_101 : memref<!tpu.dma_semaphore, #tpu.memory_space<semaphore_mem>>) {add = true}
        %dma_wait3A_108 = arith.constant 0 : i32
        %dma_wait3A_109 = tpu.memref_slice %arg10[%mul3A_69, %dma_wait3A_108] : memref<157x128xi32, #tpu.memory_space<vmem>> -> memref<1x128xi32, #tpu.memory_space<vmem>>
        %dma_wait3A_110 = tpu.memref_squeeze %dma_wait3A_109 : memref<1x128xi32, #tpu.memory_space<vmem>> -> memref<128xi32, #tpu.memory_space<vmem>>
        %dma_wait3A_111 = arith.constant 0 : i32
        %dma_wait3A_112 = arith.constant 0 : i32
        %dma_wait3A_113 = tpu.memref_slice %arg8[%dma_wait3A_111, %dma_wait3A_112] : memref<10112x16xf32, #tpu.memory_space<vmem_shared>> -> memref<10112x16xf32, #tpu.memory_space<vmem_shared>>
        tpu.wait_indirect_dma semaphore(%run_scoped3A_101 : memref<!tpu.dma_semaphore, #tpu.memory_space<semaphore_mem>>) src(%arg11 : memref<128x16xf32, #tpu.memory_space<vmem>>) dst(%dma_wait3A_113 : memref<10112x16xf32, #tpu.memory_space<vmem_shared>>)
        tpu.yield
      }) : () -> ()
      %add3A_83 = arith.constant 2 : i32
      %add3A_84 = arith.addi %mul3A_69, %add3A_83 : i32
      %dma_start3A_85 = arith.constant 0 : i32
      %dma_start3A_86 = tpu.memref_slice %arg9[%add3A_84, %dma_start3A_85] : memref<157x128xi32, #tpu.memory_space<vmem>> -> memref<1x128xi32, #tpu.memory_space<vmem>>
      %dma_start3A_87 = tpu.memref_squeeze %dma_start3A_86 : memref<1x128xi32, #tpu.memory_space<vmem>> -> memref<128xi32, #tpu.memory_space<vmem>>
      %dma_start3A_88 = arith.constant 0 : i32
      %dma_start3A_89 = arith.constant 0 : i32
      %dma_start3A_90 = tpu.memref_slice %arg7[%dma_start3A_88, %dma_start3A_89] : memref<10112x16xf32, #tpu.memory_space<vmem_shared>> -> memref<10112x16xf32, #tpu.memory_space<vmem_shared>>
      tpu.enqueue_indirect_dma source(%dma_start3A_90 : memref<10112x16xf32, #tpu.memory_space<vmem_shared>>) target(%arg11 : memref<128x16xf32, #tpu.memory_space<vmem>>) offsets(%dma_start3A_87 : memref<128xi32, #tpu.memory_space<vmem>>) semaphore(%arg13 : memref<!tpu.dma_semaphore, #tpu.memory_space<semaphore_mem>>)
      %add3A_91 = arith.constant 1 : i32
      %add3A_92 = arith.addi %mul3A_69, %add3A_91 : i32
      %dma_wait3A_93 = arith.constant 0 : i32
      %dma_wait3A_94 = tpu.memref_slice %arg9[%add3A_92, %dma_wait3A_93] : memref<157x128xi32, #tpu.memory_space<vmem>> -> memref<1x128xi32, #tpu.memory_space<vmem>>
      %dma_wait3A_95 = tpu.memref_squeeze %dma_wait3A_94 : memref<1x128xi32, #tpu.memory_space<vmem>> -> memref<128xi32, #tpu.memory_space<vmem>>
      %dma_wait3A_96 = arith.constant 0 : i32
      %dma_wait3A_97 = arith.constant 0 : i32
      %dma_wait3A_98 = tpu.memref_slice %arg7[%dma_wait3A_96, %dma_wait3A_97] : memref<10112x16xf32, #tpu.memory_space<vmem_shared>> -> memref<10112x16xf32, #tpu.memory_space<vmem_shared>>
      tpu.wait_indirect_dma semaphore(%arg14 : memref<!tpu.dma_semaphore, #tpu.memory_space<semaphore_mem>>) src(%dma_wait3A_98 : memref<10112x16xf32, #tpu.memory_space<vmem_shared>>) dst(%arg12 : memref<128x16xf32, #tpu.memory_space<vmem>>)
      %add3A_99 = arith.constant 1 : i32
      %add3A_100 = arith.addi %mul3A_69, %add3A_99 : i32
      "tpu.region"() ({
        %run_scoped3A_101 = tpu.sem_alloc : memref<!tpu.dma_semaphore, #tpu.memory_space<semaphore_mem>>
        %dma_start3A_102 = arith.constant 0 : i32
        %dma_start3A_103 = tpu.memref_slice %arg10[%add3A_100, %dma_start3A_102] : memref<157x128xi32, #tpu.memory_space<vmem>> -> memref<1x128xi32, #tpu.memory_space<vmem>>
        %dma_start3A_104 = tpu.memref_squeeze %dma_start3A_103 : memref<1x128xi32, #tpu.memory_space<vmem>> -> memref<128xi32, #tpu.memory_space<vmem>>
        %dma_start3A_105 = arith.constant 0 : i32
        %dma_start3A_106 = arith.constant 0 : i32
        %dma_start3A_107 = tpu.memref_slice %arg8[%dma_start3A_105, %dma_start3A_106] : memref<10112x16xf32, #tpu.memory_space<vmem_shared>> -> memref<10112x16xf32, #tpu.memory_space<vmem_shared>>
        tpu.enqueue_indirect_dma source(%arg12 : memref<128x16xf32, #tpu.memory_space<vmem>>) target(%dma_start3A_107 : memref<10112x16xf32, #tpu.memory_space<vmem_shared>>) offsets(%dma_start3A_104 : memref<128xi32, #tpu.memory_space<vmem>>) semaphore(%run_scoped3A_101 : memref<!tpu.dma_semaphore, #tpu.memory_space<semaphore_mem>>) {add = true}
        %dma_wait3A_108 = arith.constant 0 : i32
        %dma_wait3A_109 = tpu.memref_slice %arg10[%add3A_100, %dma_wait3A_108] : memref<157x128xi32, #tpu.memory_space<vmem>> -> memref<1x128xi32, #tpu.memory_space<vmem>>
        %dma_wait3A_110 = tpu.memref_squeeze %dma_wait3A_109 : memref<1x128xi32, #tpu.memory_space<vmem>> -> memref<128xi32, #tpu.memory_space<vmem>>
        %dma_wait3A_111 = arith.constant 0 : i32
        %dma_wait3A_112 = arith.constant 0 : i32
        %dma_wait3A_113 = tpu.memref_slice %arg8[%dma_wait3A_111, %dma_wait3A_112] : memref<10112x16xf32, #tpu.memory_space<vmem_shared>> -> memref<10112x16xf32, #tpu.memory_space<vmem_shared>>
        tpu.wait_indirect_dma semaphore(%run_scoped3A_101 : memref<!tpu.dma_semaphore, #tpu.memory_space<semaphore_mem>>) src(%arg12 : memref<128x16xf32, #tpu.memory_space<vmem>>) dst(%dma_wait3A_113 : memref<10112x16xf32, #tpu.memory_space<vmem_shared>>)
        tpu.yield
      }) : () -> ()
    }
    %scan3A_58 = arith.constant 78 : i32
    %dma_wait3A_59 = arith.constant 156 : i32
    %dma_wait3A_60 = arith.constant 0 : i32
    %dma_wait3A_61 = tpu.memref_slice %arg9[%dma_wait3A_59, %dma_wait3A_60] : memref<157x128xi32, #tpu.memory_space<vmem>> -> memref<1x128xi32, #tpu.memory_space<vmem>>
    %dma_wait3A_62 = tpu.memref_squeeze %dma_wait3A_61 : memref<1x128xi32, #tpu.memory_space<vmem>> -> memref<128xi32, #tpu.memory_space<vmem>>
    %dma_wait3A_63 = arith.constant 0 : i32
    %dma_wait3A_64 = arith.constant 0 : i32
    %dma_wait3A_65 = tpu.memref_slice %arg7[%dma_wait3A_63, %dma_wait3A_64] : memref<10112x16xf32, #tpu.memory_space<vmem_shared>> -> memref<10112x16xf32, #tpu.memory_space<vmem_shared>>
    tpu.wait_indirect_dma semaphore(%arg13 : memref<!tpu.dma_semaphore, #tpu.memory_space<semaphore_mem>>) src(%dma_wait3A_65 : memref<10112x16xf32, #tpu.memory_space<vmem_shared>>) dst(%arg11 : memref<128x16xf32, #tpu.memory_space<vmem>>)
    %run_scoped3A = arith.constant 156 : i32
    "tpu.region"() ({
      %run_scoped3A_67 = tpu.sem_alloc : memref<!tpu.dma_semaphore, #tpu.memory_space<semaphore_mem>>
      %dma_start3A_68 = arith.constant 0 : i32
      %dma_start3A_69 = tpu.memref_slice %arg10[%run_scoped3A, %dma_start3A_68] : memref<157x128xi32, #tpu.memory_space<vmem>> -> memref<1x128xi32, #tpu.memory_space<vmem>>
      %dma_start3A_70 = tpu.memref_squeeze %dma_start3A_69 : memref<1x128xi32, #tpu.memory_space<vmem>> -> memref<128xi32, #tpu.memory_space<vmem>>
      %dma_start3A_71 = arith.constant 0 : i32
      %dma_start3A_72 = arith.constant 0 : i32
      %dma_start3A_73 = tpu.memref_slice %arg8[%dma_start3A_71, %dma_start3A_72] : memref<10112x16xf32, #tpu.memory_space<vmem_shared>> -> memref<10112x16xf32, #tpu.memory_space<vmem_shared>>
      tpu.enqueue_indirect_dma source(%arg11 : memref<128x16xf32, #tpu.memory_space<vmem>>) target(%dma_start3A_73 : memref<10112x16xf32, #tpu.memory_space<vmem_shared>>) offsets(%dma_start3A_70 : memref<128xi32, #tpu.memory_space<vmem>>) semaphore(%run_scoped3A_67 : memref<!tpu.dma_semaphore, #tpu.memory_space<semaphore_mem>>) {add = true}
      %dma_wait3A_74 = arith.constant 0 : i32
      %dma_wait3A_75 = tpu.memref_slice %arg10[%run_scoped3A, %dma_wait3A_74] : memref<157x128xi32, #tpu.memory_space<vmem>> -> memref<1x128xi32, #tpu.memory_space<vmem>>
      %dma_wait3A_76 = tpu.memref_squeeze %dma_wait3A_75 : memref<1x128xi32, #tpu.memory_space<vmem>> -> memref<128xi32, #tpu.memory_space<vmem>>
      %dma_wait3A_77 = arith.constant 0 : i32
      %dma_wait3A_78 = arith.constant 0 : i32
      %dma_wait3A_79 = tpu.memref_slice %arg8[%dma_wait3A_77, %dma_wait3A_78] : memref<10112x16xf32, #tpu.memory_space<vmem_shared>> -> memref<10112x16xf32, #tpu.memory_space<vmem_shared>>
      tpu.wait_indirect_dma semaphore(%run_scoped3A_67 : memref<!tpu.dma_semaphore, #tpu.memory_space<semaphore_mem>>) src(%arg11 : memref<128x16xf32, #tpu.memory_space<vmem>>) dst(%dma_wait3A_79 : memref<10112x16xf32, #tpu.memory_space<vmem_shared>>)
      tpu.yield
    }) : () -> ()
    %barrier3A_66 = arith.constant 0 : index
    tpu.barrier barrier_id(%barrier3A_66)
    "tpu.region"() ({
      %run_scoped3A_67 = tpu.sem_alloc : memref<!tpu.dma_semaphore, #tpu.memory_space<semaphore_mem>>
      %dma_start3A_68 = tpu.memref_slice %arg6[%mul3A_0, %mul3A_2] : memref<10112x32xf32, #tpu.memory_space<hbm>> -> memref<632x16xf32, #tpu.memory_space<hbm>>
      %dma_start3A_69 = arith.constant 0 : i32
      %dma_start3A_70 = tpu.memref_slice %arg8[%mul3A_0, %dma_start3A_69] : memref<10112x16xf32, #tpu.memory_space<vmem_shared>> -> memref<632x16xf32, #tpu.memory_space<vmem_shared>>
      tpu.enqueue_dma source(%dma_start3A_70 : memref<632x16xf32, #tpu.memory_space<vmem_shared>>) target(%dma_start3A_68 : memref<632x16xf32, #tpu.memory_space<hbm>>) target_semaphore(%run_scoped3A_67 : memref<!tpu.dma_semaphore, #tpu.memory_space<semaphore_mem>>)
      %dma_wait3A_71 = tpu.memref_slice %arg6[%mul3A_0, %mul3A_2] : memref<10112x32xf32, #tpu.memory_space<hbm>> -> memref<632x16xf32, #tpu.memory_space<hbm>>
      %dma_wait3A_72 = arith.constant 0 : i32
      %dma_wait3A_73 = tpu.memref_slice %arg8[%mul3A_0, %dma_wait3A_72] : memref<10112x16xf32, #tpu.memory_space<vmem_shared>> -> memref<632x16xf32, #tpu.memory_space<vmem_shared>>
      tpu.wait_dma2 semaphore(%run_scoped3A_67 : memref<!tpu.dma_semaphore, #tpu.memory_space<semaphore_mem>>) src(%dma_wait3A_73 : memref<632x16xf32, #tpu.memory_space<vmem_shared>>) dst(%dma_wait3A_71 : memref<632x16xf32, #tpu.memory_space<hbm>>)
      tpu.yield
    }) : () -> ()
    return
  }
}

module attributes {stable_mosaic.version = 14 : i64} {
  func.func @body(%arg0: memref<10000x128xf32, #tpu.memory_space<vmem>>, %arg1: memref<128x32xf32, #tpu.memory_space<vmem>>, %arg2: memref<10000x32xf32, #tpu.memory_space<vmem>>) attributes {dimension_semantics = [], scalar_prefetch = 0 : i64, scratch_operands = 0 : i64, tpu.core_type = #tpu.core_type<tc>} {
    %get3A = arith.constant 0 : index
    %get3A_0 = arith.constant 0 : index
    %get3A_1 = vector.load %arg0[%get3A, %get3A_0] : memref<10000x128xf32, #tpu.memory_space<vmem>>, vector<10000x128xf32>
    %get3A_2 = arith.constant 0 : index
    %get3A_3 = arith.constant 0 : index
    %get3A_4 = vector.load %arg1[%get3A_2, %get3A_3] : memref<128x32xf32, #tpu.memory_space<vmem>>, vector<128x32xf32>
    %dot_general3A = arith.constant dense<0.000000e+00> : vector<10000x32xf32>
    %dot_general3A_5 = tpu.matmul %get3A_1, %get3A_4, %dot_general3A {dimension_numbers = #tpu.dot_dimension_numbers<[1], [0], [0], [1], [0, 0, 1, 1], [], []>, transpose_lhs_hint = false} : vector<10000x128xf32>, vector<128x32xf32>, vector<10000x32xf32> -> vector<10000x32xf32>
    %swap3A = arith.constant 0 : index
    %swap3A_6 = arith.constant 0 : index
    %swap3A_7 = vector.load %arg2[%swap3A, %swap3A_6] : memref<10000x32xf32, #tpu.memory_space<vmem>>, vector<10000x32xf32>
    tpu.vector_store %arg2[%swap3A, %swap3A_6], %dot_general3A_5 {strides = array<i32>} : memref<10000x32xf32, #tpu.memory_space<vmem>>, vector<10000x32xf32>,
    return
  }
}

module attributes {stable_mosaic.version = 14 : i64} {
  func.func @body(%arg0: memref<2x10112x16xf32, #tpu.memory_space<vmem>>, %arg1: memref<10000x32xf32, #tpu.memory_space<vmem>>, %arg2: memref<10000x1xf32, #tpu.memory_space<vmem>>, %arg3: memref<10000x1xf32, #tpu.memory_space<vmem>>, %arg4: memref<10112x32xf32, #tpu.memory_space<vmem>>) attributes {dimension_semantics = [], scalar_prefetch = 0 : i64, scratch_operands = 0 : i64, tpu.core_type = #tpu.core_type<tc>} {
    %get3A = arith.constant 0 : index
    %get3A_0 = arith.constant 0 : index
    %get3A_1 = arith.constant 0 : index
    %get3A_2 = vector.load %arg0[%get3A, %get3A_0, %get3A_1] : memref<2x10112x16xf32, #tpu.memory_space<vmem>>, vector<1x10000x1xf32>
    %get3A_3 = vector.shape_cast %get3A_2 : vector<1x10000x1xf32> to vector<10000x1xf32>
    %add3A = arith.constant 1.000000e+00 : f32
    %add3A_4 = vector.broadcast %add3A : f32 to vector<10000x1xf32>
    %add3A_5 = arith.addf %add3A_4, %get3A_3 : vector<10000x1xf32>
    %get3A_6 = arith.constant 1 : index
    %get3A_7 = arith.constant 0 : index
    %get3A_8 = arith.constant 0 : index
    %get3A_9 = vector.load %arg0[%get3A_6, %get3A_7, %get3A_8] : memref<2x10112x16xf32, #tpu.memory_space<vmem>>, vector<1x10000x1xf32>
    %get3A_10 = vector.shape_cast %get3A_9 : vector<1x10000x1xf32> to vector<10000x1xf32>
    %add3A_11 = arith.addf %add3A_5, %get3A_10 : vector<10000x1xf32>
    %rsqrt3A = math.rsqrt %add3A_11 : vector<10000x1xf32>
    %swap3A = arith.constant 0 : index
    %swap3A_12 = arith.constant 0 : index
    %swap3A_13 = vector.load %arg2[%swap3A, %swap3A_12] : memref<10000x1xf32, #tpu.memory_space<vmem>>, vector<10000x1xf32>
    tpu.vector_store %arg2[%swap3A, %swap3A_12], %rsqrt3A {strides = array<i32>} : memref<10000x1xf32, #tpu.memory_space<vmem>>, vector<10000x1xf32>,
    %div3A = arith.constant 1.000000e+00 : f32
    %div3A_14 = vector.broadcast %div3A : f32 to vector<10000x1xf32>
    %div3A_15 = arith.divf %div3A_14, %add3A_11 : vector<10000x1xf32>
    %swap3A_16 = arith.constant 0 : index
    %swap3A_17 = arith.constant 0 : index
    %swap3A_18 = vector.load %arg3[%swap3A_16, %swap3A_17] : memref<10000x1xf32, #tpu.memory_space<vmem>>, vector<10000x1xf32>
    tpu.vector_store %arg3[%swap3A_16, %swap3A_17], %div3A_15 {strides = array<i32>} : memref<10000x1xf32, #tpu.memory_space<vmem>>, vector<10000x1xf32>,
    %get3A_19 = arith.constant 0 : index
    %get3A_20 = arith.constant 0 : index
    %get3A_21 = vector.load %arg1[%get3A_19, %get3A_20] : memref<10000x32xf32, #tpu.memory_space<vmem>>, vector<10000x32xf32>
    %mul3A = vector.broadcast %rsqrt3A : vector<10000x1xf32> to vector<10000x32xf32>
    %mul3A_22 = arith.mulf %get3A_21, %mul3A : vector<10000x32xf32>
    %swap3A_23 = arith.constant 0 : index
    %swap3A_24 = arith.constant 0 : index
    %swap3A_25 = vector.load %arg4[%swap3A_23, %swap3A_24] : memref<10112x32xf32, #tpu.memory_space<vmem>>, vector<10000x32xf32>
    tpu.vector_store %arg4[%swap3A_23, %swap3A_24], %mul3A_22 {strides = array<i32>} : memref<10112x32xf32, #tpu.memory_space<vmem>>, vector<10000x32xf32>,
    %broadcast_in_dim3A = arith.constant 0.000000e+00 : f32
    %broadcast_in_dim3A_26 = vector.broadcast %broadcast_in_dim3A : f32 to vector<112x32xf32>
    %swap3A_27 = arith.constant 10000 : index
    %swap3A_28 = arith.constant 0 : index
    %swap3A_29 = vector.load %arg4[%swap3A_27, %swap3A_28] : memref<10112x32xf32, #tpu.memory_space<vmem>>, vector<112x32xf32>
    tpu.vector_store %arg4[%swap3A_27, %swap3A_28], %broadcast_in_dim3A_26 {strides = array<i32>} : memref<10112x32xf32, #tpu.memory_space<vmem>>, vector<112x32xf32>,
    return
  }
}

module attributes {stable_mosaic.version = 14 : i64} {
  func.func @body(%arg0: memref<10112x32xf32, #tpu.memory_space<vmem>>, %arg1: memref<10000x32xf32, #tpu.memory_space<vmem>>, %arg2: memref<10000x1xf32, #tpu.memory_space<vmem>>, %arg3: memref<10000x1xf32, #tpu.memory_space<vmem>>, %arg4: memref<1x32xf32, #tpu.memory_space<vmem>>, %arg5: memref<1x32xf32, #tpu.memory_space<vmem>>, %arg6: memref<1x32xf32, #tpu.memory_space<vmem>>, %arg7: memref<10000x32xf32, #tpu.memory_space<vmem>>, %arg8: memref<32x32xf32, #tpu.memory_space<vmem>>, %arg9: memref<10000x32xf32, #tpu.memory_space<vmem>>, %arg10: memref<10000x32xf32, #tpu.memory_space<vmem>>, %arg11: memref<10112x32xf32, #tpu.memory_space<vmem>>) attributes {dimension_semantics = [], scalar_prefetch = 0 : i64, scratch_operands = 0 : i64, tpu.core_type = #tpu.core_type<tc>} {
    %get3A = arith.constant 0 : index
    %get3A_0 = arith.constant 0 : index
    %get3A_1 = vector.load %arg0[%get3A, %get3A_0] : memref<10112x32xf32, #tpu.memory_space<vmem>>, vector<10000x32xf32>
    %get3A_2 = arith.constant 0 : index
    %get3A_3 = arith.constant 0 : index
    %get3A_4 = vector.load %arg2[%get3A_2, %get3A_3] : memref<10000x1xf32, #tpu.memory_space<vmem>>, vector<10000x1xf32>
    %mul3A = vector.broadcast %get3A_4 : vector<10000x1xf32> to vector<10000x32xf32>
    %mul3A_5 = arith.mulf %get3A_1, %mul3A : vector<10000x32xf32>
    %get3A_6 = arith.constant 0 : index
    %get3A_7 = arith.constant 0 : index
    %get3A_8 = vector.load %arg1[%get3A_6, %get3A_7] : memref<10000x32xf32, #tpu.memory_space<vmem>>, vector<10000x32xf32>
    %get3A_9 = arith.constant 0 : index
    %get3A_10 = arith.constant 0 : index
    %get3A_11 = vector.load %arg3[%get3A_9, %get3A_10] : memref<10000x1xf32, #tpu.memory_space<vmem>>, vector<10000x1xf32>
    %mul3A_12 = vector.broadcast %get3A_11 : vector<10000x1xf32> to vector<10000x32xf32>
    %mul3A_13 = arith.mulf %get3A_8, %mul3A_12 : vector<10000x32xf32>
    %add3A = arith.addf %mul3A_5, %mul3A_13 : vector<10000x32xf32>
    %get3A_14 = arith.constant 0 : index
    %get3A_15 = arith.constant 0 : index
    %get3A_16 = vector.load %arg3[%get3A_14, %get3A_15] : memref<10000x1xf32, #tpu.memory_space<vmem>>, vector<10000x1xf32>
    %mul3A_17 = vector.broadcast %get3A_16 : vector<10000x1xf32> to vector<10000x32xf32>
    %mul3A_18 = arith.mulf %add3A, %mul3A_17 : vector<10000x32xf32>
    %get3A_19 = arith.constant 0 : index
    %get3A_20 = arith.constant 0 : index
    %get3A_21 = vector.load %arg4[%get3A_19, %get3A_20] : memref<1x32xf32, #tpu.memory_space<vmem>>, vector<1x32xf32>
    %add3A_22 = vector.broadcast %get3A_21 : vector<1x32xf32> to vector<10000x32xf32>
    %add3A_23 = arith.addf %mul3A_18, %add3A_22 : vector<10000x32xf32>
    %ge3A = arith.constant 0.000000e+00 : f32
    %ge3A_24 = vector.broadcast %ge3A : f32 to vector<10000x32xf32>
    %ge3A_25 = arith.cmpf oge, %add3A_23, %ge3A_24 : vector<10000x32xf32>
    %mul3A_26 = arith.constant 0.00999999977 : f32
    %mul3A_27 = vector.broadcast %mul3A_26 : f32 to vector<10000x32xf32>
    %mul3A_28 = arith.mulf %mul3A_27, %add3A_23 : vector<10000x32xf32>
    %select_n3A = arith.select %ge3A_25, %add3A_23, %mul3A_28 : vector<10000x32xi1>, vector<10000x32xf32>
    %reduce_sum3A = arith.constant dense<0.000000e+00> : vector<32xf32>
    %reduce_sum3A_29 = vector.multi_reduction <add>, %select_n3A, %reduce_sum3A [0] : vector<10000x32xf32> to vector<32xf32>
    %broadcast_in_dim3A = vector.shape_cast %reduce_sum3A_29 : vector<32xf32> to vector<1x32xf32>
    %div3A = arith.constant 1.000000e+04 : f32
    %div3A_30 = vector.broadcast %div3A : f32 to vector<1x32xf32>
    %div3A_31 = arith.divf %broadcast_in_dim3A, %div3A_30 : vector<1x32xf32>
    %sub3A = vector.broadcast %div3A_31 : vector<1x32xf32> to vector<10000x32xf32>
    %sub3A_32 = arith.subf %select_n3A, %sub3A : vector<10000x32xf32>
    %sub3A_33 = vector.broadcast %div3A_31 : vector<1x32xf32> to vector<10000x32xf32>
    %sub3A_34 = arith.subf %select_n3A, %sub3A_33 : vector<10000x32xf32>
    %mul3A_35 = arith.mulf %sub3A_32, %sub3A_34 : vector<10000x32xf32>
    %reduce_sum3A_36 = arith.constant dense<0.000000e+00> : vector<32xf32>
    %reduce_sum3A_37 = vector.multi_reduction <add>, %mul3A_35, %reduce_sum3A_36 [0] : vector<10000x32xf32> to vector<32xf32>
    %broadcast_in_dim3A_38 = vector.shape_cast %reduce_sum3A_37 : vector<32xf32> to vector<1x32xf32>
    %div3A_39 = arith.constant 1.000000e+04 : f32
    %div3A_40 = vector.broadcast %div3A_39 : f32 to vector<1x32xf32>
    %div3A_41 = arith.divf %broadcast_in_dim3A_38, %div3A_40 : vector<1x32xf32>
    %get3A_42 = arith.constant 0 : index
    %get3A_43 = arith.constant 0 : index
    %get3A_44 = vector.load %arg7[%get3A_42, %get3A_43] : memref<10000x32xf32, #tpu.memory_space<vmem>>, vector<10000x32xf32>
    %sub3A_45 = vector.broadcast %div3A_31 : vector<1x32xf32> to vector<10000x32xf32>
    %sub3A_46 = arith.subf %select_n3A, %sub3A_45 : vector<10000x32xf32>
    %add3A_47 = arith.constant 9.99999974E-6 : f32
    %add3A_48 = vector.broadcast %add3A_47 : f32 to vector<1x32xf32>
    %add3A_49 = arith.addf %div3A_41, %add3A_48 : vector<1x32xf32>
    %rsqrt3A = math.rsqrt %add3A_49 : vector<1x32xf32>
    %mul3A_50 = vector.broadcast %rsqrt3A : vector<1x32xf32> to vector<10000x32xf32>
    %mul3A_51 = arith.mulf %sub3A_46, %mul3A_50 : vector<10000x32xf32>
    %get3A_52 = arith.constant 0 : index
    %get3A_53 = arith.constant 0 : index
    %get3A_54 = vector.load %arg5[%get3A_52, %get3A_53] : memref<1x32xf32, #tpu.memory_space<vmem>>, vector<1x32xf32>
    %mul3A_55 = vector.broadcast %get3A_54 : vector<1x32xf32> to vector<10000x32xf32>
    %mul3A_56 = arith.mulf %mul3A_51, %mul3A_55 : vector<10000x32xf32>
    %add3A_57 = arith.addf %get3A_44, %mul3A_56 : vector<10000x32xf32>
    %get3A_58 = arith.constant 0 : index
    %get3A_59 = arith.constant 0 : index
    %get3A_60 = vector.load %arg6[%get3A_58, %get3A_59] : memref<1x32xf32, #tpu.memory_space<vmem>>, vector<1x32xf32>
    %add3A_61 = vector.broadcast %get3A_60 : vector<1x32xf32> to vector<10000x32xf32>
    %add3A_62 = arith.addf %add3A_57, %add3A_61 : vector<10000x32xf32>
    %swap3A = arith.constant 0 : index
    %swap3A_63 = arith.constant 0 : index
    %swap3A_64 = vector.load %arg9[%swap3A, %swap3A_63] : memref<10000x32xf32, #tpu.memory_space<vmem>>, vector<10000x32xf32>
    tpu.vector_store %arg9[%swap3A, %swap3A_63], %add3A_62 {strides = array<i32>} : memref<10000x32xf32, #tpu.memory_space<vmem>>, vector<10000x32xf32>,
    %get3A_65 = arith.constant 0 : index
    %get3A_66 = arith.constant 0 : index
    %get3A_67 = vector.load %arg8[%get3A_65, %get3A_66] : memref<32x32xf32, #tpu.memory_space<vmem>>, vector<32x32xf32>
    %dot_general3A = arith.constant dense<0.000000e+00> : vector<10000x32xf32>
    %dot_general3A_68 = tpu.matmul %add3A_62, %get3A_67, %dot_general3A {dimension_numbers = #tpu.dot_dimension_numbers<[1], [0], [0], [1], [0, 0, 1, 1], [], []>, transpose_lhs_hint = false} : vector<10000x32xf32>, vector<32x32xf32>, vector<10000x32xf32> -> vector<10000x32xf32>
    %swap3A_69 = arith.constant 0 : index
    %swap3A_70 = arith.constant 0 : index
    %swap3A_71 = vector.load %arg10[%swap3A_69, %swap3A_70] : memref<10000x32xf32, #tpu.memory_space<vmem>>, vector<10000x32xf32>
    tpu.vector_store %arg10[%swap3A_69, %swap3A_70], %dot_general3A_68 {strides = array<i32>} : memref<10000x32xf32, #tpu.memory_space<vmem>>, vector<10000x32xf32>,
    %get3A_72 = arith.constant 0 : index
    %get3A_73 = arith.constant 0 : index
    %get3A_74 = vector.load %arg2[%get3A_72, %get3A_73] : memref<10000x1xf32, #tpu.memory_space<vmem>>, vector<10000x1xf32>
    %mul3A_75 = vector.broadcast %get3A_74 : vector<10000x1xf32> to vector<10000x32xf32>
    %mul3A_76 = arith.mulf %dot_general3A_68, %mul3A_75 : vector<10000x32xf32>
    %swap3A_77 = arith.constant 0 : index
    %swap3A_78 = arith.constant 0 : index
    %swap3A_79 = vector.load %arg11[%swap3A_77, %swap3A_78] : memref<10112x32xf32, #tpu.memory_space<vmem>>, vector<10000x32xf32>
    tpu.vector_store %arg11[%swap3A_77, %swap3A_78], %mul3A_76 {strides = array<i32>} : memref<10112x32xf32, #tpu.memory_space<vmem>>, vector<10000x32xf32>,
    %broadcast_in_dim3A_80 = arith.constant 0.000000e+00 : f32
    %broadcast_in_dim3A_81 = vector.broadcast %broadcast_in_dim3A_80 : f32 to vector<112x32xf32>
    %swap3A_82 = arith.constant 10000 : index
    %swap3A_83 = arith.constant 0 : index
    %swap3A_84 = vector.load %arg11[%swap3A_82, %swap3A_83] : memref<10112x32xf32, #tpu.memory_space<vmem>>, vector<112x32xf32>
    tpu.vector_store %arg11[%swap3A_82, %swap3A_83], %broadcast_in_dim3A_81 {strides = array<i32>} : memref<10112x32xf32, #tpu.memory_space<vmem>>, vector<112x32xf32>,
    return
  }
}

module attributes {stable_mosaic.version = 14 : i64} {
  func.func @body(%arg0: memref<10112x32xf32, #tpu.memory_space<vmem>>, %arg1: memref<10000x32xf32, #tpu.memory_space<vmem>>, %arg2: memref<10000x1xf32, #tpu.memory_space<vmem>>, %arg3: memref<10000x1xf32, #tpu.memory_space<vmem>>, %arg4: memref<1x32xf32, #tpu.memory_space<vmem>>, %arg5: memref<1x32xf32, #tpu.memory_space<vmem>>, %arg6: memref<1x32xf32, #tpu.memory_space<vmem>>, %arg7: memref<10000x32xf32, #tpu.memory_space<vmem>>, %arg8: memref<32x64xf32, #tpu.memory_space<vmem>>, %arg9: memref<10000x32xf32, #tpu.memory_space<vmem>>, %arg10: memref<10000x64xf32, #tpu.memory_space<vmem>>, %arg11: memref<10112x64xf32, #tpu.memory_space<vmem>>) attributes {dimension_semantics = [], scalar_prefetch = 0 : i64, scratch_operands = 0 : i64, tpu.core_type = #tpu.core_type<tc>} {
    %get3A = arith.constant 0 : index
    %get3A_0 = arith.constant 0 : index
    %get3A_1 = vector.load %arg0[%get3A, %get3A_0] : memref<10112x32xf32, #tpu.memory_space<vmem>>, vector<10000x32xf32>
    %get3A_2 = arith.constant 0 : index
    %get3A_3 = arith.constant 0 : index
    %get3A_4 = vector.load %arg2[%get3A_2, %get3A_3] : memref<10000x1xf32, #tpu.memory_space<vmem>>, vector<10000x1xf32>
    %mul3A = vector.broadcast %get3A_4 : vector<10000x1xf32> to vector<10000x32xf32>
    %mul3A_5 = arith.mulf %get3A_1, %mul3A : vector<10000x32xf32>
    %get3A_6 = arith.constant 0 : index
    %get3A_7 = arith.constant 0 : index
    %get3A_8 = vector.load %arg1[%get3A_6, %get3A_7] : memref<10000x32xf32, #tpu.memory_space<vmem>>, vector<10000x32xf32>
    %get3A_9 = arith.constant 0 : index
    %get3A_10 = arith.constant 0 : index
    %get3A_11 = vector.load %arg3[%get3A_9, %get3A_10] : memref<10000x1xf32, #tpu.memory_space<vmem>>, vector<10000x1xf32>
    %mul3A_12 = vector.broadcast %get3A_11 : vector<10000x1xf32> to vector<10000x32xf32>
    %mul3A_13 = arith.mulf %get3A_8, %mul3A_12 : vector<10000x32xf32>
    %add3A = arith.addf %mul3A_5, %mul3A_13 : vector<10000x32xf32>
    %get3A_14 = arith.constant 0 : index
    %get3A_15 = arith.constant 0 : index
    %get3A_16 = vector.load %arg3[%get3A_14, %get3A_15] : memref<10000x1xf32, #tpu.memory_space<vmem>>, vector<10000x1xf32>
    %mul3A_17 = vector.broadcast %get3A_16 : vector<10000x1xf32> to vector<10000x32xf32>
    %mul3A_18 = arith.mulf %add3A, %mul3A_17 : vector<10000x32xf32>
    %get3A_19 = arith.constant 0 : index
    %get3A_20 = arith.constant 0 : index
    %get3A_21 = vector.load %arg4[%get3A_19, %get3A_20] : memref<1x32xf32, #tpu.memory_space<vmem>>, vector<1x32xf32>
    %add3A_22 = vector.broadcast %get3A_21 : vector<1x32xf32> to vector<10000x32xf32>
    %add3A_23 = arith.addf %mul3A_18, %add3A_22 : vector<10000x32xf32>
    %ge3A = arith.constant 0.000000e+00 : f32
    %ge3A_24 = vector.broadcast %ge3A : f32 to vector<10000x32xf32>
    %ge3A_25 = arith.cmpf oge, %add3A_23, %ge3A_24 : vector<10000x32xf32>
    %mul3A_26 = arith.constant 0.00999999977 : f32
    %mul3A_27 = vector.broadcast %mul3A_26 : f32 to vector<10000x32xf32>
    %mul3A_28 = arith.mulf %mul3A_27, %add3A_23 : vector<10000x32xf32>
    %select_n3A = arith.select %ge3A_25, %add3A_23, %mul3A_28 : vector<10000x32xi1>, vector<10000x32xf32>
    %reduce_sum3A = arith.constant dense<0.000000e+00> : vector<32xf32>
    %reduce_sum3A_29 = vector.multi_reduction <add>, %select_n3A, %reduce_sum3A [0] : vector<10000x32xf32> to vector<32xf32>
    %broadcast_in_dim3A = vector.shape_cast %reduce_sum3A_29 : vector<32xf32> to vector<1x32xf32>
    %div3A = arith.constant 1.000000e+04 : f32
    %div3A_30 = vector.broadcast %div3A : f32 to vector<1x32xf32>
    %div3A_31 = arith.divf %broadcast_in_dim3A, %div3A_30 : vector<1x32xf32>
    %sub3A = vector.broadcast %div3A_31 : vector<1x32xf32> to vector<10000x32xf32>
    %sub3A_32 = arith.subf %select_n3A, %sub3A : vector<10000x32xf32>
    %sub3A_33 = vector.broadcast %div3A_31 : vector<1x32xf32> to vector<10000x32xf32>
    %sub3A_34 = arith.subf %select_n3A, %sub3A_33 : vector<10000x32xf32>
    %mul3A_35 = arith.mulf %sub3A_32, %sub3A_34 : vector<10000x32xf32>
    %reduce_sum3A_36 = arith.constant dense<0.000000e+00> : vector<32xf32>
    %reduce_sum3A_37 = vector.multi_reduction <add>, %mul3A_35, %reduce_sum3A_36 [0] : vector<10000x32xf32> to vector<32xf32>
    %broadcast_in_dim3A_38 = vector.shape_cast %reduce_sum3A_37 : vector<32xf32> to vector<1x32xf32>
    %div3A_39 = arith.constant 1.000000e+04 : f32
    %div3A_40 = vector.broadcast %div3A_39 : f32 to vector<1x32xf32>
    %div3A_41 = arith.divf %broadcast_in_dim3A_38, %div3A_40 : vector<1x32xf32>
    %get3A_42 = arith.constant 0 : index
    %get3A_43 = arith.constant 0 : index
    %get3A_44 = vector.load %arg7[%get3A_42, %get3A_43] : memref<10000x32xf32, #tpu.memory_space<vmem>>, vector<10000x32xf32>
    %sub3A_45 = vector.broadcast %div3A_31 : vector<1x32xf32> to vector<10000x32xf32>
    %sub3A_46 = arith.subf %select_n3A, %sub3A_45 : vector<10000x32xf32>
    %add3A_47 = arith.constant 9.99999974E-6 : f32
    %add3A_48 = vector.broadcast %add3A_47 : f32 to vector<1x32xf32>
    %add3A_49 = arith.addf %div3A_41, %add3A_48 : vector<1x32xf32>
    %rsqrt3A = math.rsqrt %add3A_49 : vector<1x32xf32>
    %mul3A_50 = vector.broadcast %rsqrt3A : vector<1x32xf32> to vector<10000x32xf32>
    %mul3A_51 = arith.mulf %sub3A_46, %mul3A_50 : vector<10000x32xf32>
    %get3A_52 = arith.constant 0 : index
    %get3A_53 = arith.constant 0 : index
    %get3A_54 = vector.load %arg5[%get3A_52, %get3A_53] : memref<1x32xf32, #tpu.memory_space<vmem>>, vector<1x32xf32>
    %mul3A_55 = vector.broadcast %get3A_54 : vector<1x32xf32> to vector<10000x32xf32>
    %mul3A_56 = arith.mulf %mul3A_51, %mul3A_55 : vector<10000x32xf32>
    %add3A_57 = arith.addf %get3A_44, %mul3A_56 : vector<10000x32xf32>
    %get3A_58 = arith.constant 0 : index
    %get3A_59 = arith.constant 0 : index
    %get3A_60 = vector.load %arg6[%get3A_58, %get3A_59] : memref<1x32xf32, #tpu.memory_space<vmem>>, vector<1x32xf32>
    %add3A_61 = vector.broadcast %get3A_60 : vector<1x32xf32> to vector<10000x32xf32>
    %add3A_62 = arith.addf %add3A_57, %add3A_61 : vector<10000x32xf32>
    %swap3A = arith.constant 0 : index
    %swap3A_63 = arith.constant 0 : index
    %swap3A_64 = vector.load %arg9[%swap3A, %swap3A_63] : memref<10000x32xf32, #tpu.memory_space<vmem>>, vector<10000x32xf32>
    tpu.vector_store %arg9[%swap3A, %swap3A_63], %add3A_62 {strides = array<i32>} : memref<10000x32xf32, #tpu.memory_space<vmem>>, vector<10000x32xf32>,
    %get3A_65 = arith.constant 0 : index
    %get3A_66 = arith.constant 0 : index
    %get3A_67 = vector.load %arg8[%get3A_65, %get3A_66] : memref<32x64xf32, #tpu.memory_space<vmem>>, vector<32x64xf32>
    %dot_general3A = arith.constant dense<0.000000e+00> : vector<10000x64xf32>
    %dot_general3A_68 = tpu.matmul %add3A_62, %get3A_67, %dot_general3A {dimension_numbers = #tpu.dot_dimension_numbers<[1], [0], [0], [1], [0, 0, 1, 1], [], []>, transpose_lhs_hint = false} : vector<10000x32xf32>, vector<32x64xf32>, vector<10000x64xf32> -> vector<10000x64xf32>
    %swap3A_69 = arith.constant 0 : index
    %swap3A_70 = arith.constant 0 : index
    %swap3A_71 = vector.load %arg10[%swap3A_69, %swap3A_70] : memref<10000x64xf32, #tpu.memory_space<vmem>>, vector<10000x64xf32>
    tpu.vector_store %arg10[%swap3A_69, %swap3A_70], %dot_general3A_68 {strides = array<i32>} : memref<10000x64xf32, #tpu.memory_space<vmem>>, vector<10000x64xf32>,
    %get3A_72 = arith.constant 0 : index
    %get3A_73 = arith.constant 0 : index
    %get3A_74 = vector.load %arg2[%get3A_72, %get3A_73] : memref<10000x1xf32, #tpu.memory_space<vmem>>, vector<10000x1xf32>
    %mul3A_75 = vector.broadcast %get3A_74 : vector<10000x1xf32> to vector<10000x64xf32>
    %mul3A_76 = arith.mulf %dot_general3A_68, %mul3A_75 : vector<10000x64xf32>
    %swap3A_77 = arith.constant 0 : index
    %swap3A_78 = arith.constant 0 : index
    %swap3A_79 = vector.load %arg11[%swap3A_77, %swap3A_78] : memref<10112x64xf32, #tpu.memory_space<vmem>>, vector<10000x64xf32>
    tpu.vector_store %arg11[%swap3A_77, %swap3A_78], %mul3A_76 {strides = array<i32>} : memref<10112x64xf32, #tpu.memory_space<vmem>>, vector<10000x64xf32>,
    %broadcast_in_dim3A_80 = arith.constant 0.000000e+00 : f32
    %broadcast_in_dim3A_81 = vector.broadcast %broadcast_in_dim3A_80 : f32 to vector<112x64xf32>
    %swap3A_82 = arith.constant 10000 : index
    %swap3A_83 = arith.constant 0 : index
    %swap3A_84 = vector.load %arg11[%swap3A_82, %swap3A_83] : memref<10112x64xf32, #tpu.memory_space<vmem>>, vector<112x64xf32>
    tpu.vector_store %arg11[%swap3A_82, %swap3A_83], %broadcast_in_dim3A_81 {strides = array<i32>} : memref<10112x64xf32, #tpu.memory_space<vmem>>, vector<112x64xf32>,
    return
  }
}

module attributes {stable_mosaic.version = 14 : i64} {
  func.func @body(%arg0: memref<10112x64xf32, #tpu.memory_space<vmem>>, %arg1: memref<10000x64xf32, #tpu.memory_space<vmem>>, %arg2: memref<10000x1xf32, #tpu.memory_space<vmem>>, %arg3: memref<10000x1xf32, #tpu.memory_space<vmem>>, %arg4: memref<1x64xf32, #tpu.memory_space<vmem>>, %arg5: memref<1x64xf32, #tpu.memory_space<vmem>>, %arg6: memref<1x64xf32, #tpu.memory_space<vmem>>, %arg7: memref<10000x64xf32, #tpu.memory_space<vmem>>, %arg8: memref<64x64xf32, #tpu.memory_space<vmem>>, %arg9: memref<10000x64xf32, #tpu.memory_space<vmem>>, %arg10: memref<10000x64xf32, #tpu.memory_space<vmem>>, %arg11: memref<10112x64xf32, #tpu.memory_space<vmem>>) attributes {dimension_semantics = [], scalar_prefetch = 0 : i64, scratch_operands = 0 : i64, tpu.core_type = #tpu.core_type<tc>} {
    %get3A = arith.constant 0 : index
    %get3A_0 = arith.constant 0 : index
    %get3A_1 = vector.load %arg0[%get3A, %get3A_0] : memref<10112x64xf32, #tpu.memory_space<vmem>>, vector<10000x64xf32>
    %get3A_2 = arith.constant 0 : index
    %get3A_3 = arith.constant 0 : index
    %get3A_4 = vector.load %arg2[%get3A_2, %get3A_3] : memref<10000x1xf32, #tpu.memory_space<vmem>>, vector<10000x1xf32>
    %mul3A = vector.broadcast %get3A_4 : vector<10000x1xf32> to vector<10000x64xf32>
    %mul3A_5 = arith.mulf %get3A_1, %mul3A : vector<10000x64xf32>
    %get3A_6 = arith.constant 0 : index
    %get3A_7 = arith.constant 0 : index
    %get3A_8 = vector.load %arg1[%get3A_6, %get3A_7] : memref<10000x64xf32, #tpu.memory_space<vmem>>, vector<10000x64xf32>
    %get3A_9 = arith.constant 0 : index
    %get3A_10 = arith.constant 0 : index
    %get3A_11 = vector.load %arg3[%get3A_9, %get3A_10] : memref<10000x1xf32, #tpu.memory_space<vmem>>, vector<10000x1xf32>
    %mul3A_12 = vector.broadcast %get3A_11 : vector<10000x1xf32> to vector<10000x64xf32>
    %mul3A_13 = arith.mulf %get3A_8, %mul3A_12 : vector<10000x64xf32>
    %add3A = arith.addf %mul3A_5, %mul3A_13 : vector<10000x64xf32>
    %get3A_14 = arith.constant 0 : index
    %get3A_15 = arith.constant 0 : index
    %get3A_16 = vector.load %arg3[%get3A_14, %get3A_15] : memref<10000x1xf32, #tpu.memory_space<vmem>>, vector<10000x1xf32>
    %mul3A_17 = vector.broadcast %get3A_16 : vector<10000x1xf32> to vector<10000x64xf32>
    %mul3A_18 = arith.mulf %add3A, %mul3A_17 : vector<10000x64xf32>
    %get3A_19 = arith.constant 0 : index
    %get3A_20 = arith.constant 0 : index
    %get3A_21 = vector.load %arg4[%get3A_19, %get3A_20] : memref<1x64xf32, #tpu.memory_space<vmem>>, vector<1x64xf32>
    %add3A_22 = vector.broadcast %get3A_21 : vector<1x64xf32> to vector<10000x64xf32>
    %add3A_23 = arith.addf %mul3A_18, %add3A_22 : vector<10000x64xf32>
    %ge3A = arith.constant 0.000000e+00 : f32
    %ge3A_24 = vector.broadcast %ge3A : f32 to vector<10000x64xf32>
    %ge3A_25 = arith.cmpf oge, %add3A_23, %ge3A_24 : vector<10000x64xf32>
    %mul3A_26 = arith.constant 0.00999999977 : f32
    %mul3A_27 = vector.broadcast %mul3A_26 : f32 to vector<10000x64xf32>
    %mul3A_28 = arith.mulf %mul3A_27, %add3A_23 : vector<10000x64xf32>
    %select_n3A = arith.select %ge3A_25, %add3A_23, %mul3A_28 : vector<10000x64xi1>, vector<10000x64xf32>
    %reduce_sum3A = arith.constant dense<0.000000e+00> : vector<64xf32>
    %reduce_sum3A_29 = vector.multi_reduction <add>, %select_n3A, %reduce_sum3A [0] : vector<10000x64xf32> to vector<64xf32>
    %broadcast_in_dim3A = vector.shape_cast %reduce_sum3A_29 : vector<64xf32> to vector<1x64xf32>
    %div3A = arith.constant 1.000000e+04 : f32
    %div3A_30 = vector.broadcast %div3A : f32 to vector<1x64xf32>
    %div3A_31 = arith.divf %broadcast_in_dim3A, %div3A_30 : vector<1x64xf32>
    %sub3A = vector.broadcast %div3A_31 : vector<1x64xf32> to vector<10000x64xf32>
    %sub3A_32 = arith.subf %select_n3A, %sub3A : vector<10000x64xf32>
    %sub3A_33 = vector.broadcast %div3A_31 : vector<1x64xf32> to vector<10000x64xf32>
    %sub3A_34 = arith.subf %select_n3A, %sub3A_33 : vector<10000x64xf32>
    %mul3A_35 = arith.mulf %sub3A_32, %sub3A_34 : vector<10000x64xf32>
    %reduce_sum3A_36 = arith.constant dense<0.000000e+00> : vector<64xf32>
    %reduce_sum3A_37 = vector.multi_reduction <add>, %mul3A_35, %reduce_sum3A_36 [0] : vector<10000x64xf32> to vector<64xf32>
    %broadcast_in_dim3A_38 = vector.shape_cast %reduce_sum3A_37 : vector<64xf32> to vector<1x64xf32>
    %div3A_39 = arith.constant 1.000000e+04 : f32
    %div3A_40 = vector.broadcast %div3A_39 : f32 to vector<1x64xf32>
    %div3A_41 = arith.divf %broadcast_in_dim3A_38, %div3A_40 : vector<1x64xf32>
    %get3A_42 = arith.constant 0 : index
    %get3A_43 = arith.constant 0 : index
    %get3A_44 = vector.load %arg7[%get3A_42, %get3A_43] : memref<10000x64xf32, #tpu.memory_space<vmem>>, vector<10000x64xf32>
    %sub3A_45 = vector.broadcast %div3A_31 : vector<1x64xf32> to vector<10000x64xf32>
    %sub3A_46 = arith.subf %select_n3A, %sub3A_45 : vector<10000x64xf32>
    %add3A_47 = arith.constant 9.99999974E-6 : f32
    %add3A_48 = vector.broadcast %add3A_47 : f32 to vector<1x64xf32>
    %add3A_49 = arith.addf %div3A_41, %add3A_48 : vector<1x64xf32>
    %rsqrt3A = math.rsqrt %add3A_49 : vector<1x64xf32>
    %mul3A_50 = vector.broadcast %rsqrt3A : vector<1x64xf32> to vector<10000x64xf32>
    %mul3A_51 = arith.mulf %sub3A_46, %mul3A_50 : vector<10000x64xf32>
    %get3A_52 = arith.constant 0 : index
    %get3A_53 = arith.constant 0 : index
    %get3A_54 = vector.load %arg5[%get3A_52, %get3A_53] : memref<1x64xf32, #tpu.memory_space<vmem>>, vector<1x64xf32>
    %mul3A_55 = vector.broadcast %get3A_54 : vector<1x64xf32> to vector<10000x64xf32>
    %mul3A_56 = arith.mulf %mul3A_51, %mul3A_55 : vector<10000x64xf32>
    %add3A_57 = arith.addf %get3A_44, %mul3A_56 : vector<10000x64xf32>
    %get3A_58 = arith.constant 0 : index
    %get3A_59 = arith.constant 0 : index
    %get3A_60 = vector.load %arg6[%get3A_58, %get3A_59] : memref<1x64xf32, #tpu.memory_space<vmem>>, vector<1x64xf32>
    %add3A_61 = vector.broadcast %get3A_60 : vector<1x64xf32> to vector<10000x64xf32>
    %add3A_62 = arith.addf %add3A_57, %add3A_61 : vector<10000x64xf32>
    %swap3A = arith.constant 0 : index
    %swap3A_63 = arith.constant 0 : index
    %swap3A_64 = vector.load %arg9[%swap3A, %swap3A_63] : memref<10000x64xf32, #tpu.memory_space<vmem>>, vector<10000x64xf32>
    tpu.vector_store %arg9[%swap3A, %swap3A_63], %add3A_62 {strides = array<i32>} : memref<10000x64xf32, #tpu.memory_space<vmem>>, vector<10000x64xf32>,
    %get3A_65 = arith.constant 0 : index
    %get3A_66 = arith.constant 0 : index
    %get3A_67 = vector.load %arg8[%get3A_65, %get3A_66] : memref<64x64xf32, #tpu.memory_space<vmem>>, vector<64x64xf32>
    %dot_general3A = arith.constant dense<0.000000e+00> : vector<10000x64xf32>
    %dot_general3A_68 = tpu.matmul %add3A_62, %get3A_67, %dot_general3A {dimension_numbers = #tpu.dot_dimension_numbers<[1], [0], [0], [1], [0, 0, 1, 1], [], []>, transpose_lhs_hint = false} : vector<10000x64xf32>, vector<64x64xf32>, vector<10000x64xf32> -> vector<10000x64xf32>
    %swap3A_69 = arith.constant 0 : index
    %swap3A_70 = arith.constant 0 : index
    %swap3A_71 = vector.load %arg10[%swap3A_69, %swap3A_70] : memref<10000x64xf32, #tpu.memory_space<vmem>>, vector<10000x64xf32>
    tpu.vector_store %arg10[%swap3A_69, %swap3A_70], %dot_general3A_68 {strides = array<i32>} : memref<10000x64xf32, #tpu.memory_space<vmem>>, vector<10000x64xf32>,
    %get3A_72 = arith.constant 0 : index
    %get3A_73 = arith.constant 0 : index
    %get3A_74 = vector.load %arg2[%get3A_72, %get3A_73] : memref<10000x1xf32, #tpu.memory_space<vmem>>, vector<10000x1xf32>
    %mul3A_75 = vector.broadcast %get3A_74 : vector<10000x1xf32> to vector<10000x64xf32>
    %mul3A_76 = arith.mulf %dot_general3A_68, %mul3A_75 : vector<10000x64xf32>
    %swap3A_77 = arith.constant 0 : index
    %swap3A_78 = arith.constant 0 : index
    %swap3A_79 = vector.load %arg11[%swap3A_77, %swap3A_78] : memref<10112x64xf32, #tpu.memory_space<vmem>>, vector<10000x64xf32>
    tpu.vector_store %arg11[%swap3A_77, %swap3A_78], %mul3A_76 {strides = array<i32>} : memref<10112x64xf32, #tpu.memory_space<vmem>>, vector<10000x64xf32>,
    %broadcast_in_dim3A_80 = arith.constant 0.000000e+00 : f32
    %broadcast_in_dim3A_81 = vector.broadcast %broadcast_in_dim3A_80 : f32 to vector<112x64xf32>
    %swap3A_82 = arith.constant 10000 : index
    %swap3A_83 = arith.constant 0 : index
    %swap3A_84 = vector.load %arg11[%swap3A_82, %swap3A_83] : memref<10112x64xf32, #tpu.memory_space<vmem>>, vector<112x64xf32>
    tpu.vector_store %arg11[%swap3A_82, %swap3A_83], %broadcast_in_dim3A_81 {strides = array<i32>} : memref<10112x64xf32, #tpu.memory_space<vmem>>, vector<112x64xf32>,
    return
  }
}

module attributes {stable_mosaic.version = 14 : i64} {
  func.func @body(%arg0: memref<10112x64xf32, #tpu.memory_space<vmem>>, %arg1: memref<10000x64xf32, #tpu.memory_space<vmem>>, %arg2: memref<10000x1xf32, #tpu.memory_space<vmem>>, %arg3: memref<10000x1xf32, #tpu.memory_space<vmem>>, %arg4: memref<1x64xf32, #tpu.memory_space<vmem>>, %arg5: memref<1x64xf32, #tpu.memory_space<vmem>>, %arg6: memref<1x64xf32, #tpu.memory_space<vmem>>, %arg7: memref<10000x64xf32, #tpu.memory_space<vmem>>, %arg8: memref<64x64xf32, #tpu.memory_space<vmem>>, %arg9: memref<10000x64xf32, #tpu.memory_space<vmem>>, %arg10: memref<10112x64xf32, #tpu.memory_space<vmem>>) attributes {dimension_semantics = [], scalar_prefetch = 0 : i64, scratch_operands = 0 : i64, tpu.core_type = #tpu.core_type<tc>} {
    %get3A = arith.constant 0 : index
    %get3A_0 = arith.constant 0 : index
    %get3A_1 = vector.load %arg0[%get3A, %get3A_0] : memref<10112x64xf32, #tpu.memory_space<vmem>>, vector<10000x64xf32>
    %get3A_2 = arith.constant 0 : index
    %get3A_3 = arith.constant 0 : index
    %get3A_4 = vector.load %arg2[%get3A_2, %get3A_3] : memref<10000x1xf32, #tpu.memory_space<vmem>>, vector<10000x1xf32>
    %mul3A = vector.broadcast %get3A_4 : vector<10000x1xf32> to vector<10000x64xf32>
    %mul3A_5 = arith.mulf %get3A_1, %mul3A : vector<10000x64xf32>
    %get3A_6 = arith.constant 0 : index
    %get3A_7 = arith.constant 0 : index
    %get3A_8 = vector.load %arg1[%get3A_6, %get3A_7] : memref<10000x64xf32, #tpu.memory_space<vmem>>, vector<10000x64xf32>
    %get3A_9 = arith.constant 0 : index
    %get3A_10 = arith.constant 0 : index
    %get3A_11 = vector.load %arg3[%get3A_9, %get3A_10] : memref<10000x1xf32, #tpu.memory_space<vmem>>, vector<10000x1xf32>
    %mul3A_12 = vector.broadcast %get3A_11 : vector<10000x1xf32> to vector<10000x64xf32>
    %mul3A_13 = arith.mulf %get3A_8, %mul3A_12 : vector<10000x64xf32>
    %add3A = arith.addf %mul3A_5, %mul3A_13 : vector<10000x64xf32>
    %get3A_14 = arith.constant 0 : index
    %get3A_15 = arith.constant 0 : index
    %get3A_16 = vector.load %arg3[%get3A_14, %get3A_15] : memref<10000x1xf32, #tpu.memory_space<vmem>>, vector<10000x1xf32>
    %mul3A_17 = vector.broadcast %get3A_16 : vector<10000x1xf32> to vector<10000x64xf32>
    %mul3A_18 = arith.mulf %add3A, %mul3A_17 : vector<10000x64xf32>
    %get3A_19 = arith.constant 0 : index
    %get3A_20 = arith.constant 0 : index
    %get3A_21 = vector.load %arg4[%get3A_19, %get3A_20] : memref<1x64xf32, #tpu.memory_space<vmem>>, vector<1x64xf32>
    %add3A_22 = vector.broadcast %get3A_21 : vector<1x64xf32> to vector<10000x64xf32>
    %add3A_23 = arith.addf %mul3A_18, %add3A_22 : vector<10000x64xf32>
    %ge3A = arith.constant 0.000000e+00 : f32
    %ge3A_24 = vector.broadcast %ge3A : f32 to vector<10000x64xf32>
    %ge3A_25 = arith.cmpf oge, %add3A_23, %ge3A_24 : vector<10000x64xf32>
    %mul3A_26 = arith.constant 0.00999999977 : f32
    %mul3A_27 = vector.broadcast %mul3A_26 : f32 to vector<10000x64xf32>
    %mul3A_28 = arith.mulf %mul3A_27, %add3A_23 : vector<10000x64xf32>
    %select_n3A = arith.select %ge3A_25, %add3A_23, %mul3A_28 : vector<10000x64xi1>, vector<10000x64xf32>
    %reduce_sum3A = arith.constant dense<0.000000e+00> : vector<64xf32>
    %reduce_sum3A_29 = vector.multi_reduction <add>, %select_n3A, %reduce_sum3A [0] : vector<10000x64xf32> to vector<64xf32>
    %broadcast_in_dim3A = vector.shape_cast %reduce_sum3A_29 : vector<64xf32> to vector<1x64xf32>
    %div3A = arith.constant 1.000000e+04 : f32
    %div3A_30 = vector.broadcast %div3A : f32 to vector<1x64xf32>
    %div3A_31 = arith.divf %broadcast_in_dim3A, %div3A_30 : vector<1x64xf32>
    %sub3A = vector.broadcast %div3A_31 : vector<1x64xf32> to vector<10000x64xf32>
    %sub3A_32 = arith.subf %select_n3A, %sub3A : vector<10000x64xf32>
    %sub3A_33 = vector.broadcast %div3A_31 : vector<1x64xf32> to vector<10000x64xf32>
    %sub3A_34 = arith.subf %select_n3A, %sub3A_33 : vector<10000x64xf32>
    %mul3A_35 = arith.mulf %sub3A_32, %sub3A_34 : vector<10000x64xf32>
    %reduce_sum3A_36 = arith.constant dense<0.000000e+00> : vector<64xf32>
    %reduce_sum3A_37 = vector.multi_reduction <add>, %mul3A_35, %reduce_sum3A_36 [0] : vector<10000x64xf32> to vector<64xf32>
    %broadcast_in_dim3A_38 = vector.shape_cast %reduce_sum3A_37 : vector<64xf32> to vector<1x64xf32>
    %div3A_39 = arith.constant 1.000000e+04 : f32
    %div3A_40 = vector.broadcast %div3A_39 : f32 to vector<1x64xf32>
    %div3A_41 = arith.divf %broadcast_in_dim3A_38, %div3A_40 : vector<1x64xf32>
    %get3A_42 = arith.constant 0 : index
    %get3A_43 = arith.constant 0 : index
    %get3A_44 = vector.load %arg7[%get3A_42, %get3A_43] : memref<10000x64xf32, #tpu.memory_space<vmem>>, vector<10000x64xf32>
    %sub3A_45 = vector.broadcast %div3A_31 : vector<1x64xf32> to vector<10000x64xf32>
    %sub3A_46 = arith.subf %select_n3A, %sub3A_45 : vector<10000x64xf32>
    %add3A_47 = arith.constant 9.99999974E-6 : f32
    %add3A_48 = vector.broadcast %add3A_47 : f32 to vector<1x64xf32>
    %add3A_49 = arith.addf %div3A_41, %add3A_48 : vector<1x64xf32>
    %rsqrt3A = math.rsqrt %add3A_49 : vector<1x64xf32>
    %mul3A_50 = vector.broadcast %rsqrt3A : vector<1x64xf32> to vector<10000x64xf32>
    %mul3A_51 = arith.mulf %sub3A_46, %mul3A_50 : vector<10000x64xf32>
    %get3A_52 = arith.constant 0 : index
    %get3A_53 = arith.constant 0 : index
    %get3A_54 = vector.load %arg5[%get3A_52, %get3A_53] : memref<1x64xf32, #tpu.memory_space<vmem>>, vector<1x64xf32>
    %mul3A_55 = vector.broadcast %get3A_54 : vector<1x64xf32> to vector<10000x64xf32>
    %mul3A_56 = arith.mulf %mul3A_51, %mul3A_55 : vector<10000x64xf32>
    %add3A_57 = arith.addf %get3A_44, %mul3A_56 : vector<10000x64xf32>
    %get3A_58 = arith.constant 0 : index
    %get3A_59 = arith.constant 0 : index
    %get3A_60 = vector.load %arg6[%get3A_58, %get3A_59] : memref<1x64xf32, #tpu.memory_space<vmem>>, vector<1x64xf32>
    %add3A_61 = vector.broadcast %get3A_60 : vector<1x64xf32> to vector<10000x64xf32>
    %add3A_62 = arith.addf %add3A_57, %add3A_61 : vector<10000x64xf32>
    %get3A_63 = arith.constant 0 : index
    %get3A_64 = arith.constant 0 : index
    %get3A_65 = vector.load %arg8[%get3A_63, %get3A_64] : memref<64x64xf32, #tpu.memory_space<vmem>>, vector<64x64xf32>
    %dot_general3A = arith.constant dense<0.000000e+00> : vector<10000x64xf32>
    %dot_general3A_66 = tpu.matmul %add3A_62, %get3A_65, %dot_general3A {dimension_numbers = #tpu.dot_dimension_numbers<[1], [0], [0], [1], [0, 0, 1, 1], [], []>, transpose_lhs_hint = false} : vector<10000x64xf32>, vector<64x64xf32>, vector<10000x64xf32> -> vector<10000x64xf32>
    %swap3A = arith.constant 0 : index
    %swap3A_67 = arith.constant 0 : index
    %swap3A_68 = vector.load %arg9[%swap3A, %swap3A_67] : memref<10000x64xf32, #tpu.memory_space<vmem>>, vector<10000x64xf32>
    tpu.vector_store %arg9[%swap3A, %swap3A_67], %dot_general3A_66 {strides = array<i32>} : memref<10000x64xf32, #tpu.memory_space<vmem>>, vector<10000x64xf32>,
    %get3A_69 = arith.constant 0 : index
    %get3A_70 = arith.constant 0 : index
    %get3A_71 = vector.load %arg2[%get3A_69, %get3A_70] : memref<10000x1xf32, #tpu.memory_space<vmem>>, vector<10000x1xf32>
    %mul3A_72 = vector.broadcast %get3A_71 : vector<10000x1xf32> to vector<10000x64xf32>
    %mul3A_73 = arith.mulf %dot_general3A_66, %mul3A_72 : vector<10000x64xf32>
    %swap3A_74 = arith.constant 0 : index
    %swap3A_75 = arith.constant 0 : index
    %swap3A_76 = vector.load %arg10[%swap3A_74, %swap3A_75] : memref<10112x64xf32, #tpu.memory_space<vmem>>, vector<10000x64xf32>
    tpu.vector_store %arg10[%swap3A_74, %swap3A_75], %mul3A_73 {strides = array<i32>} : memref<10112x64xf32, #tpu.memory_space<vmem>>, vector<10000x64xf32>,
    %broadcast_in_dim3A_77 = arith.constant 0.000000e+00 : f32
    %broadcast_in_dim3A_78 = vector.broadcast %broadcast_in_dim3A_77 : f32 to vector<112x64xf32>
    %swap3A_79 = arith.constant 10000 : index
    %swap3A_80 = arith.constant 0 : index
    %swap3A_81 = vector.load %arg10[%swap3A_79, %swap3A_80] : memref<10112x64xf32, #tpu.memory_space<vmem>>, vector<112x64xf32>
    tpu.vector_store %arg10[%swap3A_79, %swap3A_80], %broadcast_in_dim3A_78 {strides = array<i32>} : memref<10112x64xf32, #tpu.memory_space<vmem>>, vector<112x64xf32>,
    return
  }
}

module attributes {stable_mosaic.version = 14 : i64} {
  func.func @body(%arg0: memref<10112x64xf32, #tpu.memory_space<vmem>>, %arg1: memref<10000x64xf32, #tpu.memory_space<vmem>>, %arg2: memref<10000x1xf32, #tpu.memory_space<vmem>>, %arg3: memref<10000x1xf32, #tpu.memory_space<vmem>>, %arg4: memref<1x64xf32, #tpu.memory_space<vmem>>, %arg5: memref<1x64xf32, #tpu.memory_space<vmem>>, %arg6: memref<1x64xf32, #tpu.memory_space<vmem>>, %arg7: memref<10000x64xf32, #tpu.memory_space<vmem>>, %arg8: memref<64x32xf32, #tpu.memory_space<vmem>>, %arg9: memref<10000x32xf32, #tpu.memory_space<vmem>>, %arg10: memref<10112x32xf32, #tpu.memory_space<vmem>>) attributes {dimension_semantics = [], scalar_prefetch = 0 : i64, scratch_operands = 0 : i64, tpu.core_type = #tpu.core_type<tc>} {
    %get3A = arith.constant 0 : index
    %get3A_0 = arith.constant 0 : index
    %get3A_1 = vector.load %arg0[%get3A, %get3A_0] : memref<10112x64xf32, #tpu.memory_space<vmem>>, vector<10000x64xf32>
    %get3A_2 = arith.constant 0 : index
    %get3A_3 = arith.constant 0 : index
    %get3A_4 = vector.load %arg2[%get3A_2, %get3A_3] : memref<10000x1xf32, #tpu.memory_space<vmem>>, vector<10000x1xf32>
    %mul3A = vector.broadcast %get3A_4 : vector<10000x1xf32> to vector<10000x64xf32>
    %mul3A_5 = arith.mulf %get3A_1, %mul3A : vector<10000x64xf32>
    %get3A_6 = arith.constant 0 : index
    %get3A_7 = arith.constant 0 : index
    %get3A_8 = vector.load %arg1[%get3A_6, %get3A_7] : memref<10000x64xf32, #tpu.memory_space<vmem>>, vector<10000x64xf32>
    %get3A_9 = arith.constant 0 : index
    %get3A_10 = arith.constant 0 : index
    %get3A_11 = vector.load %arg3[%get3A_9, %get3A_10] : memref<10000x1xf32, #tpu.memory_space<vmem>>, vector<10000x1xf32>
    %mul3A_12 = vector.broadcast %get3A_11 : vector<10000x1xf32> to vector<10000x64xf32>
    %mul3A_13 = arith.mulf %get3A_8, %mul3A_12 : vector<10000x64xf32>
    %add3A = arith.addf %mul3A_5, %mul3A_13 : vector<10000x64xf32>
    %get3A_14 = arith.constant 0 : index
    %get3A_15 = arith.constant 0 : index
    %get3A_16 = vector.load %arg3[%get3A_14, %get3A_15] : memref<10000x1xf32, #tpu.memory_space<vmem>>, vector<10000x1xf32>
    %mul3A_17 = vector.broadcast %get3A_16 : vector<10000x1xf32> to vector<10000x64xf32>
    %mul3A_18 = arith.mulf %add3A, %mul3A_17 : vector<10000x64xf32>
    %get3A_19 = arith.constant 0 : index
    %get3A_20 = arith.constant 0 : index
    %get3A_21 = vector.load %arg4[%get3A_19, %get3A_20] : memref<1x64xf32, #tpu.memory_space<vmem>>, vector<1x64xf32>
    %add3A_22 = vector.broadcast %get3A_21 : vector<1x64xf32> to vector<10000x64xf32>
    %add3A_23 = arith.addf %mul3A_18, %add3A_22 : vector<10000x64xf32>
    %ge3A = arith.constant 0.000000e+00 : f32
    %ge3A_24 = vector.broadcast %ge3A : f32 to vector<10000x64xf32>
    %ge3A_25 = arith.cmpf oge, %add3A_23, %ge3A_24 : vector<10000x64xf32>
    %mul3A_26 = arith.constant 0.00999999977 : f32
    %mul3A_27 = vector.broadcast %mul3A_26 : f32 to vector<10000x64xf32>
    %mul3A_28 = arith.mulf %mul3A_27, %add3A_23 : vector<10000x64xf32>
    %select_n3A = arith.select %ge3A_25, %add3A_23, %mul3A_28 : vector<10000x64xi1>, vector<10000x64xf32>
    %reduce_sum3A = arith.constant dense<0.000000e+00> : vector<64xf32>
    %reduce_sum3A_29 = vector.multi_reduction <add>, %select_n3A, %reduce_sum3A [0] : vector<10000x64xf32> to vector<64xf32>
    %broadcast_in_dim3A = vector.shape_cast %reduce_sum3A_29 : vector<64xf32> to vector<1x64xf32>
    %div3A = arith.constant 1.000000e+04 : f32
    %div3A_30 = vector.broadcast %div3A : f32 to vector<1x64xf32>
    %div3A_31 = arith.divf %broadcast_in_dim3A, %div3A_30 : vector<1x64xf32>
    %sub3A = vector.broadcast %div3A_31 : vector<1x64xf32> to vector<10000x64xf32>
    %sub3A_32 = arith.subf %select_n3A, %sub3A : vector<10000x64xf32>
    %sub3A_33 = vector.broadcast %div3A_31 : vector<1x64xf32> to vector<10000x64xf32>
    %sub3A_34 = arith.subf %select_n3A, %sub3A_33 : vector<10000x64xf32>
    %mul3A_35 = arith.mulf %sub3A_32, %sub3A_34 : vector<10000x64xf32>
    %reduce_sum3A_36 = arith.constant dense<0.000000e+00> : vector<64xf32>
    %reduce_sum3A_37 = vector.multi_reduction <add>, %mul3A_35, %reduce_sum3A_36 [0] : vector<10000x64xf32> to vector<64xf32>
    %broadcast_in_dim3A_38 = vector.shape_cast %reduce_sum3A_37 : vector<64xf32> to vector<1x64xf32>
    %div3A_39 = arith.constant 1.000000e+04 : f32
    %div3A_40 = vector.broadcast %div3A_39 : f32 to vector<1x64xf32>
    %div3A_41 = arith.divf %broadcast_in_dim3A_38, %div3A_40 : vector<1x64xf32>
    %get3A_42 = arith.constant 0 : index
    %get3A_43 = arith.constant 0 : index
    %get3A_44 = vector.load %arg7[%get3A_42, %get3A_43] : memref<10000x64xf32, #tpu.memory_space<vmem>>, vector<10000x64xf32>
    %sub3A_45 = vector.broadcast %div3A_31 : vector<1x64xf32> to vector<10000x64xf32>
    %sub3A_46 = arith.subf %select_n3A, %sub3A_45 : vector<10000x64xf32>
    %add3A_47 = arith.constant 9.99999974E-6 : f32
    %add3A_48 = vector.broadcast %add3A_47 : f32 to vector<1x64xf32>
    %add3A_49 = arith.addf %div3A_41, %add3A_48 : vector<1x64xf32>
    %rsqrt3A = math.rsqrt %add3A_49 : vector<1x64xf32>
    %mul3A_50 = vector.broadcast %rsqrt3A : vector<1x64xf32> to vector<10000x64xf32>
    %mul3A_51 = arith.mulf %sub3A_46, %mul3A_50 : vector<10000x64xf32>
    %get3A_52 = arith.constant 0 : index
    %get3A_53 = arith.constant 0 : index
    %get3A_54 = vector.load %arg5[%get3A_52, %get3A_53] : memref<1x64xf32, #tpu.memory_space<vmem>>, vector<1x64xf32>
    %mul3A_55 = vector.broadcast %get3A_54 : vector<1x64xf32> to vector<10000x64xf32>
    %mul3A_56 = arith.mulf %mul3A_51, %mul3A_55 : vector<10000x64xf32>
    %add3A_57 = arith.addf %get3A_44, %mul3A_56 : vector<10000x64xf32>
    %get3A_58 = arith.constant 0 : index
    %get3A_59 = arith.constant 0 : index
    %get3A_60 = vector.load %arg6[%get3A_58, %get3A_59] : memref<1x64xf32, #tpu.memory_space<vmem>>, vector<1x64xf32>
    %add3A_61 = vector.broadcast %get3A_60 : vector<1x64xf32> to vector<10000x64xf32>
    %add3A_62 = arith.addf %add3A_57, %add3A_61 : vector<10000x64xf32>
    %get3A_63 = arith.constant 0 : index
    %get3A_64 = arith.constant 0 : index
    %get3A_65 = vector.load %arg8[%get3A_63, %get3A_64] : memref<64x32xf32, #tpu.memory_space<vmem>>, vector<64x32xf32>
    %dot_general3A = arith.constant dense<0.000000e+00> : vector<10000x32xf32>
    %dot_general3A_66 = tpu.matmul %add3A_62, %get3A_65, %dot_general3A {dimension_numbers = #tpu.dot_dimension_numbers<[1], [0], [0], [1], [0, 0, 1, 1], [], []>, transpose_lhs_hint = false} : vector<10000x64xf32>, vector<64x32xf32>, vector<10000x32xf32> -> vector<10000x32xf32>
    %swap3A = arith.constant 0 : index
    %swap3A_67 = arith.constant 0 : index
    %swap3A_68 = vector.load %arg9[%swap3A, %swap3A_67] : memref<10000x32xf32, #tpu.memory_space<vmem>>, vector<10000x32xf32>
    tpu.vector_store %arg9[%swap3A, %swap3A_67], %dot_general3A_66 {strides = array<i32>} : memref<10000x32xf32, #tpu.memory_space<vmem>>, vector<10000x32xf32>,
    %get3A_69 = arith.constant 0 : index
    %get3A_70 = arith.constant 0 : index
    %get3A_71 = vector.load %arg2[%get3A_69, %get3A_70] : memref<10000x1xf32, #tpu.memory_space<vmem>>, vector<10000x1xf32>
    %mul3A_72 = vector.broadcast %get3A_71 : vector<10000x1xf32> to vector<10000x32xf32>
    %mul3A_73 = arith.mulf %dot_general3A_66, %mul3A_72 : vector<10000x32xf32>
    %swap3A_74 = arith.constant 0 : index
    %swap3A_75 = arith.constant 0 : index
    %swap3A_76 = vector.load %arg10[%swap3A_74, %swap3A_75] : memref<10112x32xf32, #tpu.memory_space<vmem>>, vector<10000x32xf32>
    tpu.vector_store %arg10[%swap3A_74, %swap3A_75], %mul3A_73 {strides = array<i32>} : memref<10112x32xf32, #tpu.memory_space<vmem>>, vector<10000x32xf32>,
    %broadcast_in_dim3A_77 = arith.constant 0.000000e+00 : f32
    %broadcast_in_dim3A_78 = vector.broadcast %broadcast_in_dim3A_77 : f32 to vector<112x32xf32>
    %swap3A_79 = arith.constant 10000 : index
    %swap3A_80 = arith.constant 0 : index
    %swap3A_81 = vector.load %arg10[%swap3A_79, %swap3A_80] : memref<10112x32xf32, #tpu.memory_space<vmem>>, vector<112x32xf32>
    tpu.vector_store %arg10[%swap3A_79, %swap3A_80], %broadcast_in_dim3A_78 {strides = array<i32>} : memref<10112x32xf32, #tpu.memory_space<vmem>>, vector<112x32xf32>,
    return
  }
}

module attributes {stable_mosaic.version = 14 : i64} {
  func.func @body(%arg0: memref<10112x32xf32, #tpu.memory_space<vmem>>, %arg1: memref<10000x32xf32, #tpu.memory_space<vmem>>, %arg2: memref<10000x1xf32, #tpu.memory_space<vmem>>, %arg3: memref<10000x1xf32, #tpu.memory_space<vmem>>, %arg4: memref<1x32xf32, #tpu.memory_space<vmem>>, %arg5: memref<1x32xf32, #tpu.memory_space<vmem>>, %arg6: memref<1x32xf32, #tpu.memory_space<vmem>>, %arg7: memref<10000x32xf32, #tpu.memory_space<vmem>>, %arg8: memref<32x32xf32, #tpu.memory_space<vmem>>, %arg9: memref<10000x32xf32, #tpu.memory_space<vmem>>, %arg10: memref<10112x32xf32, #tpu.memory_space<vmem>>) attributes {dimension_semantics = [], scalar_prefetch = 0 : i64, scratch_operands = 0 : i64, tpu.core_type = #tpu.core_type<tc>} {
    %get3A = arith.constant 0 : index
    %get3A_0 = arith.constant 0 : index
    %get3A_1 = vector.load %arg0[%get3A, %get3A_0] : memref<10112x32xf32, #tpu.memory_space<vmem>>, vector<10000x32xf32>
    %get3A_2 = arith.constant 0 : index
    %get3A_3 = arith.constant 0 : index
    %get3A_4 = vector.load %arg2[%get3A_2, %get3A_3] : memref<10000x1xf32, #tpu.memory_space<vmem>>, vector<10000x1xf32>
    %mul3A = vector.broadcast %get3A_4 : vector<10000x1xf32> to vector<10000x32xf32>
    %mul3A_5 = arith.mulf %get3A_1, %mul3A : vector<10000x32xf32>
    %get3A_6 = arith.constant 0 : index
    %get3A_7 = arith.constant 0 : index
    %get3A_8 = vector.load %arg1[%get3A_6, %get3A_7] : memref<10000x32xf32, #tpu.memory_space<vmem>>, vector<10000x32xf32>
    %get3A_9 = arith.constant 0 : index
    %get3A_10 = arith.constant 0 : index
    %get3A_11 = vector.load %arg3[%get3A_9, %get3A_10] : memref<10000x1xf32, #tpu.memory_space<vmem>>, vector<10000x1xf32>
    %mul3A_12 = vector.broadcast %get3A_11 : vector<10000x1xf32> to vector<10000x32xf32>
    %mul3A_13 = arith.mulf %get3A_8, %mul3A_12 : vector<10000x32xf32>
    %add3A = arith.addf %mul3A_5, %mul3A_13 : vector<10000x32xf32>
    %get3A_14 = arith.constant 0 : index
    %get3A_15 = arith.constant 0 : index
    %get3A_16 = vector.load %arg3[%get3A_14, %get3A_15] : memref<10000x1xf32, #tpu.memory_space<vmem>>, vector<10000x1xf32>
    %mul3A_17 = vector.broadcast %get3A_16 : vector<10000x1xf32> to vector<10000x32xf32>
    %mul3A_18 = arith.mulf %add3A, %mul3A_17 : vector<10000x32xf32>
    %get3A_19 = arith.constant 0 : index
    %get3A_20 = arith.constant 0 : index
    %get3A_21 = vector.load %arg4[%get3A_19, %get3A_20] : memref<1x32xf32, #tpu.memory_space<vmem>>, vector<1x32xf32>
    %add3A_22 = vector.broadcast %get3A_21 : vector<1x32xf32> to vector<10000x32xf32>
    %add3A_23 = arith.addf %mul3A_18, %add3A_22 : vector<10000x32xf32>
    %ge3A = arith.constant 0.000000e+00 : f32
    %ge3A_24 = vector.broadcast %ge3A : f32 to vector<10000x32xf32>
    %ge3A_25 = arith.cmpf oge, %add3A_23, %ge3A_24 : vector<10000x32xf32>
    %mul3A_26 = arith.constant 0.00999999977 : f32
    %mul3A_27 = vector.broadcast %mul3A_26 : f32 to vector<10000x32xf32>
    %mul3A_28 = arith.mulf %mul3A_27, %add3A_23 : vector<10000x32xf32>
    %select_n3A = arith.select %ge3A_25, %add3A_23, %mul3A_28 : vector<10000x32xi1>, vector<10000x32xf32>
    %reduce_sum3A = arith.constant dense<0.000000e+00> : vector<32xf32>
    %reduce_sum3A_29 = vector.multi_reduction <add>, %select_n3A, %reduce_sum3A [0] : vector<10000x32xf32> to vector<32xf32>
    %broadcast_in_dim3A = vector.shape_cast %reduce_sum3A_29 : vector<32xf32> to vector<1x32xf32>
    %div3A = arith.constant 1.000000e+04 : f32
    %div3A_30 = vector.broadcast %div3A : f32 to vector<1x32xf32>
    %div3A_31 = arith.divf %broadcast_in_dim3A, %div3A_30 : vector<1x32xf32>
    %sub3A = vector.broadcast %div3A_31 : vector<1x32xf32> to vector<10000x32xf32>
    %sub3A_32 = arith.subf %select_n3A, %sub3A : vector<10000x32xf32>
    %sub3A_33 = vector.broadcast %div3A_31 : vector<1x32xf32> to vector<10000x32xf32>
    %sub3A_34 = arith.subf %select_n3A, %sub3A_33 : vector<10000x32xf32>
    %mul3A_35 = arith.mulf %sub3A_32, %sub3A_34 : vector<10000x32xf32>
    %reduce_sum3A_36 = arith.constant dense<0.000000e+00> : vector<32xf32>
    %reduce_sum3A_37 = vector.multi_reduction <add>, %mul3A_35, %reduce_sum3A_36 [0] : vector<10000x32xf32> to vector<32xf32>
    %broadcast_in_dim3A_38 = vector.shape_cast %reduce_sum3A_37 : vector<32xf32> to vector<1x32xf32>
    %div3A_39 = arith.constant 1.000000e+04 : f32
    %div3A_40 = vector.broadcast %div3A_39 : f32 to vector<1x32xf32>
    %div3A_41 = arith.divf %broadcast_in_dim3A_38, %div3A_40 : vector<1x32xf32>
    %get3A_42 = arith.constant 0 : index
    %get3A_43 = arith.constant 0 : index
    %get3A_44 = vector.load %arg7[%get3A_42, %get3A_43] : memref<10000x32xf32, #tpu.memory_space<vmem>>, vector<10000x32xf32>
    %sub3A_45 = vector.broadcast %div3A_31 : vector<1x32xf32> to vector<10000x32xf32>
    %sub3A_46 = arith.subf %select_n3A, %sub3A_45 : vector<10000x32xf32>
    %add3A_47 = arith.constant 9.99999974E-6 : f32
    %add3A_48 = vector.broadcast %add3A_47 : f32 to vector<1x32xf32>
    %add3A_49 = arith.addf %div3A_41, %add3A_48 : vector<1x32xf32>
    %rsqrt3A = math.rsqrt %add3A_49 : vector<1x32xf32>
    %mul3A_50 = vector.broadcast %rsqrt3A : vector<1x32xf32> to vector<10000x32xf32>
    %mul3A_51 = arith.mulf %sub3A_46, %mul3A_50 : vector<10000x32xf32>
    %get3A_52 = arith.constant 0 : index
    %get3A_53 = arith.constant 0 : index
    %get3A_54 = vector.load %arg5[%get3A_52, %get3A_53] : memref<1x32xf32, #tpu.memory_space<vmem>>, vector<1x32xf32>
    %mul3A_55 = vector.broadcast %get3A_54 : vector<1x32xf32> to vector<10000x32xf32>
    %mul3A_56 = arith.mulf %mul3A_51, %mul3A_55 : vector<10000x32xf32>
    %add3A_57 = arith.addf %get3A_44, %mul3A_56 : vector<10000x32xf32>
    %get3A_58 = arith.constant 0 : index
    %get3A_59 = arith.constant 0 : index
    %get3A_60 = vector.load %arg6[%get3A_58, %get3A_59] : memref<1x32xf32, #tpu.memory_space<vmem>>, vector<1x32xf32>
    %add3A_61 = vector.broadcast %get3A_60 : vector<1x32xf32> to vector<10000x32xf32>
    %add3A_62 = arith.addf %add3A_57, %add3A_61 : vector<10000x32xf32>
    %get3A_63 = arith.constant 0 : index
    %get3A_64 = arith.constant 0 : index
    %get3A_65 = vector.load %arg8[%get3A_63, %get3A_64] : memref<32x32xf32, #tpu.memory_space<vmem>>, vector<32x32xf32>
    %dot_general3A = arith.constant dense<0.000000e+00> : vector<10000x32xf32>
    %dot_general3A_66 = tpu.matmul %add3A_62, %get3A_65, %dot_general3A {dimension_numbers = #tpu.dot_dimension_numbers<[1], [0], [0], [1], [0, 0, 1, 1], [], []>, transpose_lhs_hint = false} : vector<10000x32xf32>, vector<32x32xf32>, vector<10000x32xf32> -> vector<10000x32xf32>
    %swap3A = arith.constant 0 : index
    %swap3A_67 = arith.constant 0 : index
    %swap3A_68 = vector.load %arg9[%swap3A, %swap3A_67] : memref<10000x32xf32, #tpu.memory_space<vmem>>, vector<10000x32xf32>
    tpu.vector_store %arg9[%swap3A, %swap3A_67], %dot_general3A_66 {strides = array<i32>} : memref<10000x32xf32, #tpu.memory_space<vmem>>, vector<10000x32xf32>,
    %get3A_69 = arith.constant 0 : index
    %get3A_70 = arith.constant 0 : index
    %get3A_71 = vector.load %arg2[%get3A_69, %get3A_70] : memref<10000x1xf32, #tpu.memory_space<vmem>>, vector<10000x1xf32>
    %mul3A_72 = vector.broadcast %get3A_71 : vector<10000x1xf32> to vector<10000x32xf32>
    %mul3A_73 = arith.mulf %dot_general3A_66, %mul3A_72 : vector<10000x32xf32>
    %swap3A_74 = arith.constant 0 : index
    %swap3A_75 = arith.constant 0 : index
    %swap3A_76 = vector.load %arg10[%swap3A_74, %swap3A_75] : memref<10112x32xf32, #tpu.memory_space<vmem>>, vector<10000x32xf32>
    tpu.vector_store %arg10[%swap3A_74, %swap3A_75], %mul3A_73 {strides = array<i32>} : memref<10112x32xf32, #tpu.memory_space<vmem>>, vector<10000x32xf32>,
    %broadcast_in_dim3A_77 = arith.constant 0.000000e+00 : f32
    %broadcast_in_dim3A_78 = vector.broadcast %broadcast_in_dim3A_77 : f32 to vector<112x32xf32>
    %swap3A_79 = arith.constant 10000 : index
    %swap3A_80 = arith.constant 0 : index
    %swap3A_81 = vector.load %arg10[%swap3A_79, %swap3A_80] : memref<10112x32xf32, #tpu.memory_space<vmem>>, vector<112x32xf32>
    tpu.vector_store %arg10[%swap3A_79, %swap3A_80], %broadcast_in_dim3A_78 {strides = array<i32>} : memref<10112x32xf32, #tpu.memory_space<vmem>>, vector<112x32xf32>,
    return
  }
}

module attributes {stable_mosaic.version = 14 : i64} {
  func.func @body(%arg0: memref<10112x32xf32, #tpu.memory_space<vmem>>, %arg1: memref<10000x32xf32, #tpu.memory_space<vmem>>, %arg2: memref<10000x1xf32, #tpu.memory_space<vmem>>, %arg3: memref<10000x1xf32, #tpu.memory_space<vmem>>, %arg4: memref<1x32xf32, #tpu.memory_space<vmem>>, %arg5: memref<1x32xf32, #tpu.memory_space<vmem>>, %arg6: memref<1x32xf32, #tpu.memory_space<vmem>>, %arg7: memref<10000x32xf32, #tpu.memory_space<vmem>>, %arg8: memref<32x32xf32, #tpu.memory_space<vmem>>, %arg9: memref<1x32xf32, #tpu.memory_space<vmem>>, %arg10: memref<10000x32xf32, #tpu.memory_space<vmem>>) attributes {dimension_semantics = [], scalar_prefetch = 0 : i64, scratch_operands = 0 : i64, tpu.core_type = #tpu.core_type<tc>} {
    %get3A = arith.constant 0 : index
    %get3A_0 = arith.constant 0 : index
    %get3A_1 = vector.load %arg0[%get3A, %get3A_0] : memref<10112x32xf32, #tpu.memory_space<vmem>>, vector<10000x32xf32>
    %get3A_2 = arith.constant 0 : index
    %get3A_3 = arith.constant 0 : index
    %get3A_4 = vector.load %arg2[%get3A_2, %get3A_3] : memref<10000x1xf32, #tpu.memory_space<vmem>>, vector<10000x1xf32>
    %mul3A = vector.broadcast %get3A_4 : vector<10000x1xf32> to vector<10000x32xf32>
    %mul3A_5 = arith.mulf %get3A_1, %mul3A : vector<10000x32xf32>
    %get3A_6 = arith.constant 0 : index
    %get3A_7 = arith.constant 0 : index
    %get3A_8 = vector.load %arg1[%get3A_6, %get3A_7] : memref<10000x32xf32, #tpu.memory_space<vmem>>, vector<10000x32xf32>
    %get3A_9 = arith.constant 0 : index
    %get3A_10 = arith.constant 0 : index
    %get3A_11 = vector.load %arg3[%get3A_9, %get3A_10] : memref<10000x1xf32, #tpu.memory_space<vmem>>, vector<10000x1xf32>
    %mul3A_12 = vector.broadcast %get3A_11 : vector<10000x1xf32> to vector<10000x32xf32>
    %mul3A_13 = arith.mulf %get3A_8, %mul3A_12 : vector<10000x32xf32>
    %add3A = arith.addf %mul3A_5, %mul3A_13 : vector<10000x32xf32>
    %get3A_14 = arith.constant 0 : index
    %get3A_15 = arith.constant 0 : index
    %get3A_16 = vector.load %arg3[%get3A_14, %get3A_15] : memref<10000x1xf32, #tpu.memory_space<vmem>>, vector<10000x1xf32>
    %mul3A_17 = vector.broadcast %get3A_16 : vector<10000x1xf32> to vector<10000x32xf32>
    %mul3A_18 = arith.mulf %add3A, %mul3A_17 : vector<10000x32xf32>
    %get3A_19 = arith.constant 0 : index
    %get3A_20 = arith.constant 0 : index
    %get3A_21 = vector.load %arg4[%get3A_19, %get3A_20] : memref<1x32xf32, #tpu.memory_space<vmem>>, vector<1x32xf32>
    %add3A_22 = vector.broadcast %get3A_21 : vector<1x32xf32> to vector<10000x32xf32>
    %add3A_23 = arith.addf %mul3A_18, %add3A_22 : vector<10000x32xf32>
    %ge3A = arith.constant 0.000000e+00 : f32
    %ge3A_24 = vector.broadcast %ge3A : f32 to vector<10000x32xf32>
    %ge3A_25 = arith.cmpf oge, %add3A_23, %ge3A_24 : vector<10000x32xf32>
    %mul3A_26 = arith.constant 0.00999999977 : f32
    %mul3A_27 = vector.broadcast %mul3A_26 : f32 to vector<10000x32xf32>
    %mul3A_28 = arith.mulf %mul3A_27, %add3A_23 : vector<10000x32xf32>
    %select_n3A = arith.select %ge3A_25, %add3A_23, %mul3A_28 : vector<10000x32xi1>, vector<10000x32xf32>
    %reduce_sum3A = arith.constant dense<0.000000e+00> : vector<32xf32>
    %reduce_sum3A_29 = vector.multi_reduction <add>, %select_n3A, %reduce_sum3A [0] : vector<10000x32xf32> to vector<32xf32>
    %broadcast_in_dim3A = vector.shape_cast %reduce_sum3A_29 : vector<32xf32> to vector<1x32xf32>
    %div3A = arith.constant 1.000000e+04 : f32
    %div3A_30 = vector.broadcast %div3A : f32 to vector<1x32xf32>
    %div3A_31 = arith.divf %broadcast_in_dim3A, %div3A_30 : vector<1x32xf32>
    %sub3A = vector.broadcast %div3A_31 : vector<1x32xf32> to vector<10000x32xf32>
    %sub3A_32 = arith.subf %select_n3A, %sub3A : vector<10000x32xf32>
    %sub3A_33 = vector.broadcast %div3A_31 : vector<1x32xf32> to vector<10000x32xf32>
    %sub3A_34 = arith.subf %select_n3A, %sub3A_33 : vector<10000x32xf32>
    %mul3A_35 = arith.mulf %sub3A_32, %sub3A_34 : vector<10000x32xf32>
    %reduce_sum3A_36 = arith.constant dense<0.000000e+00> : vector<32xf32>
    %reduce_sum3A_37 = vector.multi_reduction <add>, %mul3A_35, %reduce_sum3A_36 [0] : vector<10000x32xf32> to vector<32xf32>
    %broadcast_in_dim3A_38 = vector.shape_cast %reduce_sum3A_37 : vector<32xf32> to vector<1x32xf32>
    %div3A_39 = arith.constant 1.000000e+04 : f32
    %div3A_40 = vector.broadcast %div3A_39 : f32 to vector<1x32xf32>
    %div3A_41 = arith.divf %broadcast_in_dim3A_38, %div3A_40 : vector<1x32xf32>
    %get3A_42 = arith.constant 0 : index
    %get3A_43 = arith.constant 0 : index
    %get3A_44 = vector.load %arg7[%get3A_42, %get3A_43] : memref<10000x32xf32, #tpu.memory_space<vmem>>, vector<10000x32xf32>
    %sub3A_45 = vector.broadcast %div3A_31 : vector<1x32xf32> to vector<10000x32xf32>
    %sub3A_46 = arith.subf %select_n3A, %sub3A_45 : vector<10000x32xf32>
    %add3A_47 = arith.constant 9.99999974E-6 : f32
    %add3A_48 = vector.broadcast %add3A_47 : f32 to vector<1x32xf32>
    %add3A_49 = arith.addf %div3A_41, %add3A_48 : vector<1x32xf32>
    %rsqrt3A = math.rsqrt %add3A_49 : vector<1x32xf32>
    %mul3A_50 = vector.broadcast %rsqrt3A : vector<1x32xf32> to vector<10000x32xf32>
    %mul3A_51 = arith.mulf %sub3A_46, %mul3A_50 : vector<10000x32xf32>
    %get3A_52 = arith.constant 0 : index
    %get3A_53 = arith.constant 0 : index
    %get3A_54 = vector.load %arg5[%get3A_52, %get3A_53] : memref<1x32xf32, #tpu.memory_space<vmem>>, vector<1x32xf32>
    %mul3A_55 = vector.broadcast %get3A_54 : vector<1x32xf32> to vector<10000x32xf32>
    %mul3A_56 = arith.mulf %mul3A_51, %mul3A_55 : vector<10000x32xf32>
    %add3A_57 = arith.addf %get3A_44, %mul3A_56 : vector<10000x32xf32>
    %get3A_58 = arith.constant 0 : index
    %get3A_59 = arith.constant 0 : index
    %get3A_60 = vector.load %arg6[%get3A_58, %get3A_59] : memref<1x32xf32, #tpu.memory_space<vmem>>, vector<1x32xf32>
    %add3A_61 = vector.broadcast %get3A_60 : vector<1x32xf32> to vector<10000x32xf32>
    %add3A_62 = arith.addf %add3A_57, %add3A_61 : vector<10000x32xf32>
    %get3A_63 = arith.constant 0 : index
    %get3A_64 = arith.constant 0 : index
    %get3A_65 = vector.load %arg8[%get3A_63, %get3A_64] : memref<32x32xf32, #tpu.memory_space<vmem>>, vector<32x32xf32>
    %dot_general3A = arith.constant dense<0.000000e+00> : vector<10000x32xf32>
    %dot_general3A_66 = tpu.matmul %add3A_62, %get3A_65, %dot_general3A {dimension_numbers = #tpu.dot_dimension_numbers<[1], [0], [0], [1], [0, 0, 1, 1], [], []>, transpose_lhs_hint = false} : vector<10000x32xf32>, vector<32x32xf32>, vector<10000x32xf32> -> vector<10000x32xf32>
    %get3A_67 = arith.constant 0 : index
    %get3A_68 = arith.constant 0 : index
    %get3A_69 = vector.load %arg9[%get3A_67, %get3A_68] : memref<1x32xf32, #tpu.memory_space<vmem>>, vector<1x32xf32>
    %add3A_70 = vector.broadcast %get3A_69 : vector<1x32xf32> to vector<10000x32xf32>
    %add3A_71 = arith.addf %dot_general3A_66, %add3A_70 : vector<10000x32xf32>
    %swap3A = arith.constant 0 : index
    %swap3A_72 = arith.constant 0 : index
    %swap3A_73 = vector.load %arg10[%swap3A, %swap3A_72] : memref<10000x32xf32, #tpu.memory_space<vmem>>, vector<10000x32xf32>
    tpu.vector_store %arg10[%swap3A, %swap3A_72], %add3A_71 {strides = array<i32>} : memref<10000x32xf32, #tpu.memory_space<vmem>>, vector<10000x32xf32>,
    return
  }
}

</mosaic_0001>

<sc_bundles>
// kernel: kernel.21.cloned.1.call-start
scs
__scs_entry_jumppad:
0x0: {  	(pc) =	sbr.rel $0x88, $3  }
0x1: {  	(tag) =	ssettag $0x0;
	lr =	simm.s32 $0x1  }
0x2: {  	[smem:$0x3F7D] =	sst lr;
	_ =	strace $0xD0000000  }
0x3: {  	_ = 	snop  }
0x4: {  	_ = 	snop  }
0x5: {  	_ = 	snop  }
0x6: {  	_ = 	snop  }
0x7: {  	_ = 	snop  }
__scs_overlays_trampoline_lowered:
0x8: {  	[smem:$0x3F8C] =	sst s0  }
0x9: {  	[smem:$0x3F8D] =	sst s1  }
0xa: {  	[smem:$0x3F8E] =	sst s2  }
0xb: {  	[smem:$0x3F8F] =	sst s3  }
0xc: {  	[smem:$0x3F90] =	sst s4  }
0xd: {  	[smem:$0x3F91] =	sst s5  }
0xe: {  	[smem:$0x3F92] =	sst s6  }
0xf: {  	[smem:$0x3F93] =	sst s7  }
0x10: {  	[smem:$0x3F94] =	sst s8  }
0x11: {  	[smem:$0x3F95] =	sst s9;
	s0 =	simm.s32 @!p0 $0x0  }
0x12: {  	s1 =	sld [smem:$0x3F7B];
	s0 =	simm.s32 @p0 $0x1  }
0x13: {  	[smem:$0x3F96] =	sst s0;
	s0 =	simm.s32 @!p1 $0x0  }
0x14: {  	s2 =	sld [smem:$0x3F7A];
	s0 =	simm.s32 @p1 $0x1  }
0x15: {  	[smem:$0x3F97] =	sst s0;
	s0 =	simm.s32 @!p2 $0x0  }
0x16: {  	s3 =	sld [smem:$0x3FDB];
	s0 =	simm.s32 @p2 $0x1  }
0x17: {  	s4 =	simm.s32 $0x1BF5;
	[smem:$0x3F99] =	sst s0  }
0x18: {  	s0 =	sld [smem:$0x3F7C];
	_ =	swait.ge [sflag:s4], $0x0  }
0x19: {  	s7 =	sld [smem:$0x3F7D]  }
0x1a: {  	s8 =	sadd.s32 $0xFFFFE003, lr  }
0x1b: {  	s9 =	sadd.s32 $0xFFFFFEF7, lr;
	s5 =	simm.s32 $0xFFFFFFFF;
	p2 =	slt.u32 s8, $0xFFFFF086  }
0x1c: {  	p1 =	slt.u32 s9, $0xF7A;
	s5 =	simm.s32 @!p2 $0x0  }
0x1d: {  	s5 =	simm.s32 @p1 $0x1;
	p0 =	seq.s32 s7, s2  }
0x1e: {  	s7 =	smul.u32 @!p0 $0xF7A, s2;
	p2 =	seq.s32 @!p0 s5, $0x0  }
0x1f: {  	s9 =	smul.u32 $0xF7A, s1;
	s8 =	simm.s32 @!p0 $0x1BF5;
	p2 =	por !p2, p0  }
0x20: {  	[sflag:s8] =	ssyncset.s32 @!p0 $0xFFFFF086;
	s6 =	sadd.s32 @!p0 s3, s7;
	s7 =	simm.s32 @!p0 $0x108  }
0x21: {  	s3 =	sadd.s32 s3, s9;
	s6 =	sadd.s32 @!p0 $0x88, s6;
	s7 =	simm.s32 @p2 $0x1082  }
0x22: {  	[simem:s7], [sflag:s8] =	dma.local @!p0 [hbm:s6], $0xF7A  }
0x23: {  	s9 =	sor.u32 $0xD0000000, s2;
	s6 =	simm.s32 $0x108;
	_ =	swait.ge @!p0 [sflag:s8], $0x0  }
0x24: {  	s3 =	sadd.s32 $0x88, s3;
	s6 =	simm.s32 @!p1 $0x1082;
	[sflag:s4] =	ssyncset.s32 $0xFFFFF086  }
0x25: {  	[simem:s6], [sflag:s4] =	dma.local [hbm:s3], $0xF7A  }
0x26: {  	[smem:$0x3F7D] =	sst s1;
	(tag) =	ssettag s2;
	_ =	strace s9  }
0x27: {  	s1 =	sld [smem:$0x3F8D]  }
0x28: {  	s2 =	sld [smem:$0x3F8E]  }
0x29: {  	s4 =	sld [smem:$0x3F90]  }
0x2a: {  	p0 =	seq.s32 s5, $0x0;
	s5 =	sld [smem:$0x3F91]  }
0x2b: {  	s6 =	sld [smem:$0x3F92]  }
0x2c: {  	s7 =	sld [smem:$0x3F93]  }
0x2d: {  	s3 =	simm.s32 $0x108;
	s8 =	sld [smem:$0x3F94]  }
0x2e: {  	s3 =	simm.s32 @!p0 $0x1082;
	s9 =	sld [smem:$0x3F95]  }
0x2f: {  	lr =	sadd.s32 s0, s3;
	s0 =	sld [smem:$0x3F8C]  }
0x30: {  	s3 =	sld [smem:$0x3F8F]  }
0x31: {  	[smem:$0x3F98] =	sst s10  }
0x32: {  	s10 =	sld [smem:$0x3F96];
	_ =	sdelay $0x3  }
0x33: {  	p0 =	seq.s32 s10, $0x1;
	s10 =	sld [smem:$0x3F98];
	_ =	sdelay $0x3  }
0x34: {  	[smem:$0x3F98] =	sst s10  }
0x35: {  	s10 =	sld [smem:$0x3F97];
	_ =	sdelay $0x3  }
0x36: {  	p1 =	seq.s32 s10, $0x1;
	s10 =	sld [smem:$0x3F98];
	_ =	sdelay $0x3  }
0x37: {  	[smem:$0x3F98] =	sst s10  }
0x38: {  	s10 =	sld [smem:$0x3F99]  }
0x39: {  	_ = 	snop;
	(pc) =	sbr.ind lr, $3  }
0x3a: {  	_ = 	snop  }
0x3b: {  	_ = 	snop  }
0x3c: {  	p2 =	seq.s32 s10, $0x1;
	s10 =	sld [smem:$0x3F98]  }
0x3d: {  	_ =	shalt  }
0x3e: {  	_ =	shalt  }
0x3f: {  	_ =	shalt  }
0x40: {  	_ =	shalt  }
0x41: {  	_ =	shalt  }
0x42: {  	_ =	shalt  }
0x43: {  	_ =	shalt  }
0x44: {  	_ =	shalt  }
0x45: {  	_ =	shalt  }
0x46: {  	_ =	shalt  }
0x47: {  	_ =	shalt  }
0x48: {  	_ =	shalt  }
0x49: {  	_ =	shalt  }
0x4a: {  	_ =	shalt  }
0x4b: {  	_ =	shalt  }
0x4c: {  	_ =	shalt  }
0x4d: {  	_ =	shalt  }
0x4e: {  	_ =	shalt  }
0x4f: {  	_ =	shalt  }
0x50: {  	_ =	shalt  }
0x51: {  	_ =	shalt  }
0x52: {  	_ =	shalt  }
0x53: {  	_ =	shalt  }
0x54: {  	_ =	shalt  }
0x55: {  	_ =	shalt  }
0x56: {  	_ =	shalt  }
0x57: {  	_ =	shalt  }
0x58: {  	_ =	shalt  }
0x59: {  	_ =	shalt  }
0x5a: {  	_ =	shalt  }
0x5b: {  	_ =	shalt  }
0x5c: {  	_ =	shalt  }
0x5d: {  	_ =	shalt  }
0x5e: {  	_ =	shalt  }
0x5f: {  	_ =	shalt  }
0x60: {  	_ =	shalt  }
0x61: {  	_ =	shalt  }
0x62: {  	_ =	shalt  }
0x63: {  	_ =	shalt  }
0x64: {  	_ =	shalt  }
0x65: {  	_ =	shalt  }
0x66: {  	_ =	shalt  }
0x67: {  	_ =	shalt  }
0x68: {  	_ =	shalt  }
0x69: {  	_ =	shalt  }
0x6a: {  	_ =	shalt  }
0x6b: {  	_ =	shalt  }
0x6c: {  	_ =	shalt  }
0x6d: {  	_ =	shalt  }
0x6e: {  	_ =	shalt  }
0x6f: {  	_ =	shalt  }
0x70: {  	_ =	shalt  }
0x71: {  	_ =	shalt  }
0x72: {  	_ =	shalt  }
0x73: {  	_ =	shalt  }
0x74: {  	_ =	shalt  }
0x75: {  	_ =	shalt  }
0x76: {  	_ =	shalt  }
0x77: {  	_ =	shalt  }
0x78: {  	_ =	shalt  }
0x79: {  	_ =	shalt  }
0x7a: {  	_ =	shalt  }
0x7b: {  	_ =	shalt  }
0x7c: {  	_ =	shalt  }
0x7d: {  	_ =	shalt  }
0x7e: {  	_ =	shalt  }
0x7f: {  	_ =	shalt  }
0x80: {  	_ =	shalt  }
0x81: {  	_ =	shalt  }
0x82: {  	_ =	shalt  }
0x83: {  	_ =	shalt  }
0x84: {  	_ =	shalt  }
0x85: {  	_ =	shalt  }
0x86: {  	_ =	shalt  }
0x87: {  	_ =	shalt  }
.Lfunc_end0:
.L_simem_size_0:
called_computation_lowered:
.L_overlay_start_0:
0x88: {  	s2 =	sld [smem:$0x3FD9]  }
0x89: {  	s3 =	sld [smem:$0x3FFE];
	_ =	sdelay $0x1  }
0x8a: {  	s1 =	srdreg.scid  }
0x8b: {  	s0 =	sand.u32 $0x1, s1  }
0x8c: {  	s17 =	sshll.u32 s0, $0xA;
	s2 =	sadd.s32 s3, s2  }
0x8d: {  	s2 =	sadd.s32 s2, s17  }
0x8e: {  	[smem:$0x3FA4] =	sst s2  }
0x8f: {  	_ = 	snop  }
0x90: {  	s2 =	sld [smem:$0x3FD0];
	(tm) =	ssettm $0x1  }
0x91: {  	s18 =	sld [smem:$0x3FFB];
	_ =	sdelay $0x3  }
0x92: {  	_ =	strace s18  }
0x93: {  	s3 =	sld [smem:$0x3FFC];
	_ =	sdelay $0x3  }
0x94: {  	_ =	strace s3  }
0x95: {  	s3 =	sld [smem:$0x3FFD];
	_ =	sdelay $0x3  }
0x96: {  	_ =	strace s3  }
0x97: {  	_ =	strace $0x8FFFFFFF  }
0x98: {  	s19 =	sld [smem:$0x3FDB];
	_ =	sdelay $0x1  }
0x99: {  	s4 =	simm.s32 $_scs_section_size  }
0x9a: {  	s5 =	simm.s32 $_size__tile_overlayer_lowered;
	s6 =	simm.s32 $_tile_overlayer_lowered  }
0x9b: {  	s22 =	simm.s32 $0x1BFF;
	s21 =	sshll.u32 s6, $0x1;
	s3 =	sadd.s32 s4, s19  }
0x9c: {  	s7 =	simm.s32 $0x0;
	s20 =	sshll.u32 s5, $0x1;
	s5 =	sadd.s32 s21, s3  }
0x9d: {  	[timem:s7], [sflag:s22] =	dma.local [hbm:s5], s20  }
0x9e: {  	_ =	swait.ge [sflag:s22], s20  }
0x9f: {  	s4 =	ssub.s32 $0x0, s20;
	[sflag:s22] =	ssyncset.done $0x0  }
0xa0: {  	[sflag:s22] =	ssyncadd.s32 s4;
	_ =	sdelay $0x1  }
0xa1: {  	s23 =	simm.s32 $0x1B8B  }
0xa2: {  	_ =	swait.ge [sflag:s23], $0x1  }
0xa3: {  	[sflag:s23] =	ssyncset.done $0x0  }
0xa4: {  	s25 =	simm.s32 $0x1B8E;
	s24 =	sld [smem:$0x3FFE];
	[sflag:s23] =	ssyncadd.s32 $0xFFFFFFFF  }
0xa5: {  	s26 =	simm.s32 $execute0_lowered;
	[smem:$0x3FD2] =	sst s25  }
0xa6: {  	s5 =	sshll.u32 s26, $0x1;
	_ =	strace $0x80000046;
	[dreg:$0x1] =	wrdreg $0xFFFFFFFF  }
0xa7: {  	s28 =	simm.s32 $_size_execute0_lowered;
	s3 =	sadd.s32 s3, s5;
	[dreg:$0x0] =	wrdreg $0x0  }
0xa8: {  	s5 =	sshll.u32 s28, $0x1;
	[dreg:$0x2] =	wrdreg s3  }
0xa9: {  	[dreg:$0x3] =	wrdreg s5  }
0xaa: {  	[dreg:$0x4] =	wrdreg $0xC0  }
0xab: {  	_ =	task [dreg:s7], $0x5FFFF  }
0xac: {  	[dreg:$0x1] =	wrdreg $0xFFFFFFFF  }
0xad: {  	[dreg:$0x0] =	wrdreg $0x60  }
0xae: {  	[dreg:$0x2] =	wrdreg s24  }
0xaf: {  	[dreg:$0x3] =	wrdreg s2  }
0xb0: {  	[dreg:$0x4] =	wrdreg $0x0  }
0xb1: {  	[dreg:$0x5] =	wrdreg $0x9  }
0xb2: {  	_ =	task.clear_ibuf [dreg:s7], $0x6FFFF;
	_ =	strace $0x90000046  }
0xb3: {  	s29 =	simm.s32 $0x9;
	_ =	strace $0x80000048  }
0xb4: {  	_ =	swait.ge [sflag:s29], $0x1  }
0xb5: {  	[sflag:s29] =	ssyncadd.s32 $0xFFFFFFFF  }
0xb6: {  	_ =	strace $0x90000048  }
0xb7: {  	_ =	sfence  }
0xb8: {  	s30 =	sld [smem:$0x0];
	_ =	sdelay $0x2  }
0xb9: {  	s31 =	sshll.u32 s1, $0xD;
	s1 =	sshrl.u32 s1, $0x2  }
0xba: {  	s3 =	sand.u32 $0x4000, s31;
	s1 =	sadd.s32 s1, s30  }
0xbb: {  	s0 =	sor.u32 s3, s0;
	s1 =	sshll.u32 s1, $0x11  }
0xbc: {  	s0 =	sor.u32 s1, s0  }
0xbd: {  	s0 =	sadd.s32 $0x8F2B, s0  }
0xbe: {  	[sflag:s0] =	ssyncadd.remote.s32 $0x1  }
0xbf: {  	_ =	sfence.sel $0xFFFF  }
0xc0: {  	[dreg:$0x0] =	wrdreg $0xFFFFFFFF;
	(pc) =	sbr.abs _section_cstart, $3  }
0xc1: {  	[dreg:$0x1] =	wrdreg $0xFFFFFFFF  }
0xc2: {  	_ =	task.clear_ibuf [dreg:s7], $0x2FFFF;
	_ =	strace $0x9FFFFFFF  }
0xc3: {  	(tm) =	ssettm $0x7FFFFFFF  }
tec
execute0_lowered:
.L_overlay_start_1:
0x0: {  	(tag) =	ssettag $0x1  }
0x1: {  	s5 =	rddreg [dreg:$0x0]  }
0x2: {  	s10 =	rddreg [dreg:$0x1]  }
0x3: {  	s2 =	rddreg [dreg:$0x2]  }
0x4: {  	s0 =	rddreg [dreg:$0x3];
	s3 =	simm.s32 $0x0;
	s1 =	stileid.u32  }
0x5: {  	s6 =	srdreg.scid;
	s15 =	simm.s32 $0x2780;
	s16 =	simm.s32 $0x80  }
0x6: {  	s17 =	simm.s32 $0x0;
	[smem:$0x7FF] =	sst s3;
	s4 =	smul.u32 $0x9D0, s1  }
0x7: {  	s8 =	smul.u32 $0x2780, s1;
	s9 =	sand.u32 $0x1, s6;
	s31 =	sshll.u32 s1, $0x6  }
0x8: {  	_ =	strace $0x80000047;
	s11 =	ssub.s32 $0x2, s9;
	s12 =	smul.u32 $0x27800, s9  }
0x9: {  	s6 =	sor.u32 $0x1C01, s31;
	s14 =	ssub.s32 $0x9E, s9;
	s9 =	sshll.u32 s9, $0x7  }
0xa: {  	s7 =	sadd.s32 s4, s5;
	s29 =	sshrl.u32 s8, $0x3;
	s4 =	sadd.s32 $0x17800, s5  }
0xb: {  	s30 =	sshrl.u32 s11, $0x1;
	s13 =	sadd.s32 s8, s2;
	s9 =	sadd.s32 $0x2780, s9  }
0xc: {  	s5 =	sadd.s32 s29, s5;
	s11 =	ssub.s32 s11, s30;
	s7 =	sadd.s32 $0x8A00, s7  }
0xd: {  	s12 =	sadd.s32 s8, s12;
	s8 =	sshrl.u32 s14, $0x1;
	s14 =	simm.s32 $0x7600  }
0xe: {  	s5 =	sadd.s32 $0x12800, s5;
	s12 =	sshrl.u32 s12, $0x3;
	s11 =	smax.u32 s11, $0x1  }
0xf: {  	s10 =	sadd.s32 s10, s12;
	s12 =	sshrl.u32 s13, $0x3;
	s13 =	simm.s32 $0x1  }
.LBB2_1:
0x10: {  	[spmem:s12], [sflag:s6] =	dma.local [hbm:s5], $0x4F0  }
0x11: {  	_ =	swait.ge [sflag:s13], $0x4F0  }
0x12: {  	[sflag:s13] =	ssyncset.done $0x0  }
0x13: {  	[sflag:s13] =	ssyncadd.s32 $0xFFFFFB10  }
0x14: {  	[tilespmem:s14], [sflag:$0x1] =	stream.linear.gather [hbm4b:s4+s3], $0x800, $0x38;
	[tilespmem:$0x7E00] =	vst v63  }
0x15: {  	_ =	swait.ge [sflag:s13], $0x800  }
0x16: {  	[sflag:s13] =	ssyncset.done $0x0  }
0x17: {  	[sflag:s13] =	ssyncadd.s32 $0xFFFFF800  }
0x18: {  	[tilespmem:s15], [sflag:$0x1] =	stream.linear.gather [hbm4b:s7+s3], $0x4E80, $0x38;
	[tilespmem:$0x7E00] =	vst v63  }
0x19: {  	_ =	swait.ge [sflag:s13], $0x4E80  }
0x1a: {  	p0 =	sne.s32 s8, $0x1;
	[sflag:s13] =	ssyncset.done $0x0  }
.Ltmp0:
0x1b: {  	[sflag:s13] =	ssyncadd.s32 $0xFFFFB180;
	(pc) =	sbr.rel @!p0 .LBB2_3-.Ltmp0, $4  }
0x1c: {  	[bflag:$0x0] =	sbarrier.arrive $0xFFFF  }
0x1d: {  	[spmem:s2] =	stream.indirect.scatter.add.f32 [tilespmem:s14], [sflag:$0x1], $0x10, s9, s16, $0xb8;
	[tilespmem:$0x7E00] =	vst v63  }
0x1e: {  	_ =	swait.ge [sflag:s13], $0x800  }
0x1f: {  	s18 =	sadd.s32 $0xFFFFFFFF, s8;
	s19 =	smov.u32 s9;
	[sflag:s13] =	ssyncset.done $0x0  }
.LBB2_2:
0x20: {  	p0 =	sne.s32 s18, $0x1;
	[sflag:s13] =	ssyncadd.s32 $0xFFFFF800;
	s19 =	sadd.s32 $0x100, s19  }
.Ltmp1:
0x21: {  	s18 =	sadd.s32 $0xFFFFFFFF, s18;
	(pc) =	sbr.rel @p0 .LBB2_2-.Ltmp1, $4  }
0x22: {  	_ = 	snop  }
0x23: {  	[spmem:s2] =	stream.indirect.scatter.add.f32 [tilespmem:s14], [sflag:$0x1], $0x10, s19, s16, $0xb8;
	[tilespmem:$0x7E00] =	vst v63  }
0x24: {  	_ =	swait.ge [sflag:s13], $0x800  }
0x25: {  	[sflag:s13] =	ssyncset.done $0x0  }
.LBB2_3:
0x26: {  	s17 =	sadd.s32 $0x1, s17  }
0x27: {  	[sflag:s13] =	ssyncadd.s32 $0xFFFFF800;
	p0 =	sne.s32 s17, s11  }
.Ltmp2:
0x28: {  	[bflag:$0x0] =	sbarrier.arrive $0xFFFF;
	(pc) =	sbr.rel @p0 .LBB2_1-.Ltmp2, $4  }
0x29: {  	[hbm:s10], [sflag:s6] =	dma.local [spmem:s12], $0x4F0  }
0x2a: {  	_ =	swait.ge [sflag:s13], $0x4F0  }
0x2b: {  	[sflag:s13] =	ssyncset.done $0x0  }
0x2c: {  	[sflag:s13] =	ssyncadd.s32 $0xFFFFFB10  }
0x2d: {  	_ =	sfence.sel $0x180000  }
0x2e: {  	[bflag:$0x0] =	sbarrier.arrive $0xFFFF  }
0x2f: {  	p0 =	sne.s32 s1, $0x0;
	_ =	strace $0x90000047  }
0x30: {  	s0 =	sadd.s32 @!p0 $0x100000, s0;
	[bflag:$0x2] =	sbarrier.arrive $0xFFFF  }
0x31: {  	[sflag:s0] =	ssyncadd.tile.s32 @!p0 $0x1;
	_ =	shalt  }
.Lfunc_end2:
_tile_overlayer_lowered:
.L_overlay_start_2:
0x32: {  	(tag) =	ssettag $0x2  }
0x33: {  	s0 =	rddreg [dreg:$0x0];
	s2 =	stileid.u32  }
0x34: {  	s1 =	rddreg [dreg:$0x1];
	p0 =	sne.s32 s2, $0x0  }
0x35: {  	s3 =	rddreg [dreg:$0x2];
	[bflag:$0x3] =	sbarrier.arrive $0xFFFF;
	s2 =	simm.s32 @!p0 $0x1C01  }
0x36: {  	[timem:s3], [sflag:s2] =	dma.local @!p0 [hbm:s0], s1  }
0x37: {  	s0 =	simm.s32 @!p0 $0x1  }
0x38: {  	_ =	swait.ge @!p0 [sflag:s0], s1  }
0x39: {  	s1 =	ssub.s32 @!p0 $0x0, s1;
	[sflag:s0] =	ssyncset.done @!p0 $0x0  }
0x3a: {  	[sflag:s0] =	ssyncadd.s32 @!p0 s1  }
0x3b: {  	[bflag:$0x3] =	sbarrier.arrive $0xFFFF  }
0x3c: {  	_ =	shalt  }

// kernel: kernel.24.cloned.1.call-start
scs
__scs_entry_jumppad:
0x0: {  	(pc) =	sbr.rel $0x88, $3  }
0x1: {  	(tag) =	ssettag $0x0;
	lr =	simm.s32 $0x1  }
0x2: {  	[smem:$0x3F7D] =	sst lr;
	_ =	strace $0xD0000000  }
0x3: {  	_ = 	snop  }
0x4: {  	_ = 	snop  }
0x5: {  	_ = 	snop  }
0x6: {  	_ = 	snop  }
0x7: {  	_ = 	snop  }
__scs_overlays_trampoline_lowered:
0x8: {  	[smem:$0x3F8C] =	sst s0  }
0x9: {  	[smem:$0x3F8D] =	sst s1  }
0xa: {  	[smem:$0x3F8E] =	sst s2  }
0xb: {  	[smem:$0x3F8F] =	sst s3  }
0xc: {  	[smem:$0x3F90] =	sst s4  }
0xd: {  	[smem:$0x3F91] =	sst s5  }
0xe: {  	[smem:$0x3F92] =	sst s6  }
0xf: {  	[smem:$0x3F93] =	sst s7  }
0x10: {  	[smem:$0x3F94] =	sst s8  }
0x11: {  	[smem:$0x3F95] =	sst s9;
	s0 =	simm.s32 @!p0 $0x0  }
0x12: {  	s1 =	sld [smem:$0x3F7B];
	s0 =	simm.s32 @p0 $0x1  }
0x13: {  	[smem:$0x3F96] =	sst s0;
	s0 =	simm.s32 @!p1 $0x0  }
0x14: {  	s2 =	sld [smem:$0x3F7A];
	s0 =	simm.s32 @p1 $0x1  }
0x15: {  	[smem:$0x3F97] =	sst s0;
	s0 =	simm.s32 @!p2 $0x0  }
0x16: {  	s3 =	sld [smem:$0x3FDB];
	s0 =	simm.s32 @p2 $0x1  }
0x17: {  	s4 =	simm.s32 $0x1BF5;
	[smem:$0x3F99] =	sst s0  }
0x18: {  	s0 =	sld [smem:$0x3F7C];
	_ =	swait.ge [sflag:s4], $0x0  }
0x19: {  	s7 =	sld [smem:$0x3F7D]  }
0x1a: {  	s8 =	sadd.s32 $0xFFFFE003, lr  }
0x1b: {  	s9 =	sadd.s32 $0xFFFFFEF7, lr;
	s5 =	simm.s32 $0xFFFFFFFF;
	p2 =	slt.u32 s8, $0xFFFFF086  }
0x1c: {  	p1 =	slt.u32 s9, $0xF7A;
	s5 =	simm.s32 @!p2 $0x0  }
0x1d: {  	s5 =	simm.s32 @p1 $0x1;
	p0 =	seq.s32 s7, s2  }
0x1e: {  	s7 =	smul.u32 @!p0 $0xF7A, s2;
	p2 =	seq.s32 @!p0 s5, $0x0  }
0x1f: {  	s9 =	smul.u32 $0xF7A, s1;
	s8 =	simm.s32 @!p0 $0x1BF5;
	p2 =	por !p2, p0  }
0x20: {  	[sflag:s8] =	ssyncset.s32 @!p0 $0xFFFFF086;
	s6 =	sadd.s32 @!p0 s3, s7;
	s7 =	simm.s32 @!p0 $0x108  }
0x21: {  	s3 =	sadd.s32 s3, s9;
	s6 =	sadd.s32 @!p0 $0x88, s6;
	s7 =	simm.s32 @p2 $0x1082  }
0x22: {  	[simem:s7], [sflag:s8] =	dma.local @!p0 [hbm:s6], $0xF7A  }
0x23: {  	s9 =	sor.u32 $0xD0000000, s2;
	s6 =	simm.s32 $0x108;
	_ =	swait.ge @!p0 [sflag:s8], $0x0  }
0x24: {  	s3 =	sadd.s32 $0x88, s3;
	s6 =	simm.s32 @!p1 $0x1082;
	[sflag:s4] =	ssyncset.s32 $0xFFFFF086  }
0x25: {  	[simem:s6], [sflag:s4] =	dma.local [hbm:s3], $0xF7A  }
0x26: {  	[smem:$0x3F7D] =	sst s1;
	(tag) =	ssettag s2;
	_ =	strace s9  }
0x27: {  	s1 =	sld [smem:$0x3F8D]  }
0x28: {  	s2 =	sld [smem:$0x3F8E]  }
0x29: {  	s4 =	sld [smem:$0x3F90]  }
0x2a: {  	p0 =	seq.s32 s5, $0x0;
	s5 =	sld [smem:$0x3F91]  }
0x2b: {  	s6 =	sld [smem:$0x3F92]  }
0x2c: {  	s7 =	sld [smem:$0x3F93]  }
0x2d: {  	s3 =	simm.s32 $0x108;
	s8 =	sld [smem:$0x3F94]  }
0x2e: {  	s3 =	simm.s32 @!p0 $0x1082;
	s9 =	sld [smem:$0x3F95]  }
0x2f: {  	lr =	sadd.s32 s0, s3;
	s0 =	sld [smem:$0x3F8C]  }
0x30: {  	s3 =	sld [smem:$0x3F8F]  }
0x31: {  	[smem:$0x3F98] =	sst s10  }
0x32: {  	s10 =	sld [smem:$0x3F96];
	_ =	sdelay $0x3  }
0x33: {  	p0 =	seq.s32 s10, $0x1;
	s10 =	sld [smem:$0x3F98];
	_ =	sdelay $0x3  }
0x34: {  	[smem:$0x3F98] =	sst s10  }
0x35: {  	s10 =	sld [smem:$0x3F97];
	_ =	sdelay $0x3  }
0x36: {  	p1 =	seq.s32 s10, $0x1;
	s10 =	sld [smem:$0x3F98];
	_ =	sdelay $0x3  }
0x37: {  	[smem:$0x3F98] =	sst s10  }
0x38: {  	s10 =	sld [smem:$0x3F99]  }
0x39: {  	_ = 	snop;
	(pc) =	sbr.ind lr, $3  }
0x3a: {  	_ = 	snop  }
0x3b: {  	_ = 	snop  }
0x3c: {  	p2 =	seq.s32 s10, $0x1;
	s10 =	sld [smem:$0x3F98]  }
0x3d: {  	_ =	shalt  }
0x3e: {  	_ =	shalt  }
0x3f: {  	_ =	shalt  }
0x40: {  	_ =	shalt  }
0x41: {  	_ =	shalt  }
0x42: {  	_ =	shalt  }
0x43: {  	_ =	shalt  }
0x44: {  	_ =	shalt  }
0x45: {  	_ =	shalt  }
0x46: {  	_ =	shalt  }
0x47: {  	_ =	shalt  }
0x48: {  	_ =	shalt  }
0x49: {  	_ =	shalt  }
0x4a: {  	_ =	shalt  }
0x4b: {  	_ =	shalt  }
0x4c: {  	_ =	shalt  }
0x4d: {  	_ =	shalt  }
0x4e: {  	_ =	shalt  }
0x4f: {  	_ =	shalt  }
0x50: {  	_ =	shalt  }
0x51: {  	_ =	shalt  }
0x52: {  	_ =	shalt  }
0x53: {  	_ =	shalt  }
0x54: {  	_ =	shalt  }
0x55: {  	_ =	shalt  }
0x56: {  	_ =	shalt  }
0x57: {  	_ =	shalt  }
0x58: {  	_ =	shalt  }
0x59: {  	_ =	shalt  }
0x5a: {  	_ =	shalt  }
0x5b: {  	_ =	shalt  }
0x5c: {  	_ =	shalt  }
0x5d: {  	_ =	shalt  }
0x5e: {  	_ =	shalt  }
0x5f: {  	_ =	shalt  }
0x60: {  	_ =	shalt  }
0x61: {  	_ =	shalt  }
0x62: {  	_ =	shalt  }
0x63: {  	_ =	shalt  }
0x64: {  	_ =	shalt  }
0x65: {  	_ =	shalt  }
0x66: {  	_ =	shalt  }
0x67: {  	_ =	shalt  }
0x68: {  	_ =	shalt  }
0x69: {  	_ =	shalt  }
0x6a: {  	_ =	shalt  }
0x6b: {  	_ =	shalt  }
0x6c: {  	_ =	shalt  }
0x6d: {  	_ =	shalt  }
0x6e: {  	_ =	shalt  }
0x6f: {  	_ =	shalt  }
0x70: {  	_ =	shalt  }
0x71: {  	_ =	shalt  }
0x72: {  	_ =	shalt  }
0x73: {  	_ =	shalt  }
0x74: {  	_ =	shalt  }
0x75: {  	_ =	shalt  }
0x76: {  	_ =	shalt  }
0x77: {  	_ =	shalt  }
0x78: {  	_ =	shalt  }
0x79: {  	_ =	shalt  }
0x7a: {  	_ =	shalt  }
0x7b: {  	_ =	shalt  }
0x7c: {  	_ =	shalt  }
0x7d: {  	_ =	shalt  }
0x7e: {  	_ =	shalt  }
0x7f: {  	_ =	shalt  }
0x80: {  	_ =	shalt  }
0x81: {  	_ =	shalt  }
0x82: {  	_ =	shalt  }
0x83: {  	_ =	shalt  }
0x84: {  	_ =	shalt  }
0x85: {  	_ =	shalt  }
0x86: {  	_ =	shalt  }
0x87: {  	_ =	shalt  }
.Lfunc_end0:
.L_simem_size_0:
called_computation.1_lowered:
.L_overlay_start_0:
0x88: {  	s2 =	sld [smem:$0x3FD9]  }
0x89: {  	s3 =	sld [smem:$0x3FFE];
	_ =	sdelay $0x1  }
0x8a: {  	s1 =	srdreg.scid  }
0x8b: {  	s0 =	sand.u32 $0x1, s1  }
0x8c: {  	s17 =	sshll.u32 s0, $0xA;
	s2 =	sadd.s32 s3, s2  }
0x8d: {  	s2 =	sadd.s32 s2, s17  }
0x8e: {  	[smem:$0x3FA4] =	sst s2  }
0x8f: {  	_ = 	snop  }
0x90: {  	s2 =	sld [smem:$0x3FD0];
	(tm) =	ssettm $0x1  }
0x91: {  	s18 =	sld [smem:$0x3FFB];
	_ =	sdelay $0x3  }
0x92: {  	_ =	strace s18  }
0x93: {  	s3 =	sld [smem:$0x3FFC];
	_ =	sdelay $0x3  }
0x94: {  	_ =	strace s3  }
0x95: {  	s3 =	sld [smem:$0x3FFD];
	_ =	sdelay $0x3  }
0x96: {  	_ =	strace s3  }
0x97: {  	_ =	strace $0x8FFFFFFF  }
0x98: {  	s19 =	sld [smem:$0x3FDB];
	_ =	sdelay $0x1  }
0x99: {  	s4 =	simm.s32 $_scs_section_size  }
0x9a: {  	s5 =	simm.s32 $_size__tile_overlayer_lowered;
	s6 =	simm.s32 $_tile_overlayer_lowered  }
0x9b: {  	s22 =	simm.s32 $0x1BFF;
	s21 =	sshll.u32 s6, $0x1;
	s3 =	sadd.s32 s4, s19  }
0x9c: {  	s7 =	simm.s32 $0x0;
	s20 =	sshll.u32 s5, $0x1;
	s5 =	sadd.s32 s21, s3  }
0x9d: {  	[timem:s7], [sflag:s22] =	dma.local [hbm:s5], s20  }
0x9e: {  	_ =	swait.ge [sflag:s22], s20  }
0x9f: {  	s4 =	ssub.s32 $0x0, s20;
	[sflag:s22] =	ssyncset.done $0x0  }
0xa0: {  	[sflag:s22] =	ssyncadd.s32 s4;
	_ =	sdelay $0x1  }
0xa1: {  	s23 =	simm.s32 $0x1B8B  }
0xa2: {  	_ =	swait.ge [sflag:s23], $0x1  }
0xa3: {  	[sflag:s23] =	ssyncset.done $0x0  }
0xa4: {  	s25 =	simm.s32 $0x1B8E;
	s24 =	sld [smem:$0x3FFE];
	[sflag:s23] =	ssyncadd.s32 $0xFFFFFFFF  }
0xa5: {  	s26 =	simm.s32 $execute0_lowered;
	[smem:$0x3FD2] =	sst s25  }
0xa6: {  	s5 =	sshll.u32 s26, $0x1;
	_ =	strace $0x80000049;
	[dreg:$0x1] =	wrdreg $0xFFFFFFFF  }
0xa7: {  	s28 =	simm.s32 $_size_execute0_lowered;
	s3 =	sadd.s32 s3, s5;
	[dreg:$0x0] =	wrdreg $0x0  }
0xa8: {  	s5 =	sshll.u32 s28, $0x1;
	[dreg:$0x2] =	wrdreg s3  }
0xa9: {  	[dreg:$0x3] =	wrdreg s5  }
0xaa: {  	[dreg:$0x4] =	wrdreg $0xC0  }
0xab: {  	_ =	task [dreg:s7], $0x5FFFF  }
0xac: {  	[dreg:$0x1] =	wrdreg $0xFFFFFFFF  }
0xad: {  	[dreg:$0x0] =	wrdreg $0x60  }
0xae: {  	[dreg:$0x2] =	wrdreg s2  }
0xaf: {  	[dreg:$0x3] =	wrdreg s24  }
0xb0: {  	[dreg:$0x4] =	wrdreg $0x0  }
0xb1: {  	[dreg:$0x5] =	wrdreg $0x27800  }
0xb2: {  	[dreg:$0x6] =	wrdreg $0x9  }
0xb3: {  	_ =	task.clear_ibuf [dreg:s7], $0x7FFFF;
	_ =	strace $0x90000049  }
0xb4: {  	s29 =	simm.s32 $0x9;
	_ =	strace $0x8000004B  }
0xb5: {  	_ =	swait.ge [sflag:s29], $0x1  }
0xb6: {  	[sflag:s29] =	ssyncadd.s32 $0xFFFFFFFF  }
0xb7: {  	_ =	strace $0x9000004B  }
0xb8: {  	_ =	sfence  }
0xb9: {  	s30 =	sld [smem:$0x0];
	_ =	sdelay $0x2  }
0xba: {  	s31 =	sshll.u32 s1, $0xD;
	s1 =	sshrl.u32 s1, $0x2  }
0xbb: {  	s3 =	sand.u32 $0x4000, s31;
	s1 =	sadd.s32 s1, s30  }
0xbc: {  	s0 =	sor.u32 s3, s0;
	s1 =	sshll.u32 s1, $0x11  }
0xbd: {  	s0 =	sor.u32 s1, s0  }
0xbe: {  	s0 =	sadd.s32 $0x8F2B, s0  }
0xbf: {  	[sflag:s0] =	ssyncadd.remote.s32 $0x1  }
0xc0: {  	_ =	sfence.sel $0xFFFF  }
0xc1: {  	[dreg:$0x0] =	wrdreg $0xFFFFFFFF;
	(pc) =	sbr.abs _section_cstart, $3  }
0xc2: {  	[dreg:$0x1] =	wrdreg $0xFFFFFFFF  }
0xc3: {  	_ =	task.clear_ibuf [dreg:s7], $0x2FFFF;
	_ =	strace $0x9FFFFFFF  }
0xc4: {  	(tm) =	ssettm $0x7FFFFFFF  }
0xc5: {  	_ =	shalt  }
tec
execute0_lowered:
.L_overlay_start_1:
0x0: {  	(tag) =	ssettag $0x1  }
0x1: {  	s5 =	rddreg [dreg:$0x0]  }
0x2: {  	s6 =	rddreg [dreg:$0x1]  }
0x3: {  	s2 =	rddreg [dreg:$0x2]  }
0x4: {  	s3 =	rddreg [dreg:$0x3];
	s1 =	stileid.u32  }
0x5: {  	s4 =	simm.s32 $0x0;
	s8 =	srdreg.scid;
	s16 =	simm.s32 $0x4  }
0x6: {  	s19 =	simm.s32 $0x4F00;
	s20 =	simm.s32 $0x9D80;
	s21 =	simm.s32 $0x80  }
0x7: {  	s22 =	simm.s32 $0xEC00;
	s23 =	simm.s32 $0xF400;
	s24 =	simm.s32 $0x3  }
0x8: {  	s25 =	simm.s32 $0xEB80;
	s26 =	simm.s32 $0x0;
	s7 =	smul.u32 $0x9D0, s1  }
0x9: {  	[smem:$0x7FF] =	sst s4;
	s8 =	sand.u32 $0x1, s8;
	s9 =	smul.u32 $0x4F00, s1  }
0xa: {  	s10 =	smul.u32 $0x2780, s1;
	_ =	strace $0x8000004A;
	s11 =	sshll.u32 s8, $0x4  }
0xb: {  	s8 =	ssub.s32 $0x2, s8;
	s12 =	sadd.s32 s7, s6;
	s29 =	sor.u32 s11, s9  }
0xc: {  	s30 =	sshrl.u32 s10, $0x3;
	s31 =	sshrl.u32 s8, $0x1;
	s15 =	sadd.s32 s10, s2  }
0xd: {  	s18 =	sadd.s32 s10, s3;
	s7 =	sshrl.u32 s29, $0x3;
	s9 =	sadd.s32 s30, s6  }
0xe: {  	s14 =	ssub.s32 s8, s31;
	s10 =	sadd.s32 $0x8A00, s12;
	s18 =	sshrl.u32 s18, $0x3  }
0xf: {  	s13 =	sadd.s32 s7, s6;
	s5 =	sadd.s32 s5, s7;
	s6 =	sshll.u32 s1, $0x6  }
0x10: {  	s8 =	sadd.s32 $0x12800, s9;
	s9 =	sadd.s32 $0x17A00, s12;
	s12 =	smax.u32 s14, $0x1  }
0x11: {  	s14 =	simm.s32 $0x1;
	s7 =	sor.u32 $0x1C01, s6;
	s11 =	sadd.s32 $0x48A00, s13  }
0x12: {  	s13 =	sshrl.u32 s15, $0x3;
	s15 =	simm.s32 $0x2;
	s17 =	sor.u32 $0x1C02, s6  }
.LBB2_1:
0x13: {  	[spmem:s13@s15], [sflag:s7] =	dma.strided [hbm:s5@s16], $0x4F0, s14, $0x2   }
0x14: {  	[spmem:s18], [sflag:s17] =	dma.local [hbm:s8], $0x4F0  }
0x15: {  	[tilespmem:s19], [sflag:$0x1] =	stream.linear.gather [hbm4b:s9+s4], $0x4E80, $0x38;
	[tilespmem:$0xFC00] =	vst v63  }
0x16: {  	_ = 	snop  }
0x17: {  	[tilespmem:s20], [sflag:$0x2] =	stream.linear.gather [hbm4b:s10+s4], $0x4E80, $0x38;
	[tilespmem:$0xFC00] =	vst v63  }
0x18: {  	_ =	swait.ge [sflag:s14], $0x4F0  }
0x19: {  	[sflag:s14] =	ssyncset.done $0x0  }
0x1a: {  	[sflag:s14] =	ssyncadd.s32 $0xFFFFFB10  }
0x1b: {  	_ =	swait.ge [sflag:s15], $0x4F0  }
0x1c: {  	[sflag:s15] =	ssyncset.done $0x0  }
0x1d: {  	[sflag:s15] =	ssyncadd.s32 $0xFFFFFB10  }
0x1e: {  	_ =	swait.ge [sflag:s14], $0x4E80  }
0x1f: {  	[sflag:s14] =	ssyncset.done $0x0  }
0x20: {  	[sflag:s14] =	ssyncadd.s32 $0xFFFFB180  }
0x21: {  	_ =	swait.ge [sflag:s15], $0x4E80  }
0x22: {  	[sflag:s15] =	ssyncset.done $0x0  }
0x23: {  	[sflag:s15] =	ssyncadd.s32 $0xFFFFB180  }
0x24: {  	[bflag:$0x0] =	sbarrier.arrive $0xFFFF  }
0x25: {  	[tilespmem:s22], [sflag:$0x1] =	stream.indirect.gather [spmem:s2], $0x10, s19, s21, $0xb8;
	[tilespmem:$0xFC00] =	vst v63  }
0x26: {  	s28 =	simm.s32 $0x4F80  }
0x27: {  	[tilespmem:s23], [sflag:$0x2] =	stream.indirect.gather [spmem:s2], $0x10, s28, s21, $0xb8;
	[tilespmem:$0xFC00] =	vst v63  }
0x28: {  	_ =	swait.ge [sflag:s14], $0x800  }
0x29: {  	[sflag:s14] =	ssyncset.done $0x0  }
0x2a: {  	s28 =	simm.s32 $0x9D80;
	[sflag:s14] =	ssyncadd.s32 $0xFFFFF800  }
0x2b: {  	[spmem:s3] =	stream.indirect.scatter.add.f32 [tilespmem:s22], [sflag:$0x3], $0x10, s28, s21, $0xb8;
	[tilespmem:$0xFC00] =	vst v63  }
0x2c: {  	_ =	swait.ge [sflag:s24], $0x800  }
0x2d: {  	[sflag:s24] =	ssyncset.done $0x0  }
0x2e: {  	s28 =	simm.s32 $0x5000;
	[sflag:s24] =	ssyncadd.s32 $0xFFFFF800  }
0x2f: {  	[tilespmem:s22], [sflag:$0x1] =	stream.indirect.gather [spmem:s2], $0x10, s28, s21, $0xb8;
	[tilespmem:$0xFC00] =	vst v63  }
0x30: {  	_ =	swait.ge [sflag:s15], $0x800  }
0x31: {  	[sflag:s15] =	ssyncset.done $0x0  }
0x32: {  	s28 =	simm.s32 $0x9E00;
	[sflag:s15] =	ssyncadd.s32 $0xFFFFF800  }
0x33: {  	[spmem:s3] =	stream.indirect.scatter.add.f32 [tilespmem:s23], [sflag:$0x3], $0x10, s28, s21, $0xb8;
	[tilespmem:$0xFC00] =	vst v63  }
0x34: {  	_ =	swait.ge [sflag:s24], $0x800  }
0x35: {  	s29 =	simm.s32 $0x800;
	s28 =	simm.s32 $0x100;
	[sflag:s24] =	ssyncset.done $0x0  }
.LBB2_2:
0x36: {  	s30 =	sadd.s32 $0x4F80, s28  }
0x37: {  	[sflag:s24] =	ssyncadd.s32 $0xFFFFF800;
	s31 =	smov.u32 s29;
	s0 =	sadd.s32 $0x400, s29  }
0x38: {  	[tilespmem:s23], [sflag:$0x2] =	stream.indirect.gather [spmem:s2], $0x10, s30, s21, $0xb8;
	[tilespmem:$0xFC00] =	vst v63  }
0x39: {  	p0 =	sne.s32 s29, $0x13400;
	_ =	swait.ge [sflag:s14], $0x800  }
0x3a: {  	[sflag:s14] =	ssyncset.done $0x0  }
0x3b: {  	s29 =	sadd.s32 $0x9D80, s28;
	[sflag:s14] =	ssyncadd.s32 $0xFFFFF800  }
0x3c: {  	[spmem:s3] =	stream.indirect.scatter.add.f32 [tilespmem:s22], [sflag:$0x3], $0x10, s29, s21, $0xb8;
	[tilespmem:$0xFC00] =	vst v63  }
0x3d: {  	_ =	swait.ge [sflag:s24], $0x800  }
0x3e: {  	[sflag:s24] =	ssyncset.done $0x0  }
0x3f: {  	s29 =	sadd.s32 $0x5000, s28;
	[sflag:s24] =	ssyncadd.s32 $0xFFFFF800  }
0x40: {  	[tilespmem:s22], [sflag:$0x1] =	stream.indirect.gather [spmem:s2], $0x10, s29, s21, $0xb8;
	[tilespmem:$0xFC00] =	vst v63  }
0x41: {  	_ =	swait.ge [sflag:s15], $0x800  }
.Ltmp0:
0x42: {  	[sflag:s15] =	ssyncset.done $0x0;
	(pc) =	sbr.rel @p0 .LBB2_2-.Ltmp0, $4  }
0x43: {  	s28 =	sadd.s32 $0x9E00, s28;
	[sflag:s15] =	ssyncadd.s32 $0xFFFFF800  }
0x44: {  	[spmem:s3] =	stream.indirect.scatter.add.f32 [tilespmem:s23], [sflag:$0x3], $0x10, s28, s21, $0xb8;
	[tilespmem:$0xFC00] =	vst v63  }
0x45: {  	_ =	swait.ge [sflag:s24], $0x800  }
0x46: {  	s29 =	smov.u32 s0;
	s28 =	sshra.s32 s31, $0x2;
	[sflag:s24] =	ssyncset.done $0x0  }
0x47: {  	s0 =	sadd.s32 $0x4F80, s28;
	[sflag:s24] =	ssyncadd.s32 $0xFFFFF800  }
0x48: {  	[tilespmem:s23], [sflag:$0x2] =	stream.indirect.gather [spmem:s2], $0x10, s0, s21, $0xb8;
	[tilespmem:$0xFC00] =	vst v63  }
0x49: {  	_ =	swait.ge [sflag:s14], $0x800  }
0x4a: {  	[sflag:s14] =	ssyncset.done $0x0  }
0x4b: {  	s31 =	sadd.s32 $0x9D80, s28;
	[sflag:s14] =	ssyncadd.s32 $0xFFFFF800  }
0x4c: {  	[spmem:s3] =	stream.indirect.scatter.add.f32 [tilespmem:s22], [sflag:$0x3], $0x10, s31, s21, $0xb8;
	[tilespmem:$0xFC00] =	vst v63  }
0x4d: {  	_ =	swait.ge [sflag:s24], $0x800  }
0x4e: {  	[sflag:s24] =	ssyncset.done $0x0  }
0x4f: {  	s29 =	sadd.s32 $0x5000, s28;
	[sflag:s24] =	ssyncadd.s32 $0xFFFFF800  }
0x50: {  	[tilespmem:s22], [sflag:$0x1] =	stream.indirect.gather [spmem:s2], $0x10, s29, s21, $0xb8;
	[tilespmem:$0xFC00] =	vst v63  }
0x51: {  	_ =	swait.ge [sflag:s15], $0x800  }
0x52: {  	[sflag:s15] =	ssyncset.done $0x0  }
0x53: {  	s30 =	sadd.s32 $0x9E00, s28;
	[sflag:s15] =	ssyncadd.s32 $0xFFFFF800  }
0x54: {  	[spmem:s3] =	stream.indirect.scatter.add.f32 [tilespmem:s23], [sflag:$0x3], $0x10, s30, s21, $0xb8;
	[tilespmem:$0xFC00] =	vst v63  }
0x55: {  	_ =	swait.ge [sflag:s24], $0x800  }
0x56: {  	[sflag:s24] =	ssyncset.done $0x0  }
0x57: {  	[sflag:s24] =	ssyncadd.s32 $0xFFFFF800  }
0x58: {  	_ =	swait.ge [sflag:s14], $0x800  }
0x59: {  	[sflag:s14] =	ssyncset.done $0x0  }
0x5a: {  	[sflag:s14] =	ssyncadd.s32 $0xFFFFF800  }
0x5b: {  	[spmem:s3] =	stream.indirect.scatter.add.f32 [tilespmem:s22], [sflag:$0x3], $0x10, s25, s21, $0xb8;
	[tilespmem:$0xFC00] =	vst v63  }
0x5c: {  	_ =	swait.ge [sflag:s24], $0x800  }
0x5d: {  	s26 =	sadd.s32 $0x1, s26;
	[sflag:s24] =	ssyncset.done $0x0  }
0x5e: {  	p0 =	sne.s32 s26, s12;
	[sflag:s24] =	ssyncadd.s32 $0xFFFFF800  }
.Ltmp1:
0x5f: {  	s31 =	sor.u32 $0x1C03, s6;
	[bflag:$0x0] =	sbarrier.arrive $0xFFFF;
	(pc) =	sbr.rel @p0 .LBB2_1-.Ltmp1, $4  }
0x60: {  	[hbm:s11@s16], [sflag:s31] =	dma.strided [spmem:s18@s15], $0x4F0, s14, $0x2   }
0x61: {  	_ =	swait.ge [sflag:s24], $0x4F0  }
0x62: {  	[sflag:s24] =	ssyncset.done $0x0  }
0x63: {  	[sflag:s24] =	ssyncadd.s32 $0xFFFFFB10  }
0x64: {  	_ =	sfence.sel $0x180000  }
0x65: {  	[bflag:$0x0] =	sbarrier.arrive $0xFFFF  }
0x66: {  	_ =	strace $0x9000004A  }
0x67: {  	[bflag:$0x2] =	sbarrier.arrive $0xFFFF  }
0x68: {  	p0 =	sne.s32 s1, $0x0;
	s0 =	rddreg [dreg:$0x4]  }
0x69: {  	s0 =	sadd.s32 @!p0 $0x100000, s0  }
0x6a: {  	[sflag:s0] =	ssyncadd.tile.s32 @!p0 $0x1;
	_ =	shalt  }
.Lfunc_end2:
_tile_overlayer_lowered:
.L_overlay_start_2:
0x6b: {  	(tag) =	ssettag $0x2  }
0x6c: {  	s0 =	rddreg [dreg:$0x0];
	s2 =	stileid.u32  }
0x6d: {  	s1 =	rddreg [dreg:$0x1];
	p0 =	sne.s32 s2, $0x0  }
0x6e: {  	s3 =	rddreg [dreg:$0x2];
	[bflag:$0x3] =	sbarrier.arrive $0xFFFF;
	s2 =	simm.s32 @!p0 $0x1C03  }
0x6f: {  	[timem:s3], [sflag:s2] =	dma.local @!p0 [hbm:s0], s1  }
0x70: {  	s0 =	simm.s32 @!p0 $0x3  }
0x71: {  	_ =	swait.ge @!p0 [sflag:s0], s1  }
0x72: {  	s1 =	ssub.s32 @!p0 $0x0, s1;
	[sflag:s0] =	ssyncset.done @!p0 $0x0  }
0x73: {  	[sflag:s0] =	ssyncadd.s32 @!p0 s1  }
0x74: {  	[bflag:$0x3] =	sbarrier.arrive $0xFFFF  }
0x75: {  	_ =	shalt  }

// kernel: kernel.27.cloned.1.call-start
scs
__scs_entry_jumppad:
0x0: {  	(pc) =	sbr.rel $0x88, $3  }
0x1: {  	(tag) =	ssettag $0x0;
	lr =	simm.s32 $0x1  }
0x2: {  	[smem:$0x3F7D] =	sst lr;
	_ =	strace $0xD0000000  }
0x3: {  	_ = 	snop  }
0x4: {  	_ = 	snop  }
0x5: {  	_ = 	snop  }
0x6: {  	_ = 	snop  }
0x7: {  	_ = 	snop  }
__scs_overlays_trampoline_lowered:
0x8: {  	[smem:$0x3F8C] =	sst s0  }
0x9: {  	[smem:$0x3F8D] =	sst s1  }
0xa: {  	[smem:$0x3F8E] =	sst s2  }
0xb: {  	[smem:$0x3F8F] =	sst s3  }
0xc: {  	[smem:$0x3F90] =	sst s4  }
0xd: {  	[smem:$0x3F91] =	sst s5  }
0xe: {  	[smem:$0x3F92] =	sst s6  }
0xf: {  	[smem:$0x3F93] =	sst s7  }
0x10: {  	[smem:$0x3F94] =	sst s8  }
0x11: {  	[smem:$0x3F95] =	sst s9;
	s0 =	simm.s32 @!p0 $0x0  }
0x12: {  	s1 =	sld [smem:$0x3F7B];
	s0 =	simm.s32 @p0 $0x1  }
0x13: {  	[smem:$0x3F96] =	sst s0;
	s0 =	simm.s32 @!p1 $0x0  }
0x14: {  	s2 =	sld [smem:$0x3F7A];
	s0 =	simm.s32 @p1 $0x1  }
0x15: {  	[smem:$0x3F97] =	sst s0;
	s0 =	simm.s32 @!p2 $0x0  }
0x16: {  	s3 =	sld [smem:$0x3FDB];
	s0 =	simm.s32 @p2 $0x1  }
0x17: {  	s4 =	simm.s32 $0x1BF5;
	[smem:$0x3F99] =	sst s0  }
0x18: {  	s0 =	sld [smem:$0x3F7C];
	_ =	swait.ge [sflag:s4], $0x0  }
0x19: {  	s7 =	sld [smem:$0x3F7D]  }
0x1a: {  	s8 =	sadd.s32 $0xFFFFE003, lr  }
0x1b: {  	s9 =	sadd.s32 $0xFFFFFEF7, lr;
	s5 =	simm.s32 $0xFFFFFFFF;
	p2 =	slt.u32 s8, $0xFFFFF086  }
0x1c: {  	p1 =	slt.u32 s9, $0xF7A;
	s5 =	simm.s32 @!p2 $0x0  }
0x1d: {  	s5 =	simm.s32 @p1 $0x1;
	p0 =	seq.s32 s7, s2  }
0x1e: {  	s7 =	smul.u32 @!p0 $0xF7A, s2;
	p2 =	seq.s32 @!p0 s5, $0x0  }
0x1f: {  	s9 =	smul.u32 $0xF7A, s1;
	s8 =	simm.s32 @!p0 $0x1BF5;
	p2 =	por !p2, p0  }
0x20: {  	[sflag:s8] =	ssyncset.s32 @!p0 $0xFFFFF086;
	s6 =	sadd.s32 @!p0 s3, s7;
	s7 =	simm.s32 @!p0 $0x108  }
0x21: {  	s3 =	sadd.s32 s3, s9;
	s6 =	sadd.s32 @!p0 $0x88, s6;
	s7 =	simm.s32 @p2 $0x1082  }
0x22: {  	[simem:s7], [sflag:s8] =	dma.local @!p0 [hbm:s6], $0xF7A  }
0x23: {  	s9 =	sor.u32 $0xD0000000, s2;
	s6 =	simm.s32 $0x108;
	_ =	swait.ge @!p0 [sflag:s8], $0x0  }
0x24: {  	s3 =	sadd.s32 $0x88, s3;
	s6 =	simm.s32 @!p1 $0x1082;
	[sflag:s4] =	ssyncset.s32 $0xFFFFF086  }
0x25: {  	[simem:s6], [sflag:s4] =	dma.local [hbm:s3], $0xF7A  }
0x26: {  	[smem:$0x3F7D] =	sst s1;
	(tag) =	ssettag s2;
	_ =	strace s9  }
0x27: {  	s1 =	sld [smem:$0x3F8D]  }
0x28: {  	s2 =	sld [smem:$0x3F8E]  }
0x29: {  	s4 =	sld [smem:$0x3F90]  }
0x2a: {  	p0 =	seq.s32 s5, $0x0;
	s5 =	sld [smem:$0x3F91]  }
0x2b: {  	s6 =	sld [smem:$0x3F92]  }
0x2c: {  	s7 =	sld [smem:$0x3F93]  }
0x2d: {  	s3 =	simm.s32 $0x108;
	s8 =	sld [smem:$0x3F94]  }
0x2e: {  	s3 =	simm.s32 @!p0 $0x1082;
	s9 =	sld [smem:$0x3F95]  }
0x2f: {  	lr =	sadd.s32 s0, s3;
	s0 =	sld [smem:$0x3F8C]  }
0x30: {  	s3 =	sld [smem:$0x3F8F]  }
0x31: {  	[smem:$0x3F98] =	sst s10  }
0x32: {  	s10 =	sld [smem:$0x3F96];
	_ =	sdelay $0x3  }
0x33: {  	p0 =	seq.s32 s10, $0x1;
	s10 =	sld [smem:$0x3F98];
	_ =	sdelay $0x3  }
0x34: {  	[smem:$0x3F98] =	sst s10  }
0x35: {  	s10 =	sld [smem:$0x3F97];
	_ =	sdelay $0x3  }
0x36: {  	p1 =	seq.s32 s10, $0x1;
	s10 =	sld [smem:$0x3F98];
	_ =	sdelay $0x3  }
0x37: {  	[smem:$0x3F98] =	sst s10  }
0x38: {  	s10 =	sld [smem:$0x3F99]  }
0x39: {  	_ = 	snop;
	(pc) =	sbr.ind lr, $3  }
0x3a: {  	_ = 	snop  }
0x3b: {  	_ = 	snop  }
0x3c: {  	p2 =	seq.s32 s10, $0x1;
	s10 =	sld [smem:$0x3F98]  }
0x3d: {  	_ =	shalt  }
0x3e: {  	_ =	shalt  }
0x3f: {  	_ =	shalt  }
0x40: {  	_ =	shalt  }
0x41: {  	_ =	shalt  }
0x42: {  	_ =	shalt  }
0x43: {  	_ =	shalt  }
0x44: {  	_ =	shalt  }
0x45: {  	_ =	shalt  }
0x46: {  	_ =	shalt  }
0x47: {  	_ =	shalt  }
0x48: {  	_ =	shalt  }
0x49: {  	_ =	shalt  }
0x4a: {  	_ =	shalt  }
0x4b: {  	_ =	shalt  }
0x4c: {  	_ =	shalt  }
0x4d: {  	_ =	shalt  }
0x4e: {  	_ =	shalt  }
0x4f: {  	_ =	shalt  }
0x50: {  	_ =	shalt  }
0x51: {  	_ =	shalt  }
0x52: {  	_ =	shalt  }
0x53: {  	_ =	shalt  }
0x54: {  	_ =	shalt  }
0x55: {  	_ =	shalt  }
0x56: {  	_ =	shalt  }
0x57: {  	_ =	shalt  }
0x58: {  	_ =	shalt  }
0x59: {  	_ =	shalt  }
0x5a: {  	_ =	shalt  }
0x5b: {  	_ =	shalt  }
0x5c: {  	_ =	shalt  }
0x5d: {  	_ =	shalt  }
0x5e: {  	_ =	shalt  }
0x5f: {  	_ =	shalt  }
0x60: {  	_ =	shalt  }
0x61: {  	_ =	shalt  }
0x62: {  	_ =	shalt  }
0x63: {  	_ =	shalt  }
0x64: {  	_ =	shalt  }
0x65: {  	_ =	shalt  }
0x66: {  	_ =	shalt  }
0x67: {  	_ =	shalt  }
0x68: {  	_ =	shalt  }
0x69: {  	_ =	shalt  }
0x6a: {  	_ =	shalt  }
0x6b: {  	_ =	shalt  }
0x6c: {  	_ =	shalt  }
0x6d: {  	_ =	shalt  }
0x6e: {  	_ =	shalt  }
0x6f: {  	_ =	shalt  }
0x70: {  	_ =	shalt  }
0x71: {  	_ =	shalt  }
0x72: {  	_ =	shalt  }
0x73: {  	_ =	shalt  }
0x74: {  	_ =	shalt  }
0x75: {  	_ =	shalt  }
0x76: {  	_ =	shalt  }
0x77: {  	_ =	shalt  }
0x78: {  	_ =	shalt  }
0x79: {  	_ =	shalt  }
0x7a: {  	_ =	shalt  }
0x7b: {  	_ =	shalt  }
0x7c: {  	_ =	shalt  }
0x7d: {  	_ =	shalt  }
0x7e: {  	_ =	shalt  }
0x7f: {  	_ =	shalt  }
0x80: {  	_ =	shalt  }
0x81: {  	_ =	shalt  }
0x82: {  	_ =	shalt  }
0x83: {  	_ =	shalt  }
0x84: {  	_ =	shalt  }
0x85: {  	_ =	shalt  }
0x86: {  	_ =	shalt  }
0x87: {  	_ =	shalt  }
.Lfunc_end0:
.L_simem_size_0:
called_computation.2_lowered:
.L_overlay_start_0:
0x88: {  	s2 =	sld [smem:$0x3FD9]  }
0x89: {  	s3 =	sld [smem:$0x3FFE];
	_ =	sdelay $0x1  }
0x8a: {  	s1 =	srdreg.scid  }
0x8b: {  	s0 =	sand.u32 $0x1, s1  }
0x8c: {  	s17 =	sshll.u32 s0, $0xA;
	s2 =	sadd.s32 s3, s2  }
0x8d: {  	s2 =	sadd.s32 s2, s17  }
0x8e: {  	[smem:$0x3FA4] =	sst s2  }
0x8f: {  	_ = 	snop  }
0x90: {  	s2 =	sld [smem:$0x3FD0];
	(tm) =	ssettm $0x1  }
0x91: {  	s18 =	sld [smem:$0x3FFB];
	_ =	sdelay $0x3  }
0x92: {  	_ =	strace s18  }
0x93: {  	s3 =	sld [smem:$0x3FFC];
	_ =	sdelay $0x3  }
0x94: {  	_ =	strace s3  }
0x95: {  	s3 =	sld [smem:$0x3FFD];
	_ =	sdelay $0x3  }
0x96: {  	_ =	strace s3  }
0x97: {  	_ =	strace $0x8FFFFFFF  }
0x98: {  	s19 =	sld [smem:$0x3FDB];
	_ =	sdelay $0x1  }
0x99: {  	s4 =	simm.s32 $_scs_section_size  }
0x9a: {  	s5 =	simm.s32 $_size__tile_overlayer_lowered;
	s6 =	simm.s32 $_tile_overlayer_lowered  }
0x9b: {  	s22 =	simm.s32 $0x1BFF;
	s21 =	sshll.u32 s6, $0x1;
	s3 =	sadd.s32 s4, s19  }
0x9c: {  	s7 =	simm.s32 $0x0;
	s20 =	sshll.u32 s5, $0x1;
	s5 =	sadd.s32 s21, s3  }
0x9d: {  	[timem:s7], [sflag:s22] =	dma.local [hbm:s5], s20  }
0x9e: {  	_ =	swait.ge [sflag:s22], s20  }
0x9f: {  	s4 =	ssub.s32 $0x0, s20;
	[sflag:s22] =	ssyncset.done $0x0  }
0xa0: {  	[sflag:s22] =	ssyncadd.s32 s4;
	_ =	sdelay $0x1  }
0xa1: {  	s23 =	simm.s32 $0x1B8B  }
0xa2: {  	_ =	swait.ge [sflag:s23], $0x1  }
0xa3: {  	[sflag:s23] =	ssyncset.done $0x0  }
0xa4: {  	s25 =	simm.s32 $0x1B8E;
	s24 =	sld [smem:$0x3FFE];
	[sflag:s23] =	ssyncadd.s32 $0xFFFFFFFF  }
0xa5: {  	s26 =	simm.s32 $execute0_lowered;
	[smem:$0x3FD2] =	sst s25  }
0xa6: {  	s5 =	sshll.u32 s26, $0x1;
	_ =	strace $0x8000004C;
	[dreg:$0x1] =	wrdreg $0xFFFFFFFF  }
0xa7: {  	s28 =	simm.s32 $_size_execute0_lowered;
	s3 =	sadd.s32 s3, s5;
	[dreg:$0x0] =	wrdreg $0x0  }
0xa8: {  	s5 =	sshll.u32 s28, $0x1;
	[dreg:$0x2] =	wrdreg s3  }
0xa9: {  	[dreg:$0x3] =	wrdreg s5  }
0xaa: {  	[dreg:$0x4] =	wrdreg $0xC0  }
0xab: {  	_ =	task [dreg:s7], $0x5FFFF  }
0xac: {  	[dreg:$0x1] =	wrdreg $0xFFFFFFFF  }
0xad: {  	[dreg:$0x0] =	wrdreg $0x60  }
0xae: {  	[dreg:$0x2] =	wrdreg s2  }
0xaf: {  	[dreg:$0x3] =	wrdreg s24  }
0xb0: {  	[dreg:$0x4] =	wrdreg $0x0  }
0xb1: {  	[dreg:$0x5] =	wrdreg $0x27800  }
0xb2: {  	[dreg:$0x6] =	wrdreg $0x9  }
0xb3: {  	_ =	task.clear_ibuf [dreg:s7], $0x7FFFF;
	_ =	strace $0x9000004C  }
0xb4: {  	s29 =	simm.s32 $0x9;
	_ =	strace $0x8000004E  }
0xb5: {  	_ =	swait.ge [sflag:s29], $0x1  }
0xb6: {  	[sflag:s29] =	ssyncadd.s32 $0xFFFFFFFF  }
0xb7: {  	_ =	strace $0x9000004E  }
0xb8: {  	_ =	sfence  }
0xb9: {  	s30 =	sld [smem:$0x0];
	_ =	sdelay $0x2  }
0xba: {  	s31 =	sshll.u32 s1, $0xD;
	s1 =	sshrl.u32 s1, $0x2  }
0xbb: {  	s3 =	sand.u32 $0x4000, s31;
	s1 =	sadd.s32 s1, s30  }
0xbc: {  	s0 =	sor.u32 s3, s0;
	s1 =	sshll.u32 s1, $0x11  }
0xbd: {  	s0 =	sor.u32 s1, s0  }
0xbe: {  	s0 =	sadd.s32 $0x8F2B, s0  }
0xbf: {  	[sflag:s0] =	ssyncadd.remote.s32 $0x1  }
0xc0: {  	_ =	sfence.sel $0xFFFF  }
0xc1: {  	[dreg:$0x0] =	wrdreg $0xFFFFFFFF;
	(pc) =	sbr.abs _section_cstart, $3  }
0xc2: {  	[dreg:$0x1] =	wrdreg $0xFFFFFFFF  }
0xc3: {  	_ =	task.clear_ibuf [dreg:s7], $0x2FFFF;
	_ =	strace $0x9FFFFFFF  }
0xc4: {  	(tm) =	ssettm $0x7FFFFFFF  }
0xc5: {  	_ =	shalt  }
tec
execute0_lowered:
.L_overlay_start_1:
0x0: {  	(tag) =	ssettag $0x1  }
0x1: {  	s5 =	rddreg [dreg:$0x0]  }
0x2: {  	s6 =	rddreg [dreg:$0x1]  }
0x3: {  	s2 =	rddreg [dreg:$0x2]  }
0x4: {  	s3 =	rddreg [dreg:$0x3];
	s1 =	stileid.u32  }
0x5: {  	s4 =	simm.s32 $0x0;
	s8 =	srdreg.scid;
	s16 =	simm.s32 $0x4  }
0x6: {  	s19 =	simm.s32 $0x4F00;
	s20 =	simm.s32 $0x9D80;
	s21 =	simm.s32 $0x80  }
0x7: {  	s22 =	simm.s32 $0xEC00;
	s23 =	simm.s32 $0xF400;
	s24 =	simm.s32 $0x3  }
0x8: {  	s25 =	simm.s32 $0xEB80;
	s26 =	simm.s32 $0x0;
	s7 =	smul.u32 $0x9D0, s1  }
0x9: {  	[smem:$0x7FF] =	sst s4;
	s8 =	sand.u32 $0x1, s8;
	s9 =	smul.u32 $0x4F00, s1  }
0xa: {  	s10 =	smul.u32 $0x2780, s1;
	_ =	strace $0x8000004D;
	s11 =	sshll.u32 s8, $0x4  }
0xb: {  	s8 =	ssub.s32 $0x2, s8;
	s12 =	sadd.s32 s7, s6;
	s29 =	sor.u32 s11, s9  }
0xc: {  	s30 =	sshrl.u32 s10, $0x3;
	s31 =	sshrl.u32 s8, $0x1;
	s15 =	sadd.s32 s10, s2  }
0xd: {  	s18 =	sadd.s32 s10, s3;
	s7 =	sshrl.u32 s29, $0x3;
	s9 =	sadd.s32 s30, s6  }
0xe: {  	s14 =	ssub.s32 s8, s31;
	s10 =	sadd.s32 $0x8A00, s12;
	s18 =	sshrl.u32 s18, $0x3  }
0xf: {  	s13 =	sadd.s32 s7, s6;
	s5 =	sadd.s32 s5, s7;
	s6 =	sshll.u32 s1, $0x6  }
0x10: {  	s8 =	sadd.s32 $0x12800, s9;
	s9 =	sadd.s32 $0x17A00, s12;
	s12 =	smax.u32 s14, $0x1  }
0x11: {  	s14 =	simm.s32 $0x1;
	s7 =	sor.u32 $0x1C01, s6;
	s11 =	sadd.s32 $0x6FC00, s13  }
0x12: {  	s13 =	sshrl.u32 s15, $0x3;
	s15 =	simm.s32 $0x2;
	s17 =	sor.u32 $0x1C02, s6  }
.LBB2_1:
0x13: {  	[spmem:s13@s15], [sflag:s7] =	dma.strided [hbm:s5@s16], $0x4F0, s14, $0x2   }
0x14: {  	[spmem:s18], [sflag:s17] =	dma.local [hbm:s8], $0x4F0  }
0x15: {  	[tilespmem:s19], [sflag:$0x1] =	stream.linear.gather [hbm4b:s9+s4], $0x4E80, $0x38;
	[tilespmem:$0xFC00] =	vst v63  }
0x16: {  	_ = 	snop  }
0x17: {  	[tilespmem:s20], [sflag:$0x2] =	stream.linear.gather [hbm4b:s10+s4], $0x4E80, $0x38;
	[tilespmem:$0xFC00] =	vst v63  }
0x18: {  	_ =	swait.ge [sflag:s14], $0x4F0  }
0x19: {  	[sflag:s14] =	ssyncset.done $0x0  }
0x1a: {  	[sflag:s14] =	ssyncadd.s32 $0xFFFFFB10  }
0x1b: {  	_ =	swait.ge [sflag:s15], $0x4F0  }
0x1c: {  	[sflag:s15] =	ssyncset.done $0x0  }
0x1d: {  	[sflag:s15] =	ssyncadd.s32 $0xFFFFFB10  }
0x1e: {  	_ =	swait.ge [sflag:s14], $0x4E80  }
0x1f: {  	[sflag:s14] =	ssyncset.done $0x0  }
0x20: {  	[sflag:s14] =	ssyncadd.s32 $0xFFFFB180  }
0x21: {  	_ =	swait.ge [sflag:s15], $0x4E80  }
0x22: {  	[sflag:s15] =	ssyncset.done $0x0  }
0x23: {  	[sflag:s15] =	ssyncadd.s32 $0xFFFFB180  }
0x24: {  	[bflag:$0x0] =	sbarrier.arrive $0xFFFF  }
0x25: {  	[tilespmem:s22], [sflag:$0x1] =	stream.indirect.gather [spmem:s2], $0x10, s19, s21, $0xb8;
	[tilespmem:$0xFC00] =	vst v63  }
0x26: {  	s28 =	simm.s32 $0x4F80  }
0x27: {  	[tilespmem:s23], [sflag:$0x2] =	stream.indirect.gather [spmem:s2], $0x10, s28, s21, $0xb8;
	[tilespmem:$0xFC00] =	vst v63  }
0x28: {  	_ =	swait.ge [sflag:s14], $0x800  }
0x29: {  	[sflag:s14] =	ssyncset.done $0x0  }
0x2a: {  	s28 =	simm.s32 $0x9D80;
	[sflag:s14] =	ssyncadd.s32 $0xFFFFF800  }
0x2b: {  	[spmem:s3] =	stream.indirect.scatter.add.f32 [tilespmem:s22], [sflag:$0x3], $0x10, s28, s21, $0xb8;
	[tilespmem:$0xFC00] =	vst v63  }
0x2c: {  	_ =	swait.ge [sflag:s24], $0x800  }
0x2d: {  	[sflag:s24] =	ssyncset.done $0x0  }
0x2e: {  	s28 =	simm.s32 $0x5000;
	[sflag:s24] =	ssyncadd.s32 $0xFFFFF800  }
0x2f: {  	[tilespmem:s22], [sflag:$0x1] =	stream.indirect.gather [spmem:s2], $0x10, s28, s21, $0xb8;
	[tilespmem:$0xFC00] =	vst v63  }
0x30: {  	_ =	swait.ge [sflag:s15], $0x800  }
0x31: {  	[sflag:s15] =	ssyncset.done $0x0  }
0x32: {  	s28 =	simm.s32 $0x9E00;
	[sflag:s15] =	ssyncadd.s32 $0xFFFFF800  }
0x33: {  	[spmem:s3] =	stream.indirect.scatter.add.f32 [tilespmem:s23], [sflag:$0x3], $0x10, s28, s21, $0xb8;
	[tilespmem:$0xFC00] =	vst v63  }
0x34: {  	_ =	swait.ge [sflag:s24], $0x800  }
0x35: {  	s29 =	simm.s32 $0x800;
	s28 =	simm.s32 $0x100;
	[sflag:s24] =	ssyncset.done $0x0  }
.LBB2_2:
0x36: {  	s30 =	sadd.s32 $0x4F80, s28  }
0x37: {  	[sflag:s24] =	ssyncadd.s32 $0xFFFFF800;
	s31 =	smov.u32 s29;
	s0 =	sadd.s32 $0x400, s29  }
0x38: {  	[tilespmem:s23], [sflag:$0x2] =	stream.indirect.gather [spmem:s2], $0x10, s30, s21, $0xb8;
	[tilespmem:$0xFC00] =	vst v63  }
0x39: {  	p0 =	sne.s32 s29, $0x13400;
	_ =	swait.ge [sflag:s14], $0x800  }
0x3a: {  	[sflag:s14] =	ssyncset.done $0x0  }
0x3b: {  	s29 =	sadd.s32 $0x9D80, s28;
	[sflag:s14] =	ssyncadd.s32 $0xFFFFF800  }
0x3c: {  	[spmem:s3] =	stream.indirect.scatter.add.f32 [tilespmem:s22], [sflag:$0x3], $0x10, s29, s21, $0xb8;
	[tilespmem:$0xFC00] =	vst v63  }
0x3d: {  	_ =	swait.ge [sflag:s24], $0x800  }
0x3e: {  	[sflag:s24] =	ssyncset.done $0x0  }
0x3f: {  	s29 =	sadd.s32 $0x5000, s28;
	[sflag:s24] =	ssyncadd.s32 $0xFFFFF800  }
0x40: {  	[tilespmem:s22], [sflag:$0x1] =	stream.indirect.gather [spmem:s2], $0x10, s29, s21, $0xb8;
	[tilespmem:$0xFC00] =	vst v63  }
0x41: {  	_ =	swait.ge [sflag:s15], $0x800  }
.Ltmp0:
0x42: {  	[sflag:s15] =	ssyncset.done $0x0;
	(pc) =	sbr.rel @p0 .LBB2_2-.Ltmp0, $4  }
0x43: {  	s28 =	sadd.s32 $0x9E00, s28;
	[sflag:s15] =	ssyncadd.s32 $0xFFFFF800  }
0x44: {  	[spmem:s3] =	stream.indirect.scatter.add.f32 [tilespmem:s23], [sflag:$0x3], $0x10, s28, s21, $0xb8;
	[tilespmem:$0xFC00] =	vst v63  }
0x45: {  	_ =	swait.ge [sflag:s24], $0x800  }
0x46: {  	s29 =	smov.u32 s0;
	s28 =	sshra.s32 s31, $0x2;
	[sflag:s24] =	ssyncset.done $0x0  }
0x47: {  	s0 =	sadd.s32 $0x4F80, s28;
	[sflag:s24] =	ssyncadd.s32 $0xFFFFF800  }
0x48: {  	[tilespmem:s23], [sflag:$0x2] =	stream.indirect.gather [spmem:s2], $0x10, s0, s21, $0xb8;
	[tilespmem:$0xFC00] =	vst v63  }
0x49: {  	_ =	swait.ge [sflag:s14], $0x800  }
0x4a: {  	[sflag:s14] =	ssyncset.done $0x0  }
0x4b: {  	s31 =	sadd.s32 $0x9D80, s28;
	[sflag:s14] =	ssyncadd.s32 $0xFFFFF800  }
0x4c: {  	[spmem:s3] =	stream.indirect.scatter.add.f32 [tilespmem:s22], [sflag:$0x3], $0x10, s31, s21, $0xb8;
	[tilespmem:$0xFC00] =	vst v63  }
0x4d: {  	_ =	swait.ge [sflag:s24], $0x800  }
0x4e: {  	[sflag:s24] =	ssyncset.done $0x0  }
0x4f: {  	s29 =	sadd.s32 $0x5000, s28;
	[sflag:s24] =	ssyncadd.s32 $0xFFFFF800  }
0x50: {  	[tilespmem:s22], [sflag:$0x1] =	stream.indirect.gather [spmem:s2], $0x10, s29, s21, $0xb8;
	[tilespmem:$0xFC00] =	vst v63  }
0x51: {  	_ =	swait.ge [sflag:s15], $0x800  }
0x52: {  	[sflag:s15] =	ssyncset.done $0x0  }
0x53: {  	s30 =	sadd.s32 $0x9E00, s28;
	[sflag:s15] =	ssyncadd.s32 $0xFFFFF800  }
0x54: {  	[spmem:s3] =	stream.indirect.scatter.add.f32 [tilespmem:s23], [sflag:$0x3], $0x10, s30, s21, $0xb8;
	[tilespmem:$0xFC00] =	vst v63  }
0x55: {  	_ =	swait.ge [sflag:s24], $0x800  }
0x56: {  	[sflag:s24] =	ssyncset.done $0x0  }
0x57: {  	[sflag:s24] =	ssyncadd.s32 $0xFFFFF800  }
0x58: {  	_ =	swait.ge [sflag:s14], $0x800  }
0x59: {  	[sflag:s14] =	ssyncset.done $0x0  }
0x5a: {  	[sflag:s14] =	ssyncadd.s32 $0xFFFFF800  }
0x5b: {  	[spmem:s3] =	stream.indirect.scatter.add.f32 [tilespmem:s22], [sflag:$0x3], $0x10, s25, s21, $0xb8;
	[tilespmem:$0xFC00] =	vst v63  }
0x5c: {  	_ =	swait.ge [sflag:s24], $0x800  }
0x5d: {  	s26 =	sadd.s32 $0x1, s26;
	[sflag:s24] =	ssyncset.done $0x0  }
0x5e: {  	p0 =	sne.s32 s26, s12;
	[sflag:s24] =	ssyncadd.s32 $0xFFFFF800  }
.Ltmp1:
0x5f: {  	s31 =	sor.u32 $0x1C03, s6;
	[bflag:$0x0] =	sbarrier.arrive $0xFFFF;
	(pc) =	sbr.rel @p0 .LBB2_1-.Ltmp1, $4  }
0x60: {  	[hbm:s11@s16], [sflag:s31] =	dma.strided [spmem:s18@s15], $0x4F0, s14, $0x2   }
0x61: {  	_ =	swait.ge [sflag:s24], $0x4F0  }
0x62: {  	[sflag:s24] =	ssyncset.done $0x0  }
0x63: {  	[sflag:s24] =	ssyncadd.s32 $0xFFFFFB10  }
0x64: {  	_ =	sfence.sel $0x180000  }
0x65: {  	[bflag:$0x0] =	sbarrier.arrive $0xFFFF  }
0x66: {  	_ =	strace $0x9000004D  }
0x67: {  	[bflag:$0x2] =	sbarrier.arrive $0xFFFF  }
0x68: {  	p0 =	sne.s32 s1, $0x0;
	s0 =	rddreg [dreg:$0x4]  }
0x69: {  	s0 =	sadd.s32 @!p0 $0x100000, s0  }
0x6a: {  	[sflag:s0] =	ssyncadd.tile.s32 @!p0 $0x1;
	_ =	shalt  }
.Lfunc_end2:
_tile_overlayer_lowered:
.L_overlay_start_2:
0x6b: {  	(tag) =	ssettag $0x2  }
0x6c: {  	s0 =	rddreg [dreg:$0x0];
	s2 =	stileid.u32  }
0x6d: {  	s1 =	rddreg [dreg:$0x1];
	p0 =	sne.s32 s2, $0x0  }
0x6e: {  	s3 =	rddreg [dreg:$0x2];
	[bflag:$0x3] =	sbarrier.arrive $0xFFFF;
	s2 =	simm.s32 @!p0 $0x1C03  }
0x6f: {  	[timem:s3], [sflag:s2] =	dma.local @!p0 [hbm:s0], s1  }
0x70: {  	s0 =	simm.s32 @!p0 $0x3  }
0x71: {  	_ =	swait.ge @!p0 [sflag:s0], s1  }
0x72: {  	s1 =	ssub.s32 @!p0 $0x0, s1;
	[sflag:s0] =	ssyncset.done @!p0 $0x0  }
0x73: {  	[sflag:s0] =	ssyncadd.s32 @!p0 s1  }
0x74: {  	[bflag:$0x3] =	sbarrier.arrive $0xFFFF  }
0x75: {  	_ =	shalt  }

// kernel: kernel.30.cloned.1.call-start
scs
__scs_entry_jumppad:
0x0: {  	(pc) =	sbr.rel $0x88, $3  }
0x1: {  	(tag) =	ssettag $0x0;
	lr =	simm.s32 $0x1  }
0x2: {  	[smem:$0x3F7D] =	sst lr;
	_ =	strace $0xD0000000  }
0x3: {  	_ = 	snop  }
0x4: {  	_ = 	snop  }
0x5: {  	_ = 	snop  }
0x6: {  	_ = 	snop  }
0x7: {  	_ = 	snop  }
__scs_overlays_trampoline_lowered:
0x8: {  	[smem:$0x3F8C] =	sst s0  }
0x9: {  	[smem:$0x3F8D] =	sst s1  }
0xa: {  	[smem:$0x3F8E] =	sst s2  }
0xb: {  	[smem:$0x3F8F] =	sst s3  }
0xc: {  	[smem:$0x3F90] =	sst s4  }
0xd: {  	[smem:$0x3F91] =	sst s5  }
0xe: {  	[smem:$0x3F92] =	sst s6  }
0xf: {  	[smem:$0x3F93] =	sst s7  }
0x10: {  	[smem:$0x3F94] =	sst s8  }
0x11: {  	[smem:$0x3F95] =	sst s9;
	s0 =	simm.s32 @!p0 $0x0  }
0x12: {  	s1 =	sld [smem:$0x3F7B];
	s0 =	simm.s32 @p0 $0x1  }
0x13: {  	[smem:$0x3F96] =	sst s0;
	s0 =	simm.s32 @!p1 $0x0  }
0x14: {  	s2 =	sld [smem:$0x3F7A];
	s0 =	simm.s32 @p1 $0x1  }
0x15: {  	[smem:$0x3F97] =	sst s0;
	s0 =	simm.s32 @!p2 $0x0  }
0x16: {  	s3 =	sld [smem:$0x3FDB];
	s0 =	simm.s32 @p2 $0x1  }
0x17: {  	s4 =	simm.s32 $0x1BF5;
	[smem:$0x3F99] =	sst s0  }
0x18: {  	s0 =	sld [smem:$0x3F7C];
	_ =	swait.ge [sflag:s4], $0x0  }
0x19: {  	s7 =	sld [smem:$0x3F7D]  }
0x1a: {  	s8 =	sadd.s32 $0xFFFFE003, lr  }
0x1b: {  	s9 =	sadd.s32 $0xFFFFFEF7, lr;
	s5 =	simm.s32 $0xFFFFFFFF;
	p2 =	slt.u32 s8, $0xFFFFF086  }
0x1c: {  	p1 =	slt.u32 s9, $0xF7A;
	s5 =	simm.s32 @!p2 $0x0  }
0x1d: {  	s5 =	simm.s32 @p1 $0x1;
	p0 =	seq.s32 s7, s2  }
0x1e: {  	s7 =	smul.u32 @!p0 $0xF7A, s2;
	p2 =	seq.s32 @!p0 s5, $0x0  }
0x1f: {  	s9 =	smul.u32 $0xF7A, s1;
	s8 =	simm.s32 @!p0 $0x1BF5;
	p2 =	por !p2, p0  }
0x20: {  	[sflag:s8] =	ssyncset.s32 @!p0 $0xFFFFF086;
	s6 =	sadd.s32 @!p0 s3, s7;
	s7 =	simm.s32 @!p0 $0x108  }
0x21: {  	s3 =	sadd.s32 s3, s9;
	s6 =	sadd.s32 @!p0 $0x88, s6;
	s7 =	simm.s32 @p2 $0x1082  }
0x22: {  	[simem:s7], [sflag:s8] =	dma.local @!p0 [hbm:s6], $0xF7A  }
0x23: {  	s9 =	sor.u32 $0xD0000000, s2;
	s6 =	simm.s32 $0x108;
	_ =	swait.ge @!p0 [sflag:s8], $0x0  }
0x24: {  	s3 =	sadd.s32 $0x88, s3;
	s6 =	simm.s32 @!p1 $0x1082;
	[sflag:s4] =	ssyncset.s32 $0xFFFFF086  }
0x25: {  	[simem:s6], [sflag:s4] =	dma.local [hbm:s3], $0xF7A  }
0x26: {  	[smem:$0x3F7D] =	sst s1;
	(tag) =	ssettag s2;
	_ =	strace s9  }
0x27: {  	s1 =	sld [smem:$0x3F8D]  }
0x28: {  	s2 =	sld [smem:$0x3F8E]  }
0x29: {  	s4 =	sld [smem:$0x3F90]  }
0x2a: {  	p0 =	seq.s32 s5, $0x0;
	s5 =	sld [smem:$0x3F91]  }
0x2b: {  	s6 =	sld [smem:$0x3F92]  }
0x2c: {  	s7 =	sld [smem:$0x3F93]  }
0x2d: {  	s3 =	simm.s32 $0x108;
	s8 =	sld [smem:$0x3F94]  }
0x2e: {  	s3 =	simm.s32 @!p0 $0x1082;
	s9 =	sld [smem:$0x3F95]  }
0x2f: {  	lr =	sadd.s32 s0, s3;
	s0 =	sld [smem:$0x3F8C]  }
0x30: {  	s3 =	sld [smem:$0x3F8F]  }
0x31: {  	[smem:$0x3F98] =	sst s10  }
0x32: {  	s10 =	sld [smem:$0x3F96];
	_ =	sdelay $0x3  }
0x33: {  	p0 =	seq.s32 s10, $0x1;
	s10 =	sld [smem:$0x3F98];
	_ =	sdelay $0x3  }
0x34: {  	[smem:$0x3F98] =	sst s10  }
0x35: {  	s10 =	sld [smem:$0x3F97];
	_ =	sdelay $0x3  }
0x36: {  	p1 =	seq.s32 s10, $0x1;
	s10 =	sld [smem:$0x3F98];
	_ =	sdelay $0x3  }
0x37: {  	[smem:$0x3F98] =	sst s10  }
0x38: {  	s10 =	sld [smem:$0x3F99]  }
0x39: {  	_ = 	snop;
	(pc) =	sbr.ind lr, $3  }
0x3a: {  	_ = 	snop  }
0x3b: {  	_ = 	snop  }
0x3c: {  	p2 =	seq.s32 s10, $0x1;
	s10 =	sld [smem:$0x3F98]  }
0x3d: {  	_ =	shalt  }
0x3e: {  	_ =	shalt  }
0x3f: {  	_ =	shalt  }
0x40: {  	_ =	shalt  }
0x41: {  	_ =	shalt  }
0x42: {  	_ =	shalt  }
0x43: {  	_ =	shalt  }
0x44: {  	_ =	shalt  }
0x45: {  	_ =	shalt  }
0x46: {  	_ =	shalt  }
0x47: {  	_ =	shalt  }
0x48: {  	_ =	shalt  }
0x49: {  	_ =	shalt  }
0x4a: {  	_ =	shalt  }
0x4b: {  	_ =	shalt  }
0x4c: {  	_ =	shalt  }
0x4d: {  	_ =	shalt  }
0x4e: {  	_ =	shalt  }
0x4f: {  	_ =	shalt  }
0x50: {  	_ =	shalt  }
0x51: {  	_ =	shalt  }
0x52: {  	_ =	shalt  }
0x53: {  	_ =	shalt  }
0x54: {  	_ =	shalt  }
0x55: {  	_ =	shalt  }
0x56: {  	_ =	shalt  }
0x57: {  	_ =	shalt  }
0x58: {  	_ =	shalt  }
0x59: {  	_ =	shalt  }
0x5a: {  	_ =	shalt  }
0x5b: {  	_ =	shalt  }
0x5c: {  	_ =	shalt  }
0x5d: {  	_ =	shalt  }
0x5e: {  	_ =	shalt  }
0x5f: {  	_ =	shalt  }
0x60: {  	_ =	shalt  }
0x61: {  	_ =	shalt  }
0x62: {  	_ =	shalt  }
0x63: {  	_ =	shalt  }
0x64: {  	_ =	shalt  }
0x65: {  	_ =	shalt  }
0x66: {  	_ =	shalt  }
0x67: {  	_ =	shalt  }
0x68: {  	_ =	shalt  }
0x69: {  	_ =	shalt  }
0x6a: {  	_ =	shalt  }
0x6b: {  	_ =	shalt  }
0x6c: {  	_ =	shalt  }
0x6d: {  	_ =	shalt  }
0x6e: {  	_ =	shalt  }
0x6f: {  	_ =	shalt  }
0x70: {  	_ =	shalt  }
0x71: {  	_ =	shalt  }
0x72: {  	_ =	shalt  }
0x73: {  	_ =	shalt  }
0x74: {  	_ =	shalt  }
0x75: {  	_ =	shalt  }
0x76: {  	_ =	shalt  }
0x77: {  	_ =	shalt  }
0x78: {  	_ =	shalt  }
0x79: {  	_ =	shalt  }
0x7a: {  	_ =	shalt  }
0x7b: {  	_ =	shalt  }
0x7c: {  	_ =	shalt  }
0x7d: {  	_ =	shalt  }
0x7e: {  	_ =	shalt  }
0x7f: {  	_ =	shalt  }
0x80: {  	_ =	shalt  }
0x81: {  	_ =	shalt  }
0x82: {  	_ =	shalt  }
0x83: {  	_ =	shalt  }
0x84: {  	_ =	shalt  }
0x85: {  	_ =	shalt  }
0x86: {  	_ =	shalt  }
0x87: {  	_ =	shalt  }
.Lfunc_end0:
.L_simem_size_0:
called_computation.3_lowered:
.L_overlay_start_0:
0x88: {  	s2 =	sld [smem:$0x3FD9]  }
0x89: {  	s3 =	sld [smem:$0x3FFE];
	_ =	sdelay $0x1  }
0x8a: {  	s1 =	srdreg.scid  }
0x8b: {  	s0 =	sand.u32 $0x1, s1  }
0x8c: {  	s17 =	sshll.u32 s0, $0xA;
	s2 =	sadd.s32 s3, s2  }
0x8d: {  	s2 =	sadd.s32 s2, s17  }
0x8e: {  	[smem:$0x3FA4] =	sst s2  }
0x8f: {  	_ = 	snop  }
0x90: {  	s2 =	sld [smem:$0x3FD0];
	(tm) =	ssettm $0x1  }
0x91: {  	s18 =	sld [smem:$0x3FFB];
	_ =	sdelay $0x3  }
0x92: {  	_ =	strace s18  }
0x93: {  	s3 =	sld [smem:$0x3FFC];
	_ =	sdelay $0x3  }
0x94: {  	_ =	strace s3  }
0x95: {  	s3 =	sld [smem:$0x3FFD];
	_ =	sdelay $0x3  }
0x96: {  	_ =	strace s3  }
0x97: {  	_ =	strace $0x8FFFFFFF  }
0x98: {  	s19 =	sld [smem:$0x3FDB];
	_ =	sdelay $0x1  }
0x99: {  	s4 =	simm.s32 $_scs_section_size  }
0x9a: {  	s5 =	simm.s32 $_size__tile_overlayer_lowered;
	s6 =	simm.s32 $_tile_overlayer_lowered  }
0x9b: {  	s22 =	simm.s32 $0x1BFF;
	s21 =	sshll.u32 s6, $0x1;
	s3 =	sadd.s32 s4, s19  }
0x9c: {  	s7 =	simm.s32 $0x0;
	s20 =	sshll.u32 s5, $0x1;
	s5 =	sadd.s32 s21, s3  }
0x9d: {  	[timem:s7], [sflag:s22] =	dma.local [hbm:s5], s20  }
0x9e: {  	_ =	swait.ge [sflag:s22], s20  }
0x9f: {  	s4 =	ssub.s32 $0x0, s20;
	[sflag:s22] =	ssyncset.done $0x0  }
0xa0: {  	[sflag:s22] =	ssyncadd.s32 s4;
	_ =	sdelay $0x1  }
0xa1: {  	s23 =	simm.s32 $0x1B8B  }
0xa2: {  	_ =	swait.ge [sflag:s23], $0x1  }
0xa3: {  	[sflag:s23] =	ssyncset.done $0x0  }
0xa4: {  	s25 =	simm.s32 $0x1B8E;
	s24 =	sld [smem:$0x3FFE];
	[sflag:s23] =	ssyncadd.s32 $0xFFFFFFFF  }
0xa5: {  	s26 =	simm.s32 $execute0_lowered;
	[smem:$0x3FD2] =	sst s25  }
0xa6: {  	s5 =	sshll.u32 s26, $0x1;
	_ =	strace $0x8000004F;
	[dreg:$0x1] =	wrdreg $0xFFFFFFFF  }
0xa7: {  	s28 =	simm.s32 $_size_execute0_lowered;
	s3 =	sadd.s32 s3, s5;
	[dreg:$0x0] =	wrdreg $0x0  }
0xa8: {  	s5 =	sshll.u32 s28, $0x1;
	[dreg:$0x2] =	wrdreg s3  }
0xa9: {  	[dreg:$0x3] =	wrdreg s5  }
0xaa: {  	[dreg:$0x4] =	wrdreg $0xC0  }
0xab: {  	_ =	task [dreg:s7], $0x5FFFF  }
0xac: {  	[dreg:$0x1] =	wrdreg $0xFFFFFFFF  }
0xad: {  	[dreg:$0x0] =	wrdreg $0x60  }
0xae: {  	[dreg:$0x2] =	wrdreg s24  }
0xaf: {  	[dreg:$0x3] =	wrdreg s2  }
0xb0: {  	[dreg:$0x4] =	wrdreg $0x0  }
0xb1: {  	[dreg:$0x5] =	wrdreg $0x4F000  }
0xb2: {  	[dreg:$0x6] =	wrdreg $0x9  }
0xb3: {  	_ =	task.clear_ibuf [dreg:s7], $0x7FFFF;
	_ =	strace $0x9000004F  }
0xb4: {  	s29 =	simm.s32 $0x9;
	_ =	strace $0x80000051  }
0xb5: {  	_ =	swait.ge [sflag:s29], $0x1  }
0xb6: {  	[sflag:s29] =	ssyncadd.s32 $0xFFFFFFFF  }
0xb7: {  	_ =	strace $0x90000051  }
0xb8: {  	_ =	sfence  }
0xb9: {  	s30 =	sld [smem:$0x0];
	_ =	sdelay $0x2  }
0xba: {  	s31 =	sshll.u32 s1, $0xD;
	s1 =	sshrl.u32 s1, $0x2  }
0xbb: {  	s3 =	sand.u32 $0x4000, s31;
	s1 =	sadd.s32 s1, s30  }
0xbc: {  	s0 =	sor.u32 s3, s0;
	s1 =	sshll.u32 s1, $0x11  }
0xbd: {  	s0 =	sor.u32 s1, s0  }
0xbe: {  	s0 =	sadd.s32 $0x8F2B, s0  }
0xbf: {  	[sflag:s0] =	ssyncadd.remote.s32 $0x1  }
0xc0: {  	_ =	sfence.sel $0xFFFF  }
0xc1: {  	[dreg:$0x0] =	wrdreg $0xFFFFFFFF;
	(pc) =	sbr.abs _section_cstart, $3  }
0xc2: {  	[dreg:$0x1] =	wrdreg $0xFFFFFFFF  }
0xc3: {  	_ =	task.clear_ibuf [dreg:s7], $0x2FFFF;
	_ =	strace $0x9FFFFFFF  }
0xc4: {  	(tm) =	ssettm $0x7FFFFFFF  }
0xc5: {  	_ =	shalt  }
tec
execute0_lowered:
.L_overlay_start_1:
0x0: {  	(tag) =	ssettag $0x1  }
0x1: {  	s5 =	rddreg [dreg:$0x0]  }
0x2: {  	s8 =	rddreg [dreg:$0x1]  }
0x3: {  	s2 =	rddreg [dreg:$0x2]  }
0x4: {  	s3 =	rddreg [dreg:$0x3];
	s0 =	stileid.u32  }
0x5: {  	s6 =	srdreg.scid;
	s4 =	simm.s32 $0x0;
	s15 =	simm.s32 $0x4  }
0x6: {  	s16 =	simm.s32 $0x8;
	s19 =	simm.s32 $0x9E00;
	s20 =	simm.s32 $0xEC80  }
0x7: {  	s21 =	simm.s32 $0x2;
	s22 =	simm.s32 $0x80;
	s23 =	simm.s32 $0x13B00  }
0x8: {  	s24 =	simm.s32 $0x14B00;
	s25 =	simm.s32 $0x3;
	s7 =	smul.u32 $0x9E00, s0  }
0x9: {  	s26 =	simm.s32 $0x13A80;
	s28 =	simm.s32 $0x0;
	s10 =	smul.u32 $0x9D0, s0  }
0xa: {  	s6 =	sand.u32 $0x1, s6;
	[smem:$0x7FF] =	sst s4;
	s30 =	smul.u32 $0x4F00, s0  }
0xb: {  	s9 =	sshll.u32 s6, $0x5;
	_ =	strace $0x80000050;
	s6 =	ssub.s32 $0x2, s6  }
0xc: {  	s7 =	sor.u32 s9, s7;
	s10 =	sadd.s32 s10, s5;
	s31 =	sshrl.u32 s6, $0x1  }
0xd: {  	s13 =	sadd.s32 s30, s2;
	s14 =	sshrl.u32 s30, $0x3;
	s18 =	sadd.s32 s30, s3  }
0xe: {  	s7 =	sshrl.u32 s7, $0x3;
	s12 =	ssub.s32 s6, s31;
	s8 =	sadd.s32 s8, s14  }
0xf: {  	s9 =	sadd.s32 $0x17A00, s10;
	s10 =	sadd.s32 $0x8A00, s10;
	s13 =	sshrl.u32 s13, $0x3  }
0x10: {  	s14 =	simm.s32 $0x1;
	s18 =	sshrl.u32 s18, $0x3;
	s11 =	sadd.s32 s7, s5  }
0x11: {  	s5 =	sshll.u32 s0, $0x6;
	s12 =	smax.u32 s12, $0x1;
	s6 =	sadd.s32 $0x96E00, s11  }
0x12: {  	s7 =	sor.u32 $0x1C01, s5;
	s11 =	sadd.s32 $0xAAA00, s11;
	s17 =	sor.u32 $0x1C02, s5  }
.LBB2_1:
0x13: {  	[spmem:s13@s15], [sflag:s7] =	dma.strided [hbm:s6@s16], $0x9E0, s14, $0x4   }
0x14: {  	[spmem:s18], [sflag:s17] =	dma.local [hbm:s8], $0x9E0  }
0x15: {  	[tilespmem:s19], [sflag:$0x1] =	stream.linear.gather [hbm4b:s9+s4], $0x4E80, $0x38;
	[tilespmem:$0x15B00] =	vst v63  }
0x16: {  	_ = 	snop  }
0x17: {  	[tilespmem:s20], [sflag:$0x2] =	stream.linear.gather [hbm4b:s10+s4], $0x4E80, $0x38;
	[tilespmem:$0x15B00] =	vst v63  }
0x18: {  	_ =	swait.ge [sflag:s14], $0x9E0  }
0x19: {  	[sflag:s14] =	ssyncset.done $0x0  }
0x1a: {  	[sflag:s14] =	ssyncadd.s32 $0xFFFFF620  }
0x1b: {  	_ =	swait.ge [sflag:s21], $0x9E0  }
0x1c: {  	[sflag:s21] =	ssyncset.done $0x0  }
0x1d: {  	[sflag:s21] =	ssyncadd.s32 $0xFFFFF620  }
0x1e: {  	_ =	swait.ge [sflag:s14], $0x4E80  }
0x1f: {  	[sflag:s14] =	ssyncset.done $0x0  }
0x20: {  	[sflag:s14] =	ssyncadd.s32 $0xFFFFB180  }
0x21: {  	_ =	swait.ge [sflag:s21], $0x4E80  }
0x22: {  	[sflag:s21] =	ssyncset.done $0x0  }
0x23: {  	[sflag:s21] =	ssyncadd.s32 $0xFFFFB180  }
0x24: {  	[bflag:$0x0] =	sbarrier.arrive $0xFFFF  }
0x25: {  	[tilespmem:s23], [sflag:$0x1] =	stream.indirect.gather [spmem:s2], $0x20, s19, s22, $0xb8;
	[tilespmem:$0x15B00] =	vst v63  }
0x26: {  	s29 =	simm.s32 $0x9E80  }
0x27: {  	[tilespmem:s24], [sflag:$0x2] =	stream.indirect.gather [spmem:s2], $0x20, s29, s22, $0xb8;
	[tilespmem:$0x15B00] =	vst v63  }
0x28: {  	_ =	swait.ge [sflag:s14], $0x1000  }
0x29: {  	[sflag:s14] =	ssyncset.done $0x0  }
0x2a: {  	s29 =	simm.s32 $0xEC80;
	[sflag:s14] =	ssyncadd.s32 $0xFFFFF000  }
0x2b: {  	[spmem:s3] =	stream.indirect.scatter.add.f32 [tilespmem:s23], [sflag:$0x3], $0x20, s29, s22, $0xb8;
	[tilespmem:$0x15B00] =	vst v63  }
0x2c: {  	_ =	swait.ge [sflag:s25], $0x1000  }
0x2d: {  	[sflag:s25] =	ssyncset.done $0x0  }
0x2e: {  	s29 =	simm.s32 $0x9F00;
	[sflag:s25] =	ssyncadd.s32 $0xFFFFF000  }
0x2f: {  	[tilespmem:s23], [sflag:$0x1] =	stream.indirect.gather [spmem:s2], $0x20, s29, s22, $0xb8;
	[tilespmem:$0x15B00] =	vst v63  }
0x30: {  	_ =	swait.ge [sflag:s21], $0x1000  }
0x31: {  	[sflag:s21] =	ssyncset.done $0x0  }
0x32: {  	s29 =	simm.s32 $0xED00;
	[sflag:s21] =	ssyncadd.s32 $0xFFFFF000  }
0x33: {  	[spmem:s3] =	stream.indirect.scatter.add.f32 [tilespmem:s24], [sflag:$0x3], $0x20, s29, s22, $0xb8;
	[tilespmem:$0x15B00] =	vst v63  }
0x34: {  	_ =	swait.ge [sflag:s25], $0x1000  }
0x35: {  	s30 =	simm.s32 $0x800;
	s29 =	simm.s32 $0x100;
	[sflag:s25] =	ssyncset.done $0x0  }
.LBB2_2:
0x36: {  	s31 =	sadd.s32 $0x9E80, s29  }
0x37: {  	[sflag:s25] =	ssyncadd.s32 $0xFFFFF000;
	s0 =	smov.u32 s30;
	s1 =	sadd.s32 $0x400, s30  }
0x38: {  	[tilespmem:s24], [sflag:$0x2] =	stream.indirect.gather [spmem:s2], $0x20, s31, s22, $0xb8;
	[tilespmem:$0x15B00] =	vst v63  }
0x39: {  	p0 =	sne.s32 s30, $0x13400;
	_ =	swait.ge [sflag:s14], $0x1000  }
0x3a: {  	[sflag:s14] =	ssyncset.done $0x0  }
0x3b: {  	s30 =	sadd.s32 $0xEC80, s29;
	[sflag:s14] =	ssyncadd.s32 $0xFFFFF000  }
0x3c: {  	[spmem:s3] =	stream.indirect.scatter.add.f32 [tilespmem:s23], [sflag:$0x3], $0x20, s30, s22, $0xb8;
	[tilespmem:$0x15B00] =	vst v63  }
0x3d: {  	_ =	swait.ge [sflag:s25], $0x1000  }
0x3e: {  	[sflag:s25] =	ssyncset.done $0x0  }
0x3f: {  	s30 =	sadd.s32 $0x9F00, s29;
	[sflag:s25] =	ssyncadd.s32 $0xFFFFF000  }
0x40: {  	[tilespmem:s23], [sflag:$0x1] =	stream.indirect.gather [spmem:s2], $0x20, s30, s22, $0xb8;
	[tilespmem:$0x15B00] =	vst v63  }
0x41: {  	_ =	swait.ge [sflag:s21], $0x1000  }
.Ltmp0:
0x42: {  	[sflag:s21] =	ssyncset.done $0x0;
	(pc) =	sbr.rel @p0 .LBB2_2-.Ltmp0, $4  }
0x43: {  	s29 =	sadd.s32 $0xED00, s29;
	[sflag:s21] =	ssyncadd.s32 $0xFFFFF000  }
0x44: {  	[spmem:s3] =	stream.indirect.scatter.add.f32 [tilespmem:s24], [sflag:$0x3], $0x20, s29, s22, $0xb8;
	[tilespmem:$0x15B00] =	vst v63  }
0x45: {  	_ =	swait.ge [sflag:s25], $0x1000  }
0x46: {  	s30 =	smov.u32 s1;
	s29 =	sshra.s32 s0, $0x2;
	[sflag:s25] =	ssyncset.done $0x0  }
0x47: {  	s0 =	sadd.s32 $0x9E80, s29;
	[sflag:s25] =	ssyncadd.s32 $0xFFFFF000  }
0x48: {  	[tilespmem:s24], [sflag:$0x2] =	stream.indirect.gather [spmem:s2], $0x20, s0, s22, $0xb8;
	[tilespmem:$0x15B00] =	vst v63  }
0x49: {  	_ =	swait.ge [sflag:s14], $0x1000  }
0x4a: {  	[sflag:s14] =	ssyncset.done $0x0  }
0x4b: {  	s31 =	sadd.s32 $0xEC80, s29;
	[sflag:s14] =	ssyncadd.s32 $0xFFFFF000  }
0x4c: {  	[spmem:s3] =	stream.indirect.scatter.add.f32 [tilespmem:s23], [sflag:$0x3], $0x20, s31, s22, $0xb8;
	[tilespmem:$0x15B00] =	vst v63  }
0x4d: {  	_ =	swait.ge [sflag:s25], $0x1000  }
0x4e: {  	[sflag:s25] =	ssyncset.done $0x0  }
0x4f: {  	s1 =	sadd.s32 $0x9F00, s29;
	[sflag:s25] =	ssyncadd.s32 $0xFFFFF000  }
0x50: {  	[tilespmem:s23], [sflag:$0x1] =	stream.indirect.gather [spmem:s2], $0x20, s1, s22, $0xb8;
	[tilespmem:$0x15B00] =	vst v63  }
0x51: {  	_ =	swait.ge [sflag:s21], $0x1000  }
0x52: {  	[sflag:s21] =	ssyncset.done $0x0  }
0x53: {  	s30 =	sadd.s32 $0xED00, s29;
	[sflag:s21] =	ssyncadd.s32 $0xFFFFF000  }
0x54: {  	[spmem:s3] =	stream.indirect.scatter.add.f32 [tilespmem:s24], [sflag:$0x3], $0x20, s30, s22, $0xb8;
	[tilespmem:$0x15B00] =	vst v63  }
0x55: {  	_ =	swait.ge [sflag:s25], $0x1000  }
0x56: {  	[sflag:s25] =	ssyncset.done $0x0  }
0x57: {  	[sflag:s25] =	ssyncadd.s32 $0xFFFFF000  }
0x58: {  	_ =	swait.ge [sflag:s14], $0x1000  }
0x59: {  	[sflag:s14] =	ssyncset.done $0x0  }
0x5a: {  	[sflag:s14] =	ssyncadd.s32 $0xFFFFF000  }
0x5b: {  	[spmem:s3] =	stream.indirect.scatter.add.f32 [tilespmem:s23], [sflag:$0x3], $0x20, s26, s22, $0xb8;
	[tilespmem:$0x15B00] =	vst v63  }
0x5c: {  	_ =	swait.ge [sflag:s25], $0x1000  }
0x5d: {  	s28 =	sadd.s32 $0x1, s28;
	[sflag:s25] =	ssyncset.done $0x0  }
0x5e: {  	p0 =	sne.s32 s28, s12;
	[sflag:s25] =	ssyncadd.s32 $0xFFFFF000  }
.Ltmp1:
0x5f: {  	s31 =	sor.u32 $0x1C03, s5;
	[bflag:$0x0] =	sbarrier.arrive $0xFFFF;
	(pc) =	sbr.rel @p0 .LBB2_1-.Ltmp1, $4  }
0x60: {  	[hbm:s11@s16], [sflag:s31] =	dma.strided [spmem:s18@s15], $0x9E0, s14, $0x4   }
0x61: {  	_ =	swait.ge [sflag:s25], $0x9E0  }
0x62: {  	[sflag:s25] =	ssyncset.done $0x0  }
0x63: {  	[sflag:s25] =	ssyncadd.s32 $0xFFFFF620  }
0x64: {  	_ =	sfence.sel $0x180000  }
0x65: {  	[bflag:$0x0] =	sbarrier.arrive $0xFFFF  }
0x66: {  	_ =	strace $0x90000050  }
0x67: {  	s0 =	stileid.u32;
	[bflag:$0x2] =	sbarrier.arrive $0xFFFF  }
0x68: {  	p0 =	sne.s32 s0, $0x0;
	s0 =	rddreg [dreg:$0x4]  }
0x69: {  	s0 =	sadd.s32 @!p0 $0x100000, s0  }
0x6a: {  	[sflag:s0] =	ssyncadd.tile.s32 @!p0 $0x1;
	_ =	shalt  }
.Lfunc_end2:
_tile_overlayer_lowered:
.L_overlay_start_2:
0x6b: {  	(tag) =	ssettag $0x2  }
0x6c: {  	s0 =	rddreg [dreg:$0x0];
	s2 =	stileid.u32  }
0x6d: {  	s1 =	rddreg [dreg:$0x1];
	p0 =	sne.s32 s2, $0x0  }
0x6e: {  	s3 =	rddreg [dreg:$0x2];
	[bflag:$0x3] =	sbarrier.arrive $0xFFFF;
	s2 =	simm.s32 @!p0 $0x1C03  }
0x6f: {  	[timem:s3], [sflag:s2] =	dma.local @!p0 [hbm:s0], s1  }
0x70: {  	s0 =	simm.s32 @!p0 $0x3  }
0x71: {  	_ =	swait.ge @!p0 [sflag:s0], s1  }
0x72: {  	s1 =	ssub.s32 @!p0 $0x0, s1;
	[sflag:s0] =	ssyncset.done @!p0 $0x0  }
0x73: {  	[sflag:s0] =	ssyncadd.s32 @!p0 s1  }
0x74: {  	[bflag:$0x3] =	sbarrier.arrive $0xFFFF  }
0x75: {  	_ =	shalt  }

// kernel: kernel.33.cloned.1.call-start
scs
__scs_entry_jumppad:
0x0: {  	(pc) =	sbr.rel $0x88, $3  }
0x1: {  	(tag) =	ssettag $0x0;
	lr =	simm.s32 $0x1  }
0x2: {  	[smem:$0x3F7D] =	sst lr;
	_ =	strace $0xD0000000  }
0x3: {  	_ = 	snop  }
0x4: {  	_ = 	snop  }
0x5: {  	_ = 	snop  }
0x6: {  	_ = 	snop  }
0x7: {  	_ = 	snop  }
__scs_overlays_trampoline_lowered:
0x8: {  	[smem:$0x3F8C] =	sst s0  }
0x9: {  	[smem:$0x3F8D] =	sst s1  }
0xa: {  	[smem:$0x3F8E] =	sst s2  }
0xb: {  	[smem:$0x3F8F] =	sst s3  }
0xc: {  	[smem:$0x3F90] =	sst s4  }
0xd: {  	[smem:$0x3F91] =	sst s5  }
0xe: {  	[smem:$0x3F92] =	sst s6  }
0xf: {  	[smem:$0x3F93] =	sst s7  }
0x10: {  	[smem:$0x3F94] =	sst s8  }
0x11: {  	[smem:$0x3F95] =	sst s9;
	s0 =	simm.s32 @!p0 $0x0  }
0x12: {  	s1 =	sld [smem:$0x3F7B];
	s0 =	simm.s32 @p0 $0x1  }
0x13: {  	[smem:$0x3F96] =	sst s0;
	s0 =	simm.s32 @!p1 $0x0  }
0x14: {  	s2 =	sld [smem:$0x3F7A];
	s0 =	simm.s32 @p1 $0x1  }
0x15: {  	[smem:$0x3F97] =	sst s0;
	s0 =	simm.s32 @!p2 $0x0  }
0x16: {  	s3 =	sld [smem:$0x3FDB];
	s0 =	simm.s32 @p2 $0x1  }
0x17: {  	s4 =	simm.s32 $0x1BF5;
	[smem:$0x3F99] =	sst s0  }
0x18: {  	s0 =	sld [smem:$0x3F7C];
	_ =	swait.ge [sflag:s4], $0x0  }
0x19: {  	s7 =	sld [smem:$0x3F7D]  }
0x1a: {  	s8 =	sadd.s32 $0xFFFFE003, lr  }
0x1b: {  	s9 =	sadd.s32 $0xFFFFFEF7, lr;
	s5 =	simm.s32 $0xFFFFFFFF;
	p2 =	slt.u32 s8, $0xFFFFF086  }
0x1c: {  	p1 =	slt.u32 s9, $0xF7A;
	s5 =	simm.s32 @!p2 $0x0  }
0x1d: {  	s5 =	simm.s32 @p1 $0x1;
	p0 =	seq.s32 s7, s2  }
0x1e: {  	s7 =	smul.u32 @!p0 $0xF7A, s2;
	p2 =	seq.s32 @!p0 s5, $0x0  }
0x1f: {  	s9 =	smul.u32 $0xF7A, s1;
	s8 =	simm.s32 @!p0 $0x1BF5;
	p2 =	por !p2, p0  }
0x20: {  	[sflag:s8] =	ssyncset.s32 @!p0 $0xFFFFF086;
	s6 =	sadd.s32 @!p0 s3, s7;
	s7 =	simm.s32 @!p0 $0x108  }
0x21: {  	s3 =	sadd.s32 s3, s9;
	s6 =	sadd.s32 @!p0 $0x88, s6;
	s7 =	simm.s32 @p2 $0x1082  }
0x22: {  	[simem:s7], [sflag:s8] =	dma.local @!p0 [hbm:s6], $0xF7A  }
0x23: {  	s9 =	sor.u32 $0xD0000000, s2;
	s6 =	simm.s32 $0x108;
	_ =	swait.ge @!p0 [sflag:s8], $0x0  }
0x24: {  	s3 =	sadd.s32 $0x88, s3;
	s6 =	simm.s32 @!p1 $0x1082;
	[sflag:s4] =	ssyncset.s32 $0xFFFFF086  }
0x25: {  	[simem:s6], [sflag:s4] =	dma.local [hbm:s3], $0xF7A  }
0x26: {  	[smem:$0x3F7D] =	sst s1;
	(tag) =	ssettag s2;
	_ =	strace s9  }
0x27: {  	s1 =	sld [smem:$0x3F8D]  }
0x28: {  	s2 =	sld [smem:$0x3F8E]  }
0x29: {  	s4 =	sld [smem:$0x3F90]  }
0x2a: {  	p0 =	seq.s32 s5, $0x0;
	s5 =	sld [smem:$0x3F91]  }
0x2b: {  	s6 =	sld [smem:$0x3F92]  }
0x2c: {  	s7 =	sld [smem:$0x3F93]  }
0x2d: {  	s3 =	simm.s32 $0x108;
	s8 =	sld [smem:$0x3F94]  }
0x2e: {  	s3 =	simm.s32 @!p0 $0x1082;
	s9 =	sld [smem:$0x3F95]  }
0x2f: {  	lr =	sadd.s32 s0, s3;
	s0 =	sld [smem:$0x3F8C]  }
0x30: {  	s3 =	sld [smem:$0x3F8F]  }
0x31: {  	[smem:$0x3F98] =	sst s10  }
0x32: {  	s10 =	sld [smem:$0x3F96];
	_ =	sdelay $0x3  }
0x33: {  	p0 =	seq.s32 s10, $0x1;
	s10 =	sld [smem:$0x3F98];
	_ =	sdelay $0x3  }
0x34: {  	[smem:$0x3F98] =	sst s10  }
0x35: {  	s10 =	sld [smem:$0x3F97];
	_ =	sdelay $0x3  }
0x36: {  	p1 =	seq.s32 s10, $0x1;
	s10 =	sld [smem:$0x3F98];
	_ =	sdelay $0x3  }
0x37: {  	[smem:$0x3F98] =	sst s10  }
0x38: {  	s10 =	sld [smem:$0x3F99]  }
0x39: {  	_ = 	snop;
	(pc) =	sbr.ind lr, $3  }
0x3a: {  	_ = 	snop  }
0x3b: {  	_ = 	snop  }
0x3c: {  	p2 =	seq.s32 s10, $0x1;
	s10 =	sld [smem:$0x3F98]  }
0x3d: {  	_ =	shalt  }
0x3e: {  	_ =	shalt  }
0x3f: {  	_ =	shalt  }
0x40: {  	_ =	shalt  }
0x41: {  	_ =	shalt  }
0x42: {  	_ =	shalt  }
0x43: {  	_ =	shalt  }
0x44: {  	_ =	shalt  }
0x45: {  	_ =	shalt  }
0x46: {  	_ =	shalt  }
0x47: {  	_ =	shalt  }
0x48: {  	_ =	shalt  }
0x49: {  	_ =	shalt  }
0x4a: {  	_ =	shalt  }
0x4b: {  	_ =	shalt  }
0x4c: {  	_ =	shalt  }
0x4d: {  	_ =	shalt  }
0x4e: {  	_ =	shalt  }
0x4f: {  	_ =	shalt  }
0x50: {  	_ =	shalt  }
0x51: {  	_ =	shalt  }
0x52: {  	_ =	shalt  }
0x53: {  	_ =	shalt  }
0x54: {  	_ =	shalt  }
0x55: {  	_ =	shalt  }
0x56: {  	_ =	shalt  }
0x57: {  	_ =	shalt  }
0x58: {  	_ =	shalt  }
0x59: {  	_ =	shalt  }
0x5a: {  	_ =	shalt  }
0x5b: {  	_ =	shalt  }
0x5c: {  	_ =	shalt  }
0x5d: {  	_ =	shalt  }
0x5e: {  	_ =	shalt  }
0x5f: {  	_ =	shalt  }
0x60: {  	_ =	shalt  }
0x61: {  	_ =	shalt  }
0x62: {  	_ =	shalt  }
0x63: {  	_ =	shalt  }
0x64: {  	_ =	shalt  }
0x65: {  	_ =	shalt  }
0x66: {  	_ =	shalt  }
0x67: {  	_ =	shalt  }
0x68: {  	_ =	shalt  }
0x69: {  	_ =	shalt  }
0x6a: {  	_ =	shalt  }
0x6b: {  	_ =	shalt  }
0x6c: {  	_ =	shalt  }
0x6d: {  	_ =	shalt  }
0x6e: {  	_ =	shalt  }
0x6f: {  	_ =	shalt  }
0x70: {  	_ =	shalt  }
0x71: {  	_ =	shalt  }
0x72: {  	_ =	shalt  }
0x73: {  	_ =	shalt  }
0x74: {  	_ =	shalt  }
0x75: {  	_ =	shalt  }
0x76: {  	_ =	shalt  }
0x77: {  	_ =	shalt  }
0x78: {  	_ =	shalt  }
0x79: {  	_ =	shalt  }
0x7a: {  	_ =	shalt  }
0x7b: {  	_ =	shalt  }
0x7c: {  	_ =	shalt  }
0x7d: {  	_ =	shalt  }
0x7e: {  	_ =	shalt  }
0x7f: {  	_ =	shalt  }
0x80: {  	_ =	shalt  }
0x81: {  	_ =	shalt  }
0x82: {  	_ =	shalt  }
0x83: {  	_ =	shalt  }
0x84: {  	_ =	shalt  }
0x85: {  	_ =	shalt  }
0x86: {  	_ =	shalt  }
0x87: {  	_ =	shalt  }
.Lfunc_end0:
.L_simem_size_0:
called_computation.4_lowered:
.L_overlay_start_0:
0x88: {  	s2 =	sld [smem:$0x3FD9]  }
0x89: {  	s3 =	sld [smem:$0x3FFE];
	_ =	sdelay $0x1  }
0x8a: {  	s1 =	srdreg.scid  }
0x8b: {  	s0 =	sand.u32 $0x1, s1  }
0x8c: {  	s17 =	sshll.u32 s0, $0xA;
	s2 =	sadd.s32 s3, s2  }
0x8d: {  	s2 =	sadd.s32 s2, s17  }
0x8e: {  	[smem:$0x3FA4] =	sst s2  }
0x8f: {  	_ = 	snop  }
0x90: {  	s2 =	sld [smem:$0x3FD0];
	(tm) =	ssettm $0x1  }
0x91: {  	s18 =	sld [smem:$0x3FFB];
	_ =	sdelay $0x3  }
0x92: {  	_ =	strace s18  }
0x93: {  	s3 =	sld [smem:$0x3FFC];
	_ =	sdelay $0x3  }
0x94: {  	_ =	strace s3  }
0x95: {  	s3 =	sld [smem:$0x3FFD];
	_ =	sdelay $0x3  }
0x96: {  	_ =	strace s3  }
0x97: {  	_ =	strace $0x8FFFFFFF  }
0x98: {  	s19 =	sld [smem:$0x3FDB];
	_ =	sdelay $0x1  }
0x99: {  	s4 =	simm.s32 $_scs_section_size  }
0x9a: {  	s5 =	simm.s32 $_size__tile_overlayer_lowered;
	s6 =	simm.s32 $_tile_overlayer_lowered  }
0x9b: {  	s22 =	simm.s32 $0x1BFF;
	s21 =	sshll.u32 s6, $0x1;
	s3 =	sadd.s32 s4, s19  }
0x9c: {  	s7 =	simm.s32 $0x0;
	s20 =	sshll.u32 s5, $0x1;
	s5 =	sadd.s32 s21, s3  }
0x9d: {  	[timem:s7], [sflag:s22] =	dma.local [hbm:s5], s20  }
0x9e: {  	_ =	swait.ge [sflag:s22], s20  }
0x9f: {  	s4 =	ssub.s32 $0x0, s20;
	[sflag:s22] =	ssyncset.done $0x0  }
0xa0: {  	[sflag:s22] =	ssyncadd.s32 s4;
	_ =	sdelay $0x1  }
0xa1: {  	s23 =	simm.s32 $0x1B8B  }
0xa2: {  	_ =	swait.ge [sflag:s23], $0x1  }
0xa3: {  	[sflag:s23] =	ssyncset.done $0x0  }
0xa4: {  	s25 =	simm.s32 $0x1B8E;
	s24 =	sld [smem:$0x3FFE];
	[sflag:s23] =	ssyncadd.s32 $0xFFFFFFFF  }
0xa5: {  	s26 =	simm.s32 $execute0_lowered;
	[smem:$0x3FD2] =	sst s25  }
0xa6: {  	s5 =	sshll.u32 s26, $0x1;
	_ =	strace $0x80000052;
	[dreg:$0x1] =	wrdreg $0xFFFFFFFF  }
0xa7: {  	s28 =	simm.s32 $_size_execute0_lowered;
	s3 =	sadd.s32 s3, s5;
	[dreg:$0x0] =	wrdreg $0x0  }
0xa8: {  	s5 =	sshll.u32 s28, $0x1;
	[dreg:$0x2] =	wrdreg s3  }
0xa9: {  	[dreg:$0x3] =	wrdreg s5  }
0xaa: {  	[dreg:$0x4] =	wrdreg $0xC0  }
0xab: {  	_ =	task [dreg:s7], $0x5FFFF  }
0xac: {  	[dreg:$0x1] =	wrdreg $0xFFFFFFFF  }
0xad: {  	[dreg:$0x0] =	wrdreg $0x60  }
0xae: {  	[dreg:$0x2] =	wrdreg s24  }
0xaf: {  	[dreg:$0x3] =	wrdreg s2  }
0xb0: {  	[dreg:$0x4] =	wrdreg $0x0  }
0xb1: {  	[dreg:$0x5] =	wrdreg $0x4F000  }
0xb2: {  	[dreg:$0x6] =	wrdreg $0x9  }
0xb3: {  	_ =	task.clear_ibuf [dreg:s7], $0x7FFFF;
	_ =	strace $0x90000052  }
0xb4: {  	s29 =	simm.s32 $0x9;
	_ =	strace $0x80000054  }
0xb5: {  	_ =	swait.ge [sflag:s29], $0x1  }
0xb6: {  	[sflag:s29] =	ssyncadd.s32 $0xFFFFFFFF  }
0xb7: {  	_ =	strace $0x90000054  }
0xb8: {  	_ =	sfence  }
0xb9: {  	s30 =	sld [smem:$0x0];
	_ =	sdelay $0x2  }
0xba: {  	s31 =	sshll.u32 s1, $0xD;
	s1 =	sshrl.u32 s1, $0x2  }
0xbb: {  	s3 =	sand.u32 $0x4000, s31;
	s1 =	sadd.s32 s1, s30  }
0xbc: {  	s0 =	sor.u32 s3, s0;
	s1 =	sshll.u32 s1, $0x11  }
0xbd: {  	s0 =	sor.u32 s1, s0  }
0xbe: {  	s0 =	sadd.s32 $0x8F2B, s0  }
0xbf: {  	[sflag:s0] =	ssyncadd.remote.s32 $0x1  }
0xc0: {  	_ =	sfence.sel $0xFFFF  }
0xc1: {  	[dreg:$0x0] =	wrdreg $0xFFFFFFFF;
	(pc) =	sbr.abs _section_cstart, $3  }
0xc2: {  	[dreg:$0x1] =	wrdreg $0xFFFFFFFF  }
0xc3: {  	_ =	task.clear_ibuf [dreg:s7], $0x2FFFF;
	_ =	strace $0x9FFFFFFF  }
0xc4: {  	(tm) =	ssettm $0x7FFFFFFF  }
0xc5: {  	_ =	shalt  }
tec
execute0_lowered:
.L_overlay_start_1:
0x0: {  	(tag) =	ssettag $0x1  }
0x1: {  	s5 =	rddreg [dreg:$0x0]  }
0x2: {  	s8 =	rddreg [dreg:$0x1]  }
0x3: {  	s2 =	rddreg [dreg:$0x2]  }
0x4: {  	s3 =	rddreg [dreg:$0x3];
	s0 =	stileid.u32  }
0x5: {  	s6 =	srdreg.scid;
	s4 =	simm.s32 $0x0;
	s15 =	simm.s32 $0x4  }
0x6: {  	s16 =	simm.s32 $0x8;
	s19 =	simm.s32 $0x9E00;
	s20 =	simm.s32 $0xEC80  }
0x7: {  	s21 =	simm.s32 $0x2;
	s22 =	simm.s32 $0x80;
	s23 =	simm.s32 $0x13B00  }
0x8: {  	s24 =	simm.s32 $0x14B00;
	s25 =	simm.s32 $0x3;
	s7 =	smul.u32 $0x9E00, s0  }
0x9: {  	s26 =	simm.s32 $0x13A80;
	s28 =	simm.s32 $0x0;
	s10 =	smul.u32 $0x9D0, s0  }
0xa: {  	s6 =	sand.u32 $0x1, s6;
	[smem:$0x7FF] =	sst s4;
	s30 =	smul.u32 $0x4F00, s0  }
0xb: {  	s9 =	sshll.u32 s6, $0x5;
	_ =	strace $0x80000053;
	s6 =	ssub.s32 $0x2, s6  }
0xc: {  	s7 =	sor.u32 s9, s7;
	s10 =	sadd.s32 s10, s5;
	s31 =	sshrl.u32 s6, $0x1  }
0xd: {  	s13 =	sadd.s32 s30, s2;
	s14 =	sshrl.u32 s30, $0x3;
	s18 =	sadd.s32 s30, s3  }
0xe: {  	s7 =	sshrl.u32 s7, $0x3;
	s12 =	ssub.s32 s6, s31;
	s8 =	sadd.s32 s8, s14  }
0xf: {  	s9 =	sadd.s32 $0x17A00, s10;
	s10 =	sadd.s32 $0x8A00, s10;
	s13 =	sshrl.u32 s13, $0x3  }
0x10: {  	s14 =	simm.s32 $0x1;
	s18 =	sshrl.u32 s18, $0x3;
	s11 =	sadd.s32 s7, s5  }
0x11: {  	s5 =	sshll.u32 s0, $0x6;
	s12 =	smax.u32 s12, $0x1;
	s6 =	sadd.s32 $0x10D600, s11  }
0x12: {  	s7 =	sor.u32 $0x1C01, s5;
	s11 =	sadd.s32 $0xE5200, s11;
	s17 =	sor.u32 $0x1C02, s5  }
.LBB2_1:
0x13: {  	[spmem:s13@s15], [sflag:s7] =	dma.strided [hbm:s6@s16], $0x9E0, s14, $0x4   }
0x14: {  	[spmem:s18], [sflag:s17] =	dma.local [hbm:s8], $0x9E0  }
0x15: {  	[tilespmem:s19], [sflag:$0x1] =	stream.linear.gather [hbm4b:s9+s4], $0x4E80, $0x38;
	[tilespmem:$0x15B00] =	vst v63  }
0x16: {  	_ = 	snop  }
0x17: {  	[tilespmem:s20], [sflag:$0x2] =	stream.linear.gather [hbm4b:s10+s4], $0x4E80, $0x38;
	[tilespmem:$0x15B00] =	vst v63  }
0x18: {  	_ =	swait.ge [sflag:s14], $0x9E0  }
0x19: {  	[sflag:s14] =	ssyncset.done $0x0  }
0x1a: {  	[sflag:s14] =	ssyncadd.s32 $0xFFFFF620  }
0x1b: {  	_ =	swait.ge [sflag:s21], $0x9E0  }
0x1c: {  	[sflag:s21] =	ssyncset.done $0x0  }
0x1d: {  	[sflag:s21] =	ssyncadd.s32 $0xFFFFF620  }
0x1e: {  	_ =	swait.ge [sflag:s14], $0x4E80  }
0x1f: {  	[sflag:s14] =	ssyncset.done $0x0  }
0x20: {  	[sflag:s14] =	ssyncadd.s32 $0xFFFFB180  }
0x21: {  	_ =	swait.ge [sflag:s21], $0x4E80  }
0x22: {  	[sflag:s21] =	ssyncset.done $0x0  }
0x23: {  	[sflag:s21] =	ssyncadd.s32 $0xFFFFB180  }
0x24: {  	[bflag:$0x0] =	sbarrier.arrive $0xFFFF  }
0x25: {  	[tilespmem:s23], [sflag:$0x1] =	stream.indirect.gather [spmem:s2], $0x20, s19, s22, $0xb8;
	[tilespmem:$0x15B00] =	vst v63  }
0x26: {  	s29 =	simm.s32 $0x9E80  }
0x27: {  	[tilespmem:s24], [sflag:$0x2] =	stream.indirect.gather [spmem:s2], $0x20, s29, s22, $0xb8;
	[tilespmem:$0x15B00] =	vst v63  }
0x28: {  	_ =	swait.ge [sflag:s14], $0x1000  }
0x29: {  	[sflag:s14] =	ssyncset.done $0x0  }
0x2a: {  	s29 =	simm.s32 $0xEC80;
	[sflag:s14] =	ssyncadd.s32 $0xFFFFF000  }
0x2b: {  	[spmem:s3] =	stream.indirect.scatter.add.f32 [tilespmem:s23], [sflag:$0x3], $0x20, s29, s22, $0xb8;
	[tilespmem:$0x15B00] =	vst v63  }
0x2c: {  	_ =	swait.ge [sflag:s25], $0x1000  }
0x2d: {  	[sflag:s25] =	ssyncset.done $0x0  }
0x2e: {  	s29 =	simm.s32 $0x9F00;
	[sflag:s25] =	ssyncadd.s32 $0xFFFFF000  }
0x2f: {  	[tilespmem:s23], [sflag:$0x1] =	stream.indirect.gather [spmem:s2], $0x20, s29, s22, $0xb8;
	[tilespmem:$0x15B00] =	vst v63  }
0x30: {  	_ =	swait.ge [sflag:s21], $0x1000  }
0x31: {  	[sflag:s21] =	ssyncset.done $0x0  }
0x32: {  	s29 =	simm.s32 $0xED00;
	[sflag:s21] =	ssyncadd.s32 $0xFFFFF000  }
0x33: {  	[spmem:s3] =	stream.indirect.scatter.add.f32 [tilespmem:s24], [sflag:$0x3], $0x20, s29, s22, $0xb8;
	[tilespmem:$0x15B00] =	vst v63  }
0x34: {  	_ =	swait.ge [sflag:s25], $0x1000  }
0x35: {  	s30 =	simm.s32 $0x800;
	s29 =	simm.s32 $0x100;
	[sflag:s25] =	ssyncset.done $0x0  }
.LBB2_2:
0x36: {  	s31 =	sadd.s32 $0x9E80, s29  }
0x37: {  	[sflag:s25] =	ssyncadd.s32 $0xFFFFF000;
	s0 =	smov.u32 s30;
	s1 =	sadd.s32 $0x400, s30  }
0x38: {  	[tilespmem:s24], [sflag:$0x2] =	stream.indirect.gather [spmem:s2], $0x20, s31, s22, $0xb8;
	[tilespmem:$0x15B00] =	vst v63  }
0x39: {  	p0 =	sne.s32 s30, $0x13400;
	_ =	swait.ge [sflag:s14], $0x1000  }
0x3a: {  	[sflag:s14] =	ssyncset.done $0x0  }
0x3b: {  	s30 =	sadd.s32 $0xEC80, s29;
	[sflag:s14] =	ssyncadd.s32 $0xFFFFF000  }
0x3c: {  	[spmem:s3] =	stream.indirect.scatter.add.f32 [tilespmem:s23], [sflag:$0x3], $0x20, s30, s22, $0xb8;
	[tilespmem:$0x15B00] =	vst v63  }
0x3d: {  	_ =	swait.ge [sflag:s25], $0x1000  }
0x3e: {  	[sflag:s25] =	ssyncset.done $0x0  }
0x3f: {  	s30 =	sadd.s32 $0x9F00, s29;
	[sflag:s25] =	ssyncadd.s32 $0xFFFFF000  }
0x40: {  	[tilespmem:s23], [sflag:$0x1] =	stream.indirect.gather [spmem:s2], $0x20, s30, s22, $0xb8;
	[tilespmem:$0x15B00] =	vst v63  }
0x41: {  	_ =	swait.ge [sflag:s21], $0x1000  }
.Ltmp0:
0x42: {  	[sflag:s21] =	ssyncset.done $0x0;
	(pc) =	sbr.rel @p0 .LBB2_2-.Ltmp0, $4  }
0x43: {  	s29 =	sadd.s32 $0xED00, s29;
	[sflag:s21] =	ssyncadd.s32 $0xFFFFF000  }
0x44: {  	[spmem:s3] =	stream.indirect.scatter.add.f32 [tilespmem:s24], [sflag:$0x3], $0x20, s29, s22, $0xb8;
	[tilespmem:$0x15B00] =	vst v63  }
0x45: {  	_ =	swait.ge [sflag:s25], $0x1000  }
0x46: {  	s30 =	smov.u32 s1;
	s29 =	sshra.s32 s0, $0x2;
	[sflag:s25] =	ssyncset.done $0x0  }
0x47: {  	s0 =	sadd.s32 $0x9E80, s29;
	[sflag:s25] =	ssyncadd.s32 $0xFFFFF000  }
0x48: {  	[tilespmem:s24], [sflag:$0x2] =	stream.indirect.gather [spmem:s2], $0x20, s0, s22, $0xb8;
	[tilespmem:$0x15B00] =	vst v63  }
0x49: {  	_ =	swait.ge [sflag:s14], $0x1000  }
0x4a: {  	[sflag:s14] =	ssyncset.done $0x0  }
0x4b: {  	s31 =	sadd.s32 $0xEC80, s29;
	[sflag:s14] =	ssyncadd.s32 $0xFFFFF000  }
0x4c: {  	[spmem:s3] =	stream.indirect.scatter.add.f32 [tilespmem:s23], [sflag:$0x3], $0x20, s31, s22, $0xb8;
	[tilespmem:$0x15B00] =	vst v63  }
0x4d: {  	_ =	swait.ge [sflag:s25], $0x1000  }
0x4e: {  	[sflag:s25] =	ssyncset.done $0x0  }
0x4f: {  	s1 =	sadd.s32 $0x9F00, s29;
	[sflag:s25] =	ssyncadd.s32 $0xFFFFF000  }
0x50: {  	[tilespmem:s23], [sflag:$0x1] =	stream.indirect.gather [spmem:s2], $0x20, s1, s22, $0xb8;
	[tilespmem:$0x15B00] =	vst v63  }
0x51: {  	_ =	swait.ge [sflag:s21], $0x1000  }
0x52: {  	[sflag:s21] =	ssyncset.done $0x0  }
0x53: {  	s30 =	sadd.s32 $0xED00, s29;
	[sflag:s21] =	ssyncadd.s32 $0xFFFFF000  }
0x54: {  	[spmem:s3] =	stream.indirect.scatter.add.f32 [tilespmem:s24], [sflag:$0x3], $0x20, s30, s22, $0xb8;
	[tilespmem:$0x15B00] =	vst v63  }
0x55: {  	_ =	swait.ge [sflag:s25], $0x1000  }
0x56: {  	[sflag:s25] =	ssyncset.done $0x0  }
0x57: {  	[sflag:s25] =	ssyncadd.s32 $0xFFFFF000  }
0x58: {  	_ =	swait.ge [sflag:s14], $0x1000  }
0x59: {  	[sflag:s14] =	ssyncset.done $0x0  }
0x5a: {  	[sflag:s14] =	ssyncadd.s32 $0xFFFFF000  }
0x5b: {  	[spmem:s3] =	stream.indirect.scatter.add.f32 [tilespmem:s23], [sflag:$0x3], $0x20, s26, s22, $0xb8;
	[tilespmem:$0x15B00] =	vst v63  }
0x5c: {  	_ =	swait.ge [sflag:s25], $0x1000  }
0x5d: {  	s28 =	sadd.s32 $0x1, s28;
	[sflag:s25] =	ssyncset.done $0x0  }
0x5e: {  	p0 =	sne.s32 s28, s12;
	[sflag:s25] =	ssyncadd.s32 $0xFFFFF000  }
.Ltmp1:
0x5f: {  	s31 =	sor.u32 $0x1C03, s5;
	[bflag:$0x0] =	sbarrier.arrive $0xFFFF;
	(pc) =	sbr.rel @p0 .LBB2_1-.Ltmp1, $4  }
0x60: {  	[hbm:s11@s16], [sflag:s31] =	dma.strided [spmem:s18@s15], $0x9E0, s14, $0x4   }
0x61: {  	_ =	swait.ge [sflag:s25], $0x9E0  }
0x62: {  	[sflag:s25] =	ssyncset.done $0x0  }
0x63: {  	[sflag:s25] =	ssyncadd.s32 $0xFFFFF620  }
0x64: {  	_ =	sfence.sel $0x180000  }
0x65: {  	[bflag:$0x0] =	sbarrier.arrive $0xFFFF  }
0x66: {  	_ =	strace $0x90000053  }
0x67: {  	s0 =	stileid.u32;
	[bflag:$0x2] =	sbarrier.arrive $0xFFFF  }
0x68: {  	p0 =	sne.s32 s0, $0x0;
	s0 =	rddreg [dreg:$0x4]  }
0x69: {  	s0 =	sadd.s32 @!p0 $0x100000, s0  }
0x6a: {  	[sflag:s0] =	ssyncadd.tile.s32 @!p0 $0x1;
	_ =	shalt  }
.Lfunc_end2:
_tile_overlayer_lowered:
.L_overlay_start_2:
0x6b: {  	(tag) =	ssettag $0x2  }
0x6c: {  	s0 =	rddreg [dreg:$0x0];
	s2 =	stileid.u32  }
0x6d: {  	s1 =	rddreg [dreg:$0x1];
	p0 =	sne.s32 s2, $0x0  }
0x6e: {  	s3 =	rddreg [dreg:$0x2];
	[bflag:$0x3] =	sbarrier.arrive $0xFFFF;
	s2 =	simm.s32 @!p0 $0x1C03  }
0x6f: {  	[timem:s3], [sflag:s2] =	dma.local @!p0 [hbm:s0], s1  }
0x70: {  	s0 =	simm.s32 @!p0 $0x3  }
0x71: {  	_ =	swait.ge @!p0 [sflag:s0], s1  }
0x72: {  	s1 =	ssub.s32 @!p0 $0x0, s1;
	[sflag:s0] =	ssyncset.done @!p0 $0x0  }
0x73: {  	[sflag:s0] =	ssyncadd.s32 @!p0 s1  }
0x74: {  	[bflag:$0x3] =	sbarrier.arrive $0xFFFF  }
0x75: {  	_ =	shalt  }

// kernel: kernel.36.cloned.1.call-start
scs
__scs_entry_jumppad:
0x0: {  	(pc) =	sbr.rel $0x88, $3  }
0x1: {  	(tag) =	ssettag $0x0;
	lr =	simm.s32 $0x1  }
0x2: {  	[smem:$0x3F7D] =	sst lr;
	_ =	strace $0xD0000000  }
0x3: {  	_ = 	snop  }
0x4: {  	_ = 	snop  }
0x5: {  	_ = 	snop  }
0x6: {  	_ = 	snop  }
0x7: {  	_ = 	snop  }
__scs_overlays_trampoline_lowered:
0x8: {  	[smem:$0x3F8C] =	sst s0  }
0x9: {  	[smem:$0x3F8D] =	sst s1  }
0xa: {  	[smem:$0x3F8E] =	sst s2  }
0xb: {  	[smem:$0x3F8F] =	sst s3  }
0xc: {  	[smem:$0x3F90] =	sst s4  }
0xd: {  	[smem:$0x3F91] =	sst s5  }
0xe: {  	[smem:$0x3F92] =	sst s6  }
0xf: {  	[smem:$0x3F93] =	sst s7  }
0x10: {  	[smem:$0x3F94] =	sst s8  }
0x11: {  	[smem:$0x3F95] =	sst s9;
	s0 =	simm.s32 @!p0 $0x0  }
0x12: {  	s1 =	sld [smem:$0x3F7B];
	s0 =	simm.s32 @p0 $0x1  }
0x13: {  	[smem:$0x3F96] =	sst s0;
	s0 =	simm.s32 @!p1 $0x0  }
0x14: {  	s2 =	sld [smem:$0x3F7A];
	s0 =	simm.s32 @p1 $0x1  }
0x15: {  	[smem:$0x3F97] =	sst s0;
	s0 =	simm.s32 @!p2 $0x0  }
0x16: {  	s3 =	sld [smem:$0x3FDB];
	s0 =	simm.s32 @p2 $0x1  }
0x17: {  	s4 =	simm.s32 $0x1BF5;
	[smem:$0x3F99] =	sst s0  }
0x18: {  	s0 =	sld [smem:$0x3F7C];
	_ =	swait.ge [sflag:s4], $0x0  }
0x19: {  	s7 =	sld [smem:$0x3F7D]  }
0x1a: {  	s8 =	sadd.s32 $0xFFFFE003, lr  }
0x1b: {  	s9 =	sadd.s32 $0xFFFFFEF7, lr;
	s5 =	simm.s32 $0xFFFFFFFF;
	p2 =	slt.u32 s8, $0xFFFFF086  }
0x1c: {  	p1 =	slt.u32 s9, $0xF7A;
	s5 =	simm.s32 @!p2 $0x0  }
0x1d: {  	s5 =	simm.s32 @p1 $0x1;
	p0 =	seq.s32 s7, s2  }
0x1e: {  	s7 =	smul.u32 @!p0 $0xF7A, s2;
	p2 =	seq.s32 @!p0 s5, $0x0  }
0x1f: {  	s9 =	smul.u32 $0xF7A, s1;
	s8 =	simm.s32 @!p0 $0x1BF5;
	p2 =	por !p2, p0  }
0x20: {  	[sflag:s8] =	ssyncset.s32 @!p0 $0xFFFFF086;
	s6 =	sadd.s32 @!p0 s3, s7;
	s7 =	simm.s32 @!p0 $0x108  }
0x21: {  	s3 =	sadd.s32 s3, s9;
	s6 =	sadd.s32 @!p0 $0x88, s6;
	s7 =	simm.s32 @p2 $0x1082  }
0x22: {  	[simem:s7], [sflag:s8] =	dma.local @!p0 [hbm:s6], $0xF7A  }
0x23: {  	s9 =	sor.u32 $0xD0000000, s2;
	s6 =	simm.s32 $0x108;
	_ =	swait.ge @!p0 [sflag:s8], $0x0  }
0x24: {  	s3 =	sadd.s32 $0x88, s3;
	s6 =	simm.s32 @!p1 $0x1082;
	[sflag:s4] =	ssyncset.s32 $0xFFFFF086  }
0x25: {  	[simem:s6], [sflag:s4] =	dma.local [hbm:s3], $0xF7A  }
0x26: {  	[smem:$0x3F7D] =	sst s1;
	(tag) =	ssettag s2;
	_ =	strace s9  }
0x27: {  	s1 =	sld [smem:$0x3F8D]  }
0x28: {  	s2 =	sld [smem:$0x3F8E]  }
0x29: {  	s4 =	sld [smem:$0x3F90]  }
0x2a: {  	p0 =	seq.s32 s5, $0x0;
	s5 =	sld [smem:$0x3F91]  }
0x2b: {  	s6 =	sld [smem:$0x3F92]  }
0x2c: {  	s7 =	sld [smem:$0x3F93]  }
0x2d: {  	s3 =	simm.s32 $0x108;
	s8 =	sld [smem:$0x3F94]  }
0x2e: {  	s3 =	simm.s32 @!p0 $0x1082;
	s9 =	sld [smem:$0x3F95]  }
0x2f: {  	lr =	sadd.s32 s0, s3;
	s0 =	sld [smem:$0x3F8C]  }
0x30: {  	s3 =	sld [smem:$0x3F8F]  }
0x31: {  	[smem:$0x3F98] =	sst s10  }
0x32: {  	s10 =	sld [smem:$0x3F96];
	_ =	sdelay $0x3  }
0x33: {  	p0 =	seq.s32 s10, $0x1;
	s10 =	sld [smem:$0x3F98];
	_ =	sdelay $0x3  }
0x34: {  	[smem:$0x3F98] =	sst s10  }
0x35: {  	s10 =	sld [smem:$0x3F97];
	_ =	sdelay $0x3  }
0x36: {  	p1 =	seq.s32 s10, $0x1;
	s10 =	sld [smem:$0x3F98];
	_ =	sdelay $0x3  }
0x37: {  	[smem:$0x3F98] =	sst s10  }
0x38: {  	s10 =	sld [smem:$0x3F99]  }
0x39: {  	_ = 	snop;
	(pc) =	sbr.ind lr, $3  }
0x3a: {  	_ = 	snop  }
0x3b: {  	_ = 	snop  }
0x3c: {  	p2 =	seq.s32 s10, $0x1;
	s10 =	sld [smem:$0x3F98]  }
0x3d: {  	_ =	shalt  }
0x3e: {  	_ =	shalt  }
0x3f: {  	_ =	shalt  }
0x40: {  	_ =	shalt  }
0x41: {  	_ =	shalt  }
0x42: {  	_ =	shalt  }
0x43: {  	_ =	shalt  }
0x44: {  	_ =	shalt  }
0x45: {  	_ =	shalt  }
0x46: {  	_ =	shalt  }
0x47: {  	_ =	shalt  }
0x48: {  	_ =	shalt  }
0x49: {  	_ =	shalt  }
0x4a: {  	_ =	shalt  }
0x4b: {  	_ =	shalt  }
0x4c: {  	_ =	shalt  }
0x4d: {  	_ =	shalt  }
0x4e: {  	_ =	shalt  }
0x4f: {  	_ =	shalt  }
0x50: {  	_ =	shalt  }
0x51: {  	_ =	shalt  }
0x52: {  	_ =	shalt  }
0x53: {  	_ =	shalt  }
0x54: {  	_ =	shalt  }
0x55: {  	_ =	shalt  }
0x56: {  	_ =	shalt  }
0x57: {  	_ =	shalt  }
0x58: {  	_ =	shalt  }
0x59: {  	_ =	shalt  }
0x5a: {  	_ =	shalt  }
0x5b: {  	_ =	shalt  }
0x5c: {  	_ =	shalt  }
0x5d: {  	_ =	shalt  }
0x5e: {  	_ =	shalt  }
0x5f: {  	_ =	shalt  }
0x60: {  	_ =	shalt  }
0x61: {  	_ =	shalt  }
0x62: {  	_ =	shalt  }
0x63: {  	_ =	shalt  }
0x64: {  	_ =	shalt  }
0x65: {  	_ =	shalt  }
0x66: {  	_ =	shalt  }
0x67: {  	_ =	shalt  }
0x68: {  	_ =	shalt  }
0x69: {  	_ =	shalt  }
0x6a: {  	_ =	shalt  }
0x6b: {  	_ =	shalt  }
0x6c: {  	_ =	shalt  }
0x6d: {  	_ =	shalt  }
0x6e: {  	_ =	shalt  }
0x6f: {  	_ =	shalt  }
0x70: {  	_ =	shalt  }
0x71: {  	_ =	shalt  }
0x72: {  	_ =	shalt  }
0x73: {  	_ =	shalt  }
0x74: {  	_ =	shalt  }
0x75: {  	_ =	shalt  }
0x76: {  	_ =	shalt  }
0x77: {  	_ =	shalt  }
0x78: {  	_ =	shalt  }
0x79: {  	_ =	shalt  }
0x7a: {  	_ =	shalt  }
0x7b: {  	_ =	shalt  }
0x7c: {  	_ =	shalt  }
0x7d: {  	_ =	shalt  }
0x7e: {  	_ =	shalt  }
0x7f: {  	_ =	shalt  }
0x80: {  	_ =	shalt  }
0x81: {  	_ =	shalt  }
0x82: {  	_ =	shalt  }
0x83: {  	_ =	shalt  }
0x84: {  	_ =	shalt  }
0x85: {  	_ =	shalt  }
0x86: {  	_ =	shalt  }
0x87: {  	_ =	shalt  }
.Lfunc_end0:
.L_simem_size_0:
called_computation.5_lowered:
.L_overlay_start_0:
0x88: {  	s2 =	sld [smem:$0x3FD9]  }
0x89: {  	s3 =	sld [smem:$0x3FFE];
	_ =	sdelay $0x1  }
0x8a: {  	s1 =	srdreg.scid  }
0x8b: {  	s0 =	sand.u32 $0x1, s1  }
0x8c: {  	s17 =	sshll.u32 s0, $0xA;
	s2 =	sadd.s32 s3, s2  }
0x8d: {  	s2 =	sadd.s32 s2, s17  }
0x8e: {  	[smem:$0x3FA4] =	sst s2  }
0x8f: {  	_ = 	snop  }
0x90: {  	s2 =	sld [smem:$0x3FD0];
	(tm) =	ssettm $0x1  }
0x91: {  	s18 =	sld [smem:$0x3FFB];
	_ =	sdelay $0x3  }
0x92: {  	_ =	strace s18  }
0x93: {  	s3 =	sld [smem:$0x3FFC];
	_ =	sdelay $0x3  }
0x94: {  	_ =	strace s3  }
0x95: {  	s3 =	sld [smem:$0x3FFD];
	_ =	sdelay $0x3  }
0x96: {  	_ =	strace s3  }
0x97: {  	_ =	strace $0x8FFFFFFF  }
0x98: {  	s19 =	sld [smem:$0x3FDB];
	_ =	sdelay $0x1  }
0x99: {  	s4 =	simm.s32 $_scs_section_size  }
0x9a: {  	s5 =	simm.s32 $_size__tile_overlayer_lowered;
	s6 =	simm.s32 $_tile_overlayer_lowered  }
0x9b: {  	s22 =	simm.s32 $0x1BFF;
	s21 =	sshll.u32 s6, $0x1;
	s3 =	sadd.s32 s4, s19  }
0x9c: {  	s7 =	simm.s32 $0x0;
	s20 =	sshll.u32 s5, $0x1;
	s5 =	sadd.s32 s21, s3  }
0x9d: {  	[timem:s7], [sflag:s22] =	dma.local [hbm:s5], s20  }
0x9e: {  	_ =	swait.ge [sflag:s22], s20  }
0x9f: {  	s4 =	ssub.s32 $0x0, s20;
	[sflag:s22] =	ssyncset.done $0x0  }
0xa0: {  	[sflag:s22] =	ssyncadd.s32 s4;
	_ =	sdelay $0x1  }
0xa1: {  	s23 =	simm.s32 $0x1B8B  }
0xa2: {  	_ =	swait.ge [sflag:s23], $0x1  }
0xa3: {  	[sflag:s23] =	ssyncset.done $0x0  }
0xa4: {  	s25 =	simm.s32 $0x1B8E;
	s24 =	sld [smem:$0x3FFE];
	[sflag:s23] =	ssyncadd.s32 $0xFFFFFFFF  }
0xa5: {  	s26 =	simm.s32 $execute0_lowered;
	[smem:$0x3FD2] =	sst s25  }
0xa6: {  	s5 =	sshll.u32 s26, $0x1;
	_ =	strace $0x80000055;
	[dreg:$0x1] =	wrdreg $0xFFFFFFFF  }
0xa7: {  	s28 =	simm.s32 $_size_execute0_lowered;
	s3 =	sadd.s32 s3, s5;
	[dreg:$0x0] =	wrdreg $0x0  }
0xa8: {  	s5 =	sshll.u32 s28, $0x1;
	[dreg:$0x2] =	wrdreg s3  }
0xa9: {  	[dreg:$0x3] =	wrdreg s5  }
0xaa: {  	[dreg:$0x4] =	wrdreg $0xC0  }
0xab: {  	_ =	task [dreg:s7], $0x5FFFF  }
0xac: {  	[dreg:$0x1] =	wrdreg $0xFFFFFFFF  }
0xad: {  	[dreg:$0x0] =	wrdreg $0x60  }
0xae: {  	[dreg:$0x2] =	wrdreg s24  }
0xaf: {  	[dreg:$0x3] =	wrdreg s2  }
0xb0: {  	[dreg:$0x4] =	wrdreg $0x0  }
0xb1: {  	[dreg:$0x5] =	wrdreg $0x4F000  }
0xb2: {  	[dreg:$0x6] =	wrdreg $0x9  }
0xb3: {  	_ =	task.clear_ibuf [dreg:s7], $0x7FFFF;
	_ =	strace $0x90000055  }
0xb4: {  	s29 =	simm.s32 $0x9;
	_ =	strace $0x80000057  }
0xb5: {  	_ =	swait.ge [sflag:s29], $0x1  }
0xb6: {  	[sflag:s29] =	ssyncadd.s32 $0xFFFFFFFF  }
0xb7: {  	_ =	strace $0x90000057  }
0xb8: {  	_ =	sfence  }
0xb9: {  	s30 =	sld [smem:$0x0];
	_ =	sdelay $0x2  }
0xba: {  	s31 =	sshll.u32 s1, $0xD;
	s1 =	sshrl.u32 s1, $0x2  }
0xbb: {  	s3 =	sand.u32 $0x4000, s31;
	s1 =	sadd.s32 s1, s30  }
0xbc: {  	s0 =	sor.u32 s3, s0;
	s1 =	sshll.u32 s1, $0x11  }
0xbd: {  	s0 =	sor.u32 s1, s0  }
0xbe: {  	s0 =	sadd.s32 $0x8F2B, s0  }
0xbf: {  	[sflag:s0] =	ssyncadd.remote.s32 $0x1  }
0xc0: {  	_ =	sfence.sel $0xFFFF  }
0xc1: {  	[dreg:$0x0] =	wrdreg $0xFFFFFFFF;
	(pc) =	sbr.abs _section_cstart, $3  }
0xc2: {  	[dreg:$0x1] =	wrdreg $0xFFFFFFFF  }
0xc3: {  	_ =	task.clear_ibuf [dreg:s7], $0x2FFFF;
	_ =	strace $0x9FFFFFFF  }
0xc4: {  	(tm) =	ssettm $0x7FFFFFFF  }
0xc5: {  	_ =	shalt  }
tec
execute0_lowered:
.L_overlay_start_1:
0x0: {  	(tag) =	ssettag $0x1  }
0x1: {  	s5 =	rddreg [dreg:$0x0]  }
0x2: {  	s8 =	rddreg [dreg:$0x1]  }
0x3: {  	s2 =	rddreg [dreg:$0x2]  }
0x4: {  	s3 =	rddreg [dreg:$0x3];
	s0 =	stileid.u32  }
0x5: {  	s6 =	srdreg.scid;
	s4 =	simm.s32 $0x0;
	s15 =	simm.s32 $0x4  }
0x6: {  	s16 =	simm.s32 $0x8;
	s19 =	simm.s32 $0x9E00;
	s20 =	simm.s32 $0xEC80  }
0x7: {  	s21 =	simm.s32 $0x2;
	s22 =	simm.s32 $0x80;
	s23 =	simm.s32 $0x13B00  }
0x8: {  	s24 =	simm.s32 $0x14B00;
	s25 =	simm.s32 $0x3;
	s7 =	smul.u32 $0x9E00, s0  }
0x9: {  	s26 =	simm.s32 $0x13A80;
	s28 =	simm.s32 $0x0;
	s10 =	smul.u32 $0x9D0, s0  }
0xa: {  	s6 =	sand.u32 $0x1, s6;
	[smem:$0x7FF] =	sst s4;
	s30 =	smul.u32 $0x4F00, s0  }
0xb: {  	s9 =	sshll.u32 s6, $0x5;
	_ =	strace $0x80000056;
	s6 =	ssub.s32 $0x2, s6  }
0xc: {  	s7 =	sor.u32 s9, s7;
	s10 =	sadd.s32 s10, s5;
	s31 =	sshrl.u32 s6, $0x1  }
0xd: {  	s13 =	sadd.s32 s30, s2;
	s14 =	sshrl.u32 s30, $0x3;
	s18 =	sadd.s32 s30, s3  }
0xe: {  	s7 =	sshrl.u32 s7, $0x3;
	s12 =	ssub.s32 s6, s31;
	s8 =	sadd.s32 s8, s14  }
0xf: {  	s9 =	sadd.s32 $0x17A00, s10;
	s10 =	sadd.s32 $0x8A00, s10;
	s13 =	sshrl.u32 s13, $0x3  }
0x10: {  	s14 =	simm.s32 $0x1;
	s18 =	sshrl.u32 s18, $0x3;
	s11 =	sadd.s32 s7, s5  }
0x11: {  	s5 =	sshll.u32 s0, $0x6;
	s12 =	smax.u32 s12, $0x1;
	s6 =	sadd.s32 $0xE5200, s11  }
0x12: {  	s7 =	sor.u32 $0x1C01, s5;
	s11 =	sadd.s32 $0xF8E00, s11;
	s17 =	sor.u32 $0x1C02, s5  }
.LBB2_1:
0x13: {  	[spmem:s13@s15], [sflag:s7] =	dma.strided [hbm:s6@s16], $0x9E0, s14, $0x4   }
0x14: {  	[spmem:s18], [sflag:s17] =	dma.local [hbm:s8], $0x9E0  }
0x15: {  	[tilespmem:s19], [sflag:$0x1] =	stream.linear.gather [hbm4b:s9+s4], $0x4E80, $0x38;
	[tilespmem:$0x15B00] =	vst v63  }
0x16: {  	_ = 	snop  }
0x17: {  	[tilespmem:s20], [sflag:$0x2] =	stream.linear.gather [hbm4b:s10+s4], $0x4E80, $0x38;
	[tilespmem:$0x15B00] =	vst v63  }
0x18: {  	_ =	swait.ge [sflag:s14], $0x9E0  }
0x19: {  	[sflag:s14] =	ssyncset.done $0x0  }
0x1a: {  	[sflag:s14] =	ssyncadd.s32 $0xFFFFF620  }
0x1b: {  	_ =	swait.ge [sflag:s21], $0x9E0  }
0x1c: {  	[sflag:s21] =	ssyncset.done $0x0  }
0x1d: {  	[sflag:s21] =	ssyncadd.s32 $0xFFFFF620  }
0x1e: {  	_ =	swait.ge [sflag:s14], $0x4E80  }
0x1f: {  	[sflag:s14] =	ssyncset.done $0x0  }
0x20: {  	[sflag:s14] =	ssyncadd.s32 $0xFFFFB180  }
0x21: {  	_ =	swait.ge [sflag:s21], $0x4E80  }
0x22: {  	[sflag:s21] =	ssyncset.done $0x0  }
0x23: {  	[sflag:s21] =	ssyncadd.s32 $0xFFFFB180  }
0x24: {  	[bflag:$0x0] =	sbarrier.arrive $0xFFFF  }
0x25: {  	[tilespmem:s23], [sflag:$0x1] =	stream.indirect.gather [spmem:s2], $0x20, s19, s22, $0xb8;
	[tilespmem:$0x15B00] =	vst v63  }
0x26: {  	s29 =	simm.s32 $0x9E80  }
0x27: {  	[tilespmem:s24], [sflag:$0x2] =	stream.indirect.gather [spmem:s2], $0x20, s29, s22, $0xb8;
	[tilespmem:$0x15B00] =	vst v63  }
0x28: {  	_ =	swait.ge [sflag:s14], $0x1000  }
0x29: {  	[sflag:s14] =	ssyncset.done $0x0  }
0x2a: {  	s29 =	simm.s32 $0xEC80;
	[sflag:s14] =	ssyncadd.s32 $0xFFFFF000  }
0x2b: {  	[spmem:s3] =	stream.indirect.scatter.add.f32 [tilespmem:s23], [sflag:$0x3], $0x20, s29, s22, $0xb8;
	[tilespmem:$0x15B00] =	vst v63  }
0x2c: {  	_ =	swait.ge [sflag:s25], $0x1000  }
0x2d: {  	[sflag:s25] =	ssyncset.done $0x0  }
0x2e: {  	s29 =	simm.s32 $0x9F00;
	[sflag:s25] =	ssyncadd.s32 $0xFFFFF000  }
0x2f: {  	[tilespmem:s23], [sflag:$0x1] =	stream.indirect.gather [spmem:s2], $0x20, s29, s22, $0xb8;
	[tilespmem:$0x15B00] =	vst v63  }
0x30: {  	_ =	swait.ge [sflag:s21], $0x1000  }
0x31: {  	[sflag:s21] =	ssyncset.done $0x0  }
0x32: {  	s29 =	simm.s32 $0xED00;
	[sflag:s21] =	ssyncadd.s32 $0xFFFFF000  }
0x33: {  	[spmem:s3] =	stream.indirect.scatter.add.f32 [tilespmem:s24], [sflag:$0x3], $0x20, s29, s22, $0xb8;
	[tilespmem:$0x15B00] =	vst v63  }
0x34: {  	_ =	swait.ge [sflag:s25], $0x1000  }
0x35: {  	s30 =	simm.s32 $0x800;
	s29 =	simm.s32 $0x100;
	[sflag:s25] =	ssyncset.done $0x0  }
.LBB2_2:
0x36: {  	s31 =	sadd.s32 $0x9E80, s29  }
0x37: {  	[sflag:s25] =	ssyncadd.s32 $0xFFFFF000;
	s0 =	smov.u32 s30;
	s1 =	sadd.s32 $0x400, s30  }
0x38: {  	[tilespmem:s24], [sflag:$0x2] =	stream.indirect.gather [spmem:s2], $0x20, s31, s22, $0xb8;
	[tilespmem:$0x15B00] =	vst v63  }
0x39: {  	p0 =	sne.s32 s30, $0x13400;
	_ =	swait.ge [sflag:s14], $0x1000  }
0x3a: {  	[sflag:s14] =	ssyncset.done $0x0  }
0x3b: {  	s30 =	sadd.s32 $0xEC80, s29;
	[sflag:s14] =	ssyncadd.s32 $0xFFFFF000  }
0x3c: {  	[spmem:s3] =	stream.indirect.scatter.add.f32 [tilespmem:s23], [sflag:$0x3], $0x20, s30, s22, $0xb8;
	[tilespmem:$0x15B00] =	vst v63  }
0x3d: {  	_ =	swait.ge [sflag:s25], $0x1000  }
0x3e: {  	[sflag:s25] =	ssyncset.done $0x0  }
0x3f: {  	s30 =	sadd.s32 $0x9F00, s29;
	[sflag:s25] =	ssyncadd.s32 $0xFFFFF000  }
0x40: {  	[tilespmem:s23], [sflag:$0x1] =	stream.indirect.gather [spmem:s2], $0x20, s30, s22, $0xb8;
	[tilespmem:$0x15B00] =	vst v63  }
0x41: {  	_ =	swait.ge [sflag:s21], $0x1000  }
.Ltmp0:
0x42: {  	[sflag:s21] =	ssyncset.done $0x0;
	(pc) =	sbr.rel @p0 .LBB2_2-.Ltmp0, $4  }
0x43: {  	s29 =	sadd.s32 $0xED00, s29;
	[sflag:s21] =	ssyncadd.s32 $0xFFFFF000  }
0x44: {  	[spmem:s3] =	stream.indirect.scatter.add.f32 [tilespmem:s24], [sflag:$0x3], $0x20, s29, s22, $0xb8;
	[tilespmem:$0x15B00] =	vst v63  }
0x45: {  	_ =	swait.ge [sflag:s25], $0x1000  }
0x46: {  	s30 =	smov.u32 s1;
	s29 =	sshra.s32 s0, $0x2;
	[sflag:s25] =	ssyncset.done $0x0  }
0x47: {  	s0 =	sadd.s32 $0x9E80, s29;
	[sflag:s25] =	ssyncadd.s32 $0xFFFFF000  }
0x48: {  	[tilespmem:s24], [sflag:$0x2] =	stream.indirect.gather [spmem:s2], $0x20, s0, s22, $0xb8;
	[tilespmem:$0x15B00] =	vst v63  }
0x49: {  	_ =	swait.ge [sflag:s14], $0x1000  }
0x4a: {  	[sflag:s14] =	ssyncset.done $0x0  }
0x4b: {  	s31 =	sadd.s32 $0xEC80, s29;
	[sflag:s14] =	ssyncadd.s32 $0xFFFFF000  }
0x4c: {  	[spmem:s3] =	stream.indirect.scatter.add.f32 [tilespmem:s23], [sflag:$0x3], $0x20, s31, s22, $0xb8;
	[tilespmem:$0x15B00] =	vst v63  }
0x4d: {  	_ =	swait.ge [sflag:s25], $0x1000  }
0x4e: {  	[sflag:s25] =	ssyncset.done $0x0  }
0x4f: {  	s1 =	sadd.s32 $0x9F00, s29;
	[sflag:s25] =	ssyncadd.s32 $0xFFFFF000  }
0x50: {  	[tilespmem:s23], [sflag:$0x1] =	stream.indirect.gather [spmem:s2], $0x20, s1, s22, $0xb8;
	[tilespmem:$0x15B00] =	vst v63  }
0x51: {  	_ =	swait.ge [sflag:s21], $0x1000  }
0x52: {  	[sflag:s21] =	ssyncset.done $0x0  }
0x53: {  	s30 =	sadd.s32 $0xED00, s29;
	[sflag:s21] =	ssyncadd.s32 $0xFFFFF000  }
0x54: {  	[spmem:s3] =	stream.indirect.scatter.add.f32 [tilespmem:s24], [sflag:$0x3], $0x20, s30, s22, $0xb8;
	[tilespmem:$0x15B00] =	vst v63  }
0x55: {  	_ =	swait.ge [sflag:s25], $0x1000  }
0x56: {  	[sflag:s25] =	ssyncset.done $0x0  }
0x57: {  	[sflag:s25] =	ssyncadd.s32 $0xFFFFF000  }
0x58: {  	_ =	swait.ge [sflag:s14], $0x1000  }
0x59: {  	[sflag:s14] =	ssyncset.done $0x0  }
0x5a: {  	[sflag:s14] =	ssyncadd.s32 $0xFFFFF000  }
0x5b: {  	[spmem:s3] =	stream.indirect.scatter.add.f32 [tilespmem:s23], [sflag:$0x3], $0x20, s26, s22, $0xb8;
	[tilespmem:$0x15B00] =	vst v63  }
0x5c: {  	_ =	swait.ge [sflag:s25], $0x1000  }
0x5d: {  	s28 =	sadd.s32 $0x1, s28;
	[sflag:s25] =	ssyncset.done $0x0  }
0x5e: {  	p0 =	sne.s32 s28, s12;
	[sflag:s25] =	ssyncadd.s32 $0xFFFFF000  }
.Ltmp1:
0x5f: {  	s31 =	sor.u32 $0x1C03, s5;
	[bflag:$0x0] =	sbarrier.arrive $0xFFFF;
	(pc) =	sbr.rel @p0 .LBB2_1-.Ltmp1, $4  }
0x60: {  	[hbm:s11@s16], [sflag:s31] =	dma.strided [spmem:s18@s15], $0x9E0, s14, $0x4   }
0x61: {  	_ =	swait.ge [sflag:s25], $0x9E0  }
0x62: {  	[sflag:s25] =	ssyncset.done $0x0  }
0x63: {  	[sflag:s25] =	ssyncadd.s32 $0xFFFFF620  }
0x64: {  	_ =	sfence.sel $0x180000  }
0x65: {  	[bflag:$0x0] =	sbarrier.arrive $0xFFFF  }
0x66: {  	_ =	strace $0x90000056  }
0x67: {  	s0 =	stileid.u32;
	[bflag:$0x2] =	sbarrier.arrive $0xFFFF  }
0x68: {  	p0 =	sne.s32 s0, $0x0;
	s0 =	rddreg [dreg:$0x4]  }
0x69: {  	s0 =	sadd.s32 @!p0 $0x100000, s0  }
0x6a: {  	[sflag:s0] =	ssyncadd.tile.s32 @!p0 $0x1;
	_ =	shalt  }
.Lfunc_end2:
_tile_overlayer_lowered:
.L_overlay_start_2:
0x6b: {  	(tag) =	ssettag $0x2  }
0x6c: {  	s0 =	rddreg [dreg:$0x0];
	s2 =	stileid.u32  }
0x6d: {  	s1 =	rddreg [dreg:$0x1];
	p0 =	sne.s32 s2, $0x0  }
0x6e: {  	s3 =	rddreg [dreg:$0x2];
	[bflag:$0x3] =	sbarrier.arrive $0xFFFF;
	s2 =	simm.s32 @!p0 $0x1C03  }
0x6f: {  	[timem:s3], [sflag:s2] =	dma.local @!p0 [hbm:s0], s1  }
0x70: {  	s0 =	simm.s32 @!p0 $0x3  }
0x71: {  	_ =	swait.ge @!p0 [sflag:s0], s1  }
0x72: {  	s1 =	ssub.s32 @!p0 $0x0, s1;
	[sflag:s0] =	ssyncset.done @!p0 $0x0  }
0x73: {  	[sflag:s0] =	ssyncadd.s32 @!p0 s1  }
0x74: {  	[bflag:$0x3] =	sbarrier.arrive $0xFFFF  }
0x75: {  	_ =	shalt  }

// kernel: kernel.39.cloned.1.call-start
scs
__scs_entry_jumppad:
0x0: {  	(pc) =	sbr.rel $0x88, $3  }
0x1: {  	(tag) =	ssettag $0x0;
	lr =	simm.s32 $0x1  }
0x2: {  	[smem:$0x3F7D] =	sst lr;
	_ =	strace $0xD0000000  }
0x3: {  	_ = 	snop  }
0x4: {  	_ = 	snop  }
0x5: {  	_ = 	snop  }
0x6: {  	_ = 	snop  }
0x7: {  	_ = 	snop  }
__scs_overlays_trampoline_lowered:
0x8: {  	[smem:$0x3F8C] =	sst s0  }
0x9: {  	[smem:$0x3F8D] =	sst s1  }
0xa: {  	[smem:$0x3F8E] =	sst s2  }
0xb: {  	[smem:$0x3F8F] =	sst s3  }
0xc: {  	[smem:$0x3F90] =	sst s4  }
0xd: {  	[smem:$0x3F91] =	sst s5  }
0xe: {  	[smem:$0x3F92] =	sst s6  }
0xf: {  	[smem:$0x3F93] =	sst s7  }
0x10: {  	[smem:$0x3F94] =	sst s8  }
0x11: {  	[smem:$0x3F95] =	sst s9;
	s0 =	simm.s32 @!p0 $0x0  }
0x12: {  	s1 =	sld [smem:$0x3F7B];
	s0 =	simm.s32 @p0 $0x1  }
0x13: {  	[smem:$0x3F96] =	sst s0;
	s0 =	simm.s32 @!p1 $0x0  }
0x14: {  	s2 =	sld [smem:$0x3F7A];
	s0 =	simm.s32 @p1 $0x1  }
0x15: {  	[smem:$0x3F97] =	sst s0;
	s0 =	simm.s32 @!p2 $0x0  }
0x16: {  	s3 =	sld [smem:$0x3FDB];
	s0 =	simm.s32 @p2 $0x1  }
0x17: {  	s4 =	simm.s32 $0x1BF5;
	[smem:$0x3F99] =	sst s0  }
0x18: {  	s0 =	sld [smem:$0x3F7C];
	_ =	swait.ge [sflag:s4], $0x0  }
0x19: {  	s7 =	sld [smem:$0x3F7D]  }
0x1a: {  	s8 =	sadd.s32 $0xFFFFE003, lr  }
0x1b: {  	s9 =	sadd.s32 $0xFFFFFEF7, lr;
	s5 =	simm.s32 $0xFFFFFFFF;
	p2 =	slt.u32 s8, $0xFFFFF086  }
0x1c: {  	p1 =	slt.u32 s9, $0xF7A;
	s5 =	simm.s32 @!p2 $0x0  }
0x1d: {  	s5 =	simm.s32 @p1 $0x1;
	p0 =	seq.s32 s7, s2  }
0x1e: {  	s7 =	smul.u32 @!p0 $0xF7A, s2;
	p2 =	seq.s32 @!p0 s5, $0x0  }
0x1f: {  	s9 =	smul.u32 $0xF7A, s1;
	s8 =	simm.s32 @!p0 $0x1BF5;
	p2 =	por !p2, p0  }
0x20: {  	[sflag:s8] =	ssyncset.s32 @!p0 $0xFFFFF086;
	s6 =	sadd.s32 @!p0 s3, s7;
	s7 =	simm.s32 @!p0 $0x108  }
0x21: {  	s3 =	sadd.s32 s3, s9;
	s6 =	sadd.s32 @!p0 $0x88, s6;
	s7 =	simm.s32 @p2 $0x1082  }
0x22: {  	[simem:s7], [sflag:s8] =	dma.local @!p0 [hbm:s6], $0xF7A  }
0x23: {  	s9 =	sor.u32 $0xD0000000, s2;
	s6 =	simm.s32 $0x108;
	_ =	swait.ge @!p0 [sflag:s8], $0x0  }
0x24: {  	s3 =	sadd.s32 $0x88, s3;
	s6 =	simm.s32 @!p1 $0x1082;
	[sflag:s4] =	ssyncset.s32 $0xFFFFF086  }
0x25: {  	[simem:s6], [sflag:s4] =	dma.local [hbm:s3], $0xF7A  }
0x26: {  	[smem:$0x3F7D] =	sst s1;
	(tag) =	ssettag s2;
	_ =	strace s9  }
0x27: {  	s1 =	sld [smem:$0x3F8D]  }
0x28: {  	s2 =	sld [smem:$0x3F8E]  }
0x29: {  	s4 =	sld [smem:$0x3F90]  }
0x2a: {  	p0 =	seq.s32 s5, $0x0;
	s5 =	sld [smem:$0x3F91]  }
0x2b: {  	s6 =	sld [smem:$0x3F92]  }
0x2c: {  	s7 =	sld [smem:$0x3F93]  }
0x2d: {  	s3 =	simm.s32 $0x108;
	s8 =	sld [smem:$0x3F94]  }
0x2e: {  	s3 =	simm.s32 @!p0 $0x1082;
	s9 =	sld [smem:$0x3F95]  }
0x2f: {  	lr =	sadd.s32 s0, s3;
	s0 =	sld [smem:$0x3F8C]  }
0x30: {  	s3 =	sld [smem:$0x3F8F]  }
0x31: {  	[smem:$0x3F98] =	sst s10  }
0x32: {  	s10 =	sld [smem:$0x3F96];
	_ =	sdelay $0x3  }
0x33: {  	p0 =	seq.s32 s10, $0x1;
	s10 =	sld [smem:$0x3F98];
	_ =	sdelay $0x3  }
0x34: {  	[smem:$0x3F98] =	sst s10  }
0x35: {  	s10 =	sld [smem:$0x3F97];
	_ =	sdelay $0x3  }
0x36: {  	p1 =	seq.s32 s10, $0x1;
	s10 =	sld [smem:$0x3F98];
	_ =	sdelay $0x3  }
0x37: {  	[smem:$0x3F98] =	sst s10  }
0x38: {  	s10 =	sld [smem:$0x3F99]  }
0x39: {  	_ = 	snop;
	(pc) =	sbr.ind lr, $3  }
0x3a: {  	_ = 	snop  }
0x3b: {  	_ = 	snop  }
0x3c: {  	p2 =	seq.s32 s10, $0x1;
	s10 =	sld [smem:$0x3F98]  }
0x3d: {  	_ =	shalt  }
0x3e: {  	_ =	shalt  }
0x3f: {  	_ =	shalt  }
0x40: {  	_ =	shalt  }
0x41: {  	_ =	shalt  }
0x42: {  	_ =	shalt  }
0x43: {  	_ =	shalt  }
0x44: {  	_ =	shalt  }
0x45: {  	_ =	shalt  }
0x46: {  	_ =	shalt  }
0x47: {  	_ =	shalt  }
0x48: {  	_ =	shalt  }
0x49: {  	_ =	shalt  }
0x4a: {  	_ =	shalt  }
0x4b: {  	_ =	shalt  }
0x4c: {  	_ =	shalt  }
0x4d: {  	_ =	shalt  }
0x4e: {  	_ =	shalt  }
0x4f: {  	_ =	shalt  }
0x50: {  	_ =	shalt  }
0x51: {  	_ =	shalt  }
0x52: {  	_ =	shalt  }
0x53: {  	_ =	shalt  }
0x54: {  	_ =	shalt  }
0x55: {  	_ =	shalt  }
0x56: {  	_ =	shalt  }
0x57: {  	_ =	shalt  }
0x58: {  	_ =	shalt  }
0x59: {  	_ =	shalt  }
0x5a: {  	_ =	shalt  }
0x5b: {  	_ =	shalt  }
0x5c: {  	_ =	shalt  }
0x5d: {  	_ =	shalt  }
0x5e: {  	_ =	shalt  }
0x5f: {  	_ =	shalt  }
0x60: {  	_ =	shalt  }
0x61: {  	_ =	shalt  }
0x62: {  	_ =	shalt  }
0x63: {  	_ =	shalt  }
0x64: {  	_ =	shalt  }
0x65: {  	_ =	shalt  }
0x66: {  	_ =	shalt  }
0x67: {  	_ =	shalt  }
0x68: {  	_ =	shalt  }
0x69: {  	_ =	shalt  }
0x6a: {  	_ =	shalt  }
0x6b: {  	_ =	shalt  }
0x6c: {  	_ =	shalt  }
0x6d: {  	_ =	shalt  }
0x6e: {  	_ =	shalt  }
0x6f: {  	_ =	shalt  }
0x70: {  	_ =	shalt  }
0x71: {  	_ =	shalt  }
0x72: {  	_ =	shalt  }
0x73: {  	_ =	shalt  }
0x74: {  	_ =	shalt  }
0x75: {  	_ =	shalt  }
0x76: {  	_ =	shalt  }
0x77: {  	_ =	shalt  }
0x78: {  	_ =	shalt  }
0x79: {  	_ =	shalt  }
0x7a: {  	_ =	shalt  }
0x7b: {  	_ =	shalt  }
0x7c: {  	_ =	shalt  }
0x7d: {  	_ =	shalt  }
0x7e: {  	_ =	shalt  }
0x7f: {  	_ =	shalt  }
0x80: {  	_ =	shalt  }
0x81: {  	_ =	shalt  }
0x82: {  	_ =	shalt  }
0x83: {  	_ =	shalt  }
0x84: {  	_ =	shalt  }
0x85: {  	_ =	shalt  }
0x86: {  	_ =	shalt  }
0x87: {  	_ =	shalt  }
.Lfunc_end0:
.L_simem_size_0:
called_computation.6_lowered:
.L_overlay_start_0:
0x88: {  	s2 =	sld [smem:$0x3FD9]  }
0x89: {  	s3 =	sld [smem:$0x3FFE];
	_ =	sdelay $0x1  }
0x8a: {  	s1 =	srdreg.scid  }
0x8b: {  	s0 =	sand.u32 $0x1, s1  }
0x8c: {  	s17 =	sshll.u32 s0, $0xA;
	s2 =	sadd.s32 s3, s2  }
0x8d: {  	s2 =	sadd.s32 s2, s17  }
0x8e: {  	[smem:$0x3FA4] =	sst s2  }
0x8f: {  	_ = 	snop  }
0x90: {  	s2 =	sld [smem:$0x3FD0];
	(tm) =	ssettm $0x1  }
0x91: {  	s18 =	sld [smem:$0x3FFB];
	_ =	sdelay $0x3  }
0x92: {  	_ =	strace s18  }
0x93: {  	s3 =	sld [smem:$0x3FFC];
	_ =	sdelay $0x3  }
0x94: {  	_ =	strace s3  }
0x95: {  	s3 =	sld [smem:$0x3FFD];
	_ =	sdelay $0x3  }
0x96: {  	_ =	strace s3  }
0x97: {  	_ =	strace $0x8FFFFFFF  }
0x98: {  	s19 =	sld [smem:$0x3FDB];
	_ =	sdelay $0x1  }
0x99: {  	s4 =	simm.s32 $_scs_section_size  }
0x9a: {  	s5 =	simm.s32 $_size__tile_overlayer_lowered;
	s6 =	simm.s32 $_tile_overlayer_lowered  }
0x9b: {  	s22 =	simm.s32 $0x1BFF;
	s21 =	sshll.u32 s6, $0x1;
	s3 =	sadd.s32 s4, s19  }
0x9c: {  	s7 =	simm.s32 $0x0;
	s20 =	sshll.u32 s5, $0x1;
	s5 =	sadd.s32 s21, s3  }
0x9d: {  	[timem:s7], [sflag:s22] =	dma.local [hbm:s5], s20  }
0x9e: {  	_ =	swait.ge [sflag:s22], s20  }
0x9f: {  	s4 =	ssub.s32 $0x0, s20;
	[sflag:s22] =	ssyncset.done $0x0  }
0xa0: {  	[sflag:s22] =	ssyncadd.s32 s4;
	_ =	sdelay $0x1  }
0xa1: {  	s23 =	simm.s32 $0x1B8B  }
0xa2: {  	_ =	swait.ge [sflag:s23], $0x1  }
0xa3: {  	[sflag:s23] =	ssyncset.done $0x0  }
0xa4: {  	s25 =	simm.s32 $0x1B8E;
	s24 =	sld [smem:$0x3FFE];
	[sflag:s23] =	ssyncadd.s32 $0xFFFFFFFF  }
0xa5: {  	s26 =	simm.s32 $execute0_lowered;
	[smem:$0x3FD2] =	sst s25  }
0xa6: {  	s5 =	sshll.u32 s26, $0x1;
	_ =	strace $0x80000058;
	[dreg:$0x1] =	wrdreg $0xFFFFFFFF  }
0xa7: {  	s28 =	simm.s32 $_size_execute0_lowered;
	s3 =	sadd.s32 s3, s5;
	[dreg:$0x0] =	wrdreg $0x0  }
0xa8: {  	s5 =	sshll.u32 s28, $0x1;
	[dreg:$0x2] =	wrdreg s3  }
0xa9: {  	[dreg:$0x3] =	wrdreg s5  }
0xaa: {  	[dreg:$0x4] =	wrdreg $0xC0  }
0xab: {  	_ =	task [dreg:s7], $0x5FFFF  }
0xac: {  	[dreg:$0x1] =	wrdreg $0xFFFFFFFF  }
0xad: {  	[dreg:$0x0] =	wrdreg $0x60  }
0xae: {  	[dreg:$0x2] =	wrdreg s24  }
0xaf: {  	[dreg:$0x3] =	wrdreg s2  }
0xb0: {  	[dreg:$0x4] =	wrdreg $0x0  }
0xb1: {  	[dreg:$0x5] =	wrdreg $0x4F000  }
0xb2: {  	[dreg:$0x6] =	wrdreg $0x9  }
0xb3: {  	_ =	task.clear_ibuf [dreg:s7], $0x7FFFF;
	_ =	strace $0x90000058  }
0xb4: {  	s29 =	simm.s32 $0x9;
	_ =	strace $0x8000005A  }
0xb5: {  	_ =	swait.ge [sflag:s29], $0x1  }
0xb6: {  	[sflag:s29] =	ssyncadd.s32 $0xFFFFFFFF  }
0xb7: {  	_ =	strace $0x9000005A  }
0xb8: {  	_ =	sfence  }
0xb9: {  	s30 =	sld [smem:$0x0];
	_ =	sdelay $0x2  }
0xba: {  	s31 =	sshll.u32 s1, $0xD;
	s1 =	sshrl.u32 s1, $0x2  }
0xbb: {  	s3 =	sand.u32 $0x4000, s31;
	s1 =	sadd.s32 s1, s30  }
0xbc: {  	s0 =	sor.u32 s3, s0;
	s1 =	sshll.u32 s1, $0x11  }
0xbd: {  	s0 =	sor.u32 s1, s0  }
0xbe: {  	s0 =	sadd.s32 $0x8F2B, s0  }
0xbf: {  	[sflag:s0] =	ssyncadd.remote.s32 $0x1  }
0xc0: {  	_ =	sfence.sel $0xFFFF  }
0xc1: {  	[dreg:$0x0] =	wrdreg $0xFFFFFFFF;
	(pc) =	sbr.abs _section_cstart, $3  }
0xc2: {  	[dreg:$0x1] =	wrdreg $0xFFFFFFFF  }
0xc3: {  	_ =	task.clear_ibuf [dreg:s7], $0x2FFFF;
	_ =	strace $0x9FFFFFFF  }
0xc4: {  	(tm) =	ssettm $0x7FFFFFFF  }
0xc5: {  	_ =	shalt  }
tec
execute0_lowered:
.L_overlay_start_1:
0x0: {  	(tag) =	ssettag $0x1  }
0x1: {  	s5 =	rddreg [dreg:$0x0]  }
0x2: {  	s8 =	rddreg [dreg:$0x1]  }
0x3: {  	s2 =	rddreg [dreg:$0x2]  }
0x4: {  	s3 =	rddreg [dreg:$0x3];
	s0 =	stileid.u32  }
0x5: {  	s6 =	srdreg.scid;
	s4 =	simm.s32 $0x0;
	s15 =	simm.s32 $0x4  }
0x6: {  	s16 =	simm.s32 $0x8;
	s19 =	simm.s32 $0x9E00;
	s20 =	simm.s32 $0xEC80  }
0x7: {  	s21 =	simm.s32 $0x2;
	s22 =	simm.s32 $0x80;
	s23 =	simm.s32 $0x13B00  }
0x8: {  	s24 =	simm.s32 $0x14B00;
	s25 =	simm.s32 $0x3;
	s7 =	smul.u32 $0x9E00, s0  }
0x9: {  	s26 =	simm.s32 $0x13A80;
	s28 =	simm.s32 $0x0;
	s10 =	smul.u32 $0x9D0, s0  }
0xa: {  	s6 =	sand.u32 $0x1, s6;
	[smem:$0x7FF] =	sst s4;
	s30 =	smul.u32 $0x4F00, s0  }
0xb: {  	s9 =	sshll.u32 s6, $0x5;
	_ =	strace $0x80000059;
	s6 =	ssub.s32 $0x2, s6  }
0xc: {  	s7 =	sor.u32 s9, s7;
	s10 =	sadd.s32 s10, s5;
	s31 =	sshrl.u32 s6, $0x1  }
0xd: {  	s13 =	sadd.s32 s30, s2;
	s14 =	sshrl.u32 s30, $0x3;
	s18 =	sadd.s32 s30, s3  }
0xe: {  	s7 =	sshrl.u32 s7, $0x3;
	s12 =	ssub.s32 s6, s31;
	s8 =	sadd.s32 s8, s14  }
0xf: {  	s9 =	sadd.s32 $0x17A00, s10;
	s10 =	sadd.s32 $0x8A00, s10;
	s13 =	sshrl.u32 s13, $0x3  }
0x10: {  	s14 =	simm.s32 $0x1;
	s18 =	sshrl.u32 s18, $0x3;
	s11 =	sadd.s32 s7, s5  }
0x11: {  	s5 =	sshll.u32 s0, $0x6;
	s12 =	smax.u32 s12, $0x1;
	s6 =	sadd.s32 $0x21800, s11  }
0x12: {  	s7 =	sor.u32 $0x1C01, s5;
	s11 =	sadd.s32 $0x96E00, s11;
	s17 =	sor.u32 $0x1C02, s5  }
.LBB2_1:
0x13: {  	[spmem:s13@s15], [sflag:s7] =	dma.strided [hbm:s6@s16], $0x9E0, s14, $0x4   }
0x14: {  	[spmem:s18], [sflag:s17] =	dma.local [hbm:s8], $0x9E0  }
0x15: {  	[tilespmem:s19], [sflag:$0x1] =	stream.linear.gather [hbm4b:s9+s4], $0x4E80, $0x38;
	[tilespmem:$0x15B00] =	vst v63  }
0x16: {  	_ = 	snop  }
0x17: {  	[tilespmem:s20], [sflag:$0x2] =	stream.linear.gather [hbm4b:s10+s4], $0x4E80, $0x38;
	[tilespmem:$0x15B00] =	vst v63  }
0x18: {  	_ =	swait.ge [sflag:s14], $0x9E0  }
0x19: {  	[sflag:s14] =	ssyncset.done $0x0  }
0x1a: {  	[sflag:s14] =	ssyncadd.s32 $0xFFFFF620  }
0x1b: {  	_ =	swait.ge [sflag:s21], $0x9E0  }
0x1c: {  	[sflag:s21] =	ssyncset.done $0x0  }
0x1d: {  	[sflag:s21] =	ssyncadd.s32 $0xFFFFF620  }
0x1e: {  	_ =	swait.ge [sflag:s14], $0x4E80  }
0x1f: {  	[sflag:s14] =	ssyncset.done $0x0  }
0x20: {  	[sflag:s14] =	ssyncadd.s32 $0xFFFFB180  }
0x21: {  	_ =	swait.ge [sflag:s21], $0x4E80  }
0x22: {  	[sflag:s21] =	ssyncset.done $0x0  }
0x23: {  	[sflag:s21] =	ssyncadd.s32 $0xFFFFB180  }
0x24: {  	[bflag:$0x0] =	sbarrier.arrive $0xFFFF  }
0x25: {  	[tilespmem:s23], [sflag:$0x1] =	stream.indirect.gather [spmem:s2], $0x20, s19, s22, $0xb8;
	[tilespmem:$0x15B00] =	vst v63  }
0x26: {  	s29 =	simm.s32 $0x9E80  }
0x27: {  	[tilespmem:s24], [sflag:$0x2] =	stream.indirect.gather [spmem:s2], $0x20, s29, s22, $0xb8;
	[tilespmem:$0x15B00] =	vst v63  }
0x28: {  	_ =	swait.ge [sflag:s14], $0x1000  }
0x29: {  	[sflag:s14] =	ssyncset.done $0x0  }
0x2a: {  	s29 =	simm.s32 $0xEC80;
	[sflag:s14] =	ssyncadd.s32 $0xFFFFF000  }
0x2b: {  	[spmem:s3] =	stream.indirect.scatter.add.f32 [tilespmem:s23], [sflag:$0x3], $0x20, s29, s22, $0xb8;
	[tilespmem:$0x15B00] =	vst v63  }
0x2c: {  	_ =	swait.ge [sflag:s25], $0x1000  }
0x2d: {  	[sflag:s25] =	ssyncset.done $0x0  }
0x2e: {  	s29 =	simm.s32 $0x9F00;
	[sflag:s25] =	ssyncadd.s32 $0xFFFFF000  }
0x2f: {  	[tilespmem:s23], [sflag:$0x1] =	stream.indirect.gather [spmem:s2], $0x20, s29, s22, $0xb8;
	[tilespmem:$0x15B00] =	vst v63  }
0x30: {  	_ =	swait.ge [sflag:s21], $0x1000  }
0x31: {  	[sflag:s21] =	ssyncset.done $0x0  }
0x32: {  	s29 =	simm.s32 $0xED00;
	[sflag:s21] =	ssyncadd.s32 $0xFFFFF000  }
0x33: {  	[spmem:s3] =	stream.indirect.scatter.add.f32 [tilespmem:s24], [sflag:$0x3], $0x20, s29, s22, $0xb8;
	[tilespmem:$0x15B00] =	vst v63  }
0x34: {  	_ =	swait.ge [sflag:s25], $0x1000  }
0x35: {  	s30 =	simm.s32 $0x800;
	s29 =	simm.s32 $0x100;
	[sflag:s25] =	ssyncset.done $0x0  }
.LBB2_2:
0x36: {  	s31 =	sadd.s32 $0x9E80, s29  }
0x37: {  	[sflag:s25] =	ssyncadd.s32 $0xFFFFF000;
	s0 =	smov.u32 s30;
	s1 =	sadd.s32 $0x400, s30  }
0x38: {  	[tilespmem:s24], [sflag:$0x2] =	stream.indirect.gather [spmem:s2], $0x20, s31, s22, $0xb8;
	[tilespmem:$0x15B00] =	vst v63  }
0x39: {  	p0 =	sne.s32 s30, $0x13400;
	_ =	swait.ge [sflag:s14], $0x1000  }
0x3a: {  	[sflag:s14] =	ssyncset.done $0x0  }
0x3b: {  	s30 =	sadd.s32 $0xEC80, s29;
	[sflag:s14] =	ssyncadd.s32 $0xFFFFF000  }
0x3c: {  	[spmem:s3] =	stream.indirect.scatter.add.f32 [tilespmem:s23], [sflag:$0x3], $0x20, s30, s22, $0xb8;
	[tilespmem:$0x15B00] =	vst v63  }
0x3d: {  	_ =	swait.ge [sflag:s25], $0x1000  }
0x3e: {  	[sflag:s25] =	ssyncset.done $0x0  }
0x3f: {  	s30 =	sadd.s32 $0x9F00, s29;
	[sflag:s25] =	ssyncadd.s32 $0xFFFFF000  }
0x40: {  	[tilespmem:s23], [sflag:$0x1] =	stream.indirect.gather [spmem:s2], $0x20, s30, s22, $0xb8;
	[tilespmem:$0x15B00] =	vst v63  }
0x41: {  	_ =	swait.ge [sflag:s21], $0x1000  }
.Ltmp0:
0x42: {  	[sflag:s21] =	ssyncset.done $0x0;
	(pc) =	sbr.rel @p0 .LBB2_2-.Ltmp0, $4  }
0x43: {  	s29 =	sadd.s32 $0xED00, s29;
	[sflag:s21] =	ssyncadd.s32 $0xFFFFF000  }
0x44: {  	[spmem:s3] =	stream.indirect.scatter.add.f32 [tilespmem:s24], [sflag:$0x3], $0x20, s29, s22, $0xb8;
	[tilespmem:$0x15B00] =	vst v63  }
0x45: {  	_ =	swait.ge [sflag:s25], $0x1000  }
0x46: {  	s30 =	smov.u32 s1;
	s29 =	sshra.s32 s0, $0x2;
	[sflag:s25] =	ssyncset.done $0x0  }
0x47: {  	s0 =	sadd.s32 $0x9E80, s29;
	[sflag:s25] =	ssyncadd.s32 $0xFFFFF000  }
0x48: {  	[tilespmem:s24], [sflag:$0x2] =	stream.indirect.gather [spmem:s2], $0x20, s0, s22, $0xb8;
	[tilespmem:$0x15B00] =	vst v63  }
0x49: {  	_ =	swait.ge [sflag:s14], $0x1000  }
0x4a: {  	[sflag:s14] =	ssyncset.done $0x0  }
0x4b: {  	s31 =	sadd.s32 $0xEC80, s29;
	[sflag:s14] =	ssyncadd.s32 $0xFFFFF000  }
0x4c: {  	[spmem:s3] =	stream.indirect.scatter.add.f32 [tilespmem:s23], [sflag:$0x3], $0x20, s31, s22, $0xb8;
	[tilespmem:$0x15B00] =	vst v63  }
0x4d: {  	_ =	swait.ge [sflag:s25], $0x1000  }
0x4e: {  	[sflag:s25] =	ssyncset.done $0x0  }
0x4f: {  	s1 =	sadd.s32 $0x9F00, s29;
	[sflag:s25] =	ssyncadd.s32 $0xFFFFF000  }
0x50: {  	[tilespmem:s23], [sflag:$0x1] =	stream.indirect.gather [spmem:s2], $0x20, s1, s22, $0xb8;
	[tilespmem:$0x15B00] =	vst v63  }
0x51: {  	_ =	swait.ge [sflag:s21], $0x1000  }
0x52: {  	[sflag:s21] =	ssyncset.done $0x0  }
0x53: {  	s30 =	sadd.s32 $0xED00, s29;
	[sflag:s21] =	ssyncadd.s32 $0xFFFFF000  }
0x54: {  	[spmem:s3] =	stream.indirect.scatter.add.f32 [tilespmem:s24], [sflag:$0x3], $0x20, s30, s22, $0xb8;
	[tilespmem:$0x15B00] =	vst v63  }
0x55: {  	_ =	swait.ge [sflag:s25], $0x1000  }
0x56: {  	[sflag:s25] =	ssyncset.done $0x0  }
0x57: {  	[sflag:s25] =	ssyncadd.s32 $0xFFFFF000  }
0x58: {  	_ =	swait.ge [sflag:s14], $0x1000  }
0x59: {  	[sflag:s14] =	ssyncset.done $0x0  }
0x5a: {  	[sflag:s14] =	ssyncadd.s32 $0xFFFFF000  }
0x5b: {  	[spmem:s3] =	stream.indirect.scatter.add.f32 [tilespmem:s23], [sflag:$0x3], $0x20, s26, s22, $0xb8;
	[tilespmem:$0x15B00] =	vst v63  }
0x5c: {  	_ =	swait.ge [sflag:s25], $0x1000  }
0x5d: {  	s28 =	sadd.s32 $0x1, s28;
	[sflag:s25] =	ssyncset.done $0x0  }
0x5e: {  	p0 =	sne.s32 s28, s12;
	[sflag:s25] =	ssyncadd.s32 $0xFFFFF000  }
.Ltmp1:
0x5f: {  	s31 =	sor.u32 $0x1C03, s5;
	[bflag:$0x0] =	sbarrier.arrive $0xFFFF;
	(pc) =	sbr.rel @p0 .LBB2_1-.Ltmp1, $4  }
0x60: {  	[hbm:s11@s16], [sflag:s31] =	dma.strided [spmem:s18@s15], $0x9E0, s14, $0x4   }
0x61: {  	_ =	swait.ge [sflag:s25], $0x9E0  }
0x62: {  	[sflag:s25] =	ssyncset.done $0x0  }
0x63: {  	[sflag:s25] =	ssyncadd.s32 $0xFFFFF620  }
0x64: {  	_ =	sfence.sel $0x180000  }
0x65: {  	[bflag:$0x0] =	sbarrier.arrive $0xFFFF  }
0x66: {  	_ =	strace $0x90000059  }
0x67: {  	s0 =	stileid.u32;
	[bflag:$0x2] =	sbarrier.arrive $0xFFFF  }
0x68: {  	p0 =	sne.s32 s0, $0x0;
	s0 =	rddreg [dreg:$0x4]  }
0x69: {  	s0 =	sadd.s32 @!p0 $0x100000, s0  }
0x6a: {  	[sflag:s0] =	ssyncadd.tile.s32 @!p0 $0x1;
	_ =	shalt  }
.Lfunc_end2:
_tile_overlayer_lowered:
.L_overlay_start_2:
0x6b: {  	(tag) =	ssettag $0x2  }
0x6c: {  	s0 =	rddreg [dreg:$0x0];
	s2 =	stileid.u32  }
0x6d: {  	s1 =	rddreg [dreg:$0x1];
	p0 =	sne.s32 s2, $0x0  }
0x6e: {  	s3 =	rddreg [dreg:$0x2];
	[bflag:$0x3] =	sbarrier.arrive $0xFFFF;
	s2 =	simm.s32 @!p0 $0x1C03  }
0x6f: {  	[timem:s3], [sflag:s2] =	dma.local @!p0 [hbm:s0], s1  }
0x70: {  	s0 =	simm.s32 @!p0 $0x3  }
0x71: {  	_ =	swait.ge @!p0 [sflag:s0], s1  }
0x72: {  	s1 =	ssub.s32 @!p0 $0x0, s1;
	[sflag:s0] =	ssyncset.done @!p0 $0x0  }
0x73: {  	[sflag:s0] =	ssyncadd.s32 @!p0 s1  }
0x74: {  	[bflag:$0x3] =	sbarrier.arrive $0xFFFF  }
0x75: {  	_ =	shalt  }

// kernel: kernel.42.cloned.1.call-start
scs
__scs_entry_jumppad:
0x0: {  	(pc) =	sbr.rel $0x88, $3  }
0x1: {  	(tag) =	ssettag $0x0;
	lr =	simm.s32 $0x1  }
0x2: {  	[smem:$0x3F7D] =	sst lr;
	_ =	strace $0xD0000000  }
0x3: {  	_ = 	snop  }
0x4: {  	_ = 	snop  }
0x5: {  	_ = 	snop  }
0x6: {  	_ = 	snop  }
0x7: {  	_ = 	snop  }
__scs_overlays_trampoline_lowered:
0x8: {  	[smem:$0x3F8C] =	sst s0  }
0x9: {  	[smem:$0x3F8D] =	sst s1  }
0xa: {  	[smem:$0x3F8E] =	sst s2  }
0xb: {  	[smem:$0x3F8F] =	sst s3  }
0xc: {  	[smem:$0x3F90] =	sst s4  }
0xd: {  	[smem:$0x3F91] =	sst s5  }
0xe: {  	[smem:$0x3F92] =	sst s6  }
0xf: {  	[smem:$0x3F93] =	sst s7  }
0x10: {  	[smem:$0x3F94] =	sst s8  }
0x11: {  	[smem:$0x3F95] =	sst s9;
	s0 =	simm.s32 @!p0 $0x0  }
0x12: {  	s1 =	sld [smem:$0x3F7B];
	s0 =	simm.s32 @p0 $0x1  }
0x13: {  	[smem:$0x3F96] =	sst s0;
	s0 =	simm.s32 @!p1 $0x0  }
0x14: {  	s2 =	sld [smem:$0x3F7A];
	s0 =	simm.s32 @p1 $0x1  }
0x15: {  	[smem:$0x3F97] =	sst s0;
	s0 =	simm.s32 @!p2 $0x0  }
0x16: {  	s3 =	sld [smem:$0x3FDB];
	s0 =	simm.s32 @p2 $0x1  }
0x17: {  	s4 =	simm.s32 $0x1BF5;
	[smem:$0x3F99] =	sst s0  }
0x18: {  	s0 =	sld [smem:$0x3F7C];
	_ =	swait.ge [sflag:s4], $0x0  }
0x19: {  	s7 =	sld [smem:$0x3F7D]  }
0x1a: {  	s8 =	sadd.s32 $0xFFFFE003, lr  }
0x1b: {  	s9 =	sadd.s32 $0xFFFFFEF7, lr;
	s5 =	simm.s32 $0xFFFFFFFF;
	p2 =	slt.u32 s8, $0xFFFFF086  }
0x1c: {  	p1 =	slt.u32 s9, $0xF7A;
	s5 =	simm.s32 @!p2 $0x0  }
0x1d: {  	s5 =	simm.s32 @p1 $0x1;
	p0 =	seq.s32 s7, s2  }
0x1e: {  	s7 =	smul.u32 @!p0 $0xF7A, s2;
	p2 =	seq.s32 @!p0 s5, $0x0  }
0x1f: {  	s9 =	smul.u32 $0xF7A, s1;
	s8 =	simm.s32 @!p0 $0x1BF5;
	p2 =	por !p2, p0  }
0x20: {  	[sflag:s8] =	ssyncset.s32 @!p0 $0xFFFFF086;
	s6 =	sadd.s32 @!p0 s3, s7;
	s7 =	simm.s32 @!p0 $0x108  }
0x21: {  	s3 =	sadd.s32 s3, s9;
	s6 =	sadd.s32 @!p0 $0x88, s6;
	s7 =	simm.s32 @p2 $0x1082  }
0x22: {  	[simem:s7], [sflag:s8] =	dma.local @!p0 [hbm:s6], $0xF7A  }
0x23: {  	s9 =	sor.u32 $0xD0000000, s2;
	s6 =	simm.s32 $0x108;
	_ =	swait.ge @!p0 [sflag:s8], $0x0  }
0x24: {  	s3 =	sadd.s32 $0x88, s3;
	s6 =	simm.s32 @!p1 $0x1082;
	[sflag:s4] =	ssyncset.s32 $0xFFFFF086  }
0x25: {  	[simem:s6], [sflag:s4] =	dma.local [hbm:s3], $0xF7A  }
0x26: {  	[smem:$0x3F7D] =	sst s1;
	(tag) =	ssettag s2;
	_ =	strace s9  }
0x27: {  	s1 =	sld [smem:$0x3F8D]  }
0x28: {  	s2 =	sld [smem:$0x3F8E]  }
0x29: {  	s4 =	sld [smem:$0x3F90]  }
0x2a: {  	p0 =	seq.s32 s5, $0x0;
	s5 =	sld [smem:$0x3F91]  }
0x2b: {  	s6 =	sld [smem:$0x3F92]  }
0x2c: {  	s7 =	sld [smem:$0x3F93]  }
0x2d: {  	s3 =	simm.s32 $0x108;
	s8 =	sld [smem:$0x3F94]  }
0x2e: {  	s3 =	simm.s32 @!p0 $0x1082;
	s9 =	sld [smem:$0x3F95]  }
0x2f: {  	lr =	sadd.s32 s0, s3;
	s0 =	sld [smem:$0x3F8C]  }
0x30: {  	s3 =	sld [smem:$0x3F8F]  }
0x31: {  	[smem:$0x3F98] =	sst s10  }
0x32: {  	s10 =	sld [smem:$0x3F96];
	_ =	sdelay $0x3  }
0x33: {  	p0 =	seq.s32 s10, $0x1;
	s10 =	sld [smem:$0x3F98];
	_ =	sdelay $0x3  }
0x34: {  	[smem:$0x3F98] =	sst s10  }
0x35: {  	s10 =	sld [smem:$0x3F97];
	_ =	sdelay $0x3  }
0x36: {  	p1 =	seq.s32 s10, $0x1;
	s10 =	sld [smem:$0x3F98];
	_ =	sdelay $0x3  }
0x37: {  	[smem:$0x3F98] =	sst s10  }
0x38: {  	s10 =	sld [smem:$0x3F99]  }
0x39: {  	_ = 	snop;
	(pc) =	sbr.ind lr, $3  }
0x3a: {  	_ = 	snop  }
0x3b: {  	_ = 	snop  }
0x3c: {  	p2 =	seq.s32 s10, $0x1;
	s10 =	sld [smem:$0x3F98]  }
0x3d: {  	_ =	shalt  }
0x3e: {  	_ =	shalt  }
0x3f: {  	_ =	shalt  }
0x40: {  	_ =	shalt  }
0x41: {  	_ =	shalt  }
0x42: {  	_ =	shalt  }
0x43: {  	_ =	shalt  }
0x44: {  	_ =	shalt  }
0x45: {  	_ =	shalt  }
0x46: {  	_ =	shalt  }
0x47: {  	_ =	shalt  }
0x48: {  	_ =	shalt  }
0x49: {  	_ =	shalt  }
0x4a: {  	_ =	shalt  }
0x4b: {  	_ =	shalt  }
0x4c: {  	_ =	shalt  }
0x4d: {  	_ =	shalt  }
0x4e: {  	_ =	shalt  }
0x4f: {  	_ =	shalt  }
0x50: {  	_ =	shalt  }
0x51: {  	_ =	shalt  }
0x52: {  	_ =	shalt  }
0x53: {  	_ =	shalt  }
0x54: {  	_ =	shalt  }
0x55: {  	_ =	shalt  }
0x56: {  	_ =	shalt  }
0x57: {  	_ =	shalt  }
0x58: {  	_ =	shalt  }
0x59: {  	_ =	shalt  }
0x5a: {  	_ =	shalt  }
0x5b: {  	_ =	shalt  }
0x5c: {  	_ =	shalt  }
0x5d: {  	_ =	shalt  }
0x5e: {  	_ =	shalt  }
0x5f: {  	_ =	shalt  }
0x60: {  	_ =	shalt  }
0x61: {  	_ =	shalt  }
0x62: {  	_ =	shalt  }
0x63: {  	_ =	shalt  }
0x64: {  	_ =	shalt  }
0x65: {  	_ =	shalt  }
0x66: {  	_ =	shalt  }
0x67: {  	_ =	shalt  }
0x68: {  	_ =	shalt  }
0x69: {  	_ =	shalt  }
0x6a: {  	_ =	shalt  }
0x6b: {  	_ =	shalt  }
0x6c: {  	_ =	shalt  }
0x6d: {  	_ =	shalt  }
0x6e: {  	_ =	shalt  }
0x6f: {  	_ =	shalt  }
0x70: {  	_ =	shalt  }
0x71: {  	_ =	shalt  }
0x72: {  	_ =	shalt  }
0x73: {  	_ =	shalt  }
0x74: {  	_ =	shalt  }
0x75: {  	_ =	shalt  }
0x76: {  	_ =	shalt  }
0x77: {  	_ =	shalt  }
0x78: {  	_ =	shalt  }
0x79: {  	_ =	shalt  }
0x7a: {  	_ =	shalt  }
0x7b: {  	_ =	shalt  }
0x7c: {  	_ =	shalt  }
0x7d: {  	_ =	shalt  }
0x7e: {  	_ =	shalt  }
0x7f: {  	_ =	shalt  }
0x80: {  	_ =	shalt  }
0x81: {  	_ =	shalt  }
0x82: {  	_ =	shalt  }
0x83: {  	_ =	shalt  }
0x84: {  	_ =	shalt  }
0x85: {  	_ =	shalt  }
0x86: {  	_ =	shalt  }
0x87: {  	_ =	shalt  }
.Lfunc_end0:
.L_simem_size_0:
called_computation.7_lowered:
.L_overlay_start_0:
0x88: {  	s2 =	sld [smem:$0x3FD9]  }
0x89: {  	s3 =	sld [smem:$0x3FFE];
	_ =	sdelay $0x1  }
0x8a: {  	s1 =	srdreg.scid  }
0x8b: {  	s0 =	sand.u32 $0x1, s1  }
0x8c: {  	s17 =	sshll.u32 s0, $0xA;
	s2 =	sadd.s32 s3, s2  }
0x8d: {  	s2 =	sadd.s32 s2, s17  }
0x8e: {  	[smem:$0x3FA4] =	sst s2  }
0x8f: {  	_ = 	snop  }
0x90: {  	s2 =	sld [smem:$0x3FD0];
	(tm) =	ssettm $0x1  }
0x91: {  	s18 =	sld [smem:$0x3FFB];
	_ =	sdelay $0x3  }
0x92: {  	_ =	strace s18  }
0x93: {  	s3 =	sld [smem:$0x3FFC];
	_ =	sdelay $0x3  }
0x94: {  	_ =	strace s3  }
0x95: {  	s3 =	sld [smem:$0x3FFD];
	_ =	sdelay $0x3  }
0x96: {  	_ =	strace s3  }
0x97: {  	_ =	strace $0x8FFFFFFF  }
0x98: {  	s19 =	sld [smem:$0x3FDB];
	_ =	sdelay $0x1  }
0x99: {  	s4 =	simm.s32 $_scs_section_size  }
0x9a: {  	s5 =	simm.s32 $_size__tile_overlayer_lowered;
	s6 =	simm.s32 $_tile_overlayer_lowered  }
0x9b: {  	s22 =	simm.s32 $0x1BFF;
	s21 =	sshll.u32 s6, $0x1;
	s3 =	sadd.s32 s4, s19  }
0x9c: {  	s7 =	simm.s32 $0x0;
	s20 =	sshll.u32 s5, $0x1;
	s5 =	sadd.s32 s21, s3  }
0x9d: {  	[timem:s7], [sflag:s22] =	dma.local [hbm:s5], s20  }
0x9e: {  	_ =	swait.ge [sflag:s22], s20  }
0x9f: {  	s4 =	ssub.s32 $0x0, s20;
	[sflag:s22] =	ssyncset.done $0x0  }
0xa0: {  	[sflag:s22] =	ssyncadd.s32 s4;
	_ =	sdelay $0x1  }
0xa1: {  	s23 =	simm.s32 $0x1B8B  }
0xa2: {  	_ =	swait.ge [sflag:s23], $0x1  }
0xa3: {  	[sflag:s23] =	ssyncset.done $0x0  }
0xa4: {  	s25 =	simm.s32 $0x1B8E;
	s24 =	sld [smem:$0x3FFE];
	[sflag:s23] =	ssyncadd.s32 $0xFFFFFFFF  }
0xa5: {  	s26 =	simm.s32 $execute0_lowered;
	[smem:$0x3FD2] =	sst s25  }
0xa6: {  	s5 =	sshll.u32 s26, $0x1;
	_ =	strace $0x8000005B;
	[dreg:$0x1] =	wrdreg $0xFFFFFFFF  }
0xa7: {  	s28 =	simm.s32 $_size_execute0_lowered;
	s3 =	sadd.s32 s3, s5;
	[dreg:$0x0] =	wrdreg $0x0  }
0xa8: {  	s5 =	sshll.u32 s28, $0x1;
	[dreg:$0x2] =	wrdreg s3  }
0xa9: {  	[dreg:$0x3] =	wrdreg s5  }
0xaa: {  	[dreg:$0x4] =	wrdreg $0xC0  }
0xab: {  	_ =	task [dreg:s7], $0x5FFFF  }
0xac: {  	[dreg:$0x1] =	wrdreg $0xFFFFFFFF  }
0xad: {  	[dreg:$0x0] =	wrdreg $0x60  }
0xae: {  	[dreg:$0x2] =	wrdreg s2  }
0xaf: {  	[dreg:$0x3] =	wrdreg s24  }
0xb0: {  	[dreg:$0x4] =	wrdreg $0x0  }
0xb1: {  	[dreg:$0x5] =	wrdreg $0x27800  }
0xb2: {  	[dreg:$0x6] =	wrdreg $0x9  }
0xb3: {  	_ =	task.clear_ibuf [dreg:s7], $0x7FFFF;
	_ =	strace $0x9000005B  }
0xb4: {  	s29 =	simm.s32 $0x9;
	_ =	strace $0x8000005D  }
0xb5: {  	_ =	swait.ge [sflag:s29], $0x1  }
0xb6: {  	[sflag:s29] =	ssyncadd.s32 $0xFFFFFFFF  }
0xb7: {  	_ =	strace $0x9000005D  }
0xb8: {  	_ =	sfence  }
0xb9: {  	s30 =	sld [smem:$0x0];
	_ =	sdelay $0x2  }
0xba: {  	s31 =	sshll.u32 s1, $0xD;
	s1 =	sshrl.u32 s1, $0x2  }
0xbb: {  	s3 =	sand.u32 $0x4000, s31;
	s1 =	sadd.s32 s1, s30  }
0xbc: {  	s0 =	sor.u32 s3, s0;
	s1 =	sshll.u32 s1, $0x11  }
0xbd: {  	s0 =	sor.u32 s1, s0  }
0xbe: {  	s0 =	sadd.s32 $0x8F2B, s0  }
0xbf: {  	[sflag:s0] =	ssyncadd.remote.s32 $0x1  }
0xc0: {  	_ =	sfence.sel $0xFFFF  }
0xc1: {  	[dreg:$0x0] =	wrdreg $0xFFFFFFFF;
	(pc) =	sbr.abs _section_cstart, $3  }
0xc2: {  	[dreg:$0x1] =	wrdreg $0xFFFFFFFF  }
0xc3: {  	_ =	task.clear_ibuf [dreg:s7], $0x2FFFF;
	_ =	strace $0x9FFFFFFF  }
0xc4: {  	(tm) =	ssettm $0x7FFFFFFF  }
0xc5: {  	_ =	shalt  }
tec
execute0_lowered:
.L_overlay_start_1:
0x0: {  	(tag) =	ssettag $0x1  }
0x1: {  	s5 =	rddreg [dreg:$0x0]  }
0x2: {  	s6 =	rddreg [dreg:$0x1]  }
0x3: {  	s2 =	rddreg [dreg:$0x2]  }
0x4: {  	s3 =	rddreg [dreg:$0x3];
	s1 =	stileid.u32  }
0x5: {  	s4 =	simm.s32 $0x0;
	s8 =	srdreg.scid;
	s16 =	simm.s32 $0x4  }
0x6: {  	s19 =	simm.s32 $0x4F00;
	s20 =	simm.s32 $0x9D80;
	s21 =	simm.s32 $0x80  }
0x7: {  	s22 =	simm.s32 $0xEC00;
	s23 =	simm.s32 $0xF400;
	s24 =	simm.s32 $0x3  }
0x8: {  	s25 =	simm.s32 $0xEB80;
	s26 =	simm.s32 $0x0;
	s7 =	smul.u32 $0x9D0, s1  }
0x9: {  	[smem:$0x7FF] =	sst s4;
	s8 =	sand.u32 $0x1, s8;
	s9 =	smul.u32 $0x4F00, s1  }
0xa: {  	s10 =	smul.u32 $0x2780, s1;
	_ =	strace $0x8000005C;
	s11 =	sshll.u32 s8, $0x4  }
0xb: {  	s8 =	ssub.s32 $0x2, s8;
	s12 =	sadd.s32 s7, s6;
	s29 =	sor.u32 s11, s9  }
0xc: {  	s30 =	sshrl.u32 s10, $0x3;
	s31 =	sshrl.u32 s8, $0x1;
	s15 =	sadd.s32 s10, s2  }
0xd: {  	s18 =	sadd.s32 s10, s3;
	s7 =	sshrl.u32 s29, $0x3;
	s9 =	sadd.s32 s30, s6  }
0xe: {  	s14 =	ssub.s32 s8, s31;
	s10 =	sadd.s32 $0x8A00, s12;
	s18 =	sshrl.u32 s18, $0x3  }
0xf: {  	s13 =	sadd.s32 s7, s6;
	s5 =	sadd.s32 s5, s7;
	s6 =	sshll.u32 s1, $0x6  }
0x10: {  	s8 =	sadd.s32 $0x12800, s9;
	s9 =	sadd.s32 $0x17A00, s12;
	s12 =	smax.u32 s14, $0x1  }
0x11: {  	s14 =	simm.s32 $0x1;
	s7 =	sor.u32 $0x1C01, s6;
	s11 =	sadd.s32 $0x21800, s13  }
0x12: {  	s13 =	sshrl.u32 s15, $0x3;
	s15 =	simm.s32 $0x2;
	s17 =	sor.u32 $0x1C02, s6  }
.LBB2_1:
0x13: {  	[spmem:s13@s15], [sflag:s7] =	dma.strided [hbm:s5@s16], $0x4F0, s14, $0x2   }
0x14: {  	[spmem:s18], [sflag:s17] =	dma.local [hbm:s8], $0x4F0  }
0x15: {  	[tilespmem:s19], [sflag:$0x1] =	stream.linear.gather [hbm4b:s9+s4], $0x4E80, $0x38;
	[tilespmem:$0xFC00] =	vst v63  }
0x16: {  	_ = 	snop  }
0x17: {  	[tilespmem:s20], [sflag:$0x2] =	stream.linear.gather [hbm4b:s10+s4], $0x4E80, $0x38;
	[tilespmem:$0xFC00] =	vst v63  }
0x18: {  	_ =	swait.ge [sflag:s14], $0x4F0  }
0x19: {  	[sflag:s14] =	ssyncset.done $0x0  }
0x1a: {  	[sflag:s14] =	ssyncadd.s32 $0xFFFFFB10  }
0x1b: {  	_ =	swait.ge [sflag:s15], $0x4F0  }
0x1c: {  	[sflag:s15] =	ssyncset.done $0x0  }
0x1d: {  	[sflag:s15] =	ssyncadd.s32 $0xFFFFFB10  }
0x1e: {  	_ =	swait.ge [sflag:s14], $0x4E80  }
0x1f: {  	[sflag:s14] =	ssyncset.done $0x0  }
0x20: {  	[sflag:s14] =	ssyncadd.s32 $0xFFFFB180  }
0x21: {  	_ =	swait.ge [sflag:s15], $0x4E80  }
0x22: {  	[sflag:s15] =	ssyncset.done $0x0  }
0x23: {  	[sflag:s15] =	ssyncadd.s32 $0xFFFFB180  }
0x24: {  	[bflag:$0x0] =	sbarrier.arrive $0xFFFF  }
0x25: {  	[tilespmem:s22], [sflag:$0x1] =	stream.indirect.gather [spmem:s2], $0x10, s19, s21, $0xb8;
	[tilespmem:$0xFC00] =	vst v63  }
0x26: {  	s28 =	simm.s32 $0x4F80  }
0x27: {  	[tilespmem:s23], [sflag:$0x2] =	stream.indirect.gather [spmem:s2], $0x10, s28, s21, $0xb8;
	[tilespmem:$0xFC00] =	vst v63  }
0x28: {  	_ =	swait.ge [sflag:s14], $0x800  }
0x29: {  	[sflag:s14] =	ssyncset.done $0x0  }
0x2a: {  	s28 =	simm.s32 $0x9D80;
	[sflag:s14] =	ssyncadd.s32 $0xFFFFF800  }
0x2b: {  	[spmem:s3] =	stream.indirect.scatter.add.f32 [tilespmem:s22], [sflag:$0x3], $0x10, s28, s21, $0xb8;
	[tilespmem:$0xFC00] =	vst v63  }
0x2c: {  	_ =	swait.ge [sflag:s24], $0x800  }
0x2d: {  	[sflag:s24] =	ssyncset.done $0x0  }
0x2e: {  	s28 =	simm.s32 $0x5000;
	[sflag:s24] =	ssyncadd.s32 $0xFFFFF800  }
0x2f: {  	[tilespmem:s22], [sflag:$0x1] =	stream.indirect.gather [spmem:s2], $0x10, s28, s21, $0xb8;
	[tilespmem:$0xFC00] =	vst v63  }
0x30: {  	_ =	swait.ge [sflag:s15], $0x800  }
0x31: {  	[sflag:s15] =	ssyncset.done $0x0  }
0x32: {  	s28 =	simm.s32 $0x9E00;
	[sflag:s15] =	ssyncadd.s32 $0xFFFFF800  }
0x33: {  	[spmem:s3] =	stream.indirect.scatter.add.f32 [tilespmem:s23], [sflag:$0x3], $0x10, s28, s21, $0xb8;
	[tilespmem:$0xFC00] =	vst v63  }
0x34: {  	_ =	swait.ge [sflag:s24], $0x800  }
0x35: {  	s29 =	simm.s32 $0x800;
	s28 =	simm.s32 $0x100;
	[sflag:s24] =	ssyncset.done $0x0  }
.LBB2_2:
0x36: {  	s30 =	sadd.s32 $0x4F80, s28  }
0x37: {  	[sflag:s24] =	ssyncadd.s32 $0xFFFFF800;
	s31 =	smov.u32 s29;
	s0 =	sadd.s32 $0x400, s29  }
0x38: {  	[tilespmem:s23], [sflag:$0x2] =	stream.indirect.gather [spmem:s2], $0x10, s30, s21, $0xb8;
	[tilespmem:$0xFC00] =	vst v63  }
0x39: {  	p0 =	sne.s32 s29, $0x13400;
	_ =	swait.ge [sflag:s14], $0x800  }
0x3a: {  	[sflag:s14] =	ssyncset.done $0x0  }
0x3b: {  	s29 =	sadd.s32 $0x9D80, s28;
	[sflag:s14] =	ssyncadd.s32 $0xFFFFF800  }
0x3c: {  	[spmem:s3] =	stream.indirect.scatter.add.f32 [tilespmem:s22], [sflag:$0x3], $0x10, s29, s21, $0xb8;
	[tilespmem:$0xFC00] =	vst v63  }
0x3d: {  	_ =	swait.ge [sflag:s24], $0x800  }
0x3e: {  	[sflag:s24] =	ssyncset.done $0x0  }
0x3f: {  	s29 =	sadd.s32 $0x5000, s28;
	[sflag:s24] =	ssyncadd.s32 $0xFFFFF800  }
0x40: {  	[tilespmem:s22], [sflag:$0x1] =	stream.indirect.gather [spmem:s2], $0x10, s29, s21, $0xb8;
	[tilespmem:$0xFC00] =	vst v63  }
0x41: {  	_ =	swait.ge [sflag:s15], $0x800  }
.Ltmp0:
0x42: {  	[sflag:s15] =	ssyncset.done $0x0;
	(pc) =	sbr.rel @p0 .LBB2_2-.Ltmp0, $4  }
0x43: {  	s28 =	sadd.s32 $0x9E00, s28;
	[sflag:s15] =	ssyncadd.s32 $0xFFFFF800  }
0x44: {  	[spmem:s3] =	stream.indirect.scatter.add.f32 [tilespmem:s23], [sflag:$0x3], $0x10, s28, s21, $0xb8;
	[tilespmem:$0xFC00] =	vst v63  }
0x45: {  	_ =	swait.ge [sflag:s24], $0x800  }
0x46: {  	s29 =	smov.u32 s0;
	s28 =	sshra.s32 s31, $0x2;
	[sflag:s24] =	ssyncset.done $0x0  }
0x47: {  	s0 =	sadd.s32 $0x4F80, s28;
	[sflag:s24] =	ssyncadd.s32 $0xFFFFF800  }
0x48: {  	[tilespmem:s23], [sflag:$0x2] =	stream.indirect.gather [spmem:s2], $0x10, s0, s21, $0xb8;
	[tilespmem:$0xFC00] =	vst v63  }
0x49: {  	_ =	swait.ge [sflag:s14], $0x800  }
0x4a: {  	[sflag:s14] =	ssyncset.done $0x0  }
0x4b: {  	s31 =	sadd.s32 $0x9D80, s28;
	[sflag:s14] =	ssyncadd.s32 $0xFFFFF800  }
0x4c: {  	[spmem:s3] =	stream.indirect.scatter.add.f32 [tilespmem:s22], [sflag:$0x3], $0x10, s31, s21, $0xb8;
	[tilespmem:$0xFC00] =	vst v63  }
0x4d: {  	_ =	swait.ge [sflag:s24], $0x800  }
0x4e: {  	[sflag:s24] =	ssyncset.done $0x0  }
0x4f: {  	s29 =	sadd.s32 $0x5000, s28;
	[sflag:s24] =	ssyncadd.s32 $0xFFFFF800  }
0x50: {  	[tilespmem:s22], [sflag:$0x1] =	stream.indirect.gather [spmem:s2], $0x10, s29, s21, $0xb8;
	[tilespmem:$0xFC00] =	vst v63  }
0x51: {  	_ =	swait.ge [sflag:s15], $0x800  }
0x52: {  	[sflag:s15] =	ssyncset.done $0x0  }
0x53: {  	s30 =	sadd.s32 $0x9E00, s28;
	[sflag:s15] =	ssyncadd.s32 $0xFFFFF800  }
0x54: {  	[spmem:s3] =	stream.indirect.scatter.add.f32 [tilespmem:s23], [sflag:$0x3], $0x10, s30, s21, $0xb8;
	[tilespmem:$0xFC00] =	vst v63  }
0x55: {  	_ =	swait.ge [sflag:s24], $0x800  }
0x56: {  	[sflag:s24] =	ssyncset.done $0x0  }
0x57: {  	[sflag:s24] =	ssyncadd.s32 $0xFFFFF800  }
0x58: {  	_ =	swait.ge [sflag:s14], $0x800  }
0x59: {  	[sflag:s14] =	ssyncset.done $0x0  }
0x5a: {  	[sflag:s14] =	ssyncadd.s32 $0xFFFFF800  }
0x5b: {  	[spmem:s3] =	stream.indirect.scatter.add.f32 [tilespmem:s22], [sflag:$0x3], $0x10, s25, s21, $0xb8;
	[tilespmem:$0xFC00] =	vst v63  }
0x5c: {  	_ =	swait.ge [sflag:s24], $0x800  }
0x5d: {  	s26 =	sadd.s32 $0x1, s26;
	[sflag:s24] =	ssyncset.done $0x0  }
0x5e: {  	p0 =	sne.s32 s26, s12;
	[sflag:s24] =	ssyncadd.s32 $0xFFFFF800  }
.Ltmp1:
0x5f: {  	s31 =	sor.u32 $0x1C03, s6;
	[bflag:$0x0] =	sbarrier.arrive $0xFFFF;
	(pc) =	sbr.rel @p0 .LBB2_1-.Ltmp1, $4  }
0x60: {  	[hbm:s11@s16], [sflag:s31] =	dma.strided [spmem:s18@s15], $0x4F0, s14, $0x2   }
0x61: {  	_ =	swait.ge [sflag:s24], $0x4F0  }
0x62: {  	[sflag:s24] =	ssyncset.done $0x0  }
0x63: {  	[sflag:s24] =	ssyncadd.s32 $0xFFFFFB10  }
0x64: {  	_ =	sfence.sel $0x180000  }
0x65: {  	[bflag:$0x0] =	sbarrier.arrive $0xFFFF  }
0x66: {  	_ =	strace $0x9000005C  }
0x67: {  	[bflag:$0x2] =	sbarrier.arrive $0xFFFF  }
0x68: {  	p0 =	sne.s32 s1, $0x0;
	s0 =	rddreg [dreg:$0x4]  }
0x69: {  	s0 =	sadd.s32 @!p0 $0x100000, s0  }
0x6a: {  	[sflag:s0] =	ssyncadd.tile.s32 @!p0 $0x1;
	_ =	shalt  }
.Lfunc_end2:
_tile_overlayer_lowered:
.L_overlay_start_2:
0x6b: {  	(tag) =	ssettag $0x2  }
0x6c: {  	s0 =	rddreg [dreg:$0x0];
	s2 =	stileid.u32  }
0x6d: {  	s1 =	rddreg [dreg:$0x1];
	p0 =	sne.s32 s2, $0x0  }
0x6e: {  	s3 =	rddreg [dreg:$0x2];
	[bflag:$0x3] =	sbarrier.arrive $0xFFFF;
	s2 =	simm.s32 @!p0 $0x1C03  }
0x6f: {  	[timem:s3], [sflag:s2] =	dma.local @!p0 [hbm:s0], s1  }
0x70: {  	s0 =	simm.s32 @!p0 $0x3  }
0x71: {  	_ =	swait.ge @!p0 [sflag:s0], s1  }
0x72: {  	s1 =	ssub.s32 @!p0 $0x0, s1;
	[sflag:s0] =	ssyncset.done @!p0 $0x0  }
0x73: {  	[sflag:s0] =	ssyncadd.s32 @!p0 s1  }
0x74: {  	[bflag:$0x3] =	sbarrier.arrive $0xFFFF  }
0x75: {  	_ =	shalt  }

// kernel: kernel.45.cloned.1.call-start
scs
__scs_entry_jumppad:
0x0: {  	(pc) =	sbr.rel $0x88, $3  }
0x1: {  	(tag) =	ssettag $0x0;
	lr =	simm.s32 $0x1  }
0x2: {  	[smem:$0x3F7D] =	sst lr;
	_ =	strace $0xD0000000  }
0x3: {  	_ = 	snop  }
0x4: {  	_ = 	snop  }
0x5: {  	_ = 	snop  }
0x6: {  	_ = 	snop  }
0x7: {  	_ = 	snop  }
__scs_overlays_trampoline_lowered:
0x8: {  	[smem:$0x3F8C] =	sst s0  }
0x9: {  	[smem:$0x3F8D] =	sst s1  }
0xa: {  	[smem:$0x3F8E] =	sst s2  }
0xb: {  	[smem:$0x3F8F] =	sst s3  }
0xc: {  	[smem:$0x3F90] =	sst s4  }
0xd: {  	[smem:$0x3F91] =	sst s5  }
0xe: {  	[smem:$0x3F92] =	sst s6  }
0xf: {  	[smem:$0x3F93] =	sst s7  }
0x10: {  	[smem:$0x3F94] =	sst s8  }
0x11: {  	[smem:$0x3F95] =	sst s9;
	s0 =	simm.s32 @!p0 $0x0  }
0x12: {  	s1 =	sld [smem:$0x3F7B];
	s0 =	simm.s32 @p0 $0x1  }
0x13: {  	[smem:$0x3F96] =	sst s0;
	s0 =	simm.s32 @!p1 $0x0  }
0x14: {  	s2 =	sld [smem:$0x3F7A];
	s0 =	simm.s32 @p1 $0x1  }
0x15: {  	[smem:$0x3F97] =	sst s0;
	s0 =	simm.s32 @!p2 $0x0  }
0x16: {  	s3 =	sld [smem:$0x3FDB];
	s0 =	simm.s32 @p2 $0x1  }
0x17: {  	s4 =	simm.s32 $0x1BF5;
	[smem:$0x3F99] =	sst s0  }
0x18: {  	s0 =	sld [smem:$0x3F7C];
	_ =	swait.ge [sflag:s4], $0x0  }
0x19: {  	s7 =	sld [smem:$0x3F7D]  }
0x1a: {  	s8 =	sadd.s32 $0xFFFFE003, lr  }
0x1b: {  	s9 =	sadd.s32 $0xFFFFFEF7, lr;
	s5 =	simm.s32 $0xFFFFFFFF;
	p2 =	slt.u32 s8, $0xFFFFF086  }
0x1c: {  	p1 =	slt.u32 s9, $0xF7A;
	s5 =	simm.s32 @!p2 $0x0  }
0x1d: {  	s5 =	simm.s32 @p1 $0x1;
	p0 =	seq.s32 s7, s2  }
0x1e: {  	s7 =	smul.u32 @!p0 $0xF7A, s2;
	p2 =	seq.s32 @!p0 s5, $0x0  }
0x1f: {  	s9 =	smul.u32 $0xF7A, s1;
	s8 =	simm.s32 @!p0 $0x1BF5;
	p2 =	por !p2, p0  }
0x20: {  	[sflag:s8] =	ssyncset.s32 @!p0 $0xFFFFF086;
	s6 =	sadd.s32 @!p0 s3, s7;
	s7 =	simm.s32 @!p0 $0x108  }
0x21: {  	s3 =	sadd.s32 s3, s9;
	s6 =	sadd.s32 @!p0 $0x88, s6;
	s7 =	simm.s32 @p2 $0x1082  }
0x22: {  	[simem:s7], [sflag:s8] =	dma.local @!p0 [hbm:s6], $0xF7A  }
0x23: {  	s9 =	sor.u32 $0xD0000000, s2;
	s6 =	simm.s32 $0x108;
	_ =	swait.ge @!p0 [sflag:s8], $0x0  }
0x24: {  	s3 =	sadd.s32 $0x88, s3;
	s6 =	simm.s32 @!p1 $0x1082;
	[sflag:s4] =	ssyncset.s32 $0xFFFFF086  }
0x25: {  	[simem:s6], [sflag:s4] =	dma.local [hbm:s3], $0xF7A  }
0x26: {  	[smem:$0x3F7D] =	sst s1;
	(tag) =	ssettag s2;
	_ =	strace s9  }
0x27: {  	s1 =	sld [smem:$0x3F8D]  }
0x28: {  	s2 =	sld [smem:$0x3F8E]  }
0x29: {  	s4 =	sld [smem:$0x3F90]  }
0x2a: {  	p0 =	seq.s32 s5, $0x0;
	s5 =	sld [smem:$0x3F91]  }
0x2b: {  	s6 =	sld [smem:$0x3F92]  }
0x2c: {  	s7 =	sld [smem:$0x3F93]  }
0x2d: {  	s3 =	simm.s32 $0x108;
	s8 =	sld [smem:$0x3F94]  }
0x2e: {  	s3 =	simm.s32 @!p0 $0x1082;
	s9 =	sld [smem:$0x3F95]  }
0x2f: {  	lr =	sadd.s32 s0, s3;
	s0 =	sld [smem:$0x3F8C]  }
0x30: {  	s3 =	sld [smem:$0x3F8F]  }
0x31: {  	[smem:$0x3F98] =	sst s10  }
0x32: {  	s10 =	sld [smem:$0x3F96];
	_ =	sdelay $0x3  }
0x33: {  	p0 =	seq.s32 s10, $0x1;
	s10 =	sld [smem:$0x3F98];
	_ =	sdelay $0x3  }
0x34: {  	[smem:$0x3F98] =	sst s10  }
0x35: {  	s10 =	sld [smem:$0x3F97];
	_ =	sdelay $0x3  }
0x36: {  	p1 =	seq.s32 s10, $0x1;
	s10 =	sld [smem:$0x3F98];
	_ =	sdelay $0x3  }
0x37: {  	[smem:$0x3F98] =	sst s10  }
0x38: {  	s10 =	sld [smem:$0x3F99]  }
0x39: {  	_ = 	snop;
	(pc) =	sbr.ind lr, $3  }
0x3a: {  	_ = 	snop  }
0x3b: {  	_ = 	snop  }
0x3c: {  	p2 =	seq.s32 s10, $0x1;
	s10 =	sld [smem:$0x3F98]  }
0x3d: {  	_ =	shalt  }
0x3e: {  	_ =	shalt  }
0x3f: {  	_ =	shalt  }
0x40: {  	_ =	shalt  }
0x41: {  	_ =	shalt  }
0x42: {  	_ =	shalt  }
0x43: {  	_ =	shalt  }
0x44: {  	_ =	shalt  }
0x45: {  	_ =	shalt  }
0x46: {  	_ =	shalt  }
0x47: {  	_ =	shalt  }
0x48: {  	_ =	shalt  }
0x49: {  	_ =	shalt  }
0x4a: {  	_ =	shalt  }
0x4b: {  	_ =	shalt  }
0x4c: {  	_ =	shalt  }
0x4d: {  	_ =	shalt  }
0x4e: {  	_ =	shalt  }
0x4f: {  	_ =	shalt  }
0x50: {  	_ =	shalt  }
0x51: {  	_ =	shalt  }
0x52: {  	_ =	shalt  }
0x53: {  	_ =	shalt  }
0x54: {  	_ =	shalt  }
0x55: {  	_ =	shalt  }
0x56: {  	_ =	shalt  }
0x57: {  	_ =	shalt  }
0x58: {  	_ =	shalt  }
0x59: {  	_ =	shalt  }
0x5a: {  	_ =	shalt  }
0x5b: {  	_ =	shalt  }
0x5c: {  	_ =	shalt  }
0x5d: {  	_ =	shalt  }
0x5e: {  	_ =	shalt  }
0x5f: {  	_ =	shalt  }
0x60: {  	_ =	shalt  }
0x61: {  	_ =	shalt  }
0x62: {  	_ =	shalt  }
0x63: {  	_ =	shalt  }
0x64: {  	_ =	shalt  }
0x65: {  	_ =	shalt  }
0x66: {  	_ =	shalt  }
0x67: {  	_ =	shalt  }
0x68: {  	_ =	shalt  }
0x69: {  	_ =	shalt  }
0x6a: {  	_ =	shalt  }
0x6b: {  	_ =	shalt  }
0x6c: {  	_ =	shalt  }
0x6d: {  	_ =	shalt  }
0x6e: {  	_ =	shalt  }
0x6f: {  	_ =	shalt  }
0x70: {  	_ =	shalt  }
0x71: {  	_ =	shalt  }
0x72: {  	_ =	shalt  }
0x73: {  	_ =	shalt  }
0x74: {  	_ =	shalt  }
0x75: {  	_ =	shalt  }
0x76: {  	_ =	shalt  }
0x77: {  	_ =	shalt  }
0x78: {  	_ =	shalt  }
0x79: {  	_ =	shalt  }
0x7a: {  	_ =	shalt  }
0x7b: {  	_ =	shalt  }
0x7c: {  	_ =	shalt  }
0x7d: {  	_ =	shalt  }
0x7e: {  	_ =	shalt  }
0x7f: {  	_ =	shalt  }
0x80: {  	_ =	shalt  }
0x81: {  	_ =	shalt  }
0x82: {  	_ =	shalt  }
0x83: {  	_ =	shalt  }
0x84: {  	_ =	shalt  }
0x85: {  	_ =	shalt  }
0x86: {  	_ =	shalt  }
0x87: {  	_ =	shalt  }
.Lfunc_end0:
.L_simem_size_0:
called_computation.8_lowered:
.L_overlay_start_0:
0x88: {  	s2 =	sld [smem:$0x3FD9]  }
0x89: {  	s3 =	sld [smem:$0x3FFE];
	_ =	sdelay $0x1  }
0x8a: {  	s1 =	srdreg.scid  }
0x8b: {  	s0 =	sand.u32 $0x1, s1  }
0x8c: {  	s17 =	sshll.u32 s0, $0xA;
	s2 =	sadd.s32 s3, s2  }
0x8d: {  	s2 =	sadd.s32 s2, s17  }
0x8e: {  	[smem:$0x3FA4] =	sst s2  }
0x8f: {  	_ = 	snop  }
0x90: {  	s2 =	sld [smem:$0x3FD0];
	(tm) =	ssettm $0x1  }
0x91: {  	s18 =	sld [smem:$0x3FFB];
	_ =	sdelay $0x3  }
0x92: {  	_ =	strace s18  }
0x93: {  	s3 =	sld [smem:$0x3FFC];
	_ =	sdelay $0x3  }
0x94: {  	_ =	strace s3  }
0x95: {  	s3 =	sld [smem:$0x3FFD];
	_ =	sdelay $0x3  }
0x96: {  	_ =	strace s3  }
0x97: {  	_ =	strace $0x8FFFFFFF  }
0x98: {  	s19 =	sld [smem:$0x3FDB];
	_ =	sdelay $0x1  }
0x99: {  	s4 =	simm.s32 $_scs_section_size  }
0x9a: {  	s5 =	simm.s32 $_size__tile_overlayer_lowered;
	s6 =	simm.s32 $_tile_overlayer_lowered  }
0x9b: {  	s22 =	simm.s32 $0x1BFF;
	s21 =	sshll.u32 s6, $0x1;
	s3 =	sadd.s32 s4, s19  }
0x9c: {  	s7 =	simm.s32 $0x0;
	s20 =	sshll.u32 s5, $0x1;
	s5 =	sadd.s32 s21, s3  }
0x9d: {  	[timem:s7], [sflag:s22] =	dma.local [hbm:s5], s20  }
0x9e: {  	_ =	swait.ge [sflag:s22], s20  }
0x9f: {  	s4 =	ssub.s32 $0x0, s20;
	[sflag:s22] =	ssyncset.done $0x0  }
0xa0: {  	[sflag:s22] =	ssyncadd.s32 s4;
	_ =	sdelay $0x1  }
0xa1: {  	s23 =	simm.s32 $0x1B8B  }
0xa2: {  	_ =	swait.ge [sflag:s23], $0x1  }
0xa3: {  	[sflag:s23] =	ssyncset.done $0x0  }
0xa4: {  	s25 =	simm.s32 $0x1B8E;
	s24 =	sld [smem:$0x3FFE];
	[sflag:s23] =	ssyncadd.s32 $0xFFFFFFFF  }
0xa5: {  	s26 =	simm.s32 $execute0_lowered;
	[smem:$0x3FD2] =	sst s25  }
0xa6: {  	s5 =	sshll.u32 s26, $0x1;
	_ =	strace $0x8000005E;
	[dreg:$0x1] =	wrdreg $0xFFFFFFFF  }
0xa7: {  	s28 =	simm.s32 $_size_execute0_lowered;
	s3 =	sadd.s32 s3, s5;
	[dreg:$0x0] =	wrdreg $0x0  }
0xa8: {  	s5 =	sshll.u32 s28, $0x1;
	[dreg:$0x2] =	wrdreg s3  }
0xa9: {  	[dreg:$0x3] =	wrdreg s5  }
0xaa: {  	[dreg:$0x4] =	wrdreg $0xC0  }
0xab: {  	_ =	task [dreg:s7], $0x5FFFF  }
0xac: {  	[dreg:$0x1] =	wrdreg $0xFFFFFFFF  }
0xad: {  	[dreg:$0x0] =	wrdreg $0x60  }
0xae: {  	[dreg:$0x2] =	wrdreg s2  }
0xaf: {  	[dreg:$0x3] =	wrdreg s24  }
0xb0: {  	[dreg:$0x4] =	wrdreg $0x0  }
0xb1: {  	[dreg:$0x5] =	wrdreg $0x27800  }
0xb2: {  	[dreg:$0x6] =	wrdreg $0x9  }
0xb3: {  	_ =	task.clear_ibuf [dreg:s7], $0x7FFFF;
	_ =	strace $0x9000005E  }
0xb4: {  	s29 =	simm.s32 $0x9;
	_ =	strace $0x80000060  }
0xb5: {  	_ =	swait.ge [sflag:s29], $0x1  }
0xb6: {  	[sflag:s29] =	ssyncadd.s32 $0xFFFFFFFF  }
0xb7: {  	_ =	strace $0x90000060  }
0xb8: {  	_ =	sfence  }
0xb9: {  	s30 =	sld [smem:$0x0];
	_ =	sdelay $0x2  }
0xba: {  	s31 =	sshll.u32 s1, $0xD;
	s1 =	sshrl.u32 s1, $0x2  }
0xbb: {  	s3 =	sand.u32 $0x4000, s31;
	s1 =	sadd.s32 s1, s30  }
0xbc: {  	s0 =	sor.u32 s3, s0;
	s1 =	sshll.u32 s1, $0x11  }
0xbd: {  	s0 =	sor.u32 s1, s0  }
0xbe: {  	s0 =	sadd.s32 $0x8F2B, s0  }
0xbf: {  	[sflag:s0] =	ssyncadd.remote.s32 $0x1  }
0xc0: {  	_ =	sfence.sel $0xFFFF  }
0xc1: {  	[dreg:$0x0] =	wrdreg $0xFFFFFFFF;
	(pc) =	sbr.abs _section_cstart, $3  }
0xc2: {  	[dreg:$0x1] =	wrdreg $0xFFFFFFFF  }
0xc3: {  	_ =	task.clear_ibuf [dreg:s7], $0x2FFFF;
	_ =	strace $0x9FFFFFFF  }
0xc4: {  	(tm) =	ssettm $0x7FFFFFFF  }
0xc5: {  	_ =	shalt  }
tec
execute0_lowered:
.L_overlay_start_1:
0x0: {  	(tag) =	ssettag $0x1  }
0x1: {  	s5 =	rddreg [dreg:$0x0]  }
0x2: {  	s6 =	rddreg [dreg:$0x1]  }
0x3: {  	s2 =	rddreg [dreg:$0x2]  }
0x4: {  	s3 =	rddreg [dreg:$0x3];
	s1 =	stileid.u32  }
0x5: {  	s4 =	simm.s32 $0x0;
	s8 =	srdreg.scid;
	s16 =	simm.s32 $0x4  }
0x6: {  	s19 =	simm.s32 $0x4F00;
	s20 =	simm.s32 $0x9D80;
	s21 =	simm.s32 $0x80  }
0x7: {  	s22 =	simm.s32 $0xEC00;
	s23 =	simm.s32 $0xF400;
	s24 =	simm.s32 $0x3  }
0x8: {  	s25 =	simm.s32 $0xEB80;
	s26 =	simm.s32 $0x0;
	s7 =	smul.u32 $0x9D0, s1  }
0x9: {  	[smem:$0x7FF] =	sst s4;
	s8 =	sand.u32 $0x1, s8;
	s9 =	smul.u32 $0x4F00, s1  }
0xa: {  	s10 =	smul.u32 $0x2780, s1;
	_ =	strace $0x8000005F;
	s11 =	sshll.u32 s8, $0x4  }
0xb: {  	s8 =	ssub.s32 $0x2, s8;
	s12 =	sadd.s32 s7, s6;
	s29 =	sor.u32 s11, s9  }
0xc: {  	s30 =	sshrl.u32 s10, $0x3;
	s31 =	sshrl.u32 s8, $0x1;
	s15 =	sadd.s32 s10, s2  }
0xd: {  	s18 =	sadd.s32 s10, s3;
	s7 =	sshrl.u32 s29, $0x3;
	s9 =	sadd.s32 s30, s6  }
0xe: {  	s14 =	ssub.s32 s8, s31;
	s10 =	sadd.s32 $0x8A00, s12;
	s18 =	sshrl.u32 s18, $0x3  }
0xf: {  	s13 =	sadd.s32 s7, s6;
	s5 =	sadd.s32 s5, s7;
	s6 =	sshll.u32 s1, $0x6  }
0x10: {  	s8 =	sadd.s32 $0x12800, s9;
	s9 =	sadd.s32 $0x17A00, s12;
	s12 =	smax.u32 s14, $0x1  }
0x11: {  	s14 =	simm.s32 $0x1;
	s7 =	sor.u32 $0x1C01, s6;
	s11 =	sadd.s32 $0x21800, s13  }
0x12: {  	s13 =	sshrl.u32 s15, $0x3;
	s15 =	simm.s32 $0x2;
	s17 =	sor.u32 $0x1C02, s6  }
.LBB2_1:
0x13: {  	[spmem:s13@s15], [sflag:s7] =	dma.strided [hbm:s5@s16], $0x4F0, s14, $0x2   }
0x14: {  	[spmem:s18], [sflag:s17] =	dma.local [hbm:s8], $0x4F0  }
0x15: {  	[tilespmem:s19], [sflag:$0x1] =	stream.linear.gather [hbm4b:s9+s4], $0x4E80, $0x38;
	[tilespmem:$0xFC00] =	vst v63  }
0x16: {  	_ = 	snop  }
0x17: {  	[tilespmem:s20], [sflag:$0x2] =	stream.linear.gather [hbm4b:s10+s4], $0x4E80, $0x38;
	[tilespmem:$0xFC00] =	vst v63  }
0x18: {  	_ =	swait.ge [sflag:s14], $0x4F0  }
0x19: {  	[sflag:s14] =	ssyncset.done $0x0  }
0x1a: {  	[sflag:s14] =	ssyncadd.s32 $0xFFFFFB10  }
0x1b: {  	_ =	swait.ge [sflag:s15], $0x4F0  }
0x1c: {  	[sflag:s15] =	ssyncset.done $0x0  }
0x1d: {  	[sflag:s15] =	ssyncadd.s32 $0xFFFFFB10  }
0x1e: {  	_ =	swait.ge [sflag:s14], $0x4E80  }
0x1f: {  	[sflag:s14] =	ssyncset.done $0x0  }
0x20: {  	[sflag:s14] =	ssyncadd.s32 $0xFFFFB180  }
0x21: {  	_ =	swait.ge [sflag:s15], $0x4E80  }
0x22: {  	[sflag:s15] =	ssyncset.done $0x0  }
0x23: {  	[sflag:s15] =	ssyncadd.s32 $0xFFFFB180  }
0x24: {  	[bflag:$0x0] =	sbarrier.arrive $0xFFFF  }
0x25: {  	[tilespmem:s22], [sflag:$0x1] =	stream.indirect.gather [spmem:s2], $0x10, s19, s21, $0xb8;
	[tilespmem:$0xFC00] =	vst v63  }
0x26: {  	s28 =	simm.s32 $0x4F80  }
0x27: {  	[tilespmem:s23], [sflag:$0x2] =	stream.indirect.gather [spmem:s2], $0x10, s28, s21, $0xb8;
	[tilespmem:$0xFC00] =	vst v63  }
0x28: {  	_ =	swait.ge [sflag:s14], $0x800  }
0x29: {  	[sflag:s14] =	ssyncset.done $0x0  }
0x2a: {  	s28 =	simm.s32 $0x9D80;
	[sflag:s14] =	ssyncadd.s32 $0xFFFFF800  }
0x2b: {  	[spmem:s3] =	stream.indirect.scatter.add.f32 [tilespmem:s22], [sflag:$0x3], $0x10, s28, s21, $0xb8;
	[tilespmem:$0xFC00] =	vst v63  }
0x2c: {  	_ =	swait.ge [sflag:s24], $0x800  }
0x2d: {  	[sflag:s24] =	ssyncset.done $0x0  }
0x2e: {  	s28 =	simm.s32 $0x5000;
	[sflag:s24] =	ssyncadd.s32 $0xFFFFF800  }
0x2f: {  	[tilespmem:s22], [sflag:$0x1] =	stream.indirect.gather [spmem:s2], $0x10, s28, s21, $0xb8;
	[tilespmem:$0xFC00] =	vst v63  }
0x30: {  	_ =	swait.ge [sflag:s15], $0x800  }
0x31: {  	[sflag:s15] =	ssyncset.done $0x0  }
0x32: {  	s28 =	simm.s32 $0x9E00;
	[sflag:s15] =	ssyncadd.s32 $0xFFFFF800  }
0x33: {  	[spmem:s3] =	stream.indirect.scatter.add.f32 [tilespmem:s23], [sflag:$0x3], $0x10, s28, s21, $0xb8;
	[tilespmem:$0xFC00] =	vst v63  }
0x34: {  	_ =	swait.ge [sflag:s24], $0x800  }
0x35: {  	s29 =	simm.s32 $0x800;
	s28 =	simm.s32 $0x100;
	[sflag:s24] =	ssyncset.done $0x0  }
.LBB2_2:
0x36: {  	s30 =	sadd.s32 $0x4F80, s28  }
0x37: {  	[sflag:s24] =	ssyncadd.s32 $0xFFFFF800;
	s31 =	smov.u32 s29;
	s0 =	sadd.s32 $0x400, s29  }
0x38: {  	[tilespmem:s23], [sflag:$0x2] =	stream.indirect.gather [spmem:s2], $0x10, s30, s21, $0xb8;
	[tilespmem:$0xFC00] =	vst v63  }
0x39: {  	p0 =	sne.s32 s29, $0x13400;
	_ =	swait.ge [sflag:s14], $0x800  }
0x3a: {  	[sflag:s14] =	ssyncset.done $0x0  }
0x3b: {  	s29 =	sadd.s32 $0x9D80, s28;
	[sflag:s14] =	ssyncadd.s32 $0xFFFFF800  }
0x3c: {  	[spmem:s3] =	stream.indirect.scatter.add.f32 [tilespmem:s22], [sflag:$0x3], $0x10, s29, s21, $0xb8;
	[tilespmem:$0xFC00] =	vst v63  }
0x3d: {  	_ =	swait.ge [sflag:s24], $0x800  }
0x3e: {  	[sflag:s24] =	ssyncset.done $0x0  }
0x3f: {  	s29 =	sadd.s32 $0x5000, s28;
	[sflag:s24] =	ssyncadd.s32 $0xFFFFF800  }
0x40: {  	[tilespmem:s22], [sflag:$0x1] =	stream.indirect.gather [spmem:s2], $0x10, s29, s21, $0xb8;
	[tilespmem:$0xFC00] =	vst v63  }
0x41: {  	_ =	swait.ge [sflag:s15], $0x800  }
.Ltmp0:
0x42: {  	[sflag:s15] =	ssyncset.done $0x0;
	(pc) =	sbr.rel @p0 .LBB2_2-.Ltmp0, $4  }
0x43: {  	s28 =	sadd.s32 $0x9E00, s28;
	[sflag:s15] =	ssyncadd.s32 $0xFFFFF800  }
0x44: {  	[spmem:s3] =	stream.indirect.scatter.add.f32 [tilespmem:s23], [sflag:$0x3], $0x10, s28, s21, $0xb8;
	[tilespmem:$0xFC00] =	vst v63  }
0x45: {  	_ =	swait.ge [sflag:s24], $0x800  }
0x46: {  	s29 =	smov.u32 s0;
	s28 =	sshra.s32 s31, $0x2;
	[sflag:s24] =	ssyncset.done $0x0  }
0x47: {  	s0 =	sadd.s32 $0x4F80, s28;
	[sflag:s24] =	ssyncadd.s32 $0xFFFFF800  }
0x48: {  	[tilespmem:s23], [sflag:$0x2] =	stream.indirect.gather [spmem:s2], $0x10, s0, s21, $0xb8;
	[tilespmem:$0xFC00] =	vst v63  }
0x49: {  	_ =	swait.ge [sflag:s14], $0x800  }
0x4a: {  	[sflag:s14] =	ssyncset.done $0x0  }
0x4b: {  	s31 =	sadd.s32 $0x9D80, s28;
	[sflag:s14] =	ssyncadd.s32 $0xFFFFF800  }
0x4c: {  	[spmem:s3] =	stream.indirect.scatter.add.f32 [tilespmem:s22], [sflag:$0x3], $0x10, s31, s21, $0xb8;
	[tilespmem:$0xFC00] =	vst v63  }
0x4d: {  	_ =	swait.ge [sflag:s24], $0x800  }
0x4e: {  	[sflag:s24] =	ssyncset.done $0x0  }
0x4f: {  	s29 =	sadd.s32 $0x5000, s28;
	[sflag:s24] =	ssyncadd.s32 $0xFFFFF800  }
0x50: {  	[tilespmem:s22], [sflag:$0x1] =	stream.indirect.gather [spmem:s2], $0x10, s29, s21, $0xb8;
	[tilespmem:$0xFC00] =	vst v63  }
0x51: {  	_ =	swait.ge [sflag:s15], $0x800  }
0x52: {  	[sflag:s15] =	ssyncset.done $0x0  }
0x53: {  	s30 =	sadd.s32 $0x9E00, s28;
	[sflag:s15] =	ssyncadd.s32 $0xFFFFF800  }
0x54: {  	[spmem:s3] =	stream.indirect.scatter.add.f32 [tilespmem:s23], [sflag:$0x3], $0x10, s30, s21, $0xb8;
	[tilespmem:$0xFC00] =	vst v63  }
0x55: {  	_ =	swait.ge [sflag:s24], $0x800  }
0x56: {  	[sflag:s24] =	ssyncset.done $0x0  }
0x57: {  	[sflag:s24] =	ssyncadd.s32 $0xFFFFF800  }
0x58: {  	_ =	swait.ge [sflag:s14], $0x800  }
0x59: {  	[sflag:s14] =	ssyncset.done $0x0  }
0x5a: {  	[sflag:s14] =	ssyncadd.s32 $0xFFFFF800  }
0x5b: {  	[spmem:s3] =	stream.indirect.scatter.add.f32 [tilespmem:s22], [sflag:$0x3], $0x10, s25, s21, $0xb8;
	[tilespmem:$0xFC00] =	vst v63  }
0x5c: {  	_ =	swait.ge [sflag:s24], $0x800  }
0x5d: {  	s26 =	sadd.s32 $0x1, s26;
	[sflag:s24] =	ssyncset.done $0x0  }
0x5e: {  	p0 =	sne.s32 s26, s12;
	[sflag:s24] =	ssyncadd.s32 $0xFFFFF800  }
.Ltmp1:
0x5f: {  	s31 =	sor.u32 $0x1C03, s6;
	[bflag:$0x0] =	sbarrier.arrive $0xFFFF;
	(pc) =	sbr.rel @p0 .LBB2_1-.Ltmp1, $4  }
0x60: {  	[hbm:s11@s16], [sflag:s31] =	dma.strided [spmem:s18@s15], $0x4F0, s14, $0x2   }
0x61: {  	_ =	swait.ge [sflag:s24], $0x4F0  }
0x62: {  	[sflag:s24] =	ssyncset.done $0x0  }
0x63: {  	[sflag:s24] =	ssyncadd.s32 $0xFFFFFB10  }
0x64: {  	_ =	sfence.sel $0x180000  }
0x65: {  	[bflag:$0x0] =	sbarrier.arrive $0xFFFF  }
0x66: {  	_ =	strace $0x9000005F  }
0x67: {  	[bflag:$0x2] =	sbarrier.arrive $0xFFFF  }
0x68: {  	p0 =	sne.s32 s1, $0x0;
	s0 =	rddreg [dreg:$0x4]  }
0x69: {  	s0 =	sadd.s32 @!p0 $0x100000, s0  }
0x6a: {  	[sflag:s0] =	ssyncadd.tile.s32 @!p0 $0x1;
	_ =	shalt  }
.Lfunc_end2:
_tile_overlayer_lowered:
.L_overlay_start_2:
0x6b: {  	(tag) =	ssettag $0x2  }
0x6c: {  	s0 =	rddreg [dreg:$0x0];
	s2 =	stileid.u32  }
0x6d: {  	s1 =	rddreg [dreg:$0x1];
	p0 =	sne.s32 s2, $0x0  }
0x6e: {  	s3 =	rddreg [dreg:$0x2];
	[bflag:$0x3] =	sbarrier.arrive $0xFFFF;
	s2 =	simm.s32 @!p0 $0x1C03  }
0x6f: {  	[timem:s3], [sflag:s2] =	dma.local @!p0 [hbm:s0], s1  }
0x70: {  	s0 =	simm.s32 @!p0 $0x3  }
0x71: {  	_ =	swait.ge @!p0 [sflag:s0], s1  }
0x72: {  	s1 =	ssub.s32 @!p0 $0x0, s1;
	[sflag:s0] =	ssyncset.done @!p0 $0x0  }
0x73: {  	[sflag:s0] =	ssyncadd.s32 @!p0 s1  }
0x74: {  	[bflag:$0x3] =	sbarrier.arrive $0xFFFF  }
0x75: {  	_ =	shalt  }

</sc_bundles>
